<compile_context>
chip_gen: v7x
topology: tpu7x:2x2x1
jax: 0.10.2.dev20260603
libtpu: 0.0.44.dev20260713+nightly
codegen_flags: <defaults>
</compile_context>

<pallas_src>
import functools

import jax
import jax.numpy as jnp
from jax import lax
from jax.experimental import pallas as pl
from jax.experimental.pallas import tpu as pltpu
from jax.experimental.pallas import tpu_sc as plsc

_B, _N, _G = 4, 5000, 32
_M = _N + _G
_MP = 5120
_CHUNK = _MP // 8
_NV = _CHUNK // 16
_RB = 256
_FG_CAP = 64
_FG_THRESH = 0.5
_BG_HI = 0.5
_BG_LO = 0.0
_CH = 16
_LN2 = 0.6931471805599453
_SEC = (0, 64, 320, 576)
_BLK = 832
_BLKW = _BLK * _CH


def _vlog(x):
    bits = lax.bitcast_convert_type(x, jnp.int32)
    e = jnp.bitwise_and(jnp.right_shift(bits, 23), 255) - 127
    mbits = jnp.bitwise_or(jnp.bitwise_and(bits, 0x007FFFFF), 0x3F800000)
    m = lax.bitcast_convert_type(mbits, jnp.float32)
    big = m > 1.4142135381698608
    m = jnp.where(big, m * 0.5, m)
    e = e + jnp.where(big, 1, 0)
    s = (m - 1.0) / (m + 1.0)
    z = s * s
    p = 2.0 + z * (0.66666666666 + z * (0.4 + z * (0.28571428571
        + z * (0.22222222222 + z * 0.18181818181))))
    return e.astype(jnp.float32) * _LN2 + s * p


def _emit_body(rois_hbm, gt_hbm, bird_hbm, out_hbm,
               rois_v, gt_v, gtb_v, bird_v, maxov_v, assign_v,
               rowsf_v, exct_v, cnt_v, cntall_v, outf_v, sem,
               counts_sp, big_sp):
    c = lax.axis_index("c")
    s = lax.axis_index("s")
    im_local = jnp.right_shift(s, 3)
    im = 2 * c + im_local
    chunk = jnp.bitwise_and(s, 7)
    base = chunk * _CHUNK
    lane = lax.iota(jnp.int32, 16)
    zf = jnp.zeros((16,), jnp.float32)
    zi = jnp.zeros((16,), jnp.int32)

    rcps = [pltpu.async_copy(
        rois_hbm.at[pl.ds((4 * im + cc) * _MP + base, _CHUNK)],
        rois_v.at[cc], sem) for cc in range(4)]
    for cc in range(4):
        pltpu.sync_copy(gt_hbm.at[pl.ds((4 * im + cc) * _G, _G)],
                        gt_v.at[pl.ds(cc * _G, _G)])
    pltpu.sync_copy(bird_hbm.at[pl.ds(im * _G, _G)], bird_v)

    def _bcast(g, carry):
        gs = jnp.full((16,), g, jnp.int32)
        v = []
        for cc in range(4):
            v.append(plsc.load_gather(gt_v, [gs + cc * _G]))
            gtb_v[cc, g] = v[cc]
        gtb_v[4, g] = (v[2] - v[0]) * (v[3] - v[1])
        return carry
    lax.fori_loop(0, _G, _bcast, 0)
    for rcp in rcps:
        rcp.wait()

    def _pass1(i, carry):
        n_fg, n_bg, n_ot = carry
        off = i * 16
        gidx = base + off + lane
        valid = gidx < _M
        x1 = rois_v[0, pl.ds(off, 16)]
        y1 = rois_v[1, pl.ds(off, 16)]
        x2 = rois_v[2, pl.ds(off, 16)]
        y2 = rois_v[3, pl.ds(off, 16)]
        area_a = (x2 - x1) * (y2 - y1)
        cur = jnp.full((16,), -1.0, jnp.float32)
        asg = zi
        for g in range(_G):
            gx1 = gtb_v[0, g]
            gy1 = gtb_v[1, g]
            gx2 = gtb_v[2, g]
            gy2 = gtb_v[3, g]
            ga = gtb_v[4, g]
            w = jnp.minimum(x2, gx2) - jnp.maximum(x1, gx1)
            h = jnp.minimum(y2, gy2) - jnp.maximum(y1, gy1)
            inter = jnp.maximum(w, 0.0) * jnp.maximum(h, 0.0)
            den = area_a + ga - inter + 1e-8
            iou = inter / den
            better = iou > cur
            cur = jnp.where(better, iou, cur)
            asg = jnp.where(better, g, asg)
        maxov_v[pl.ds(off, 16)] = cur
        assign_v[pl.ds(off, 16)] = asg
        fg = valid & (cur > _FG_THRESH)
        bg = valid & (cur < _BG_HI) & (cur >= _BG_LO)
        n_fg = n_fg + jnp.where(fg, 1, 0)
        n_bg = n_bg + jnp.where(bg, 1, 0)
        return (n_fg, n_bg, n_ot)

    zero = jnp.zeros((), jnp.int32)
    af, ab, _ = lax.fori_loop(0, _NV, _pass1, (zi, zi, zero))
    n_fg = jnp.sum(af)
    n_bg = jnp.sum(ab)
    nvalid = jnp.where(chunk == 7, _M - 7 * _CHUNK, _CHUNK)
    n_ot = nvalid - n_fg - n_bg

    cvec = (jnp.where(lane == 0, n_fg, 0) + jnp.where(lane == 1, n_bg, 0)
            + jnp.where(lane == 2, n_ot, 0))
    cnt_v[...] = cvec
    pltpu.sync_copy(cnt_v, counts_sp.at[pl.ds(s * 16, 16)])
    plsc.subcore_barrier()
    pltpu.sync_copy(counts_sp, cntall_v)

    rowsel = jnp.minimum(8 * im_local + lane, 15)
    in_img = lane < 8
    before = lane < chunk

    def _col(ccol):
        v = plsc.load_gather(cntall_v, [rowsel * 16 + ccol])
        vm = jnp.where(in_img, v, 0)
        tot = jnp.sum(vm)
        exc = jnp.sum(jnp.where(before, v, 0))
        evec = plsc.cumsum(vm) - vm
        return tot, exc, evec

    tot_fg, exc_fg, ev_fg = _col(0)
    tot_bg, exc_bg, ev_bg = _col(1)
    tot_ot, exc_ot, ev_ot = _col(2)

    fg_take = jnp.minimum(tot_fg, _FG_CAP)
    bg_take = jnp.minimum(tot_bg, _RB - fg_take)
    ot_take = _RB - fg_take - bg_take
    c2 = jnp.minimum(tot_ot, ot_take)
    off_bg = fg_take
    off_ot = fg_take + bg_take
    off_c3 = fg_take + bg_take + c2
    exc_c3 = (_CHUNK * chunk - jnp.minimum(fg_take, exc_fg)
              - jnp.minimum(bg_take, exc_bg) - jnp.minimum(ot_take, exc_ot))
    ev_c3 = (_CHUNK * lane - jnp.minimum(fg_take, ev_fg)
             - jnp.minimum(bg_take, ev_bg) - jnp.minimum(ot_take, ev_ot))

    exct_v[pl.ds(0, 16)] = ev_fg
    exct_v[pl.ds(16, 16)] = ev_bg
    exct_v[pl.ds(32, 16)] = ev_ot
    exct_v[pl.ds(48, 16)] = ev_c3

    def _pass2(i, carry):
        cf, cb, co, c3 = carry
        off = i * 16
        gidx = base + off + lane
        valid = gidx < _M
        cur = maxov_v[pl.ds(off, 16)]
        asg = assign_v[pl.ds(off, 16)]
        fg = valid & (cur > _FG_THRESH)
        bg = valid & (cur < _BG_HI) & (cur >= _BG_LO)
        ot = valid & jnp.logical_not(fg | bg)

        cs_fg = plsc.cumsum(jnp.where(fg, 1, 0))
        cs_bg = plsc.cumsum(jnp.where(bg, 1, 0))
        cs_ot = plsc.cumsum(jnp.where(ot, 1, 0))
        lr_fg = cf + cs_fg - 1
        lr_bg = cb + cs_bg - 1
        lr_ot = co + cs_ot - 1
        sel_fg = fg & (exc_fg + lr_fg < fg_take)
        sel_bg = bg & (exc_bg + lr_bg < bg_take)
        sel_ot = ot & (exc_ot + lr_ot < ot_take)
        c3m = valid & jnp.logical_not(sel_fg | sel_bg | sel_ot)
        cs_c3 = plsc.cumsum(jnp.where(c3m, 1, 0))
        lr_c3 = c3 + cs_c3 - 1
        sel_c3 = c3m & (off_c3 + exc_c3 + lr_c3 < _RB)
        sel = sel_fg | sel_bg | sel_ot | sel_c3

        slotrow = jnp.where(sel_fg, _SEC[0] + lr_fg,
                  jnp.where(sel_bg, _SEC[1] + lr_bg,
                  jnp.where(sel_ot, _SEC[2] + lr_ot, _SEC[3] + lr_c3)))
        saddr = slotrow * _CH

        x1 = rois_v[0, pl.ds(off, 16)]
        y1 = rois_v[1, pl.ds(off, 16)]
        x2 = rois_v[2, pl.ds(off, 16)]
        y2 = rois_v[3, pl.ds(off, 16)]
        ax1 = plsc.load_gather(gt_v, [asg])
        ay1 = plsc.load_gather(gt_v, [asg + _G])
        ax2 = plsc.load_gather(gt_v, [asg + 2 * _G])
        ay2 = plsc.load_gather(gt_v, [asg + 3 * _G])
        bird = plsc.load_gather(bird_v, [asg])
        lab = jnp.where((cur < _FG_THRESH) | ((1 + bird) == 0), 0, 1)
        labf = lab.astype(jnp.float32)

        ew = x2 - x1 + 1e-8
        eh = y2 - y1 + 1e-8
        ecx = x1 + 0.5 * ew
        ecy = y1 + 0.5 * eh
        gw = ax2 - ax1 + 1e-8
        gh = ay2 - ay1 + 1e-8
        gcx = ax1 + 0.5 * gw
        gcy = ay1 + 0.5 * gh
        dx = (gcx - ecx) / ew
        dy = (gcy - ecy) / eh
        dw = _vlog(gw / ew)
        dh = _vlog(gh / eh)
        freq = (y1 + 0.5 * (y2 - y1)) * (1.0 / 512.0)

        zf16 = jnp.zeros((16,), jnp.float32)
        for col, val in ((0, x1), (1, y1), (2, x2), (3, y2),
                         (4, zf16), (5, zf16), (6, zf16), (7, zf16),
                         (8, dx * labf), (9, dy * labf),
                         (10, dw * labf), (11, dh * labf),
                         (12, labf), (13, freq)):
            plsc.store_scatter(rowsf_v, [saddr + col], val, mask=sel)
        return (cf + cs_fg[15], cb + cs_bg[15], co + cs_ot[15], c3 + cs_c3[15])

    lax.fori_loop(0, _NV, _pass2, (zero, zero, zero, zero))

    pltpu.sync_copy(rowsf_v, big_sp.at[pl.ds(s * _BLKW, _BLKW)])
    plsc.subcore_barrier()

    copies = []
    for k2 in range(2):
        posm = s * 32 + lane + 16 * k2 - im_local * _RB
        isfg = posm < fg_take
        isbg = jnp.logical_not(isfg) & (posm < off_ot)
        isot = jnp.logical_not(isfg | isbg) & (posm < off_c3)
        rcat = posm - jnp.where(isfg, 0,
                      jnp.where(isbg, off_bg,
                      jnp.where(isot, off_ot, off_c3)))
        tbase = jnp.where(isfg, 0,
                jnp.where(isbg, 16,
                jnp.where(isot, 32, 48)))
        secb = jnp.where(isfg, _SEC[0],
               jnp.where(isbg, _SEC[1],
               jnp.where(isot, _SEC[2], _SEC[3])))
        acc = zi
        for w in range(1, 8):
            e_w = plsc.load_gather(exct_v, [tbase + w])
            acc = acc + jnp.where(e_w <= rcat, 1, 0)
        e_star = plsc.load_gather(exct_v, [tbase + acc])
        slot = rcat - e_star
        srcaddr = ((8 * im_local + acc) * _BLK + secb + slot) * _CH
        for k in range(16):
            copies.append(pltpu.async_copy(
                big_sp.at[pl.ds(pl.multiple_of(srcaddr[k], 16), 16)],
                outf_v.at[pl.ds((16 * k2 + k) * 16, 16)], sem))
    for cp in copies:
        cp.wait()

    pltpu.sync_copy(outf_v, out_hbm.at[pl.ds((c * 512 + s * 32) * _CH, 512)])


@functools.cache
def _sc_call():
    return pl.kernel(
        _emit_body,
        out_type=jax.ShapeDtypeStruct((_B * _RB * _CH,), jnp.float32),
        mesh=plsc.VectorSubcoreMesh(core_axis_name="c", subcore_axis_name="s"),
        compiler_params=pltpu.CompilerParams(needs_layout_passes=False),
        scratch_types=[
            pltpu.VMEM((4, _CHUNK), jnp.float32),
            pltpu.VMEM((4 * _G,), jnp.float32),
            pltpu.VMEM((5, _G, 16), jnp.float32),
            pltpu.VMEM((_G,), jnp.int32),
            pltpu.VMEM((_CHUNK,), jnp.float32),
            pltpu.VMEM((_CHUNK,), jnp.int32),
            pltpu.VMEM((_BLKW,), jnp.float32),
            pltpu.VMEM((64,), jnp.int32),
            pltpu.VMEM((16,), jnp.int32),
            pltpu.VMEM((256,), jnp.int32),
            pltpu.VMEM((512,), jnp.float32),
            pltpu.SemaphoreType.DMA,
            pltpu.VMEM_SHARED((256,), jnp.int32),
            pltpu.VMEM_SHARED((16 * _BLKW,), jnp.float32),
        ],
    )


def kernel(rois, gt_bbox, bird_ids, lengths):
    del lengths
    gt = gt_bbox.reshape(_B, _G, 4).astype(jnp.float32)
    allr = jnp.concatenate([rois.astype(jnp.float32), gt], axis=1)
    allr = jnp.pad(allr, ((0, 0), (0, _MP - _M), (0, 0)))
    rois_soa = allr.transpose(0, 2, 1).reshape(-1)
    gt_soa = gt.transpose(0, 2, 1).reshape(-1)
    bird = bird_ids.reshape(-1).astype(jnp.int32)
    packed = _sc_call()(rois_soa, gt_soa, bird).reshape(_B, _RB, _CH)
    out_rois = packed[:, :, 0:4]
    bbox_targets = packed[:, :, 4:12]
    out_labels = packed[:, :, 12].astype(jnp.int32)
    freq_targets = packed[:, :, 13:14]
    return (out_rois, bbox_targets, out_labels, freq_targets)

# --- scband reference (transcript-rebuilt; emitter-appended) ---
"""Pipeline reference for scband-proposal-target-layer-90486370992179 (READ-ONLY COPY).

The authoritative reference and input builder live on the scoring server;
editing this copy changes nothing except your own understanding.
"""

import jax, jax.numpy as jnp
import numpy as np

B = 4; N = 5000; G = 32
RCNN_BATCH = 256; FG_PROP = 0.25
FG_THRESH = 0.5; BG_LO = 0.0; BG_HI = 0.5
NUM_CLASSES = 2; IMG_H = 512.0


def _make_boxes(key, shape_prefix):
    k1, k2 = jax.random.split(key)
    cxy = jax.random.uniform(k1, shape_prefix + (2,), minval=1.0, maxval=511.0)
    wh = jax.random.uniform(k2, shape_prefix + (2,), minval=10.0, maxval=110.0)
    x1y1 = jnp.clip(cxy - wh / 2.0, 0.0, 512.0)
    x2y2 = jnp.clip(cxy + wh / 2.0, 0.0, 512.0)
    return jnp.concatenate([x1y1, x2y2], axis=-1)


def setup_inputs(seed: int = 0):
    key = jax.random.key(seed)
    k1, k2, k3 = jax.random.split(key, 3)
    rois = _make_boxes(k1, (B, N))
    gt_bbox = _make_boxes(k2, (B * G,))
    bird_ids = jax.random.randint(k3, (B * G,), 0, 10)
    lengths = jnp.full((B,), G, dtype=jnp.int32)
    return {"rois": rois, "gt_bbox": gt_bbox, "bird_ids": bird_ids, "lengths": lengths}


def _bbox_overlap(a, b):
    area_a = (a[:, 2] - a[:, 0]) * (a[:, 3] - a[:, 1])
    area_b = (b[:, 2] - b[:, 0]) * (b[:, 3] - b[:, 1])
    lt = jnp.maximum(a[:, None, :2], b[None, :, :2])
    rb = jnp.minimum(a[:, None, 2:], b[None, :, 2:])
    wh = jnp.clip(rb - lt, 0.0, None)
    inter = wh[..., 0] * wh[..., 1]
    return inter / (area_a[:, None] + area_b[None, :] - inter + 1e-8)


def _bbox_transform(ex, gt):
    ew = ex[:, 2] - ex[:, 0] + 1e-8
    eh = ex[:, 3] - ex[:, 1] + 1e-8
    ecx = ex[:, 0] + 0.5 * ew
    ecy = ex[:, 1] + 0.5 * eh
    gw = gt[:, 2] - gt[:, 0] + 1e-8
    gh = gt[:, 3] - gt[:, 1] + 1e-8
    gcx = gt[:, 0] + 0.5 * gw
    gcy = gt[:, 1] + 0.5 * gh
    dx = (gcx - ecx) / ew
    dy = (gcy - ecy) / eh
    dw = jnp.log(gw / ew)
    dh = jnp.log(gh / eh)
    return jnp.stack([dx, dy, dw, dh], axis=1)


def _get_bbox_regression_targets(t, labels, num_classes):
    onehot = (labels[:, None] == jnp.arange(num_classes)[None, :]) & (labels[:, None] > 0)
    return (onehot[:, :, None].astype(t.dtype) * t[:, None, :]).reshape(t.shape[0], 4 * num_classes)


def _process_one(rois_b, gt_b, labels_b):
    all_rois = jnp.concatenate([rois_b, gt_b], axis=0)
    M = all_rois.shape[0]
    ov = _bbox_overlap(all_rois, gt_b)
    max_ov = ov.max(axis=-1)
    assign = ov.argmax(axis=-1)
    b_labels = labels_b[assign]
    b_labels = jnp.where(max_ov < FG_THRESH, 0, b_labels)
    gt_assigned = gt_b[assign]
    fg_mask = max_ov > FG_THRESH
    bg_mask = (max_ov < BG_HI) & (max_ov >= BG_LO)
    other_mask = ~(fg_mask | bg_mask)
    fg_cap = int(FG_PROP * RCNN_BATCH)
    n_fg = fg_mask.sum()
    fg_take = jnp.minimum(n_fg, fg_cap)
    n_bg = bg_mask.sum()
    bg_take = jnp.minimum(n_bg, RCNN_BATCH - fg_take)
    other_take = RCNN_BATCH - fg_take - bg_take
    fg_rank = jnp.cumsum(fg_mask.astype(jnp.int32)) - 1
    bg_rank = jnp.cumsum(bg_mask.astype(jnp.int32)) - 1
    ot_rank = jnp.cumsum(other_mask.astype(jnp.int32)) - 1
    sel_fg = fg_mask & (fg_rank < fg_take)
    sel_bg = bg_mask & (bg_rank < bg_take)
    sel_ot = other_mask & (ot_rank < other_take)
    cat = jnp.where(sel_fg, 0, jnp.where(sel_bg, 1, jnp.where(sel_ot, 2, 3)))
    order_key = cat.astype(jnp.int32) * M + jnp.arange(M, dtype=jnp.int32)
    keep = jnp.argsort(order_key)[:RCNN_BATCH]
    b_labels_k = b_labels[keep].astype(jnp.int32)
    b_rois = all_rois[keep]
    targets = _bbox_transform(b_rois, gt_assigned[keep])
    reg_targets = _get_bbox_regression_targets(targets, b_labels_k, NUM_CLASSES)
    freq = (b_rois[:, 1:2] + 0.5 * (b_rois[:, 3:4] - b_rois[:, 1:2])) / IMG_H
    return b_rois, reg_targets, b_labels_k, freq


def reference(rois, gt_bbox, bird_ids, lengths):
    # config baked in: classification=False -> labels collapse to {0,1}
    labels = 1 + bird_ids
    labels = (labels != 0).astype(jnp.int32)
    gt = gt_bbox.reshape(B, G, 4)
    lab = labels.reshape(B, G)
    outs = [_process_one(rois[b], gt[b], lab[b]) for b in range(B)]
    out_rois = jnp.stack([o[0] for o in outs])
    bbox_targets = jnp.stack([o[1] for o in outs])
    out_labels = jnp.stack([o[2] for o in outs])
    freq_targets = jnp.stack([o[3] for o in outs])
    return (out_rois, bbox_targets, out_labels, freq_targets)

if __name__ == "__main__":
    import jax
    _d = setup_inputs()
    print(jax.jit(kernel)(*tuple(_d.values())))

</pallas_src>

<mosaic_0001>
#map = affine_map<(d0, d1) -> (0)>
module attributes {stable_mosaic.version = 14 : i64} {
  func.func @_emit_body(%arg0: i32, %arg1: i32, %arg2: memref<81920xf32, #tpu.memory_space<hbm>>, %arg3: memref<512xf32, #tpu.memory_space<hbm>>, %arg4: memref<128xi32, #tpu.memory_space<hbm>>, %arg5: memref<16384xf32, #tpu.memory_space<hbm>>, %arg6: memref<4x640xf32, #tpu.memory_space<vmem>>, %arg7: memref<128xf32, #tpu.memory_space<vmem>>, %arg8: memref<5x32x16xf32, #tpu.memory_space<vmem>>, %arg9: memref<32xi32, #tpu.memory_space<vmem>>, %arg10: memref<640xf32, #tpu.memory_space<vmem>>, %arg11: memref<640xi32, #tpu.memory_space<vmem>>, %arg12: memref<13312xf32, #tpu.memory_space<vmem>>, %arg13: memref<64xi32, #tpu.memory_space<vmem>>, %arg14: memref<16xi32, #tpu.memory_space<vmem>>, %arg15: memref<256xi32, #tpu.memory_space<vmem>>, %arg16: memref<512xf32, #tpu.memory_space<vmem>>, %arg17: memref<!tpu.dma_semaphore, #tpu.memory_space<semaphore_mem>>, %arg18: memref<256xi32, #tpu.memory_space<vmem_shared>>, %arg19: memref<212992xf32, #tpu.memory_space<vmem_shared>>) attributes {dimension_semantics = [#tpu.dimension_semantics<core_parallel>, #tpu.dimension_semantics<subcore_parallel>], iteration_bounds = array<i64: 2, 16>, scalar_prefetch = 0 : i64, scratch_operands = 14 : i64, tpu.core_type = #tpu.core_type<sc_vector_subcore>, window_params = [{transform_indices = #map}, {transform_indices = #map}, {transform_indices = #map}, {transform_indices = #map}]} {
    %shift_right_arithmetic3A = arith.constant 3 : i32
    %shift_right_arithmetic3A_0 = arith.shrsi %arg1, %shift_right_arithmetic3A : i32
    %mul3A = arith.constant 2 : i32
    %mul3A_1 = arith.muli %mul3A, %arg0 : i32
    %add3A = arith.addi %mul3A_1, %shift_right_arithmetic3A_0 : i32
    %and3A = arith.constant 7 : i32
    %and3A_2 = arith.andi %arg1, %and3A : i32
    %mul3A_3 = arith.constant 640 : i32
    %mul3A_4 = arith.muli %and3A_2, %mul3A_3 : i32
    %iota3A = tpu.iota {dimensions = array<i32: 0>} : vector<16xi32>
    %broadcast_in_dim3A = arith.constant 0.000000e+00 : f32
    %broadcast_in_dim3A_5 = vector.broadcast %broadcast_in_dim3A : f32 to vector<16xf32>
    %broadcast_in_dim3A_6 = arith.constant 0 : i32
    %broadcast_in_dim3A_7 = vector.broadcast %broadcast_in_dim3A_6 : i32 to vector<16xi32>
    %mul3A_8 = arith.constant 4 : i32
    %mul3A_9 = arith.muli %mul3A_8, %add3A : i32
    %add3A_10 = arith.constant 0 : i32
    %add3A_11 = arith.addi %mul3A_9, %add3A_10 : i32
    %mul3A_12 = arith.constant 5120 : i32
    %mul3A_13 = arith.muli %add3A_11, %mul3A_12 : i32
    %add3A_14 = arith.addi %mul3A_13, %mul3A_4 : i32
    %dma_start3A = arith.constant 0 : i32
    %dma_start3A_15 = arith.constant 0 : i32
    %dma_start3A_16 = tpu.memref_slice %arg6[%dma_start3A, %dma_start3A_15] : memref<4x640xf32, #tpu.memory_space<vmem>> -> memref<1x640xf32, #tpu.memory_space<vmem>>
    %dma_start3A_17 = tpu.memref_squeeze %dma_start3A_16 : memref<1x640xf32, #tpu.memory_space<vmem>> -> memref<640xf32, #tpu.memory_space<vmem>>
    %dma_start3A_18 = tpu.memref_slice %arg2[%add3A_14] : memref<81920xf32, #tpu.memory_space<hbm>> -> memref<640xf32, #tpu.memory_space<hbm>>
    %dma_start3A_19 = arith.constant 0 : i32
    %dma_start3A_20 = tpu.memref_slice %arg6[%dma_start3A, %dma_start3A_19] : memref<4x640xf32, #tpu.memory_space<vmem>> -> memref<1x640xf32, #tpu.memory_space<vmem>>
    %dma_start3A_21 = tpu.memref_squeeze %dma_start3A_20 : memref<1x640xf32, #tpu.memory_space<vmem>> -> memref<640xf32, #tpu.memory_space<vmem>>
    %dma_start3A_22 = tpu.memref_slice %arg2[%add3A_14] : memref<81920xf32, #tpu.memory_space<hbm>> -> memref<640xf32, #tpu.memory_space<hbm>>
    tpu.enqueue_dma source(%dma_start3A_22 : memref<640xf32, #tpu.memory_space<hbm>>) target(%dma_start3A_21 : memref<640xf32, #tpu.memory_space<vmem>>) target_semaphore(%arg17 : memref<!tpu.dma_semaphore, #tpu.memory_space<semaphore_mem>>)
    %mul3A_23 = arith.constant 4 : i32
    %mul3A_24 = arith.muli %mul3A_23, %add3A : i32
    %add3A_25 = arith.constant 1 : i32
    %add3A_26 = arith.addi %mul3A_24, %add3A_25 : i32
    %mul3A_27 = arith.constant 5120 : i32
    %mul3A_28 = arith.muli %add3A_26, %mul3A_27 : i32
    %add3A_29 = arith.addi %mul3A_28, %mul3A_4 : i32
    %dma_start3A_30 = arith.constant 1 : i32
    %dma_start3A_31 = arith.constant 0 : i32
    %dma_start3A_32 = tpu.memref_slice %arg6[%dma_start3A_30, %dma_start3A_31] : memref<4x640xf32, #tpu.memory_space<vmem>> -> memref<1x640xf32, #tpu.memory_space<vmem>>
    %dma_start3A_33 = tpu.memref_squeeze %dma_start3A_32 : memref<1x640xf32, #tpu.memory_space<vmem>> -> memref<640xf32, #tpu.memory_space<vmem>>
    %dma_start3A_34 = tpu.memref_slice %arg2[%add3A_29] : memref<81920xf32, #tpu.memory_space<hbm>> -> memref<640xf32, #tpu.memory_space<hbm>>
    %dma_start3A_35 = arith.constant 0 : i32
    %dma_start3A_36 = tpu.memref_slice %arg6[%dma_start3A_30, %dma_start3A_35] : memref<4x640xf32, #tpu.memory_space<vmem>> -> memref<1x640xf32, #tpu.memory_space<vmem>>
    %dma_start3A_37 = tpu.memref_squeeze %dma_start3A_36 : memref<1x640xf32, #tpu.memory_space<vmem>> -> memref<640xf32, #tpu.memory_space<vmem>>
    %dma_start3A_38 = tpu.memref_slice %arg2[%add3A_29] : memref<81920xf32, #tpu.memory_space<hbm>> -> memref<640xf32, #tpu.memory_space<hbm>>
    tpu.enqueue_dma source(%dma_start3A_38 : memref<640xf32, #tpu.memory_space<hbm>>) target(%dma_start3A_37 : memref<640xf32, #tpu.memory_space<vmem>>) target_semaphore(%arg17 : memref<!tpu.dma_semaphore, #tpu.memory_space<semaphore_mem>>)
    %mul3A_39 = arith.constant 4 : i32
    %mul3A_40 = arith.muli %mul3A_39, %add3A : i32
    %add3A_41 = arith.constant 2 : i32
    %add3A_42 = arith.addi %mul3A_40, %add3A_41 : i32
    %mul3A_43 = arith.constant 5120 : i32
    %mul3A_44 = arith.muli %add3A_42, %mul3A_43 : i32
    %add3A_45 = arith.addi %mul3A_44, %mul3A_4 : i32
    %dma_start3A_46 = arith.constant 2 : i32
    %dma_start3A_47 = arith.constant 0 : i32
    %dma_start3A_48 = tpu.memref_slice %arg6[%dma_start3A_46, %dma_start3A_47] : memref<4x640xf32, #tpu.memory_space<vmem>> -> memref<1x640xf32, #tpu.memory_space<vmem>>
    %dma_start3A_49 = tpu.memref_squeeze %dma_start3A_48 : memref<1x640xf32, #tpu.memory_space<vmem>> -> memref<640xf32, #tpu.memory_space<vmem>>
    %dma_start3A_50 = tpu.memref_slice %arg2[%add3A_45] : memref<81920xf32, #tpu.memory_space<hbm>> -> memref<640xf32, #tpu.memory_space<hbm>>
    %dma_start3A_51 = arith.constant 0 : i32
    %dma_start3A_52 = tpu.memref_slice %arg6[%dma_start3A_46, %dma_start3A_51] : memref<4x640xf32, #tpu.memory_space<vmem>> -> memref<1x640xf32, #tpu.memory_space<vmem>>
    %dma_start3A_53 = tpu.memref_squeeze %dma_start3A_52 : memref<1x640xf32, #tpu.memory_space<vmem>> -> memref<640xf32, #tpu.memory_space<vmem>>
    %dma_start3A_54 = tpu.memref_slice %arg2[%add3A_45] : memref<81920xf32, #tpu.memory_space<hbm>> -> memref<640xf32, #tpu.memory_space<hbm>>
    tpu.enqueue_dma source(%dma_start3A_54 : memref<640xf32, #tpu.memory_space<hbm>>) target(%dma_start3A_53 : memref<640xf32, #tpu.memory_space<vmem>>) target_semaphore(%arg17 : memref<!tpu.dma_semaphore, #tpu.memory_space<semaphore_mem>>)
    %mul3A_55 = arith.constant 4 : i32
    %mul3A_56 = arith.muli %mul3A_55, %add3A : i32
    %add3A_57 = arith.constant 3 : i32
    %add3A_58 = arith.addi %mul3A_56, %add3A_57 : i32
    %mul3A_59 = arith.constant 5120 : i32
    %mul3A_60 = arith.muli %add3A_58, %mul3A_59 : i32
    %add3A_61 = arith.addi %mul3A_60, %mul3A_4 : i32
    %dma_start3A_62 = arith.constant 3 : i32
    %dma_start3A_63 = arith.constant 0 : i32
    %dma_start3A_64 = tpu.memref_slice %arg6[%dma_start3A_62, %dma_start3A_63] : memref<4x640xf32, #tpu.memory_space<vmem>> -> memref<1x640xf32, #tpu.memory_space<vmem>>
    %dma_start3A_65 = tpu.memref_squeeze %dma_start3A_64 : memref<1x640xf32, #tpu.memory_space<vmem>> -> memref<640xf32, #tpu.memory_space<vmem>>
    %dma_start3A_66 = tpu.memref_slice %arg2[%add3A_61] : memref<81920xf32, #tpu.memory_space<hbm>> -> memref<640xf32, #tpu.memory_space<hbm>>
    %dma_start3A_67 = arith.constant 0 : i32
    %dma_start3A_68 = tpu.memref_slice %arg6[%dma_start3A_62, %dma_start3A_67] : memref<4x640xf32, #tpu.memory_space<vmem>> -> memref<1x640xf32, #tpu.memory_space<vmem>>
    %dma_start3A_69 = tpu.memref_squeeze %dma_start3A_68 : memref<1x640xf32, #tpu.memory_space<vmem>> -> memref<640xf32, #tpu.memory_space<vmem>>
    %dma_start3A_70 = tpu.memref_slice %arg2[%add3A_61] : memref<81920xf32, #tpu.memory_space<hbm>> -> memref<640xf32, #tpu.memory_space<hbm>>
    tpu.enqueue_dma source(%dma_start3A_70 : memref<640xf32, #tpu.memory_space<hbm>>) target(%dma_start3A_69 : memref<640xf32, #tpu.memory_space<vmem>>) target_semaphore(%arg17 : memref<!tpu.dma_semaphore, #tpu.memory_space<semaphore_mem>>)
    %mul3A_71 = arith.constant 4 : i32
    %mul3A_72 = arith.muli %mul3A_71, %add3A : i32
    %add3A_73 = arith.constant 0 : i32
    %add3A_74 = arith.addi %mul3A_72, %add3A_73 : i32
    %mul3A_75 = arith.constant 32 : i32
    %mul3A_76 = arith.muli %add3A_74, %mul3A_75 : i32
    "tpu.region"() ({
      %run_scoped3A = tpu.sem_alloc : memref<!tpu.dma_semaphore, #tpu.memory_space<semaphore_mem>>
      %dma_start3A_1091 = arith.constant 0 : i32
      %dma_start3A_1092 = tpu.memref_slice %arg7[%dma_start3A_1091] : memref<128xf32, #tpu.memory_space<vmem>> -> memref<32xf32, #tpu.memory_space<vmem>>
      %dma_start3A_1093 = tpu.memref_slice %arg3[%mul3A_76] : memref<512xf32, #tpu.memory_space<hbm>> -> memref<32xf32, #tpu.memory_space<hbm>>
      %dma_start3A_1094 = arith.constant 0 : i32
      %dma_start3A_1095 = tpu.memref_slice %arg7[%dma_start3A_1094] : memref<128xf32, #tpu.memory_space<vmem>> -> memref<32xf32, #tpu.memory_space<vmem>>
      %dma_start3A_1096 = tpu.memref_slice %arg3[%mul3A_76] : memref<512xf32, #tpu.memory_space<hbm>> -> memref<32xf32, #tpu.memory_space<hbm>>
      tpu.enqueue_dma source(%dma_start3A_1096 : memref<32xf32, #tpu.memory_space<hbm>>) target(%dma_start3A_1095 : memref<32xf32, #tpu.memory_space<vmem>>) target_semaphore(%run_scoped3A : memref<!tpu.dma_semaphore, #tpu.memory_space<semaphore_mem>>)
      %dma_wait3A_1097 = arith.constant 0 : i32
      %dma_wait3A_1098 = tpu.memref_slice %arg7[%dma_wait3A_1097] : memref<128xf32, #tpu.memory_space<vmem>> -> memref<32xf32, #tpu.memory_space<vmem>>
      %dma_wait3A_1099 = tpu.memref_slice %arg3[%mul3A_76] : memref<512xf32, #tpu.memory_space<hbm>> -> memref<32xf32, #tpu.memory_space<hbm>>
      %dma_wait3A_1100 = arith.constant 0 : i32
      %dma_wait3A_1101 = tpu.memref_slice %arg7[%dma_wait3A_1100] : memref<128xf32, #tpu.memory_space<vmem>> -> memref<32xf32, #tpu.memory_space<vmem>>
      %dma_wait3A_1102 = tpu.memref_slice %arg3[%mul3A_76] : memref<512xf32, #tpu.memory_space<hbm>> -> memref<32xf32, #tpu.memory_space<hbm>>
      tpu.wait_dma2 semaphore(%run_scoped3A : memref<!tpu.dma_semaphore, #tpu.memory_space<semaphore_mem>>) src(%dma_wait3A_1102 : memref<32xf32, #tpu.memory_space<hbm>>) dst(%dma_wait3A_1101 : memref<32xf32, #tpu.memory_space<vmem>>)
      tpu.yield
    }) : () -> ()
    %mul3A_77 = arith.constant 4 : i32
    %mul3A_78 = arith.muli %mul3A_77, %add3A : i32
    %add3A_79 = arith.constant 1 : i32
    %add3A_80 = arith.addi %mul3A_78, %add3A_79 : i32
    %mul3A_81 = arith.constant 32 : i32
    %mul3A_82 = arith.muli %add3A_80, %mul3A_81 : i32
    "tpu.region"() ({
      %run_scoped3A = tpu.sem_alloc : memref<!tpu.dma_semaphore, #tpu.memory_space<semaphore_mem>>
      %dma_start3A_1091 = arith.constant 32 : i32
      %dma_start3A_1092 = tpu.memref_slice %arg7[%dma_start3A_1091] : memref<128xf32, #tpu.memory_space<vmem>> -> memref<32xf32, #tpu.memory_space<vmem>>
      %dma_start3A_1093 = tpu.memref_slice %arg3[%mul3A_82] : memref<512xf32, #tpu.memory_space<hbm>> -> memref<32xf32, #tpu.memory_space<hbm>>
      %dma_start3A_1094 = arith.constant 32 : i32
      %dma_start3A_1095 = tpu.memref_slice %arg7[%dma_start3A_1094] : memref<128xf32, #tpu.memory_space<vmem>> -> memref<32xf32, #tpu.memory_space<vmem>>
      %dma_start3A_1096 = tpu.memref_slice %arg3[%mul3A_82] : memref<512xf32, #tpu.memory_space<hbm>> -> memref<32xf32, #tpu.memory_space<hbm>>
      tpu.enqueue_dma source(%dma_start3A_1096 : memref<32xf32, #tpu.memory_space<hbm>>) target(%dma_start3A_1095 : memref<32xf32, #tpu.memory_space<vmem>>) target_semaphore(%run_scoped3A : memref<!tpu.dma_semaphore, #tpu.memory_space<semaphore_mem>>)
      %dma_wait3A_1097 = arith.constant 32 : i32
      %dma_wait3A_1098 = tpu.memref_slice %arg7[%dma_wait3A_1097] : memref<128xf32, #tpu.memory_space<vmem>> -> memref<32xf32, #tpu.memory_space<vmem>>
      %dma_wait3A_1099 = tpu.memref_slice %arg3[%mul3A_82] : memref<512xf32, #tpu.memory_space<hbm>> -> memref<32xf32, #tpu.memory_space<hbm>>
      %dma_wait3A_1100 = arith.constant 32 : i32
      %dma_wait3A_1101 = tpu.memref_slice %arg7[%dma_wait3A_1100] : memref<128xf32, #tpu.memory_space<vmem>> -> memref<32xf32, #tpu.memory_space<vmem>>
      %dma_wait3A_1102 = tpu.memref_slice %arg3[%mul3A_82] : memref<512xf32, #tpu.memory_space<hbm>> -> memref<32xf32, #tpu.memory_space<hbm>>
      tpu.wait_dma2 semaphore(%run_scoped3A : memref<!tpu.dma_semaphore, #tpu.memory_space<semaphore_mem>>) src(%dma_wait3A_1102 : memref<32xf32, #tpu.memory_space<hbm>>) dst(%dma_wait3A_1101 : memref<32xf32, #tpu.memory_space<vmem>>)
      tpu.yield
    }) : () -> ()
    %mul3A_83 = arith.constant 4 : i32
    %mul3A_84 = arith.muli %mul3A_83, %add3A : i32
    %add3A_85 = arith.constant 2 : i32
    %add3A_86 = arith.addi %mul3A_84, %add3A_85 : i32
    %mul3A_87 = arith.constant 32 : i32
    %mul3A_88 = arith.muli %add3A_86, %mul3A_87 : i32
    "tpu.region"() ({
      %run_scoped3A = tpu.sem_alloc : memref<!tpu.dma_semaphore, #tpu.memory_space<semaphore_mem>>
      %dma_start3A_1091 = arith.constant 64 : i32
      %dma_start3A_1092 = tpu.memref_slice %arg7[%dma_start3A_1091] : memref<128xf32, #tpu.memory_space<vmem>> -> memref<32xf32, #tpu.memory_space<vmem>>
      %dma_start3A_1093 = tpu.memref_slice %arg3[%mul3A_88] : memref<512xf32, #tpu.memory_space<hbm>> -> memref<32xf32, #tpu.memory_space<hbm>>
      %dma_start3A_1094 = arith.constant 64 : i32
      %dma_start3A_1095 = tpu.memref_slice %arg7[%dma_start3A_1094] : memref<128xf32, #tpu.memory_space<vmem>> -> memref<32xf32, #tpu.memory_space<vmem>>
      %dma_start3A_1096 = tpu.memref_slice %arg3[%mul3A_88] : memref<512xf32, #tpu.memory_space<hbm>> -> memref<32xf32, #tpu.memory_space<hbm>>
      tpu.enqueue_dma source(%dma_start3A_1096 : memref<32xf32, #tpu.memory_space<hbm>>) target(%dma_start3A_1095 : memref<32xf32, #tpu.memory_space<vmem>>) target_semaphore(%run_scoped3A : memref<!tpu.dma_semaphore, #tpu.memory_space<semaphore_mem>>)
      %dma_wait3A_1097 = arith.constant 64 : i32
      %dma_wait3A_1098 = tpu.memref_slice %arg7[%dma_wait3A_1097] : memref<128xf32, #tpu.memory_space<vmem>> -> memref<32xf32, #tpu.memory_space<vmem>>
      %dma_wait3A_1099 = tpu.memref_slice %arg3[%mul3A_88] : memref<512xf32, #tpu.memory_space<hbm>> -> memref<32xf32, #tpu.memory_space<hbm>>
      %dma_wait3A_1100 = arith.constant 64 : i32
      %dma_wait3A_1101 = tpu.memref_slice %arg7[%dma_wait3A_1100] : memref<128xf32, #tpu.memory_space<vmem>> -> memref<32xf32, #tpu.memory_space<vmem>>
      %dma_wait3A_1102 = tpu.memref_slice %arg3[%mul3A_88] : memref<512xf32, #tpu.memory_space<hbm>> -> memref<32xf32, #tpu.memory_space<hbm>>
      tpu.wait_dma2 semaphore(%run_scoped3A : memref<!tpu.dma_semaphore, #tpu.memory_space<semaphore_mem>>) src(%dma_wait3A_1102 : memref<32xf32, #tpu.memory_space<hbm>>) dst(%dma_wait3A_1101 : memref<32xf32, #tpu.memory_space<vmem>>)
      tpu.yield
    }) : () -> ()
    %mul3A_89 = arith.constant 4 : i32
    %mul3A_90 = arith.muli %mul3A_89, %add3A : i32
    %add3A_91 = arith.constant 3 : i32
    %add3A_92 = arith.addi %mul3A_90, %add3A_91 : i32
    %mul3A_93 = arith.constant 32 : i32
    %mul3A_94 = arith.muli %add3A_92, %mul3A_93 : i32
    "tpu.region"() ({
      %run_scoped3A = tpu.sem_alloc : memref<!tpu.dma_semaphore, #tpu.memory_space<semaphore_mem>>
      %dma_start3A_1091 = arith.constant 96 : i32
      %dma_start3A_1092 = tpu.memref_slice %arg7[%dma_start3A_1091] : memref<128xf32, #tpu.memory_space<vmem>> -> memref<32xf32, #tpu.memory_space<vmem>>
      %dma_start3A_1093 = tpu.memref_slice %arg3[%mul3A_94] : memref<512xf32, #tpu.memory_space<hbm>> -> memref<32xf32, #tpu.memory_space<hbm>>
      %dma_start3A_1094 = arith.constant 96 : i32
      %dma_start3A_1095 = tpu.memref_slice %arg7[%dma_start3A_1094] : memref<128xf32, #tpu.memory_space<vmem>> -> memref<32xf32, #tpu.memory_space<vmem>>
      %dma_start3A_1096 = tpu.memref_slice %arg3[%mul3A_94] : memref<512xf32, #tpu.memory_space<hbm>> -> memref<32xf32, #tpu.memory_space<hbm>>
      tpu.enqueue_dma source(%dma_start3A_1096 : memref<32xf32, #tpu.memory_space<hbm>>) target(%dma_start3A_1095 : memref<32xf32, #tpu.memory_space<vmem>>) target_semaphore(%run_scoped3A : memref<!tpu.dma_semaphore, #tpu.memory_space<semaphore_mem>>)
      %dma_wait3A_1097 = arith.constant 96 : i32
      %dma_wait3A_1098 = tpu.memref_slice %arg7[%dma_wait3A_1097] : memref<128xf32, #tpu.memory_space<vmem>> -> memref<32xf32, #tpu.memory_space<vmem>>
      %dma_wait3A_1099 = tpu.memref_slice %arg3[%mul3A_94] : memref<512xf32, #tpu.memory_space<hbm>> -> memref<32xf32, #tpu.memory_space<hbm>>
      %dma_wait3A_1100 = arith.constant 96 : i32
      %dma_wait3A_1101 = tpu.memref_slice %arg7[%dma_wait3A_1100] : memref<128xf32, #tpu.memory_space<vmem>> -> memref<32xf32, #tpu.memory_space<vmem>>
      %dma_wait3A_1102 = tpu.memref_slice %arg3[%mul3A_94] : memref<512xf32, #tpu.memory_space<hbm>> -> memref<32xf32, #tpu.memory_space<hbm>>
      tpu.wait_dma2 semaphore(%run_scoped3A : memref<!tpu.dma_semaphore, #tpu.memory_space<semaphore_mem>>) src(%dma_wait3A_1102 : memref<32xf32, #tpu.memory_space<hbm>>) dst(%dma_wait3A_1101 : memref<32xf32, #tpu.memory_space<vmem>>)
      tpu.yield
    }) : () -> ()
    %mul3A_95 = arith.constant 32 : i32
    %mul3A_96 = arith.muli %add3A, %mul3A_95 : i32
    "tpu.region"() ({
      %run_scoped3A = tpu.sem_alloc : memref<!tpu.dma_semaphore, #tpu.memory_space<semaphore_mem>>
      %dma_start3A_1091 = tpu.memref_slice %arg4[%mul3A_96] : memref<128xi32, #tpu.memory_space<hbm>> -> memref<32xi32, #tpu.memory_space<hbm>>
      %dma_start3A_1092 = tpu.memref_slice %arg4[%mul3A_96] : memref<128xi32, #tpu.memory_space<hbm>> -> memref<32xi32, #tpu.memory_space<hbm>>
      tpu.enqueue_dma source(%dma_start3A_1092 : memref<32xi32, #tpu.memory_space<hbm>>) target(%arg9 : memref<32xi32, #tpu.memory_space<vmem>>) target_semaphore(%run_scoped3A : memref<!tpu.dma_semaphore, #tpu.memory_space<semaphore_mem>>)
      %dma_wait3A_1093 = tpu.memref_slice %arg4[%mul3A_96] : memref<128xi32, #tpu.memory_space<hbm>> -> memref<32xi32, #tpu.memory_space<hbm>>
      %dma_wait3A_1094 = tpu.memref_slice %arg4[%mul3A_96] : memref<128xi32, #tpu.memory_space<hbm>> -> memref<32xi32, #tpu.memory_space<hbm>>
      tpu.wait_dma2 semaphore(%run_scoped3A : memref<!tpu.dma_semaphore, #tpu.memory_space<semaphore_mem>>) src(%dma_wait3A_1094 : memref<32xi32, #tpu.memory_space<hbm>>) dst(%arg9 : memref<32xi32, #tpu.memory_space<vmem>>)
      tpu.yield
    }) : () -> ()
    %scan3A = arith.constant 0 : i32
    %scan3A_97 = arith.constant 0 : i32
    %scan3A_98 = arith.constant 32 : i32
    %scan3A_99 = arith.addi %scan3A_97, %scan3A_98 : i32
    %scan3A_100 = arith.constant 1 : i32
    scf.for %scan3A_1091 = %scan3A_97 to %scan3A_99 step %scan3A_100  : i32 {
      %broadcast_in_dim3A_1092 = vector.broadcast %scan3A_1091 : i32 to vector<16xi32>
      %add3A_1093 = arith.constant 0 : i32
      %add3A_1094 = vector.broadcast %add3A_1093 : i32 to vector<16xi32>
      %add3A_1095 = arith.addi %broadcast_in_dim3A_1092, %add3A_1094 : vector<16xi32>
      %gather3A_1096 = tpu.vector_load_idx %arg7[%add3A_1095] : memref<128xf32, #tpu.memory_space<vmem>>[vector<16xi32>], vector<16xf32>,
      %swap3A_1097 = arith.constant 0 : i32
      %swap3A_1098 = arith.index_cast %swap3A_1097 : i32 to index
      %swap3A_1099 = arith.index_cast %scan3A_1091 : i32 to index
      %swap3A_1100 = arith.constant 0 : index
      %swap3A_1101 = tpu.vector_load %arg8[%swap3A_1098, %swap3A_1099, %swap3A_1100] {strides = array<i32>} : memref<5x32x16xf32, #tpu.memory_space<vmem>>, vector<16xf32>,
      tpu.vector_store %arg8[%swap3A_1098, %swap3A_1099, %swap3A_1100], %gather3A_1096 {strides = array<i32>} : memref<5x32x16xf32, #tpu.memory_space<vmem>>, vector<16xf32>,
      %add3A_1102 = arith.constant 32 : i32
      %add3A_1103 = vector.broadcast %add3A_1102 : i32 to vector<16xi32>
      %add3A_1104 = arith.addi %broadcast_in_dim3A_1092, %add3A_1103 : vector<16xi32>
      %gather3A_1105 = tpu.vector_load_idx %arg7[%add3A_1104] : memref<128xf32, #tpu.memory_space<vmem>>[vector<16xi32>], vector<16xf32>,
      %swap3A_1106 = arith.constant 1 : i32
      %swap3A_1107 = arith.index_cast %swap3A_1106 : i32 to index
      %swap3A_1108 = arith.index_cast %scan3A_1091 : i32 to index
      %swap3A_1109 = arith.constant 0 : index
      %swap3A_1110 = tpu.vector_load %arg8[%swap3A_1107, %swap3A_1108, %swap3A_1109] {strides = array<i32>} : memref<5x32x16xf32, #tpu.memory_space<vmem>>, vector<16xf32>,
      tpu.vector_store %arg8[%swap3A_1107, %swap3A_1108, %swap3A_1109], %gather3A_1105 {strides = array<i32>} : memref<5x32x16xf32, #tpu.memory_space<vmem>>, vector<16xf32>,
      %add3A_1111 = arith.constant 64 : i32
      %add3A_1112 = vector.broadcast %add3A_1111 : i32 to vector<16xi32>
      %add3A_1113 = arith.addi %broadcast_in_dim3A_1092, %add3A_1112 : vector<16xi32>
      %gather3A_1114 = tpu.vector_load_idx %arg7[%add3A_1113] : memref<128xf32, #tpu.memory_space<vmem>>[vector<16xi32>], vector<16xf32>,
      %swap3A_1115 = arith.constant 2 : i32
      %swap3A_1116 = arith.index_cast %swap3A_1115 : i32 to index
      %swap3A_1117 = arith.index_cast %scan3A_1091 : i32 to index
      %swap3A_1118 = arith.constant 0 : index
      %swap3A_1119 = tpu.vector_load %arg8[%swap3A_1116, %swap3A_1117, %swap3A_1118] {strides = array<i32>} : memref<5x32x16xf32, #tpu.memory_space<vmem>>, vector<16xf32>,
      tpu.vector_store %arg8[%swap3A_1116, %swap3A_1117, %swap3A_1118], %gather3A_1114 {strides = array<i32>} : memref<5x32x16xf32, #tpu.memory_space<vmem>>, vector<16xf32>,
      %add3A_1120 = arith.constant 96 : i32
      %add3A_1121 = vector.broadcast %add3A_1120 : i32 to vector<16xi32>
      %add3A_1122 = arith.addi %broadcast_in_dim3A_1092, %add3A_1121 : vector<16xi32>
      %gather3A_1123 = tpu.vector_load_idx %arg7[%add3A_1122] : memref<128xf32, #tpu.memory_space<vmem>>[vector<16xi32>], vector<16xf32>,
      %swap3A_1124 = arith.constant 3 : i32
      %swap3A_1125 = arith.index_cast %swap3A_1124 : i32 to index
      %swap3A_1126 = arith.index_cast %scan3A_1091 : i32 to index
      %swap3A_1127 = arith.constant 0 : index
      %swap3A_1128 = tpu.vector_load %arg8[%swap3A_1125, %swap3A_1126, %swap3A_1127] {strides = array<i32>} : memref<5x32x16xf32, #tpu.memory_space<vmem>>, vector<16xf32>,
      tpu.vector_store %arg8[%swap3A_1125, %swap3A_1126, %swap3A_1127], %gather3A_1123 {strides = array<i32>} : memref<5x32x16xf32, #tpu.memory_space<vmem>>, vector<16xf32>,
      %sub3A_1129 = arith.subf %gather3A_1114, %gather3A_1096 : vector<16xf32>
      %sub3A_1130 = arith.subf %gather3A_1123, %gather3A_1105 : vector<16xf32>
      %mul3A_1131 = arith.mulf %sub3A_1129, %sub3A_1130 : vector<16xf32>
      %swap3A_1132 = arith.constant 4 : i32
      %swap3A_1133 = arith.index_cast %swap3A_1132 : i32 to index
      %swap3A_1134 = arith.index_cast %scan3A_1091 : i32 to index
      %swap3A_1135 = arith.constant 0 : index
      %swap3A_1136 = tpu.vector_load %arg8[%swap3A_1133, %swap3A_1134, %swap3A_1135] {strides = array<i32>} : memref<5x32x16xf32, #tpu.memory_space<vmem>>, vector<16xf32>,
      tpu.vector_store %arg8[%swap3A_1133, %swap3A_1134, %swap3A_1135], %mul3A_1131 {strides = array<i32>} : memref<5x32x16xf32, #tpu.memory_space<vmem>>, vector<16xf32>,
    }
    %scan3A_101 = arith.constant 32 : i32
    %dma_wait3A = arith.constant 0 : i32
    %dma_wait3A_102 = arith.constant 0 : i32
    %dma_wait3A_103 = tpu.memref_slice %arg6[%dma_wait3A, %dma_wait3A_102] : memref<4x640xf32, #tpu.memory_space<vmem>> -> memref<1x640xf32, #tpu.memory_space<vmem>>
    %dma_wait3A_104 = tpu.memref_squeeze %dma_wait3A_103 : memref<1x640xf32, #tpu.memory_space<vmem>> -> memref<640xf32, #tpu.memory_space<vmem>>
    %dma_wait3A_105 = tpu.memref_slice %arg2[%add3A_14] : memref<81920xf32, #tpu.memory_space<hbm>> -> memref<640xf32, #tpu.memory_space<hbm>>
    %dma_wait3A_106 = arith.constant 0 : i32
    %dma_wait3A_107 = tpu.memref_slice %arg6[%dma_wait3A, %dma_wait3A_106] : memref<4x640xf32, #tpu.memory_space<vmem>> -> memref<1x640xf32, #tpu.memory_space<vmem>>
    %dma_wait3A_108 = tpu.memref_squeeze %dma_wait3A_107 : memref<1x640xf32, #tpu.memory_space<vmem>> -> memref<640xf32, #tpu.memory_space<vmem>>
    %dma_wait3A_109 = tpu.memref_slice %arg2[%add3A_14] : memref<81920xf32, #tpu.memory_space<hbm>> -> memref<640xf32, #tpu.memory_space<hbm>>
    tpu.wait_dma2 semaphore(%arg17 : memref<!tpu.dma_semaphore, #tpu.memory_space<semaphore_mem>>) src(%dma_wait3A_109 : memref<640xf32, #tpu.memory_space<hbm>>) dst(%dma_wait3A_108 : memref<640xf32, #tpu.memory_space<vmem>>)
    %dma_wait3A_110 = arith.constant 1 : i32
    %dma_wait3A_111 = arith.constant 0 : i32
    %dma_wait3A_112 = tpu.memref_slice %arg6[%dma_wait3A_110, %dma_wait3A_111] : memref<4x640xf32, #tpu.memory_space<vmem>> -> memref<1x640xf32, #tpu.memory_space<vmem>>
    %dma_wait3A_113 = tpu.memref_squeeze %dma_wait3A_112 : memref<1x640xf32, #tpu.memory_space<vmem>> -> memref<640xf32, #tpu.memory_space<vmem>>
    %dma_wait3A_114 = tpu.memref_slice %arg2[%add3A_29] : memref<81920xf32, #tpu.memory_space<hbm>> -> memref<640xf32, #tpu.memory_space<hbm>>
    %dma_wait3A_115 = arith.constant 0 : i32
    %dma_wait3A_116 = tpu.memref_slice %arg6[%dma_wait3A_110, %dma_wait3A_115] : memref<4x640xf32, #tpu.memory_space<vmem>> -> memref<1x640xf32, #tpu.memory_space<vmem>>
    %dma_wait3A_117 = tpu.memref_squeeze %dma_wait3A_116 : memref<1x640xf32, #tpu.memory_space<vmem>> -> memref<640xf32, #tpu.memory_space<vmem>>
    %dma_wait3A_118 = tpu.memref_slice %arg2[%add3A_29] : memref<81920xf32, #tpu.memory_space<hbm>> -> memref<640xf32, #tpu.memory_space<hbm>>
    tpu.wait_dma2 semaphore(%arg17 : memref<!tpu.dma_semaphore, #tpu.memory_space<semaphore_mem>>) src(%dma_wait3A_118 : memref<640xf32, #tpu.memory_space<hbm>>) dst(%dma_wait3A_117 : memref<640xf32, #tpu.memory_space<vmem>>)
    %dma_wait3A_119 = arith.constant 2 : i32
    %dma_wait3A_120 = arith.constant 0 : i32
    %dma_wait3A_121 = tpu.memref_slice %arg6[%dma_wait3A_119, %dma_wait3A_120] : memref<4x640xf32, #tpu.memory_space<vmem>> -> memref<1x640xf32, #tpu.memory_space<vmem>>
    %dma_wait3A_122 = tpu.memref_squeeze %dma_wait3A_121 : memref<1x640xf32, #tpu.memory_space<vmem>> -> memref<640xf32, #tpu.memory_space<vmem>>
    %dma_wait3A_123 = tpu.memref_slice %arg2[%add3A_45] : memref<81920xf32, #tpu.memory_space<hbm>> -> memref<640xf32, #tpu.memory_space<hbm>>
    %dma_wait3A_124 = arith.constant 0 : i32
    %dma_wait3A_125 = tpu.memref_slice %arg6[%dma_wait3A_119, %dma_wait3A_124] : memref<4x640xf32, #tpu.memory_space<vmem>> -> memref<1x640xf32, #tpu.memory_space<vmem>>
    %dma_wait3A_126 = tpu.memref_squeeze %dma_wait3A_125 : memref<1x640xf32, #tpu.memory_space<vmem>> -> memref<640xf32, #tpu.memory_space<vmem>>
    %dma_wait3A_127 = tpu.memref_slice %arg2[%add3A_45] : memref<81920xf32, #tpu.memory_space<hbm>> -> memref<640xf32, #tpu.memory_space<hbm>>
    tpu.wait_dma2 semaphore(%arg17 : memref<!tpu.dma_semaphore, #tpu.memory_space<semaphore_mem>>) src(%dma_wait3A_127 : memref<640xf32, #tpu.memory_space<hbm>>) dst(%dma_wait3A_126 : memref<640xf32, #tpu.memory_space<vmem>>)
    %dma_wait3A_128 = arith.constant 3 : i32
    %dma_wait3A_129 = arith.constant 0 : i32
    %dma_wait3A_130 = tpu.memref_slice %arg6[%dma_wait3A_128, %dma_wait3A_129] : memref<4x640xf32, #tpu.memory_space<vmem>> -> memref<1x640xf32, #tpu.memory_space<vmem>>
    %dma_wait3A_131 = tpu.memref_squeeze %dma_wait3A_130 : memref<1x640xf32, #tpu.memory_space<vmem>> -> memref<640xf32, #tpu.memory_space<vmem>>
    %dma_wait3A_132 = tpu.memref_slice %arg2[%add3A_61] : memref<81920xf32, #tpu.memory_space<hbm>> -> memref<640xf32, #tpu.memory_space<hbm>>
    %dma_wait3A_133 = arith.constant 0 : i32
    %dma_wait3A_134 = tpu.memref_slice %arg6[%dma_wait3A_128, %dma_wait3A_133] : memref<4x640xf32, #tpu.memory_space<vmem>> -> memref<1x640xf32, #tpu.memory_space<vmem>>
    %dma_wait3A_135 = tpu.memref_squeeze %dma_wait3A_134 : memref<1x640xf32, #tpu.memory_space<vmem>> -> memref<640xf32, #tpu.memory_space<vmem>>
    %dma_wait3A_136 = tpu.memref_slice %arg2[%add3A_61] : memref<81920xf32, #tpu.memory_space<hbm>> -> memref<640xf32, #tpu.memory_space<hbm>>
    tpu.wait_dma2 semaphore(%arg17 : memref<!tpu.dma_semaphore, #tpu.memory_space<semaphore_mem>>) src(%dma_wait3A_136 : memref<640xf32, #tpu.memory_space<hbm>>) dst(%dma_wait3A_135 : memref<640xf32, #tpu.memory_space<vmem>>)
    %scan3A_137 = arith.constant 0 : i32
    %scan3A_138 = arith.constant 0 : i32
    %scan3A_139 = arith.constant 40 : i32
    %scan3A_140 = arith.addi %scan3A_138, %scan3A_139 : i32
    %scan3A_141 = arith.constant 1 : i32
    %scan3A_142:2 = scf.for %scan3A_1091 = %scan3A_138 to %scan3A_140 step %scan3A_141 iter_args(%scan3A_1092 = %broadcast_in_dim3A_7, %scan3A_1093 = %broadcast_in_dim3A_7) -> (vector<16xi32>, vector<16xi32>)  : i32 {
      %mul3A_1094 = arith.constant 16 : i32
      %mul3A_1095 = arith.muli %scan3A_1091, %mul3A_1094 : i32
      %add3A_1096 = arith.addi %mul3A_4, %mul3A_1095 : i32
      %add3A_1097 = vector.broadcast %add3A_1096 : i32 to vector<16xi32>
      %add3A_1098 = arith.addi %add3A_1097, %iota3A : vector<16xi32>
      %lt3A_1099 = arith.constant 5032 : i32
      %lt3A_1100 = vector.broadcast %lt3A_1099 : i32 to vector<16xi32>
      %lt3A_1101 = arith.cmpi slt, %add3A_1098, %lt3A_1100 : vector<16xi32>
      %get3A = arith.constant 0 : i32
      %get3A_1102 = arith.index_cast %get3A : i32 to index
      %get3A_1103 = arith.index_cast %mul3A_1095 : i32 to index
      %get3A_1104 = tpu.vector_load %arg6[%get3A_1102, %get3A_1103] {strides = array<i32>} : memref<4x640xf32, #tpu.memory_space<vmem>>, vector<16xf32>,
      %get3A_1105 = arith.constant 1 : i32
      %get3A_1106 = arith.index_cast %get3A_1105 : i32 to index
      %get3A_1107 = arith.index_cast %mul3A_1095 : i32 to index
      %get3A_1108 = tpu.vector_load %arg6[%get3A_1106, %get3A_1107] {strides = array<i32>} : memref<4x640xf32, #tpu.memory_space<vmem>>, vector<16xf32>,
      %get3A_1109 = arith.constant 2 : i32
      %get3A_1110 = arith.index_cast %get3A_1109 : i32 to index
      %get3A_1111 = arith.index_cast %mul3A_1095 : i32 to index
      %get3A_1112 = tpu.vector_load %arg6[%get3A_1110, %get3A_1111] {strides = array<i32>} : memref<4x640xf32, #tpu.memory_space<vmem>>, vector<16xf32>,
      %get3A_1113 = arith.constant 3 : i32
      %get3A_1114 = arith.index_cast %get3A_1113 : i32 to index
      %get3A_1115 = arith.index_cast %mul3A_1095 : i32 to index
      %get3A_1116 = tpu.vector_load %arg6[%get3A_1114, %get3A_1115] {strides = array<i32>} : memref<4x640xf32, #tpu.memory_space<vmem>>, vector<16xf32>,
      %sub3A_1117 = arith.subf %get3A_1112, %get3A_1104 : vector<16xf32>
      %sub3A_1118 = arith.subf %get3A_1116, %get3A_1108 : vector<16xf32>
      %mul3A_1119 = arith.mulf %sub3A_1117, %sub3A_1118 : vector<16xf32>
      %broadcast_in_dim3A_1120 = arith.constant -1.000000e+00 : f32
      %broadcast_in_dim3A_1121 = vector.broadcast %broadcast_in_dim3A_1120 : f32 to vector<16xf32>
      %get3A_1122 = arith.constant 0 : i32
      %get3A_1123 = arith.constant 0 : i32
      %get3A_1124 = arith.index_cast %get3A_1122 : i32 to index
      %get3A_1125 = arith.index_cast %get3A_1123 : i32 to index
      %get3A_1126 = arith.constant 0 : index
      %get3A_1127 = tpu.vector_load %arg8[%get3A_1124, %get3A_1125, %get3A_1126] {strides = array<i32>} : memref<5x32x16xf32, #tpu.memory_space<vmem>>, vector<16xf32>,
      %get3A_1128 = arith.constant 1 : i32
      %get3A_1129 = arith.constant 0 : i32
      %get3A_1130 = arith.index_cast %get3A_1128 : i32 to index
      %get3A_1131 = arith.index_cast %get3A_1129 : i32 to index
      %get3A_1132 = arith.constant 0 : index
      %get3A_1133 = tpu.vector_load %arg8[%get3A_1130, %get3A_1131, %get3A_1132] {strides = array<i32>} : memref<5x32x16xf32, #tpu.memory_space<vmem>>, vector<16xf32>,
      %get3A_1134 = arith.constant 2 : i32
      %get3A_1135 = arith.constant 0 : i32
      %get3A_1136 = arith.index_cast %get3A_1134 : i32 to index
      %get3A_1137 = arith.index_cast %get3A_1135 : i32 to index
      %get3A_1138 = arith.constant 0 : index
      %get3A_1139 = tpu.vector_load %arg8[%get3A_1136, %get3A_1137, %get3A_1138] {strides = array<i32>} : memref<5x32x16xf32, #tpu.memory_space<vmem>>, vector<16xf32>,
      %get3A_1140 = arith.constant 3 : i32
      %get3A_1141 = arith.constant 0 : i32
      %get3A_1142 = arith.index_cast %get3A_1140 : i32 to index
      %get3A_1143 = arith.index_cast %get3A_1141 : i32 to index
      %get3A_1144 = arith.constant 0 : index
      %get3A_1145 = tpu.vector_load %arg8[%get3A_1142, %get3A_1143, %get3A_1144] {strides = array<i32>} : memref<5x32x16xf32, #tpu.memory_space<vmem>>, vector<16xf32>,
      %get3A_1146 = arith.constant 4 : i32
      %get3A_1147 = arith.constant 0 : i32
      %get3A_1148 = arith.index_cast %get3A_1146 : i32 to index
      %get3A_1149 = arith.index_cast %get3A_1147 : i32 to index
      %get3A_1150 = arith.constant 0 : index
      %get3A_1151 = tpu.vector_load %arg8[%get3A_1148, %get3A_1149, %get3A_1150] {strides = array<i32>} : memref<5x32x16xf32, #tpu.memory_space<vmem>>, vector<16xf32>,
      %min3A_1152 = arith.minimumf %get3A_1112, %get3A_1139 : vector<16xf32>
      %max3A = arith.maximumf %get3A_1104, %get3A_1127 : vector<16xf32>
      %sub3A_1153 = arith.subf %min3A_1152, %max3A : vector<16xf32>
      %min3A_1154 = arith.minimumf %get3A_1116, %get3A_1145 : vector<16xf32>
      %max3A_1155 = arith.maximumf %get3A_1108, %get3A_1133 : vector<16xf32>
      %sub3A_1156 = arith.subf %min3A_1154, %max3A_1155 : vector<16xf32>
      %max3A_1157 = arith.constant 0.000000e+00 : f32
      %max3A_1158 = vector.broadcast %max3A_1157 : f32 to vector<16xf32>
      %max3A_1159 = arith.maximumf %sub3A_1153, %max3A_1158 : vector<16xf32>
      %max3A_1160 = arith.constant 0.000000e+00 : f32
      %max3A_1161 = vector.broadcast %max3A_1160 : f32 to vector<16xf32>
      %max3A_1162 = arith.maximumf %sub3A_1156, %max3A_1161 : vector<16xf32>
      %mul3A_1163 = arith.mulf %max3A_1159, %max3A_1162 : vector<16xf32>
      %add3A_1164 = arith.addf %mul3A_1119, %get3A_1151 : vector<16xf32>
      %sub3A_1165 = arith.subf %add3A_1164, %mul3A_1163 : vector<16xf32>
      %add3A_1166 = arith.constant 9.99999993E-9 : f32
      %add3A_1167 = vector.broadcast %add3A_1166 : f32 to vector<16xf32>
      %add3A_1168 = arith.addf %sub3A_1165, %add3A_1167 : vector<16xf32>
      %div3A = arith.divf %mul3A_1163, %add3A_1168 : vector<16xf32>
      %gt3A = arith.cmpf ogt, %div3A, %broadcast_in_dim3A_1121 : vector<16xf32>
      %select_n3A_1169 = arith.select %gt3A, %div3A, %broadcast_in_dim3A_1121 : vector<16xi1>, vector<16xf32>
      %jit3A_1170 = arith.constant 0 : i32
      %broadcast_in_dim3A_1171 = vector.broadcast %jit3A_1170 : i32 to vector<16xi32>
      %select_n3A_1172 = arith.select %gt3A, %broadcast_in_dim3A_1171, %broadcast_in_dim3A_7 : vector<16xi1>, vector<16xi32>
      %get3A_1173 = arith.constant 0 : i32
      %get3A_1174 = arith.constant 1 : i32
      %get3A_1175 = arith.index_cast %get3A_1173 : i32 to index
      %get3A_1176 = arith.index_cast %get3A_1174 : i32 to index
      %get3A_1177 = arith.constant 0 : index
      %get3A_1178 = tpu.vector_load %arg8[%get3A_1175, %get3A_1176, %get3A_1177] {strides = array<i32>} : memref<5x32x16xf32, #tpu.memory_space<vmem>>, vector<16xf32>,
      %get3A_1179 = arith.constant 1 : i32
      %get3A_1180 = arith.constant 1 : i32
      %get3A_1181 = arith.index_cast %get3A_1179 : i32 to index
      %get3A_1182 = arith.index_cast %get3A_1180 : i32 to index
      %get3A_1183 = arith.constant 0 : index
      %get3A_1184 = tpu.vector_load %arg8[%get3A_1181, %get3A_1182, %get3A_1183] {strides = array<i32>} : memref<5x32x16xf32, #tpu.memory_space<vmem>>, vector<16xf32>,
      %get3A_1185 = arith.constant 2 : i32
      %get3A_1186 = arith.constant 1 : i32
      %get3A_1187 = arith.index_cast %get3A_1185 : i32 to index
      %get3A_1188 = arith.index_cast %get3A_1186 : i32 to index
      %get3A_1189 = arith.constant 0 : index
      %get3A_1190 = tpu.vector_load %arg8[%get3A_1187, %get3A_1188, %get3A_1189] {strides = array<i32>} : memref<5x32x16xf32, #tpu.memory_space<vmem>>, vector<16xf32>,
      %get3A_1191 = arith.constant 3 : i32
      %get3A_1192 = arith.constant 1 : i32
      %get3A_1193 = arith.index_cast %get3A_1191 : i32 to index
      %get3A_1194 = arith.index_cast %get3A_1192 : i32 to index
      %get3A_1195 = arith.constant 0 : index
      %get3A_1196 = tpu.vector_load %arg8[%get3A_1193, %get3A_1194, %get3A_1195] {strides = array<i32>} : memref<5x32x16xf32, #tpu.memory_space<vmem>>, vector<16xf32>,
      %get3A_1197 = arith.constant 4 : i32
      %get3A_1198 = arith.constant 1 : i32
      %get3A_1199 = arith.index_cast %get3A_1197 : i32 to index
      %get3A_1200 = arith.index_cast %get3A_1198 : i32 to index
      %get3A_1201 = arith.constant 0 : index
      %get3A_1202 = tpu.vector_load %arg8[%get3A_1199, %get3A_1200, %get3A_1201] {strides = array<i32>} : memref<5x32x16xf32, #tpu.memory_space<vmem>>, vector<16xf32>,
      %min3A_1203 = arith.minimumf %get3A_1112, %get3A_1190 : vector<16xf32>
      %max3A_1204 = arith.maximumf %get3A_1104, %get3A_1178 : vector<16xf32>
      %sub3A_1205 = arith.subf %min3A_1203, %max3A_1204 : vector<16xf32>
      %min3A_1206 = arith.minimumf %get3A_1116, %get3A_1196 : vector<16xf32>
      %max3A_1207 = arith.maximumf %get3A_1108, %get3A_1184 : vector<16xf32>
      %sub3A_1208 = arith.subf %min3A_1206, %max3A_1207 : vector<16xf32>
      %max3A_1209 = arith.constant 0.000000e+00 : f32
      %max3A_1210 = vector.broadcast %max3A_1209 : f32 to vector<16xf32>
      %max3A_1211 = arith.maximumf %sub3A_1205, %max3A_1210 : vector<16xf32>
      %max3A_1212 = arith.constant 0.000000e+00 : f32
      %max3A_1213 = vector.broadcast %max3A_1212 : f32 to vector<16xf32>
      %max3A_1214 = arith.maximumf %sub3A_1208, %max3A_1213 : vector<16xf32>
      %mul3A_1215 = arith.mulf %max3A_1211, %max3A_1214 : vector<16xf32>
      %add3A_1216 = arith.addf %mul3A_1119, %get3A_1202 : vector<16xf32>
      %sub3A_1217 = arith.subf %add3A_1216, %mul3A_1215 : vector<16xf32>
      %add3A_1218 = arith.constant 9.99999993E-9 : f32
      %add3A_1219 = vector.broadcast %add3A_1218 : f32 to vector<16xf32>
      %add3A_1220 = arith.addf %sub3A_1217, %add3A_1219 : vector<16xf32>
      %div3A_1221 = arith.divf %mul3A_1215, %add3A_1220 : vector<16xf32>
      %gt3A_1222 = arith.cmpf ogt, %div3A_1221, %select_n3A_1169 : vector<16xf32>
      %select_n3A_1223 = arith.select %gt3A_1222, %div3A_1221, %select_n3A_1169 : vector<16xi1>, vector<16xf32>
      %jit3A_1224 = arith.constant 1 : i32
      %broadcast_in_dim3A_1225 = vector.broadcast %jit3A_1224 : i32 to vector<16xi32>
      %select_n3A_1226 = arith.select %gt3A_1222, %broadcast_in_dim3A_1225, %select_n3A_1172 : vector<16xi1>, vector<16xi32>
      %get3A_1227 = arith.constant 0 : i32
      %get3A_1228 = arith.constant 2 : i32
      %get3A_1229 = arith.index_cast %get3A_1227 : i32 to index
      %get3A_1230 = arith.index_cast %get3A_1228 : i32 to index
      %get3A_1231 = arith.constant 0 : index
      %get3A_1232 = tpu.vector_load %arg8[%get3A_1229, %get3A_1230, %get3A_1231] {strides = array<i32>} : memref<5x32x16xf32, #tpu.memory_space<vmem>>, vector<16xf32>,
      %get3A_1233 = arith.constant 1 : i32
      %get3A_1234 = arith.constant 2 : i32
      %get3A_1235 = arith.index_cast %get3A_1233 : i32 to index
      %get3A_1236 = arith.index_cast %get3A_1234 : i32 to index
      %get3A_1237 = arith.constant 0 : index
      %get3A_1238 = tpu.vector_load %arg8[%get3A_1235, %get3A_1236, %get3A_1237] {strides = array<i32>} : memref<5x32x16xf32, #tpu.memory_space<vmem>>, vector<16xf32>,
      %get3A_1239 = arith.constant 2 : i32
      %get3A_1240 = arith.constant 2 : i32
      %get3A_1241 = arith.index_cast %get3A_1239 : i32 to index
      %get3A_1242 = arith.index_cast %get3A_1240 : i32 to index
      %get3A_1243 = arith.constant 0 : index
      %get3A_1244 = tpu.vector_load %arg8[%get3A_1241, %get3A_1242, %get3A_1243] {strides = array<i32>} : memref<5x32x16xf32, #tpu.memory_space<vmem>>, vector<16xf32>,
      %get3A_1245 = arith.constant 3 : i32
      %get3A_1246 = arith.constant 2 : i32
      %get3A_1247 = arith.index_cast %get3A_1245 : i32 to index
      %get3A_1248 = arith.index_cast %get3A_1246 : i32 to index
      %get3A_1249 = arith.constant 0 : index
      %get3A_1250 = tpu.vector_load %arg8[%get3A_1247, %get3A_1248, %get3A_1249] {strides = array<i32>} : memref<5x32x16xf32, #tpu.memory_space<vmem>>, vector<16xf32>,
      %get3A_1251 = arith.constant 4 : i32
      %get3A_1252 = arith.constant 2 : i32
      %get3A_1253 = arith.index_cast %get3A_1251 : i32 to index
      %get3A_1254 = arith.index_cast %get3A_1252 : i32 to index
      %get3A_1255 = arith.constant 0 : index
      %get3A_1256 = tpu.vector_load %arg8[%get3A_1253, %get3A_1254, %get3A_1255] {strides = array<i32>} : memref<5x32x16xf32, #tpu.memory_space<vmem>>, vector<16xf32>,
      %min3A_1257 = arith.minimumf %get3A_1112, %get3A_1244 : vector<16xf32>
      %max3A_1258 = arith.maximumf %get3A_1104, %get3A_1232 : vector<16xf32>
      %sub3A_1259 = arith.subf %min3A_1257, %max3A_1258 : vector<16xf32>
      %min3A_1260 = arith.minimumf %get3A_1116, %get3A_1250 : vector<16xf32>
      %max3A_1261 = arith.maximumf %get3A_1108, %get3A_1238 : vector<16xf32>
      %sub3A_1262 = arith.subf %min3A_1260, %max3A_1261 : vector<16xf32>
      %max3A_1263 = arith.constant 0.000000e+00 : f32
      %max3A_1264 = vector.broadcast %max3A_1263 : f32 to vector<16xf32>
      %max3A_1265 = arith.maximumf %sub3A_1259, %max3A_1264 : vector<16xf32>
      %max3A_1266 = arith.constant 0.000000e+00 : f32
      %max3A_1267 = vector.broadcast %max3A_1266 : f32 to vector<16xf32>
      %max3A_1268 = arith.maximumf %sub3A_1262, %max3A_1267 : vector<16xf32>
      %mul3A_1269 = arith.mulf %max3A_1265, %max3A_1268 : vector<16xf32>
      %add3A_1270 = arith.addf %mul3A_1119, %get3A_1256 : vector<16xf32>
      %sub3A_1271 = arith.subf %add3A_1270, %mul3A_1269 : vector<16xf32>
      %add3A_1272 = arith.constant 9.99999993E-9 : f32
      %add3A_1273 = vector.broadcast %add3A_1272 : f32 to vector<16xf32>
      %add3A_1274 = arith.addf %sub3A_1271, %add3A_1273 : vector<16xf32>
      %div3A_1275 = arith.divf %mul3A_1269, %add3A_1274 : vector<16xf32>
      %gt3A_1276 = arith.cmpf ogt, %div3A_1275, %select_n3A_1223 : vector<16xf32>
      %select_n3A_1277 = arith.select %gt3A_1276, %div3A_1275, %select_n3A_1223 : vector<16xi1>, vector<16xf32>
      %jit3A_1278 = arith.constant 2 : i32
      %broadcast_in_dim3A_1279 = vector.broadcast %jit3A_1278 : i32 to vector<16xi32>
      %select_n3A_1280 = arith.select %gt3A_1276, %broadcast_in_dim3A_1279, %select_n3A_1226 : vector<16xi1>, vector<16xi32>
      %get3A_1281 = arith.constant 0 : i32
      %get3A_1282 = arith.constant 3 : i32
      %get3A_1283 = arith.index_cast %get3A_1281 : i32 to index
      %get3A_1284 = arith.index_cast %get3A_1282 : i32 to index
      %get3A_1285 = arith.constant 0 : index
      %get3A_1286 = tpu.vector_load %arg8[%get3A_1283, %get3A_1284, %get3A_1285] {strides = array<i32>} : memref<5x32x16xf32, #tpu.memory_space<vmem>>, vector<16xf32>,
      %get3A_1287 = arith.constant 1 : i32
      %get3A_1288 = arith.constant 3 : i32
      %get3A_1289 = arith.index_cast %get3A_1287 : i32 to index
      %get3A_1290 = arith.index_cast %get3A_1288 : i32 to index
      %get3A_1291 = arith.constant 0 : index
      %get3A_1292 = tpu.vector_load %arg8[%get3A_1289, %get3A_1290, %get3A_1291] {strides = array<i32>} : memref<5x32x16xf32, #tpu.memory_space<vmem>>, vector<16xf32>,
      %get3A_1293 = arith.constant 2 : i32
      %get3A_1294 = arith.constant 3 : i32
      %get3A_1295 = arith.index_cast %get3A_1293 : i32 to index
      %get3A_1296 = arith.index_cast %get3A_1294 : i32 to index
      %get3A_1297 = arith.constant 0 : index
      %get3A_1298 = tpu.vector_load %arg8[%get3A_1295, %get3A_1296, %get3A_1297] {strides = array<i32>} : memref<5x32x16xf32, #tpu.memory_space<vmem>>, vector<16xf32>,
      %get3A_1299 = arith.constant 3 : i32
      %get3A_1300 = arith.constant 3 : i32
      %get3A_1301 = arith.index_cast %get3A_1299 : i32 to index
      %get3A_1302 = arith.index_cast %get3A_1300 : i32 to index
      %get3A_1303 = arith.constant 0 : index
      %get3A_1304 = tpu.vector_load %arg8[%get3A_1301, %get3A_1302, %get3A_1303] {strides = array<i32>} : memref<5x32x16xf32, #tpu.memory_space<vmem>>, vector<16xf32>,
      %get3A_1305 = arith.constant 4 : i32
      %get3A_1306 = arith.constant 3 : i32
      %get3A_1307 = arith.index_cast %get3A_1305 : i32 to index
      %get3A_1308 = arith.index_cast %get3A_1306 : i32 to index
      %get3A_1309 = arith.constant 0 : index
      %get3A_1310 = tpu.vector_load %arg8[%get3A_1307, %get3A_1308, %get3A_1309] {strides = array<i32>} : memref<5x32x16xf32, #tpu.memory_space<vmem>>, vector<16xf32>,
      %min3A_1311 = arith.minimumf %get3A_1112, %get3A_1298 : vector<16xf32>
      %max3A_1312 = arith.maximumf %get3A_1104, %get3A_1286 : vector<16xf32>
      %sub3A_1313 = arith.subf %min3A_1311, %max3A_1312 : vector<16xf32>
      %min3A_1314 = arith.minimumf %get3A_1116, %get3A_1304 : vector<16xf32>
      %max3A_1315 = arith.maximumf %get3A_1108, %get3A_1292 : vector<16xf32>
      %sub3A_1316 = arith.subf %min3A_1314, %max3A_1315 : vector<16xf32>
      %max3A_1317 = arith.constant 0.000000e+00 : f32
      %max3A_1318 = vector.broadcast %max3A_1317 : f32 to vector<16xf32>
      %max3A_1319 = arith.maximumf %sub3A_1313, %max3A_1318 : vector<16xf32>
      %max3A_1320 = arith.constant 0.000000e+00 : f32
      %max3A_1321 = vector.broadcast %max3A_1320 : f32 to vector<16xf32>
      %max3A_1322 = arith.maximumf %sub3A_1316, %max3A_1321 : vector<16xf32>
      %mul3A_1323 = arith.mulf %max3A_1319, %max3A_1322 : vector<16xf32>
      %add3A_1324 = arith.addf %mul3A_1119, %get3A_1310 : vector<16xf32>
      %sub3A_1325 = arith.subf %add3A_1324, %mul3A_1323 : vector<16xf32>
      %add3A_1326 = arith.constant 9.99999993E-9 : f32
      %add3A_1327 = vector.broadcast %add3A_1326 : f32 to vector<16xf32>
      %add3A_1328 = arith.addf %sub3A_1325, %add3A_1327 : vector<16xf32>
      %div3A_1329 = arith.divf %mul3A_1323, %add3A_1328 : vector<16xf32>
      %gt3A_1330 = arith.cmpf ogt, %div3A_1329, %select_n3A_1277 : vector<16xf32>
      %select_n3A_1331 = arith.select %gt3A_1330, %div3A_1329, %select_n3A_1277 : vector<16xi1>, vector<16xf32>
      %jit3A_1332 = arith.constant 3 : i32
      %broadcast_in_dim3A_1333 = vector.broadcast %jit3A_1332 : i32 to vector<16xi32>
      %select_n3A_1334 = arith.select %gt3A_1330, %broadcast_in_dim3A_1333, %select_n3A_1280 : vector<16xi1>, vector<16xi32>
      %get3A_1335 = arith.constant 0 : i32
      %get3A_1336 = arith.constant 4 : i32
      %get3A_1337 = arith.index_cast %get3A_1335 : i32 to index
      %get3A_1338 = arith.index_cast %get3A_1336 : i32 to index
      %get3A_1339 = arith.constant 0 : index
      %get3A_1340 = tpu.vector_load %arg8[%get3A_1337, %get3A_1338, %get3A_1339] {strides = array<i32>} : memref<5x32x16xf32, #tpu.memory_space<vmem>>, vector<16xf32>,
      %get3A_1341 = arith.constant 1 : i32
      %get3A_1342 = arith.constant 4 : i32
      %get3A_1343 = arith.index_cast %get3A_1341 : i32 to index
      %get3A_1344 = arith.index_cast %get3A_1342 : i32 to index
      %get3A_1345 = arith.constant 0 : index
      %get3A_1346 = tpu.vector_load %arg8[%get3A_1343, %get3A_1344, %get3A_1345] {strides = array<i32>} : memref<5x32x16xf32, #tpu.memory_space<vmem>>, vector<16xf32>,
      %get3A_1347 = arith.constant 2 : i32
      %get3A_1348 = arith.constant 4 : i32
      %get3A_1349 = arith.index_cast %get3A_1347 : i32 to index
      %get3A_1350 = arith.index_cast %get3A_1348 : i32 to index
      %get3A_1351 = arith.constant 0 : index
      %get3A_1352 = tpu.vector_load %arg8[%get3A_1349, %get3A_1350, %get3A_1351] {strides = array<i32>} : memref<5x32x16xf32, #tpu.memory_space<vmem>>, vector<16xf32>,
      %get3A_1353 = arith.constant 3 : i32
      %get3A_1354 = arith.constant 4 : i32
      %get3A_1355 = arith.index_cast %get3A_1353 : i32 to index
      %get3A_1356 = arith.index_cast %get3A_1354 : i32 to index
      %get3A_1357 = arith.constant 0 : index
      %get3A_1358 = tpu.vector_load %arg8[%get3A_1355, %get3A_1356, %get3A_1357] {strides = array<i32>} : memref<5x32x16xf32, #tpu.memory_space<vmem>>, vector<16xf32>,
      %get3A_1359 = arith.constant 4 : i32
      %get3A_1360 = arith.constant 4 : i32
      %get3A_1361 = arith.index_cast %get3A_1359 : i32 to index
      %get3A_1362 = arith.index_cast %get3A_1360 : i32 to index
      %get3A_1363 = arith.constant 0 : index
      %get3A_1364 = tpu.vector_load %arg8[%get3A_1361, %get3A_1362, %get3A_1363] {strides = array<i32>} : memref<5x32x16xf32, #tpu.memory_space<vmem>>, vector<16xf32>,
      %min3A_1365 = arith.minimumf %get3A_1112, %get3A_1352 : vector<16xf32>
      %max3A_1366 = arith.maximumf %get3A_1104, %get3A_1340 : vector<16xf32>
      %sub3A_1367 = arith.subf %min3A_1365, %max3A_1366 : vector<16xf32>
      %min3A_1368 = arith.minimumf %get3A_1116, %get3A_1358 : vector<16xf32>
      %max3A_1369 = arith.maximumf %get3A_1108, %get3A_1346 : vector<16xf32>
      %sub3A_1370 = arith.subf %min3A_1368, %max3A_1369 : vector<16xf32>
      %max3A_1371 = arith.constant 0.000000e+00 : f32
      %max3A_1372 = vector.broadcast %max3A_1371 : f32 to vector<16xf32>
      %max3A_1373 = arith.maximumf %sub3A_1367, %max3A_1372 : vector<16xf32>
      %max3A_1374 = arith.constant 0.000000e+00 : f32
      %max3A_1375 = vector.broadcast %max3A_1374 : f32 to vector<16xf32>
      %max3A_1376 = arith.maximumf %sub3A_1370, %max3A_1375 : vector<16xf32>
      %mul3A_1377 = arith.mulf %max3A_1373, %max3A_1376 : vector<16xf32>
      %add3A_1378 = arith.addf %mul3A_1119, %get3A_1364 : vector<16xf32>
      %sub3A_1379 = arith.subf %add3A_1378, %mul3A_1377 : vector<16xf32>
      %add3A_1380 = arith.constant 9.99999993E-9 : f32
      %add3A_1381 = vector.broadcast %add3A_1380 : f32 to vector<16xf32>
      %add3A_1382 = arith.addf %sub3A_1379, %add3A_1381 : vector<16xf32>
      %div3A_1383 = arith.divf %mul3A_1377, %add3A_1382 : vector<16xf32>
      %gt3A_1384 = arith.cmpf ogt, %div3A_1383, %select_n3A_1331 : vector<16xf32>
      %select_n3A_1385 = arith.select %gt3A_1384, %div3A_1383, %select_n3A_1331 : vector<16xi1>, vector<16xf32>
      %jit3A_1386 = arith.constant 4 : i32
      %broadcast_in_dim3A_1387 = vector.broadcast %jit3A_1386 : i32 to vector<16xi32>
      %select_n3A_1388 = arith.select %gt3A_1384, %broadcast_in_dim3A_1387, %select_n3A_1334 : vector<16xi1>, vector<16xi32>
      %get3A_1389 = arith.constant 0 : i32
      %get3A_1390 = arith.constant 5 : i32
      %get3A_1391 = arith.index_cast %get3A_1389 : i32 to index
      %get3A_1392 = arith.index_cast %get3A_1390 : i32 to index
      %get3A_1393 = arith.constant 0 : index
      %get3A_1394 = tpu.vector_load %arg8[%get3A_1391, %get3A_1392, %get3A_1393] {strides = array<i32>} : memref<5x32x16xf32, #tpu.memory_space<vmem>>, vector<16xf32>,
      %get3A_1395 = arith.constant 1 : i32
      %get3A_1396 = arith.constant 5 : i32
      %get3A_1397 = arith.index_cast %get3A_1395 : i32 to index
      %get3A_1398 = arith.index_cast %get3A_1396 : i32 to index
      %get3A_1399 = arith.constant 0 : index
      %get3A_1400 = tpu.vector_load %arg8[%get3A_1397, %get3A_1398, %get3A_1399] {strides = array<i32>} : memref<5x32x16xf32, #tpu.memory_space<vmem>>, vector<16xf32>,
      %get3A_1401 = arith.constant 2 : i32
      %get3A_1402 = arith.constant 5 : i32
      %get3A_1403 = arith.index_cast %get3A_1401 : i32 to index
      %get3A_1404 = arith.index_cast %get3A_1402 : i32 to index
      %get3A_1405 = arith.constant 0 : index
      %get3A_1406 = tpu.vector_load %arg8[%get3A_1403, %get3A_1404, %get3A_1405] {strides = array<i32>} : memref<5x32x16xf32, #tpu.memory_space<vmem>>, vector<16xf32>,
      %get3A_1407 = arith.constant 3 : i32
      %get3A_1408 = arith.constant 5 : i32
      %get3A_1409 = arith.index_cast %get3A_1407 : i32 to index
      %get3A_1410 = arith.index_cast %get3A_1408 : i32 to index
      %get3A_1411 = arith.constant 0 : index
      %get3A_1412 = tpu.vector_load %arg8[%get3A_1409, %get3A_1410, %get3A_1411] {strides = array<i32>} : memref<5x32x16xf32, #tpu.memory_space<vmem>>, vector<16xf32>,
      %get3A_1413 = arith.constant 4 : i32
      %get3A_1414 = arith.constant 5 : i32
      %get3A_1415 = arith.index_cast %get3A_1413 : i32 to index
      %get3A_1416 = arith.index_cast %get3A_1414 : i32 to index
      %get3A_1417 = arith.constant 0 : index
      %get3A_1418 = tpu.vector_load %arg8[%get3A_1415, %get3A_1416, %get3A_1417] {strides = array<i32>} : memref<5x32x16xf32, #tpu.memory_space<vmem>>, vector<16xf32>,
      %min3A_1419 = arith.minimumf %get3A_1112, %get3A_1406 : vector<16xf32>
      %max3A_1420 = arith.maximumf %get3A_1104, %get3A_1394 : vector<16xf32>
      %sub3A_1421 = arith.subf %min3A_1419, %max3A_1420 : vector<16xf32>
      %min3A_1422 = arith.minimumf %get3A_1116, %get3A_1412 : vector<16xf32>
      %max3A_1423 = arith.maximumf %get3A_1108, %get3A_1400 : vector<16xf32>
      %sub3A_1424 = arith.subf %min3A_1422, %max3A_1423 : vector<16xf32>
      %max3A_1425 = arith.constant 0.000000e+00 : f32
      %max3A_1426 = vector.broadcast %max3A_1425 : f32 to vector<16xf32>
      %max3A_1427 = arith.maximumf %sub3A_1421, %max3A_1426 : vector<16xf32>
      %max3A_1428 = arith.constant 0.000000e+00 : f32
      %max3A_1429 = vector.broadcast %max3A_1428 : f32 to vector<16xf32>
      %max3A_1430 = arith.maximumf %sub3A_1424, %max3A_1429 : vector<16xf32>
      %mul3A_1431 = arith.mulf %max3A_1427, %max3A_1430 : vector<16xf32>
      %add3A_1432 = arith.addf %mul3A_1119, %get3A_1418 : vector<16xf32>
      %sub3A_1433 = arith.subf %add3A_1432, %mul3A_1431 : vector<16xf32>
      %add3A_1434 = arith.constant 9.99999993E-9 : f32
      %add3A_1435 = vector.broadcast %add3A_1434 : f32 to vector<16xf32>
      %add3A_1436 = arith.addf %sub3A_1433, %add3A_1435 : vector<16xf32>
      %div3A_1437 = arith.divf %mul3A_1431, %add3A_1436 : vector<16xf32>
      %gt3A_1438 = arith.cmpf ogt, %div3A_1437, %select_n3A_1385 : vector<16xf32>
      %select_n3A_1439 = arith.select %gt3A_1438, %div3A_1437, %select_n3A_1385 : vector<16xi1>, vector<16xf32>
      %jit3A_1440 = arith.constant 5 : i32
      %broadcast_in_dim3A_1441 = vector.broadcast %jit3A_1440 : i32 to vector<16xi32>
      %select_n3A_1442 = arith.select %gt3A_1438, %broadcast_in_dim3A_1441, %select_n3A_1388 : vector<16xi1>, vector<16xi32>
      %get3A_1443 = arith.constant 0 : i32
      %get3A_1444 = arith.constant 6 : i32
      %get3A_1445 = arith.index_cast %get3A_1443 : i32 to index
      %get3A_1446 = arith.index_cast %get3A_1444 : i32 to index
      %get3A_1447 = arith.constant 0 : index
      %get3A_1448 = tpu.vector_load %arg8[%get3A_1445, %get3A_1446, %get3A_1447] {strides = array<i32>} : memref<5x32x16xf32, #tpu.memory_space<vmem>>, vector<16xf32>,
      %get3A_1449 = arith.constant 1 : i32
      %get3A_1450 = arith.constant 6 : i32
      %get3A_1451 = arith.index_cast %get3A_1449 : i32 to index
      %get3A_1452 = arith.index_cast %get3A_1450 : i32 to index
      %get3A_1453 = arith.constant 0 : index
      %get3A_1454 = tpu.vector_load %arg8[%get3A_1451, %get3A_1452, %get3A_1453] {strides = array<i32>} : memref<5x32x16xf32, #tpu.memory_space<vmem>>, vector<16xf32>,
      %get3A_1455 = arith.constant 2 : i32
      %get3A_1456 = arith.constant 6 : i32
      %get3A_1457 = arith.index_cast %get3A_1455 : i32 to index
      %get3A_1458 = arith.index_cast %get3A_1456 : i32 to index
      %get3A_1459 = arith.constant 0 : index
      %get3A_1460 = tpu.vector_load %arg8[%get3A_1457, %get3A_1458, %get3A_1459] {strides = array<i32>} : memref<5x32x16xf32, #tpu.memory_space<vmem>>, vector<16xf32>,
      %get3A_1461 = arith.constant 3 : i32
      %get3A_1462 = arith.constant 6 : i32
      %get3A_1463 = arith.index_cast %get3A_1461 : i32 to index
      %get3A_1464 = arith.index_cast %get3A_1462 : i32 to index
      %get3A_1465 = arith.constant 0 : index
      %get3A_1466 = tpu.vector_load %arg8[%get3A_1463, %get3A_1464, %get3A_1465] {strides = array<i32>} : memref<5x32x16xf32, #tpu.memory_space<vmem>>, vector<16xf32>,
      %get3A_1467 = arith.constant 4 : i32
      %get3A_1468 = arith.constant 6 : i32
      %get3A_1469 = arith.index_cast %get3A_1467 : i32 to index
      %get3A_1470 = arith.index_cast %get3A_1468 : i32 to index
      %get3A_1471 = arith.constant 0 : index
      %get3A_1472 = tpu.vector_load %arg8[%get3A_1469, %get3A_1470, %get3A_1471] {strides = array<i32>} : memref<5x32x16xf32, #tpu.memory_space<vmem>>, vector<16xf32>,
      %min3A_1473 = arith.minimumf %get3A_1112, %get3A_1460 : vector<16xf32>
      %max3A_1474 = arith.maximumf %get3A_1104, %get3A_1448 : vector<16xf32>
      %sub3A_1475 = arith.subf %min3A_1473, %max3A_1474 : vector<16xf32>
      %min3A_1476 = arith.minimumf %get3A_1116, %get3A_1466 : vector<16xf32>
      %max3A_1477 = arith.maximumf %get3A_1108, %get3A_1454 : vector<16xf32>
      %sub3A_1478 = arith.subf %min3A_1476, %max3A_1477 : vector<16xf32>
      %max3A_1479 = arith.constant 0.000000e+00 : f32
      %max3A_1480 = vector.broadcast %max3A_1479 : f32 to vector<16xf32>
      %max3A_1481 = arith.maximumf %sub3A_1475, %max3A_1480 : vector<16xf32>
      %max3A_1482 = arith.constant 0.000000e+00 : f32
      %max3A_1483 = vector.broadcast %max3A_1482 : f32 to vector<16xf32>
      %max3A_1484 = arith.maximumf %sub3A_1478, %max3A_1483 : vector<16xf32>
      %mul3A_1485 = arith.mulf %max3A_1481, %max3A_1484 : vector<16xf32>
      %add3A_1486 = arith.addf %mul3A_1119, %get3A_1472 : vector<16xf32>
      %sub3A_1487 = arith.subf %add3A_1486, %mul3A_1485 : vector<16xf32>
      %add3A_1488 = arith.constant 9.99999993E-9 : f32
      %add3A_1489 = vector.broadcast %add3A_1488 : f32 to vector<16xf32>
      %add3A_1490 = arith.addf %sub3A_1487, %add3A_1489 : vector<16xf32>
      %div3A_1491 = arith.divf %mul3A_1485, %add3A_1490 : vector<16xf32>
      %gt3A_1492 = arith.cmpf ogt, %div3A_1491, %select_n3A_1439 : vector<16xf32>
      %select_n3A_1493 = arith.select %gt3A_1492, %div3A_1491, %select_n3A_1439 : vector<16xi1>, vector<16xf32>
      %jit3A_1494 = arith.constant 6 : i32
      %broadcast_in_dim3A_1495 = vector.broadcast %jit3A_1494 : i32 to vector<16xi32>
      %select_n3A_1496 = arith.select %gt3A_1492, %broadcast_in_dim3A_1495, %select_n3A_1442 : vector<16xi1>, vector<16xi32>
      %get3A_1497 = arith.constant 0 : i32
      %get3A_1498 = arith.constant 7 : i32
      %get3A_1499 = arith.index_cast %get3A_1497 : i32 to index
      %get3A_1500 = arith.index_cast %get3A_1498 : i32 to index
      %get3A_1501 = arith.constant 0 : index
      %get3A_1502 = tpu.vector_load %arg8[%get3A_1499, %get3A_1500, %get3A_1501] {strides = array<i32>} : memref<5x32x16xf32, #tpu.memory_space<vmem>>, vector<16xf32>,
      %get3A_1503 = arith.constant 1 : i32
      %get3A_1504 = arith.constant 7 : i32
      %get3A_1505 = arith.index_cast %get3A_1503 : i32 to index
      %get3A_1506 = arith.index_cast %get3A_1504 : i32 to index
      %get3A_1507 = arith.constant 0 : index
      %get3A_1508 = tpu.vector_load %arg8[%get3A_1505, %get3A_1506, %get3A_1507] {strides = array<i32>} : memref<5x32x16xf32, #tpu.memory_space<vmem>>, vector<16xf32>,
      %get3A_1509 = arith.constant 2 : i32
      %get3A_1510 = arith.constant 7 : i32
      %get3A_1511 = arith.index_cast %get3A_1509 : i32 to index
      %get3A_1512 = arith.index_cast %get3A_1510 : i32 to index
      %get3A_1513 = arith.constant 0 : index
      %get3A_1514 = tpu.vector_load %arg8[%get3A_1511, %get3A_1512, %get3A_1513] {strides = array<i32>} : memref<5x32x16xf32, #tpu.memory_space<vmem>>, vector<16xf32>,
      %get3A_1515 = arith.constant 3 : i32
      %get3A_1516 = arith.constant 7 : i32
      %get3A_1517 = arith.index_cast %get3A_1515 : i32 to index
      %get3A_1518 = arith.index_cast %get3A_1516 : i32 to index
      %get3A_1519 = arith.constant 0 : index
      %get3A_1520 = tpu.vector_load %arg8[%get3A_1517, %get3A_1518, %get3A_1519] {strides = array<i32>} : memref<5x32x16xf32, #tpu.memory_space<vmem>>, vector<16xf32>,
      %get3A_1521 = arith.constant 4 : i32
      %get3A_1522 = arith.constant 7 : i32
      %get3A_1523 = arith.index_cast %get3A_1521 : i32 to index
      %get3A_1524 = arith.index_cast %get3A_1522 : i32 to index
      %get3A_1525 = arith.constant 0 : index
      %get3A_1526 = tpu.vector_load %arg8[%get3A_1523, %get3A_1524, %get3A_1525] {strides = array<i32>} : memref<5x32x16xf32, #tpu.memory_space<vmem>>, vector<16xf32>,
      %min3A_1527 = arith.minimumf %get3A_1112, %get3A_1514 : vector<16xf32>
      %max3A_1528 = arith.maximumf %get3A_1104, %get3A_1502 : vector<16xf32>
      %sub3A_1529 = arith.subf %min3A_1527, %max3A_1528 : vector<16xf32>
      %min3A_1530 = arith.minimumf %get3A_1116, %get3A_1520 : vector<16xf32>
      %max3A_1531 = arith.maximumf %get3A_1108, %get3A_1508 : vector<16xf32>
      %sub3A_1532 = arith.subf %min3A_1530, %max3A_1531 : vector<16xf32>
      %max3A_1533 = arith.constant 0.000000e+00 : f32
      %max3A_1534 = vector.broadcast %max3A_1533 : f32 to vector<16xf32>
      %max3A_1535 = arith.maximumf %sub3A_1529, %max3A_1534 : vector<16xf32>
      %max3A_1536 = arith.constant 0.000000e+00 : f32
      %max3A_1537 = vector.broadcast %max3A_1536 : f32 to vector<16xf32>
      %max3A_1538 = arith.maximumf %sub3A_1532, %max3A_1537 : vector<16xf32>
      %mul3A_1539 = arith.mulf %max3A_1535, %max3A_1538 : vector<16xf32>
      %add3A_1540 = arith.addf %mul3A_1119, %get3A_1526 : vector<16xf32>
      %sub3A_1541 = arith.subf %add3A_1540, %mul3A_1539 : vector<16xf32>
      %add3A_1542 = arith.constant 9.99999993E-9 : f32
      %add3A_1543 = vector.broadcast %add3A_1542 : f32 to vector<16xf32>
      %add3A_1544 = arith.addf %sub3A_1541, %add3A_1543 : vector<16xf32>
      %div3A_1545 = arith.divf %mul3A_1539, %add3A_1544 : vector<16xf32>
      %gt3A_1546 = arith.cmpf ogt, %div3A_1545, %select_n3A_1493 : vector<16xf32>
      %select_n3A_1547 = arith.select %gt3A_1546, %div3A_1545, %select_n3A_1493 : vector<16xi1>, vector<16xf32>
      %jit3A_1548 = arith.constant 7 : i32
      %broadcast_in_dim3A_1549 = vector.broadcast %jit3A_1548 : i32 to vector<16xi32>
      %select_n3A_1550 = arith.select %gt3A_1546, %broadcast_in_dim3A_1549, %select_n3A_1496 : vector<16xi1>, vector<16xi32>
      %get3A_1551 = arith.constant 0 : i32
      %get3A_1552 = arith.constant 8 : i32
      %get3A_1553 = arith.index_cast %get3A_1551 : i32 to index
      %get3A_1554 = arith.index_cast %get3A_1552 : i32 to index
      %get3A_1555 = arith.constant 0 : index
      %get3A_1556 = tpu.vector_load %arg8[%get3A_1553, %get3A_1554, %get3A_1555] {strides = array<i32>} : memref<5x32x16xf32, #tpu.memory_space<vmem>>, vector<16xf32>,
      %get3A_1557 = arith.constant 1 : i32
      %get3A_1558 = arith.constant 8 : i32
      %get3A_1559 = arith.index_cast %get3A_1557 : i32 to index
      %get3A_1560 = arith.index_cast %get3A_1558 : i32 to index
      %get3A_1561 = arith.constant 0 : index
      %get3A_1562 = tpu.vector_load %arg8[%get3A_1559, %get3A_1560, %get3A_1561] {strides = array<i32>} : memref<5x32x16xf32, #tpu.memory_space<vmem>>, vector<16xf32>,
      %get3A_1563 = arith.constant 2 : i32
      %get3A_1564 = arith.constant 8 : i32
      %get3A_1565 = arith.index_cast %get3A_1563 : i32 to index
      %get3A_1566 = arith.index_cast %get3A_1564 : i32 to index
      %get3A_1567 = arith.constant 0 : index
      %get3A_1568 = tpu.vector_load %arg8[%get3A_1565, %get3A_1566, %get3A_1567] {strides = array<i32>} : memref<5x32x16xf32, #tpu.memory_space<vmem>>, vector<16xf32>,
      %get3A_1569 = arith.constant 3 : i32
      %get3A_1570 = arith.constant 8 : i32
      %get3A_1571 = arith.index_cast %get3A_1569 : i32 to index
      %get3A_1572 = arith.index_cast %get3A_1570 : i32 to index
      %get3A_1573 = arith.constant 0 : index
      %get3A_1574 = tpu.vector_load %arg8[%get3A_1571, %get3A_1572, %get3A_1573] {strides = array<i32>} : memref<5x32x16xf32, #tpu.memory_space<vmem>>, vector<16xf32>,
      %get3A_1575 = arith.constant 4 : i32
      %get3A_1576 = arith.constant 8 : i32
      %get3A_1577 = arith.index_cast %get3A_1575 : i32 to index
      %get3A_1578 = arith.index_cast %get3A_1576 : i32 to index
      %get3A_1579 = arith.constant 0 : index
      %get3A_1580 = tpu.vector_load %arg8[%get3A_1577, %get3A_1578, %get3A_1579] {strides = array<i32>} : memref<5x32x16xf32, #tpu.memory_space<vmem>>, vector<16xf32>,
      %min3A_1581 = arith.minimumf %get3A_1112, %get3A_1568 : vector<16xf32>
      %max3A_1582 = arith.maximumf %get3A_1104, %get3A_1556 : vector<16xf32>
      %sub3A_1583 = arith.subf %min3A_1581, %max3A_1582 : vector<16xf32>
      %min3A_1584 = arith.minimumf %get3A_1116, %get3A_1574 : vector<16xf32>
      %max3A_1585 = arith.maximumf %get3A_1108, %get3A_1562 : vector<16xf32>
      %sub3A_1586 = arith.subf %min3A_1584, %max3A_1585 : vector<16xf32>
      %max3A_1587 = arith.constant 0.000000e+00 : f32
      %max3A_1588 = vector.broadcast %max3A_1587 : f32 to vector<16xf32>
      %max3A_1589 = arith.maximumf %sub3A_1583, %max3A_1588 : vector<16xf32>
      %max3A_1590 = arith.constant 0.000000e+00 : f32
      %max3A_1591 = vector.broadcast %max3A_1590 : f32 to vector<16xf32>
      %max3A_1592 = arith.maximumf %sub3A_1586, %max3A_1591 : vector<16xf32>
      %mul3A_1593 = arith.mulf %max3A_1589, %max3A_1592 : vector<16xf32>
      %add3A_1594 = arith.addf %mul3A_1119, %get3A_1580 : vector<16xf32>
      %sub3A_1595 = arith.subf %add3A_1594, %mul3A_1593 : vector<16xf32>
      %add3A_1596 = arith.constant 9.99999993E-9 : f32
      %add3A_1597 = vector.broadcast %add3A_1596 : f32 to vector<16xf32>
      %add3A_1598 = arith.addf %sub3A_1595, %add3A_1597 : vector<16xf32>
      %div3A_1599 = arith.divf %mul3A_1593, %add3A_1598 : vector<16xf32>
      %gt3A_1600 = arith.cmpf ogt, %div3A_1599, %select_n3A_1547 : vector<16xf32>
      %select_n3A_1601 = arith.select %gt3A_1600, %div3A_1599, %select_n3A_1547 : vector<16xi1>, vector<16xf32>
      %jit3A_1602 = arith.constant 8 : i32
      %broadcast_in_dim3A_1603 = vector.broadcast %jit3A_1602 : i32 to vector<16xi32>
      %select_n3A_1604 = arith.select %gt3A_1600, %broadcast_in_dim3A_1603, %select_n3A_1550 : vector<16xi1>, vector<16xi32>
      %get3A_1605 = arith.constant 0 : i32
      %get3A_1606 = arith.constant 9 : i32
      %get3A_1607 = arith.index_cast %get3A_1605 : i32 to index
      %get3A_1608 = arith.index_cast %get3A_1606 : i32 to index
      %get3A_1609 = arith.constant 0 : index
      %get3A_1610 = tpu.vector_load %arg8[%get3A_1607, %get3A_1608, %get3A_1609] {strides = array<i32>} : memref<5x32x16xf32, #tpu.memory_space<vmem>>, vector<16xf32>,
      %get3A_1611 = arith.constant 1 : i32
      %get3A_1612 = arith.constant 9 : i32
      %get3A_1613 = arith.index_cast %get3A_1611 : i32 to index
      %get3A_1614 = arith.index_cast %get3A_1612 : i32 to index
      %get3A_1615 = arith.constant 0 : index
      %get3A_1616 = tpu.vector_load %arg8[%get3A_1613, %get3A_1614, %get3A_1615] {strides = array<i32>} : memref<5x32x16xf32, #tpu.memory_space<vmem>>, vector<16xf32>,
      %get3A_1617 = arith.constant 2 : i32
      %get3A_1618 = arith.constant 9 : i32
      %get3A_1619 = arith.index_cast %get3A_1617 : i32 to index
      %get3A_1620 = arith.index_cast %get3A_1618 : i32 to index
      %get3A_1621 = arith.constant 0 : index
      %get3A_1622 = tpu.vector_load %arg8[%get3A_1619, %get3A_1620, %get3A_1621] {strides = array<i32>} : memref<5x32x16xf32, #tpu.memory_space<vmem>>, vector<16xf32>,
      %get3A_1623 = arith.constant 3 : i32
      %get3A_1624 = arith.constant 9 : i32
      %get3A_1625 = arith.index_cast %get3A_1623 : i32 to index
      %get3A_1626 = arith.index_cast %get3A_1624 : i32 to index
      %get3A_1627 = arith.constant 0 : index
      %get3A_1628 = tpu.vector_load %arg8[%get3A_1625, %get3A_1626, %get3A_1627] {strides = array<i32>} : memref<5x32x16xf32, #tpu.memory_space<vmem>>, vector<16xf32>,
      %get3A_1629 = arith.constant 4 : i32
      %get3A_1630 = arith.constant 9 : i32
      %get3A_1631 = arith.index_cast %get3A_1629 : i32 to index
      %get3A_1632 = arith.index_cast %get3A_1630 : i32 to index
      %get3A_1633 = arith.constant 0 : index
      %get3A_1634 = tpu.vector_load %arg8[%get3A_1631, %get3A_1632, %get3A_1633] {strides = array<i32>} : memref<5x32x16xf32, #tpu.memory_space<vmem>>, vector<16xf32>,
      %min3A_1635 = arith.minimumf %get3A_1112, %get3A_1622 : vector<16xf32>
      %max3A_1636 = arith.maximumf %get3A_1104, %get3A_1610 : vector<16xf32>
      %sub3A_1637 = arith.subf %min3A_1635, %max3A_1636 : vector<16xf32>
      %min3A_1638 = arith.minimumf %get3A_1116, %get3A_1628 : vector<16xf32>
      %max3A_1639 = arith.maximumf %get3A_1108, %get3A_1616 : vector<16xf32>
      %sub3A_1640 = arith.subf %min3A_1638, %max3A_1639 : vector<16xf32>
      %max3A_1641 = arith.constant 0.000000e+00 : f32
      %max3A_1642 = vector.broadcast %max3A_1641 : f32 to vector<16xf32>
      %max3A_1643 = arith.maximumf %sub3A_1637, %max3A_1642 : vector<16xf32>
      %max3A_1644 = arith.constant 0.000000e+00 : f32
      %max3A_1645 = vector.broadcast %max3A_1644 : f32 to vector<16xf32>
      %max3A_1646 = arith.maximumf %sub3A_1640, %max3A_1645 : vector<16xf32>
      %mul3A_1647 = arith.mulf %max3A_1643, %max3A_1646 : vector<16xf32>
      %add3A_1648 = arith.addf %mul3A_1119, %get3A_1634 : vector<16xf32>
      %sub3A_1649 = arith.subf %add3A_1648, %mul3A_1647 : vector<16xf32>
      %add3A_1650 = arith.constant 9.99999993E-9 : f32
      %add3A_1651 = vector.broadcast %add3A_1650 : f32 to vector<16xf32>
      %add3A_1652 = arith.addf %sub3A_1649, %add3A_1651 : vector<16xf32>
      %div3A_1653 = arith.divf %mul3A_1647, %add3A_1652 : vector<16xf32>
      %gt3A_1654 = arith.cmpf ogt, %div3A_1653, %select_n3A_1601 : vector<16xf32>
      %select_n3A_1655 = arith.select %gt3A_1654, %div3A_1653, %select_n3A_1601 : vector<16xi1>, vector<16xf32>
      %jit3A_1656 = arith.constant 9 : i32
      %broadcast_in_dim3A_1657 = vector.broadcast %jit3A_1656 : i32 to vector<16xi32>
      %select_n3A_1658 = arith.select %gt3A_1654, %broadcast_in_dim3A_1657, %select_n3A_1604 : vector<16xi1>, vector<16xi32>
      %get3A_1659 = arith.constant 0 : i32
      %get3A_1660 = arith.constant 10 : i32
      %get3A_1661 = arith.index_cast %get3A_1659 : i32 to index
      %get3A_1662 = arith.index_cast %get3A_1660 : i32 to index
      %get3A_1663 = arith.constant 0 : index
      %get3A_1664 = tpu.vector_load %arg8[%get3A_1661, %get3A_1662, %get3A_1663] {strides = array<i32>} : memref<5x32x16xf32, #tpu.memory_space<vmem>>, vector<16xf32>,
      %get3A_1665 = arith.constant 1 : i32
      %get3A_1666 = arith.constant 10 : i32
      %get3A_1667 = arith.index_cast %get3A_1665 : i32 to index
      %get3A_1668 = arith.index_cast %get3A_1666 : i32 to index
      %get3A_1669 = arith.constant 0 : index
      %get3A_1670 = tpu.vector_load %arg8[%get3A_1667, %get3A_1668, %get3A_1669] {strides = array<i32>} : memref<5x32x16xf32, #tpu.memory_space<vmem>>, vector<16xf32>,
      %get3A_1671 = arith.constant 2 : i32
      %get3A_1672 = arith.constant 10 : i32
      %get3A_1673 = arith.index_cast %get3A_1671 : i32 to index
      %get3A_1674 = arith.index_cast %get3A_1672 : i32 to index
      %get3A_1675 = arith.constant 0 : index
      %get3A_1676 = tpu.vector_load %arg8[%get3A_1673, %get3A_1674, %get3A_1675] {strides = array<i32>} : memref<5x32x16xf32, #tpu.memory_space<vmem>>, vector<16xf32>,
      %get3A_1677 = arith.constant 3 : i32
      %get3A_1678 = arith.constant 10 : i32
      %get3A_1679 = arith.index_cast %get3A_1677 : i32 to index
      %get3A_1680 = arith.index_cast %get3A_1678 : i32 to index
      %get3A_1681 = arith.constant 0 : index
      %get3A_1682 = tpu.vector_load %arg8[%get3A_1679, %get3A_1680, %get3A_1681] {strides = array<i32>} : memref<5x32x16xf32, #tpu.memory_space<vmem>>, vector<16xf32>,
      %get3A_1683 = arith.constant 4 : i32
      %get3A_1684 = arith.constant 10 : i32
      %get3A_1685 = arith.index_cast %get3A_1683 : i32 to index
      %get3A_1686 = arith.index_cast %get3A_1684 : i32 to index
      %get3A_1687 = arith.constant 0 : index
      %get3A_1688 = tpu.vector_load %arg8[%get3A_1685, %get3A_1686, %get3A_1687] {strides = array<i32>} : memref<5x32x16xf32, #tpu.memory_space<vmem>>, vector<16xf32>,
      %min3A_1689 = arith.minimumf %get3A_1112, %get3A_1676 : vector<16xf32>
      %max3A_1690 = arith.maximumf %get3A_1104, %get3A_1664 : vector<16xf32>
      %sub3A_1691 = arith.subf %min3A_1689, %max3A_1690 : vector<16xf32>
      %min3A_1692 = arith.minimumf %get3A_1116, %get3A_1682 : vector<16xf32>
      %max3A_1693 = arith.maximumf %get3A_1108, %get3A_1670 : vector<16xf32>
      %sub3A_1694 = arith.subf %min3A_1692, %max3A_1693 : vector<16xf32>
      %max3A_1695 = arith.constant 0.000000e+00 : f32
      %max3A_1696 = vector.broadcast %max3A_1695 : f32 to vector<16xf32>
      %max3A_1697 = arith.maximumf %sub3A_1691, %max3A_1696 : vector<16xf32>
      %max3A_1698 = arith.constant 0.000000e+00 : f32
      %max3A_1699 = vector.broadcast %max3A_1698 : f32 to vector<16xf32>
      %max3A_1700 = arith.maximumf %sub3A_1694, %max3A_1699 : vector<16xf32>
      %mul3A_1701 = arith.mulf %max3A_1697, %max3A_1700 : vector<16xf32>
      %add3A_1702 = arith.addf %mul3A_1119, %get3A_1688 : vector<16xf32>
      %sub3A_1703 = arith.subf %add3A_1702, %mul3A_1701 : vector<16xf32>
      %add3A_1704 = arith.constant 9.99999993E-9 : f32
      %add3A_1705 = vector.broadcast %add3A_1704 : f32 to vector<16xf32>
      %add3A_1706 = arith.addf %sub3A_1703, %add3A_1705 : vector<16xf32>
      %div3A_1707 = arith.divf %mul3A_1701, %add3A_1706 : vector<16xf32>
      %gt3A_1708 = arith.cmpf ogt, %div3A_1707, %select_n3A_1655 : vector<16xf32>
      %select_n3A_1709 = arith.select %gt3A_1708, %div3A_1707, %select_n3A_1655 : vector<16xi1>, vector<16xf32>
      %jit3A_1710 = arith.constant 10 : i32
      %broadcast_in_dim3A_1711 = vector.broadcast %jit3A_1710 : i32 to vector<16xi32>
      %select_n3A_1712 = arith.select %gt3A_1708, %broadcast_in_dim3A_1711, %select_n3A_1658 : vector<16xi1>, vector<16xi32>
      %get3A_1713 = arith.constant 0 : i32
      %get3A_1714 = arith.constant 11 : i32
      %get3A_1715 = arith.index_cast %get3A_1713 : i32 to index
      %get3A_1716 = arith.index_cast %get3A_1714 : i32 to index
      %get3A_1717 = arith.constant 0 : index
      %get3A_1718 = tpu.vector_load %arg8[%get3A_1715, %get3A_1716, %get3A_1717] {strides = array<i32>} : memref<5x32x16xf32, #tpu.memory_space<vmem>>, vector<16xf32>,
      %get3A_1719 = arith.constant 1 : i32
      %get3A_1720 = arith.constant 11 : i32
      %get3A_1721 = arith.index_cast %get3A_1719 : i32 to index
      %get3A_1722 = arith.index_cast %get3A_1720 : i32 to index
      %get3A_1723 = arith.constant 0 : index
      %get3A_1724 = tpu.vector_load %arg8[%get3A_1721, %get3A_1722, %get3A_1723] {strides = array<i32>} : memref<5x32x16xf32, #tpu.memory_space<vmem>>, vector<16xf32>,
      %get3A_1725 = arith.constant 2 : i32
      %get3A_1726 = arith.constant 11 : i32
      %get3A_1727 = arith.index_cast %get3A_1725 : i32 to index
      %get3A_1728 = arith.index_cast %get3A_1726 : i32 to index
      %get3A_1729 = arith.constant 0 : index
      %get3A_1730 = tpu.vector_load %arg8[%get3A_1727, %get3A_1728, %get3A_1729] {strides = array<i32>} : memref<5x32x16xf32, #tpu.memory_space<vmem>>, vector<16xf32>,
      %get3A_1731 = arith.constant 3 : i32
      %get3A_1732 = arith.constant 11 : i32
      %get3A_1733 = arith.index_cast %get3A_1731 : i32 to index
      %get3A_1734 = arith.index_cast %get3A_1732 : i32 to index
      %get3A_1735 = arith.constant 0 : index
      %get3A_1736 = tpu.vector_load %arg8[%get3A_1733, %get3A_1734, %get3A_1735] {strides = array<i32>} : memref<5x32x16xf32, #tpu.memory_space<vmem>>, vector<16xf32>,
      %get3A_1737 = arith.constant 4 : i32
      %get3A_1738 = arith.constant 11 : i32
      %get3A_1739 = arith.index_cast %get3A_1737 : i32 to index
      %get3A_1740 = arith.index_cast %get3A_1738 : i32 to index
      %get3A_1741 = arith.constant 0 : index
      %get3A_1742 = tpu.vector_load %arg8[%get3A_1739, %get3A_1740, %get3A_1741] {strides = array<i32>} : memref<5x32x16xf32, #tpu.memory_space<vmem>>, vector<16xf32>,
      %min3A_1743 = arith.minimumf %get3A_1112, %get3A_1730 : vector<16xf32>
      %max3A_1744 = arith.maximumf %get3A_1104, %get3A_1718 : vector<16xf32>
      %sub3A_1745 = arith.subf %min3A_1743, %max3A_1744 : vector<16xf32>
      %min3A_1746 = arith.minimumf %get3A_1116, %get3A_1736 : vector<16xf32>
      %max3A_1747 = arith.maximumf %get3A_1108, %get3A_1724 : vector<16xf32>
      %sub3A_1748 = arith.subf %min3A_1746, %max3A_1747 : vector<16xf32>
      %max3A_1749 = arith.constant 0.000000e+00 : f32
      %max3A_1750 = vector.broadcast %max3A_1749 : f32 to vector<16xf32>
      %max3A_1751 = arith.maximumf %sub3A_1745, %max3A_1750 : vector<16xf32>
      %max3A_1752 = arith.constant 0.000000e+00 : f32
      %max3A_1753 = vector.broadcast %max3A_1752 : f32 to vector<16xf32>
      %max3A_1754 = arith.maximumf %sub3A_1748, %max3A_1753 : vector<16xf32>
      %mul3A_1755 = arith.mulf %max3A_1751, %max3A_1754 : vector<16xf32>
      %add3A_1756 = arith.addf %mul3A_1119, %get3A_1742 : vector<16xf32>
      %sub3A_1757 = arith.subf %add3A_1756, %mul3A_1755 : vector<16xf32>
      %add3A_1758 = arith.constant 9.99999993E-9 : f32
      %add3A_1759 = vector.broadcast %add3A_1758 : f32 to vector<16xf32>
      %add3A_1760 = arith.addf %sub3A_1757, %add3A_1759 : vector<16xf32>
      %div3A_1761 = arith.divf %mul3A_1755, %add3A_1760 : vector<16xf32>
      %gt3A_1762 = arith.cmpf ogt, %div3A_1761, %select_n3A_1709 : vector<16xf32>
      %select_n3A_1763 = arith.select %gt3A_1762, %div3A_1761, %select_n3A_1709 : vector<16xi1>, vector<16xf32>
      %jit3A_1764 = arith.constant 11 : i32
      %broadcast_in_dim3A_1765 = vector.broadcast %jit3A_1764 : i32 to vector<16xi32>
      %select_n3A_1766 = arith.select %gt3A_1762, %broadcast_in_dim3A_1765, %select_n3A_1712 : vector<16xi1>, vector<16xi32>
      %get3A_1767 = arith.constant 0 : i32
      %get3A_1768 = arith.constant 12 : i32
      %get3A_1769 = arith.index_cast %get3A_1767 : i32 to index
      %get3A_1770 = arith.index_cast %get3A_1768 : i32 to index
      %get3A_1771 = arith.constant 0 : index
      %get3A_1772 = tpu.vector_load %arg8[%get3A_1769, %get3A_1770, %get3A_1771] {strides = array<i32>} : memref<5x32x16xf32, #tpu.memory_space<vmem>>, vector<16xf32>,
      %get3A_1773 = arith.constant 1 : i32
      %get3A_1774 = arith.constant 12 : i32
      %get3A_1775 = arith.index_cast %get3A_1773 : i32 to index
      %get3A_1776 = arith.index_cast %get3A_1774 : i32 to index
      %get3A_1777 = arith.constant 0 : index
      %get3A_1778 = tpu.vector_load %arg8[%get3A_1775, %get3A_1776, %get3A_1777] {strides = array<i32>} : memref<5x32x16xf32, #tpu.memory_space<vmem>>, vector<16xf32>,
      %get3A_1779 = arith.constant 2 : i32
      %get3A_1780 = arith.constant 12 : i32
      %get3A_1781 = arith.index_cast %get3A_1779 : i32 to index
      %get3A_1782 = arith.index_cast %get3A_1780 : i32 to index
      %get3A_1783 = arith.constant 0 : index
      %get3A_1784 = tpu.vector_load %arg8[%get3A_1781, %get3A_1782, %get3A_1783] {strides = array<i32>} : memref<5x32x16xf32, #tpu.memory_space<vmem>>, vector<16xf32>,
      %get3A_1785 = arith.constant 3 : i32
      %get3A_1786 = arith.constant 12 : i32
      %get3A_1787 = arith.index_cast %get3A_1785 : i32 to index
      %get3A_1788 = arith.index_cast %get3A_1786 : i32 to index
      %get3A_1789 = arith.constant 0 : index
      %get3A_1790 = tpu.vector_load %arg8[%get3A_1787, %get3A_1788, %get3A_1789] {strides = array<i32>} : memref<5x32x16xf32, #tpu.memory_space<vmem>>, vector<16xf32>,
      %get3A_1791 = arith.constant 4 : i32
      %get3A_1792 = arith.constant 12 : i32
      %get3A_1793 = arith.index_cast %get3A_1791 : i32 to index
      %get3A_1794 = arith.index_cast %get3A_1792 : i32 to index
      %get3A_1795 = arith.constant 0 : index
      %get3A_1796 = tpu.vector_load %arg8[%get3A_1793, %get3A_1794, %get3A_1795] {strides = array<i32>} : memref<5x32x16xf32, #tpu.memory_space<vmem>>, vector<16xf32>,
      %min3A_1797 = arith.minimumf %get3A_1112, %get3A_1784 : vector<16xf32>
      %max3A_1798 = arith.maximumf %get3A_1104, %get3A_1772 : vector<16xf32>
      %sub3A_1799 = arith.subf %min3A_1797, %max3A_1798 : vector<16xf32>
      %min3A_1800 = arith.minimumf %get3A_1116, %get3A_1790 : vector<16xf32>
      %max3A_1801 = arith.maximumf %get3A_1108, %get3A_1778 : vector<16xf32>
      %sub3A_1802 = arith.subf %min3A_1800, %max3A_1801 : vector<16xf32>
      %max3A_1803 = arith.constant 0.000000e+00 : f32
      %max3A_1804 = vector.broadcast %max3A_1803 : f32 to vector<16xf32>
      %max3A_1805 = arith.maximumf %sub3A_1799, %max3A_1804 : vector<16xf32>
      %max3A_1806 = arith.constant 0.000000e+00 : f32
      %max3A_1807 = vector.broadcast %max3A_1806 : f32 to vector<16xf32>
      %max3A_1808 = arith.maximumf %sub3A_1802, %max3A_1807 : vector<16xf32>
      %mul3A_1809 = arith.mulf %max3A_1805, %max3A_1808 : vector<16xf32>
      %add3A_1810 = arith.addf %mul3A_1119, %get3A_1796 : vector<16xf32>
      %sub3A_1811 = arith.subf %add3A_1810, %mul3A_1809 : vector<16xf32>
      %add3A_1812 = arith.constant 9.99999993E-9 : f32
      %add3A_1813 = vector.broadcast %add3A_1812 : f32 to vector<16xf32>
      %add3A_1814 = arith.addf %sub3A_1811, %add3A_1813 : vector<16xf32>
      %div3A_1815 = arith.divf %mul3A_1809, %add3A_1814 : vector<16xf32>
      %gt3A_1816 = arith.cmpf ogt, %div3A_1815, %select_n3A_1763 : vector<16xf32>
      %select_n3A_1817 = arith.select %gt3A_1816, %div3A_1815, %select_n3A_1763 : vector<16xi1>, vector<16xf32>
      %jit3A_1818 = arith.constant 12 : i32
      %broadcast_in_dim3A_1819 = vector.broadcast %jit3A_1818 : i32 to vector<16xi32>
      %select_n3A_1820 = arith.select %gt3A_1816, %broadcast_in_dim3A_1819, %select_n3A_1766 : vector<16xi1>, vector<16xi32>
      %get3A_1821 = arith.constant 0 : i32
      %get3A_1822 = arith.constant 13 : i32
      %get3A_1823 = arith.index_cast %get3A_1821 : i32 to index
      %get3A_1824 = arith.index_cast %get3A_1822 : i32 to index
      %get3A_1825 = arith.constant 0 : index
      %get3A_1826 = tpu.vector_load %arg8[%get3A_1823, %get3A_1824, %get3A_1825] {strides = array<i32>} : memref<5x32x16xf32, #tpu.memory_space<vmem>>, vector<16xf32>,
      %get3A_1827 = arith.constant 1 : i32
      %get3A_1828 = arith.constant 13 : i32
      %get3A_1829 = arith.index_cast %get3A_1827 : i32 to index
      %get3A_1830 = arith.index_cast %get3A_1828 : i32 to index
      %get3A_1831 = arith.constant 0 : index
      %get3A_1832 = tpu.vector_load %arg8[%get3A_1829, %get3A_1830, %get3A_1831] {strides = array<i32>} : memref<5x32x16xf32, #tpu.memory_space<vmem>>, vector<16xf32>,
      %get3A_1833 = arith.constant 2 : i32
      %get3A_1834 = arith.constant 13 : i32
      %get3A_1835 = arith.index_cast %get3A_1833 : i32 to index
      %get3A_1836 = arith.index_cast %get3A_1834 : i32 to index
      %get3A_1837 = arith.constant 0 : index
      %get3A_1838 = tpu.vector_load %arg8[%get3A_1835, %get3A_1836, %get3A_1837] {strides = array<i32>} : memref<5x32x16xf32, #tpu.memory_space<vmem>>, vector<16xf32>,
      %get3A_1839 = arith.constant 3 : i32
      %get3A_1840 = arith.constant 13 : i32
      %get3A_1841 = arith.index_cast %get3A_1839 : i32 to index
      %get3A_1842 = arith.index_cast %get3A_1840 : i32 to index
      %get3A_1843 = arith.constant 0 : index
      %get3A_1844 = tpu.vector_load %arg8[%get3A_1841, %get3A_1842, %get3A_1843] {strides = array<i32>} : memref<5x32x16xf32, #tpu.memory_space<vmem>>, vector<16xf32>,
      %get3A_1845 = arith.constant 4 : i32
      %get3A_1846 = arith.constant 13 : i32
      %get3A_1847 = arith.index_cast %get3A_1845 : i32 to index
      %get3A_1848 = arith.index_cast %get3A_1846 : i32 to index
      %get3A_1849 = arith.constant 0 : index
      %get3A_1850 = tpu.vector_load %arg8[%get3A_1847, %get3A_1848, %get3A_1849] {strides = array<i32>} : memref<5x32x16xf32, #tpu.memory_space<vmem>>, vector<16xf32>,
      %min3A_1851 = arith.minimumf %get3A_1112, %get3A_1838 : vector<16xf32>
      %max3A_1852 = arith.maximumf %get3A_1104, %get3A_1826 : vector<16xf32>
      %sub3A_1853 = arith.subf %min3A_1851, %max3A_1852 : vector<16xf32>
      %min3A_1854 = arith.minimumf %get3A_1116, %get3A_1844 : vector<16xf32>
      %max3A_1855 = arith.maximumf %get3A_1108, %get3A_1832 : vector<16xf32>
      %sub3A_1856 = arith.subf %min3A_1854, %max3A_1855 : vector<16xf32>
      %max3A_1857 = arith.constant 0.000000e+00 : f32
      %max3A_1858 = vector.broadcast %max3A_1857 : f32 to vector<16xf32>
      %max3A_1859 = arith.maximumf %sub3A_1853, %max3A_1858 : vector<16xf32>
      %max3A_1860 = arith.constant 0.000000e+00 : f32
      %max3A_1861 = vector.broadcast %max3A_1860 : f32 to vector<16xf32>
      %max3A_1862 = arith.maximumf %sub3A_1856, %max3A_1861 : vector<16xf32>
      %mul3A_1863 = arith.mulf %max3A_1859, %max3A_1862 : vector<16xf32>
      %add3A_1864 = arith.addf %mul3A_1119, %get3A_1850 : vector<16xf32>
      %sub3A_1865 = arith.subf %add3A_1864, %mul3A_1863 : vector<16xf32>
      %add3A_1866 = arith.constant 9.99999993E-9 : f32
      %add3A_1867 = vector.broadcast %add3A_1866 : f32 to vector<16xf32>
      %add3A_1868 = arith.addf %sub3A_1865, %add3A_1867 : vector<16xf32>
      %div3A_1869 = arith.divf %mul3A_1863, %add3A_1868 : vector<16xf32>
      %gt3A_1870 = arith.cmpf ogt, %div3A_1869, %select_n3A_1817 : vector<16xf32>
      %select_n3A_1871 = arith.select %gt3A_1870, %div3A_1869, %select_n3A_1817 : vector<16xi1>, vector<16xf32>
      %jit3A_1872 = arith.constant 13 : i32
      %broadcast_in_dim3A_1873 = vector.broadcast %jit3A_1872 : i32 to vector<16xi32>
      %select_n3A_1874 = arith.select %gt3A_1870, %broadcast_in_dim3A_1873, %select_n3A_1820 : vector<16xi1>, vector<16xi32>
      %get3A_1875 = arith.constant 0 : i32
      %get3A_1876 = arith.constant 14 : i32
      %get3A_1877 = arith.index_cast %get3A_1875 : i32 to index
      %get3A_1878 = arith.index_cast %get3A_1876 : i32 to index
      %get3A_1879 = arith.constant 0 : index
      %get3A_1880 = tpu.vector_load %arg8[%get3A_1877, %get3A_1878, %get3A_1879] {strides = array<i32>} : memref<5x32x16xf32, #tpu.memory_space<vmem>>, vector<16xf32>,
      %get3A_1881 = arith.constant 1 : i32
      %get3A_1882 = arith.constant 14 : i32
      %get3A_1883 = arith.index_cast %get3A_1881 : i32 to index
      %get3A_1884 = arith.index_cast %get3A_1882 : i32 to index
      %get3A_1885 = arith.constant 0 : index
      %get3A_1886 = tpu.vector_load %arg8[%get3A_1883, %get3A_1884, %get3A_1885] {strides = array<i32>} : memref<5x32x16xf32, #tpu.memory_space<vmem>>, vector<16xf32>,
      %get3A_1887 = arith.constant 2 : i32
      %get3A_1888 = arith.constant 14 : i32
      %get3A_1889 = arith.index_cast %get3A_1887 : i32 to index
      %get3A_1890 = arith.index_cast %get3A_1888 : i32 to index
      %get3A_1891 = arith.constant 0 : index
      %get3A_1892 = tpu.vector_load %arg8[%get3A_1889, %get3A_1890, %get3A_1891] {strides = array<i32>} : memref<5x32x16xf32, #tpu.memory_space<vmem>>, vector<16xf32>,
      %get3A_1893 = arith.constant 3 : i32
      %get3A_1894 = arith.constant 14 : i32
      %get3A_1895 = arith.index_cast %get3A_1893 : i32 to index
      %get3A_1896 = arith.index_cast %get3A_1894 : i32 to index
      %get3A_1897 = arith.constant 0 : index
      %get3A_1898 = tpu.vector_load %arg8[%get3A_1895, %get3A_1896, %get3A_1897] {strides = array<i32>} : memref<5x32x16xf32, #tpu.memory_space<vmem>>, vector<16xf32>,
      %get3A_1899 = arith.constant 4 : i32
      %get3A_1900 = arith.constant 14 : i32
      %get3A_1901 = arith.index_cast %get3A_1899 : i32 to index
      %get3A_1902 = arith.index_cast %get3A_1900 : i32 to index
      %get3A_1903 = arith.constant 0 : index
      %get3A_1904 = tpu.vector_load %arg8[%get3A_1901, %get3A_1902, %get3A_1903] {strides = array<i32>} : memref<5x32x16xf32, #tpu.memory_space<vmem>>, vector<16xf32>,
      %min3A_1905 = arith.minimumf %get3A_1112, %get3A_1892 : vector<16xf32>
      %max3A_1906 = arith.maximumf %get3A_1104, %get3A_1880 : vector<16xf32>
      %sub3A_1907 = arith.subf %min3A_1905, %max3A_1906 : vector<16xf32>
      %min3A_1908 = arith.minimumf %get3A_1116, %get3A_1898 : vector<16xf32>
      %max3A_1909 = arith.maximumf %get3A_1108, %get3A_1886 : vector<16xf32>
      %sub3A_1910 = arith.subf %min3A_1908, %max3A_1909 : vector<16xf32>
      %max3A_1911 = arith.constant 0.000000e+00 : f32
      %max3A_1912 = vector.broadcast %max3A_1911 : f32 to vector<16xf32>
      %max3A_1913 = arith.maximumf %sub3A_1907, %max3A_1912 : vector<16xf32>
      %max3A_1914 = arith.constant 0.000000e+00 : f32
      %max3A_1915 = vector.broadcast %max3A_1914 : f32 to vector<16xf32>
      %max3A_1916 = arith.maximumf %sub3A_1910, %max3A_1915 : vector<16xf32>
      %mul3A_1917 = arith.mulf %max3A_1913, %max3A_1916 : vector<16xf32>
      %add3A_1918 = arith.addf %mul3A_1119, %get3A_1904 : vector<16xf32>
      %sub3A_1919 = arith.subf %add3A_1918, %mul3A_1917 : vector<16xf32>
      %add3A_1920 = arith.constant 9.99999993E-9 : f32
      %add3A_1921 = vector.broadcast %add3A_1920 : f32 to vector<16xf32>
      %add3A_1922 = arith.addf %sub3A_1919, %add3A_1921 : vector<16xf32>
      %div3A_1923 = arith.divf %mul3A_1917, %add3A_1922 : vector<16xf32>
      %gt3A_1924 = arith.cmpf ogt, %div3A_1923, %select_n3A_1871 : vector<16xf32>
      %select_n3A_1925 = arith.select %gt3A_1924, %div3A_1923, %select_n3A_1871 : vector<16xi1>, vector<16xf32>
      %jit3A_1926 = arith.constant 14 : i32
      %broadcast_in_dim3A_1927 = vector.broadcast %jit3A_1926 : i32 to vector<16xi32>
      %select_n3A_1928 = arith.select %gt3A_1924, %broadcast_in_dim3A_1927, %select_n3A_1874 : vector<16xi1>, vector<16xi32>
      %get3A_1929 = arith.constant 0 : i32
      %get3A_1930 = arith.constant 15 : i32
      %get3A_1931 = arith.index_cast %get3A_1929 : i32 to index
      %get3A_1932 = arith.index_cast %get3A_1930 : i32 to index
      %get3A_1933 = arith.constant 0 : index
      %get3A_1934 = tpu.vector_load %arg8[%get3A_1931, %get3A_1932, %get3A_1933] {strides = array<i32>} : memref<5x32x16xf32, #tpu.memory_space<vmem>>, vector<16xf32>,
      %get3A_1935 = arith.constant 1 : i32
      %get3A_1936 = arith.constant 15 : i32
      %get3A_1937 = arith.index_cast %get3A_1935 : i32 to index
      %get3A_1938 = arith.index_cast %get3A_1936 : i32 to index
      %get3A_1939 = arith.constant 0 : index
      %get3A_1940 = tpu.vector_load %arg8[%get3A_1937, %get3A_1938, %get3A_1939] {strides = array<i32>} : memref<5x32x16xf32, #tpu.memory_space<vmem>>, vector<16xf32>,
      %get3A_1941 = arith.constant 2 : i32
      %get3A_1942 = arith.constant 15 : i32
      %get3A_1943 = arith.index_cast %get3A_1941 : i32 to index
      %get3A_1944 = arith.index_cast %get3A_1942 : i32 to index
      %get3A_1945 = arith.constant 0 : index
      %get3A_1946 = tpu.vector_load %arg8[%get3A_1943, %get3A_1944, %get3A_1945] {strides = array<i32>} : memref<5x32x16xf32, #tpu.memory_space<vmem>>, vector<16xf32>,
      %get3A_1947 = arith.constant 3 : i32
      %get3A_1948 = arith.constant 15 : i32
      %get3A_1949 = arith.index_cast %get3A_1947 : i32 to index
      %get3A_1950 = arith.index_cast %get3A_1948 : i32 to index
      %get3A_1951 = arith.constant 0 : index
      %get3A_1952 = tpu.vector_load %arg8[%get3A_1949, %get3A_1950, %get3A_1951] {strides = array<i32>} : memref<5x32x16xf32, #tpu.memory_space<vmem>>, vector<16xf32>,
      %get3A_1953 = arith.constant 4 : i32
      %get3A_1954 = arith.constant 15 : i32
      %get3A_1955 = arith.index_cast %get3A_1953 : i32 to index
      %get3A_1956 = arith.index_cast %get3A_1954 : i32 to index
      %get3A_1957 = arith.constant 0 : index
      %get3A_1958 = tpu.vector_load %arg8[%get3A_1955, %get3A_1956, %get3A_1957] {strides = array<i32>} : memref<5x32x16xf32, #tpu.memory_space<vmem>>, vector<16xf32>,
      %min3A_1959 = arith.minimumf %get3A_1112, %get3A_1946 : vector<16xf32>
      %max3A_1960 = arith.maximumf %get3A_1104, %get3A_1934 : vector<16xf32>
      %sub3A_1961 = arith.subf %min3A_1959, %max3A_1960 : vector<16xf32>
      %min3A_1962 = arith.minimumf %get3A_1116, %get3A_1952 : vector<16xf32>
      %max3A_1963 = arith.maximumf %get3A_1108, %get3A_1940 : vector<16xf32>
      %sub3A_1964 = arith.subf %min3A_1962, %max3A_1963 : vector<16xf32>
      %max3A_1965 = arith.constant 0.000000e+00 : f32
      %max3A_1966 = vector.broadcast %max3A_1965 : f32 to vector<16xf32>
      %max3A_1967 = arith.maximumf %sub3A_1961, %max3A_1966 : vector<16xf32>
      %max3A_1968 = arith.constant 0.000000e+00 : f32
      %max3A_1969 = vector.broadcast %max3A_1968 : f32 to vector<16xf32>
      %max3A_1970 = arith.maximumf %sub3A_1964, %max3A_1969 : vector<16xf32>
      %mul3A_1971 = arith.mulf %max3A_1967, %max3A_1970 : vector<16xf32>
      %add3A_1972 = arith.addf %mul3A_1119, %get3A_1958 : vector<16xf32>
      %sub3A_1973 = arith.subf %add3A_1972, %mul3A_1971 : vector<16xf32>
      %add3A_1974 = arith.constant 9.99999993E-9 : f32
      %add3A_1975 = vector.broadcast %add3A_1974 : f32 to vector<16xf32>
      %add3A_1976 = arith.addf %sub3A_1973, %add3A_1975 : vector<16xf32>
      %div3A_1977 = arith.divf %mul3A_1971, %add3A_1976 : vector<16xf32>
      %gt3A_1978 = arith.cmpf ogt, %div3A_1977, %select_n3A_1925 : vector<16xf32>
      %select_n3A_1979 = arith.select %gt3A_1978, %div3A_1977, %select_n3A_1925 : vector<16xi1>, vector<16xf32>
      %jit3A_1980 = arith.constant 15 : i32
      %broadcast_in_dim3A_1981 = vector.broadcast %jit3A_1980 : i32 to vector<16xi32>
      %select_n3A_1982 = arith.select %gt3A_1978, %broadcast_in_dim3A_1981, %select_n3A_1928 : vector<16xi1>, vector<16xi32>
      %get3A_1983 = arith.constant 0 : i32
      %get3A_1984 = arith.constant 16 : i32
      %get3A_1985 = arith.index_cast %get3A_1983 : i32 to index
      %get3A_1986 = arith.index_cast %get3A_1984 : i32 to index
      %get3A_1987 = arith.constant 0 : index
      %get3A_1988 = tpu.vector_load %arg8[%get3A_1985, %get3A_1986, %get3A_1987] {strides = array<i32>} : memref<5x32x16xf32, #tpu.memory_space<vmem>>, vector<16xf32>,
      %get3A_1989 = arith.constant 1 : i32
      %get3A_1990 = arith.constant 16 : i32
      %get3A_1991 = arith.index_cast %get3A_1989 : i32 to index
      %get3A_1992 = arith.index_cast %get3A_1990 : i32 to index
      %get3A_1993 = arith.constant 0 : index
      %get3A_1994 = tpu.vector_load %arg8[%get3A_1991, %get3A_1992, %get3A_1993] {strides = array<i32>} : memref<5x32x16xf32, #tpu.memory_space<vmem>>, vector<16xf32>,
      %get3A_1995 = arith.constant 2 : i32
      %get3A_1996 = arith.constant 16 : i32
      %get3A_1997 = arith.index_cast %get3A_1995 : i32 to index
      %get3A_1998 = arith.index_cast %get3A_1996 : i32 to index
      %get3A_1999 = arith.constant 0 : index
      %get3A_2000 = tpu.vector_load %arg8[%get3A_1997, %get3A_1998, %get3A_1999] {strides = array<i32>} : memref<5x32x16xf32, #tpu.memory_space<vmem>>, vector<16xf32>,
      %get3A_2001 = arith.constant 3 : i32
      %get3A_2002 = arith.constant 16 : i32
      %get3A_2003 = arith.index_cast %get3A_2001 : i32 to index
      %get3A_2004 = arith.index_cast %get3A_2002 : i32 to index
      %get3A_2005 = arith.constant 0 : index
      %get3A_2006 = tpu.vector_load %arg8[%get3A_2003, %get3A_2004, %get3A_2005] {strides = array<i32>} : memref<5x32x16xf32, #tpu.memory_space<vmem>>, vector<16xf32>,
      %get3A_2007 = arith.constant 4 : i32
      %get3A_2008 = arith.constant 16 : i32
      %get3A_2009 = arith.index_cast %get3A_2007 : i32 to index
      %get3A_2010 = arith.index_cast %get3A_2008 : i32 to index
      %get3A_2011 = arith.constant 0 : index
      %get3A_2012 = tpu.vector_load %arg8[%get3A_2009, %get3A_2010, %get3A_2011] {strides = array<i32>} : memref<5x32x16xf32, #tpu.memory_space<vmem>>, vector<16xf32>,
      %min3A_2013 = arith.minimumf %get3A_1112, %get3A_2000 : vector<16xf32>
      %max3A_2014 = arith.maximumf %get3A_1104, %get3A_1988 : vector<16xf32>
      %sub3A_2015 = arith.subf %min3A_2013, %max3A_2014 : vector<16xf32>
      %min3A_2016 = arith.minimumf %get3A_1116, %get3A_2006 : vector<16xf32>
      %max3A_2017 = arith.maximumf %get3A_1108, %get3A_1994 : vector<16xf32>
      %sub3A_2018 = arith.subf %min3A_2016, %max3A_2017 : vector<16xf32>
      %max3A_2019 = arith.constant 0.000000e+00 : f32
      %max3A_2020 = vector.broadcast %max3A_2019 : f32 to vector<16xf32>
      %max3A_2021 = arith.maximumf %sub3A_2015, %max3A_2020 : vector<16xf32>
      %max3A_2022 = arith.constant 0.000000e+00 : f32
      %max3A_2023 = vector.broadcast %max3A_2022 : f32 to vector<16xf32>
      %max3A_2024 = arith.maximumf %sub3A_2018, %max3A_2023 : vector<16xf32>
      %mul3A_2025 = arith.mulf %max3A_2021, %max3A_2024 : vector<16xf32>
      %add3A_2026 = arith.addf %mul3A_1119, %get3A_2012 : vector<16xf32>
      %sub3A_2027 = arith.subf %add3A_2026, %mul3A_2025 : vector<16xf32>
      %add3A_2028 = arith.constant 9.99999993E-9 : f32
      %add3A_2029 = vector.broadcast %add3A_2028 : f32 to vector<16xf32>
      %add3A_2030 = arith.addf %sub3A_2027, %add3A_2029 : vector<16xf32>
      %div3A_2031 = arith.divf %mul3A_2025, %add3A_2030 : vector<16xf32>
      %gt3A_2032 = arith.cmpf ogt, %div3A_2031, %select_n3A_1979 : vector<16xf32>
      %select_n3A_2033 = arith.select %gt3A_2032, %div3A_2031, %select_n3A_1979 : vector<16xi1>, vector<16xf32>
      %jit3A_2034 = arith.constant 16 : i32
      %broadcast_in_dim3A_2035 = vector.broadcast %jit3A_2034 : i32 to vector<16xi32>
      %select_n3A_2036 = arith.select %gt3A_2032, %broadcast_in_dim3A_2035, %select_n3A_1982 : vector<16xi1>, vector<16xi32>
      %get3A_2037 = arith.constant 0 : i32
      %get3A_2038 = arith.constant 17 : i32
      %get3A_2039 = arith.index_cast %get3A_2037 : i32 to index
      %get3A_2040 = arith.index_cast %get3A_2038 : i32 to index
      %get3A_2041 = arith.constant 0 : index
      %get3A_2042 = tpu.vector_load %arg8[%get3A_2039, %get3A_2040, %get3A_2041] {strides = array<i32>} : memref<5x32x16xf32, #tpu.memory_space<vmem>>, vector<16xf32>,
      %get3A_2043 = arith.constant 1 : i32
      %get3A_2044 = arith.constant 17 : i32
      %get3A_2045 = arith.index_cast %get3A_2043 : i32 to index
      %get3A_2046 = arith.index_cast %get3A_2044 : i32 to index
      %get3A_2047 = arith.constant 0 : index
      %get3A_2048 = tpu.vector_load %arg8[%get3A_2045, %get3A_2046, %get3A_2047] {strides = array<i32>} : memref<5x32x16xf32, #tpu.memory_space<vmem>>, vector<16xf32>,
      %get3A_2049 = arith.constant 2 : i32
      %get3A_2050 = arith.constant 17 : i32
      %get3A_2051 = arith.index_cast %get3A_2049 : i32 to index
      %get3A_2052 = arith.index_cast %get3A_2050 : i32 to index
      %get3A_2053 = arith.constant 0 : index
      %get3A_2054 = tpu.vector_load %arg8[%get3A_2051, %get3A_2052, %get3A_2053] {strides = array<i32>} : memref<5x32x16xf32, #tpu.memory_space<vmem>>, vector<16xf32>,
      %get3A_2055 = arith.constant 3 : i32
      %get3A_2056 = arith.constant 17 : i32
      %get3A_2057 = arith.index_cast %get3A_2055 : i32 to index
      %get3A_2058 = arith.index_cast %get3A_2056 : i32 to index
      %get3A_2059 = arith.constant 0 : index
      %get3A_2060 = tpu.vector_load %arg8[%get3A_2057, %get3A_2058, %get3A_2059] {strides = array<i32>} : memref<5x32x16xf32, #tpu.memory_space<vmem>>, vector<16xf32>,
      %get3A_2061 = arith.constant 4 : i32
      %get3A_2062 = arith.constant 17 : i32
      %get3A_2063 = arith.index_cast %get3A_2061 : i32 to index
      %get3A_2064 = arith.index_cast %get3A_2062 : i32 to index
      %get3A_2065 = arith.constant 0 : index
      %get3A_2066 = tpu.vector_load %arg8[%get3A_2063, %get3A_2064, %get3A_2065] {strides = array<i32>} : memref<5x32x16xf32, #tpu.memory_space<vmem>>, vector<16xf32>,
      %min3A_2067 = arith.minimumf %get3A_1112, %get3A_2054 : vector<16xf32>
      %max3A_2068 = arith.maximumf %get3A_1104, %get3A_2042 : vector<16xf32>
      %sub3A_2069 = arith.subf %min3A_2067, %max3A_2068 : vector<16xf32>
      %min3A_2070 = arith.minimumf %get3A_1116, %get3A_2060 : vector<16xf32>
      %max3A_2071 = arith.maximumf %get3A_1108, %get3A_2048 : vector<16xf32>
      %sub3A_2072 = arith.subf %min3A_2070, %max3A_2071 : vector<16xf32>
      %max3A_2073 = arith.constant 0.000000e+00 : f32
      %max3A_2074 = vector.broadcast %max3A_2073 : f32 to vector<16xf32>
      %max3A_2075 = arith.maximumf %sub3A_2069, %max3A_2074 : vector<16xf32>
      %max3A_2076 = arith.constant 0.000000e+00 : f32
      %max3A_2077 = vector.broadcast %max3A_2076 : f32 to vector<16xf32>
      %max3A_2078 = arith.maximumf %sub3A_2072, %max3A_2077 : vector<16xf32>
      %mul3A_2079 = arith.mulf %max3A_2075, %max3A_2078 : vector<16xf32>
      %add3A_2080 = arith.addf %mul3A_1119, %get3A_2066 : vector<16xf32>
      %sub3A_2081 = arith.subf %add3A_2080, %mul3A_2079 : vector<16xf32>
      %add3A_2082 = arith.constant 9.99999993E-9 : f32
      %add3A_2083 = vector.broadcast %add3A_2082 : f32 to vector<16xf32>
      %add3A_2084 = arith.addf %sub3A_2081, %add3A_2083 : vector<16xf32>
      %div3A_2085 = arith.divf %mul3A_2079, %add3A_2084 : vector<16xf32>
      %gt3A_2086 = arith.cmpf ogt, %div3A_2085, %select_n3A_2033 : vector<16xf32>
      %select_n3A_2087 = arith.select %gt3A_2086, %div3A_2085, %select_n3A_2033 : vector<16xi1>, vector<16xf32>
      %jit3A_2088 = arith.constant 17 : i32
      %broadcast_in_dim3A_2089 = vector.broadcast %jit3A_2088 : i32 to vector<16xi32>
      %select_n3A_2090 = arith.select %gt3A_2086, %broadcast_in_dim3A_2089, %select_n3A_2036 : vector<16xi1>, vector<16xi32>
      %get3A_2091 = arith.constant 0 : i32
      %get3A_2092 = arith.constant 18 : i32
      %get3A_2093 = arith.index_cast %get3A_2091 : i32 to index
      %get3A_2094 = arith.index_cast %get3A_2092 : i32 to index
      %get3A_2095 = arith.constant 0 : index
      %get3A_2096 = tpu.vector_load %arg8[%get3A_2093, %get3A_2094, %get3A_2095] {strides = array<i32>} : memref<5x32x16xf32, #tpu.memory_space<vmem>>, vector<16xf32>,
      %get3A_2097 = arith.constant 1 : i32
      %get3A_2098 = arith.constant 18 : i32
      %get3A_2099 = arith.index_cast %get3A_2097 : i32 to index
      %get3A_2100 = arith.index_cast %get3A_2098 : i32 to index
      %get3A_2101 = arith.constant 0 : index
      %get3A_2102 = tpu.vector_load %arg8[%get3A_2099, %get3A_2100, %get3A_2101] {strides = array<i32>} : memref<5x32x16xf32, #tpu.memory_space<vmem>>, vector<16xf32>,
      %get3A_2103 = arith.constant 2 : i32
      %get3A_2104 = arith.constant 18 : i32
      %get3A_2105 = arith.index_cast %get3A_2103 : i32 to index
      %get3A_2106 = arith.index_cast %get3A_2104 : i32 to index
      %get3A_2107 = arith.constant 0 : index
      %get3A_2108 = tpu.vector_load %arg8[%get3A_2105, %get3A_2106, %get3A_2107] {strides = array<i32>} : memref<5x32x16xf32, #tpu.memory_space<vmem>>, vector<16xf32>,
      %get3A_2109 = arith.constant 3 : i32
      %get3A_2110 = arith.constant 18 : i32
      %get3A_2111 = arith.index_cast %get3A_2109 : i32 to index
      %get3A_2112 = arith.index_cast %get3A_2110 : i32 to index
      %get3A_2113 = arith.constant 0 : index
      %get3A_2114 = tpu.vector_load %arg8[%get3A_2111, %get3A_2112, %get3A_2113] {strides = array<i32>} : memref<5x32x16xf32, #tpu.memory_space<vmem>>, vector<16xf32>,
      %get3A_2115 = arith.constant 4 : i32
      %get3A_2116 = arith.constant 18 : i32
      %get3A_2117 = arith.index_cast %get3A_2115 : i32 to index
      %get3A_2118 = arith.index_cast %get3A_2116 : i32 to index
      %get3A_2119 = arith.constant 0 : index
      %get3A_2120 = tpu.vector_load %arg8[%get3A_2117, %get3A_2118, %get3A_2119] {strides = array<i32>} : memref<5x32x16xf32, #tpu.memory_space<vmem>>, vector<16xf32>,
      %min3A_2121 = arith.minimumf %get3A_1112, %get3A_2108 : vector<16xf32>
      %max3A_2122 = arith.maximumf %get3A_1104, %get3A_2096 : vector<16xf32>
      %sub3A_2123 = arith.subf %min3A_2121, %max3A_2122 : vector<16xf32>
      %min3A_2124 = arith.minimumf %get3A_1116, %get3A_2114 : vector<16xf32>
      %max3A_2125 = arith.maximumf %get3A_1108, %get3A_2102 : vector<16xf32>
      %sub3A_2126 = arith.subf %min3A_2124, %max3A_2125 : vector<16xf32>
      %max3A_2127 = arith.constant 0.000000e+00 : f32
      %max3A_2128 = vector.broadcast %max3A_2127 : f32 to vector<16xf32>
      %max3A_2129 = arith.maximumf %sub3A_2123, %max3A_2128 : vector<16xf32>
      %max3A_2130 = arith.constant 0.000000e+00 : f32
      %max3A_2131 = vector.broadcast %max3A_2130 : f32 to vector<16xf32>
      %max3A_2132 = arith.maximumf %sub3A_2126, %max3A_2131 : vector<16xf32>
      %mul3A_2133 = arith.mulf %max3A_2129, %max3A_2132 : vector<16xf32>
      %add3A_2134 = arith.addf %mul3A_1119, %get3A_2120 : vector<16xf32>
      %sub3A_2135 = arith.subf %add3A_2134, %mul3A_2133 : vector<16xf32>
      %add3A_2136 = arith.constant 9.99999993E-9 : f32
      %add3A_2137 = vector.broadcast %add3A_2136 : f32 to vector<16xf32>
      %add3A_2138 = arith.addf %sub3A_2135, %add3A_2137 : vector<16xf32>
      %div3A_2139 = arith.divf %mul3A_2133, %add3A_2138 : vector<16xf32>
      %gt3A_2140 = arith.cmpf ogt, %div3A_2139, %select_n3A_2087 : vector<16xf32>
      %select_n3A_2141 = arith.select %gt3A_2140, %div3A_2139, %select_n3A_2087 : vector<16xi1>, vector<16xf32>
      %jit3A_2142 = arith.constant 18 : i32
      %broadcast_in_dim3A_2143 = vector.broadcast %jit3A_2142 : i32 to vector<16xi32>
      %select_n3A_2144 = arith.select %gt3A_2140, %broadcast_in_dim3A_2143, %select_n3A_2090 : vector<16xi1>, vector<16xi32>
      %get3A_2145 = arith.constant 0 : i32
      %get3A_2146 = arith.constant 19 : i32
      %get3A_2147 = arith.index_cast %get3A_2145 : i32 to index
      %get3A_2148 = arith.index_cast %get3A_2146 : i32 to index
      %get3A_2149 = arith.constant 0 : index
      %get3A_2150 = tpu.vector_load %arg8[%get3A_2147, %get3A_2148, %get3A_2149] {strides = array<i32>} : memref<5x32x16xf32, #tpu.memory_space<vmem>>, vector<16xf32>,
      %get3A_2151 = arith.constant 1 : i32
      %get3A_2152 = arith.constant 19 : i32
      %get3A_2153 = arith.index_cast %get3A_2151 : i32 to index
      %get3A_2154 = arith.index_cast %get3A_2152 : i32 to index
      %get3A_2155 = arith.constant 0 : index
      %get3A_2156 = tpu.vector_load %arg8[%get3A_2153, %get3A_2154, %get3A_2155] {strides = array<i32>} : memref<5x32x16xf32, #tpu.memory_space<vmem>>, vector<16xf32>,
      %get3A_2157 = arith.constant 2 : i32
      %get3A_2158 = arith.constant 19 : i32
      %get3A_2159 = arith.index_cast %get3A_2157 : i32 to index
      %get3A_2160 = arith.index_cast %get3A_2158 : i32 to index
      %get3A_2161 = arith.constant 0 : index
      %get3A_2162 = tpu.vector_load %arg8[%get3A_2159, %get3A_2160, %get3A_2161] {strides = array<i32>} : memref<5x32x16xf32, #tpu.memory_space<vmem>>, vector<16xf32>,
      %get3A_2163 = arith.constant 3 : i32
      %get3A_2164 = arith.constant 19 : i32
      %get3A_2165 = arith.index_cast %get3A_2163 : i32 to index
      %get3A_2166 = arith.index_cast %get3A_2164 : i32 to index
      %get3A_2167 = arith.constant 0 : index
      %get3A_2168 = tpu.vector_load %arg8[%get3A_2165, %get3A_2166, %get3A_2167] {strides = array<i32>} : memref<5x32x16xf32, #tpu.memory_space<vmem>>, vector<16xf32>,
      %get3A_2169 = arith.constant 4 : i32
      %get3A_2170 = arith.constant 19 : i32
      %get3A_2171 = arith.index_cast %get3A_2169 : i32 to index
      %get3A_2172 = arith.index_cast %get3A_2170 : i32 to index
      %get3A_2173 = arith.constant 0 : index
      %get3A_2174 = tpu.vector_load %arg8[%get3A_2171, %get3A_2172, %get3A_2173] {strides = array<i32>} : memref<5x32x16xf32, #tpu.memory_space<vmem>>, vector<16xf32>,
      %min3A_2175 = arith.minimumf %get3A_1112, %get3A_2162 : vector<16xf32>
      %max3A_2176 = arith.maximumf %get3A_1104, %get3A_2150 : vector<16xf32>
      %sub3A_2177 = arith.subf %min3A_2175, %max3A_2176 : vector<16xf32>
      %min3A_2178 = arith.minimumf %get3A_1116, %get3A_2168 : vector<16xf32>
      %max3A_2179 = arith.maximumf %get3A_1108, %get3A_2156 : vector<16xf32>
      %sub3A_2180 = arith.subf %min3A_2178, %max3A_2179 : vector<16xf32>
      %max3A_2181 = arith.constant 0.000000e+00 : f32
      %max3A_2182 = vector.broadcast %max3A_2181 : f32 to vector<16xf32>
      %max3A_2183 = arith.maximumf %sub3A_2177, %max3A_2182 : vector<16xf32>
      %max3A_2184 = arith.constant 0.000000e+00 : f32
      %max3A_2185 = vector.broadcast %max3A_2184 : f32 to vector<16xf32>
      %max3A_2186 = arith.maximumf %sub3A_2180, %max3A_2185 : vector<16xf32>
      %mul3A_2187 = arith.mulf %max3A_2183, %max3A_2186 : vector<16xf32>
      %add3A_2188 = arith.addf %mul3A_1119, %get3A_2174 : vector<16xf32>
      %sub3A_2189 = arith.subf %add3A_2188, %mul3A_2187 : vector<16xf32>
      %add3A_2190 = arith.constant 9.99999993E-9 : f32
      %add3A_2191 = vector.broadcast %add3A_2190 : f32 to vector<16xf32>
      %add3A_2192 = arith.addf %sub3A_2189, %add3A_2191 : vector<16xf32>
      %div3A_2193 = arith.divf %mul3A_2187, %add3A_2192 : vector<16xf32>
      %gt3A_2194 = arith.cmpf ogt, %div3A_2193, %select_n3A_2141 : vector<16xf32>
      %select_n3A_2195 = arith.select %gt3A_2194, %div3A_2193, %select_n3A_2141 : vector<16xi1>, vector<16xf32>
      %jit3A_2196 = arith.constant 19 : i32
      %broadcast_in_dim3A_2197 = vector.broadcast %jit3A_2196 : i32 to vector<16xi32>
      %select_n3A_2198 = arith.select %gt3A_2194, %broadcast_in_dim3A_2197, %select_n3A_2144 : vector<16xi1>, vector<16xi32>
      %get3A_2199 = arith.constant 0 : i32
      %get3A_2200 = arith.constant 20 : i32
      %get3A_2201 = arith.index_cast %get3A_2199 : i32 to index
      %get3A_2202 = arith.index_cast %get3A_2200 : i32 to index
      %get3A_2203 = arith.constant 0 : index
      %get3A_2204 = tpu.vector_load %arg8[%get3A_2201, %get3A_2202, %get3A_2203] {strides = array<i32>} : memref<5x32x16xf32, #tpu.memory_space<vmem>>, vector<16xf32>,
      %get3A_2205 = arith.constant 1 : i32
      %get3A_2206 = arith.constant 20 : i32
      %get3A_2207 = arith.index_cast %get3A_2205 : i32 to index
      %get3A_2208 = arith.index_cast %get3A_2206 : i32 to index
      %get3A_2209 = arith.constant 0 : index
      %get3A_2210 = tpu.vector_load %arg8[%get3A_2207, %get3A_2208, %get3A_2209] {strides = array<i32>} : memref<5x32x16xf32, #tpu.memory_space<vmem>>, vector<16xf32>,
      %get3A_2211 = arith.constant 2 : i32
      %get3A_2212 = arith.constant 20 : i32
      %get3A_2213 = arith.index_cast %get3A_2211 : i32 to index
      %get3A_2214 = arith.index_cast %get3A_2212 : i32 to index
      %get3A_2215 = arith.constant 0 : index
      %get3A_2216 = tpu.vector_load %arg8[%get3A_2213, %get3A_2214, %get3A_2215] {strides = array<i32>} : memref<5x32x16xf32, #tpu.memory_space<vmem>>, vector<16xf32>,
      %get3A_2217 = arith.constant 3 : i32
      %get3A_2218 = arith.constant 20 : i32
      %get3A_2219 = arith.index_cast %get3A_2217 : i32 to index
      %get3A_2220 = arith.index_cast %get3A_2218 : i32 to index
      %get3A_2221 = arith.constant 0 : index
      %get3A_2222 = tpu.vector_load %arg8[%get3A_2219, %get3A_2220, %get3A_2221] {strides = array<i32>} : memref<5x32x16xf32, #tpu.memory_space<vmem>>, vector<16xf32>,
      %get3A_2223 = arith.constant 4 : i32
      %get3A_2224 = arith.constant 20 : i32
      %get3A_2225 = arith.index_cast %get3A_2223 : i32 to index
      %get3A_2226 = arith.index_cast %get3A_2224 : i32 to index
      %get3A_2227 = arith.constant 0 : index
      %get3A_2228 = tpu.vector_load %arg8[%get3A_2225, %get3A_2226, %get3A_2227] {strides = array<i32>} : memref<5x32x16xf32, #tpu.memory_space<vmem>>, vector<16xf32>,
      %min3A_2229 = arith.minimumf %get3A_1112, %get3A_2216 : vector<16xf32>
      %max3A_2230 = arith.maximumf %get3A_1104, %get3A_2204 : vector<16xf32>
      %sub3A_2231 = arith.subf %min3A_2229, %max3A_2230 : vector<16xf32>
      %min3A_2232 = arith.minimumf %get3A_1116, %get3A_2222 : vector<16xf32>
      %max3A_2233 = arith.maximumf %get3A_1108, %get3A_2210 : vector<16xf32>
      %sub3A_2234 = arith.subf %min3A_2232, %max3A_2233 : vector<16xf32>
      %max3A_2235 = arith.constant 0.000000e+00 : f32
      %max3A_2236 = vector.broadcast %max3A_2235 : f32 to vector<16xf32>
      %max3A_2237 = arith.maximumf %sub3A_2231, %max3A_2236 : vector<16xf32>
      %max3A_2238 = arith.constant 0.000000e+00 : f32
      %max3A_2239 = vector.broadcast %max3A_2238 : f32 to vector<16xf32>
      %max3A_2240 = arith.maximumf %sub3A_2234, %max3A_2239 : vector<16xf32>
      %mul3A_2241 = arith.mulf %max3A_2237, %max3A_2240 : vector<16xf32>
      %add3A_2242 = arith.addf %mul3A_1119, %get3A_2228 : vector<16xf32>
      %sub3A_2243 = arith.subf %add3A_2242, %mul3A_2241 : vector<16xf32>
      %add3A_2244 = arith.constant 9.99999993E-9 : f32
      %add3A_2245 = vector.broadcast %add3A_2244 : f32 to vector<16xf32>
      %add3A_2246 = arith.addf %sub3A_2243, %add3A_2245 : vector<16xf32>
      %div3A_2247 = arith.divf %mul3A_2241, %add3A_2246 : vector<16xf32>
      %gt3A_2248 = arith.cmpf ogt, %div3A_2247, %select_n3A_2195 : vector<16xf32>
      %select_n3A_2249 = arith.select %gt3A_2248, %div3A_2247, %select_n3A_2195 : vector<16xi1>, vector<16xf32>
      %jit3A_2250 = arith.constant 20 : i32
      %broadcast_in_dim3A_2251 = vector.broadcast %jit3A_2250 : i32 to vector<16xi32>
      %select_n3A_2252 = arith.select %gt3A_2248, %broadcast_in_dim3A_2251, %select_n3A_2198 : vector<16xi1>, vector<16xi32>
      %get3A_2253 = arith.constant 0 : i32
      %get3A_2254 = arith.constant 21 : i32
      %get3A_2255 = arith.index_cast %get3A_2253 : i32 to index
      %get3A_2256 = arith.index_cast %get3A_2254 : i32 to index
      %get3A_2257 = arith.constant 0 : index
      %get3A_2258 = tpu.vector_load %arg8[%get3A_2255, %get3A_2256, %get3A_2257] {strides = array<i32>} : memref<5x32x16xf32, #tpu.memory_space<vmem>>, vector<16xf32>,
      %get3A_2259 = arith.constant 1 : i32
      %get3A_2260 = arith.constant 21 : i32
      %get3A_2261 = arith.index_cast %get3A_2259 : i32 to index
      %get3A_2262 = arith.index_cast %get3A_2260 : i32 to index
      %get3A_2263 = arith.constant 0 : index
      %get3A_2264 = tpu.vector_load %arg8[%get3A_2261, %get3A_2262, %get3A_2263] {strides = array<i32>} : memref<5x32x16xf32, #tpu.memory_space<vmem>>, vector<16xf32>,
      %get3A_2265 = arith.constant 2 : i32
      %get3A_2266 = arith.constant 21 : i32
      %get3A_2267 = arith.index_cast %get3A_2265 : i32 to index
      %get3A_2268 = arith.index_cast %get3A_2266 : i32 to index
      %get3A_2269 = arith.constant 0 : index
      %get3A_2270 = tpu.vector_load %arg8[%get3A_2267, %get3A_2268, %get3A_2269] {strides = array<i32>} : memref<5x32x16xf32, #tpu.memory_space<vmem>>, vector<16xf32>,
      %get3A_2271 = arith.constant 3 : i32
      %get3A_2272 = arith.constant 21 : i32
      %get3A_2273 = arith.index_cast %get3A_2271 : i32 to index
      %get3A_2274 = arith.index_cast %get3A_2272 : i32 to index
      %get3A_2275 = arith.constant 0 : index
      %get3A_2276 = tpu.vector_load %arg8[%get3A_2273, %get3A_2274, %get3A_2275] {strides = array<i32>} : memref<5x32x16xf32, #tpu.memory_space<vmem>>, vector<16xf32>,
      %get3A_2277 = arith.constant 4 : i32
      %get3A_2278 = arith.constant 21 : i32
      %get3A_2279 = arith.index_cast %get3A_2277 : i32 to index
      %get3A_2280 = arith.index_cast %get3A_2278 : i32 to index
      %get3A_2281 = arith.constant 0 : index
      %get3A_2282 = tpu.vector_load %arg8[%get3A_2279, %get3A_2280, %get3A_2281] {strides = array<i32>} : memref<5x32x16xf32, #tpu.memory_space<vmem>>, vector<16xf32>,
      %min3A_2283 = arith.minimumf %get3A_1112, %get3A_2270 : vector<16xf32>
      %max3A_2284 = arith.maximumf %get3A_1104, %get3A_2258 : vector<16xf32>
      %sub3A_2285 = arith.subf %min3A_2283, %max3A_2284 : vector<16xf32>
      %min3A_2286 = arith.minimumf %get3A_1116, %get3A_2276 : vector<16xf32>
      %max3A_2287 = arith.maximumf %get3A_1108, %get3A_2264 : vector<16xf32>
      %sub3A_2288 = arith.subf %min3A_2286, %max3A_2287 : vector<16xf32>
      %max3A_2289 = arith.constant 0.000000e+00 : f32
      %max3A_2290 = vector.broadcast %max3A_2289 : f32 to vector<16xf32>
      %max3A_2291 = arith.maximumf %sub3A_2285, %max3A_2290 : vector<16xf32>
      %max3A_2292 = arith.constant 0.000000e+00 : f32
      %max3A_2293 = vector.broadcast %max3A_2292 : f32 to vector<16xf32>
      %max3A_2294 = arith.maximumf %sub3A_2288, %max3A_2293 : vector<16xf32>
      %mul3A_2295 = arith.mulf %max3A_2291, %max3A_2294 : vector<16xf32>
      %add3A_2296 = arith.addf %mul3A_1119, %get3A_2282 : vector<16xf32>
      %sub3A_2297 = arith.subf %add3A_2296, %mul3A_2295 : vector<16xf32>
      %add3A_2298 = arith.constant 9.99999993E-9 : f32
      %add3A_2299 = vector.broadcast %add3A_2298 : f32 to vector<16xf32>
      %add3A_2300 = arith.addf %sub3A_2297, %add3A_2299 : vector<16xf32>
      %div3A_2301 = arith.divf %mul3A_2295, %add3A_2300 : vector<16xf32>
      %gt3A_2302 = arith.cmpf ogt, %div3A_2301, %select_n3A_2249 : vector<16xf32>
      %select_n3A_2303 = arith.select %gt3A_2302, %div3A_2301, %select_n3A_2249 : vector<16xi1>, vector<16xf32>
      %jit3A_2304 = arith.constant 21 : i32
      %broadcast_in_dim3A_2305 = vector.broadcast %jit3A_2304 : i32 to vector<16xi32>
      %select_n3A_2306 = arith.select %gt3A_2302, %broadcast_in_dim3A_2305, %select_n3A_2252 : vector<16xi1>, vector<16xi32>
      %get3A_2307 = arith.constant 0 : i32
      %get3A_2308 = arith.constant 22 : i32
      %get3A_2309 = arith.index_cast %get3A_2307 : i32 to index
      %get3A_2310 = arith.index_cast %get3A_2308 : i32 to index
      %get3A_2311 = arith.constant 0 : index
      %get3A_2312 = tpu.vector_load %arg8[%get3A_2309, %get3A_2310, %get3A_2311] {strides = array<i32>} : memref<5x32x16xf32, #tpu.memory_space<vmem>>, vector<16xf32>,
      %get3A_2313 = arith.constant 1 : i32
      %get3A_2314 = arith.constant 22 : i32
      %get3A_2315 = arith.index_cast %get3A_2313 : i32 to index
      %get3A_2316 = arith.index_cast %get3A_2314 : i32 to index
      %get3A_2317 = arith.constant 0 : index
      %get3A_2318 = tpu.vector_load %arg8[%get3A_2315, %get3A_2316, %get3A_2317] {strides = array<i32>} : memref<5x32x16xf32, #tpu.memory_space<vmem>>, vector<16xf32>,
      %get3A_2319 = arith.constant 2 : i32
      %get3A_2320 = arith.constant 22 : i32
      %get3A_2321 = arith.index_cast %get3A_2319 : i32 to index
      %get3A_2322 = arith.index_cast %get3A_2320 : i32 to index
      %get3A_2323 = arith.constant 0 : index
      %get3A_2324 = tpu.vector_load %arg8[%get3A_2321, %get3A_2322, %get3A_2323] {strides = array<i32>} : memref<5x32x16xf32, #tpu.memory_space<vmem>>, vector<16xf32>,
      %get3A_2325 = arith.constant 3 : i32
      %get3A_2326 = arith.constant 22 : i32
      %get3A_2327 = arith.index_cast %get3A_2325 : i32 to index
      %get3A_2328 = arith.index_cast %get3A_2326 : i32 to index
      %get3A_2329 = arith.constant 0 : index
      %get3A_2330 = tpu.vector_load %arg8[%get3A_2327, %get3A_2328, %get3A_2329] {strides = array<i32>} : memref<5x32x16xf32, #tpu.memory_space<vmem>>, vector<16xf32>,
      %get3A_2331 = arith.constant 4 : i32
      %get3A_2332 = arith.constant 22 : i32
      %get3A_2333 = arith.index_cast %get3A_2331 : i32 to index
      %get3A_2334 = arith.index_cast %get3A_2332 : i32 to index
      %get3A_2335 = arith.constant 0 : index
      %get3A_2336 = tpu.vector_load %arg8[%get3A_2333, %get3A_2334, %get3A_2335] {strides = array<i32>} : memref<5x32x16xf32, #tpu.memory_space<vmem>>, vector<16xf32>,
      %min3A_2337 = arith.minimumf %get3A_1112, %get3A_2324 : vector<16xf32>
      %max3A_2338 = arith.maximumf %get3A_1104, %get3A_2312 : vector<16xf32>
      %sub3A_2339 = arith.subf %min3A_2337, %max3A_2338 : vector<16xf32>
      %min3A_2340 = arith.minimumf %get3A_1116, %get3A_2330 : vector<16xf32>
      %max3A_2341 = arith.maximumf %get3A_1108, %get3A_2318 : vector<16xf32>
      %sub3A_2342 = arith.subf %min3A_2340, %max3A_2341 : vector<16xf32>
      %max3A_2343 = arith.constant 0.000000e+00 : f32
      %max3A_2344 = vector.broadcast %max3A_2343 : f32 to vector<16xf32>
      %max3A_2345 = arith.maximumf %sub3A_2339, %max3A_2344 : vector<16xf32>
      %max3A_2346 = arith.constant 0.000000e+00 : f32
      %max3A_2347 = vector.broadcast %max3A_2346 : f32 to vector<16xf32>
      %max3A_2348 = arith.maximumf %sub3A_2342, %max3A_2347 : vector<16xf32>
      %mul3A_2349 = arith.mulf %max3A_2345, %max3A_2348 : vector<16xf32>
      %add3A_2350 = arith.addf %mul3A_1119, %get3A_2336 : vector<16xf32>
      %sub3A_2351 = arith.subf %add3A_2350, %mul3A_2349 : vector<16xf32>
      %add3A_2352 = arith.constant 9.99999993E-9 : f32
      %add3A_2353 = vector.broadcast %add3A_2352 : f32 to vector<16xf32>
      %add3A_2354 = arith.addf %sub3A_2351, %add3A_2353 : vector<16xf32>
      %div3A_2355 = arith.divf %mul3A_2349, %add3A_2354 : vector<16xf32>
      %gt3A_2356 = arith.cmpf ogt, %div3A_2355, %select_n3A_2303 : vector<16xf32>
      %select_n3A_2357 = arith.select %gt3A_2356, %div3A_2355, %select_n3A_2303 : vector<16xi1>, vector<16xf32>
      %jit3A_2358 = arith.constant 22 : i32
      %broadcast_in_dim3A_2359 = vector.broadcast %jit3A_2358 : i32 to vector<16xi32>
      %select_n3A_2360 = arith.select %gt3A_2356, %broadcast_in_dim3A_2359, %select_n3A_2306 : vector<16xi1>, vector<16xi32>
      %get3A_2361 = arith.constant 0 : i32
      %get3A_2362 = arith.constant 23 : i32
      %get3A_2363 = arith.index_cast %get3A_2361 : i32 to index
      %get3A_2364 = arith.index_cast %get3A_2362 : i32 to index
      %get3A_2365 = arith.constant 0 : index
      %get3A_2366 = tpu.vector_load %arg8[%get3A_2363, %get3A_2364, %get3A_2365] {strides = array<i32>} : memref<5x32x16xf32, #tpu.memory_space<vmem>>, vector<16xf32>,
      %get3A_2367 = arith.constant 1 : i32
      %get3A_2368 = arith.constant 23 : i32
      %get3A_2369 = arith.index_cast %get3A_2367 : i32 to index
      %get3A_2370 = arith.index_cast %get3A_2368 : i32 to index
      %get3A_2371 = arith.constant 0 : index
      %get3A_2372 = tpu.vector_load %arg8[%get3A_2369, %get3A_2370, %get3A_2371] {strides = array<i32>} : memref<5x32x16xf32, #tpu.memory_space<vmem>>, vector<16xf32>,
      %get3A_2373 = arith.constant 2 : i32
      %get3A_2374 = arith.constant 23 : i32
      %get3A_2375 = arith.index_cast %get3A_2373 : i32 to index
      %get3A_2376 = arith.index_cast %get3A_2374 : i32 to index
      %get3A_2377 = arith.constant 0 : index
      %get3A_2378 = tpu.vector_load %arg8[%get3A_2375, %get3A_2376, %get3A_2377] {strides = array<i32>} : memref<5x32x16xf32, #tpu.memory_space<vmem>>, vector<16xf32>,
      %get3A_2379 = arith.constant 3 : i32
      %get3A_2380 = arith.constant 23 : i32
      %get3A_2381 = arith.index_cast %get3A_2379 : i32 to index
      %get3A_2382 = arith.index_cast %get3A_2380 : i32 to index
      %get3A_2383 = arith.constant 0 : index
      %get3A_2384 = tpu.vector_load %arg8[%get3A_2381, %get3A_2382, %get3A_2383] {strides = array<i32>} : memref<5x32x16xf32, #tpu.memory_space<vmem>>, vector<16xf32>,
      %get3A_2385 = arith.constant 4 : i32
      %get3A_2386 = arith.constant 23 : i32
      %get3A_2387 = arith.index_cast %get3A_2385 : i32 to index
      %get3A_2388 = arith.index_cast %get3A_2386 : i32 to index
      %get3A_2389 = arith.constant 0 : index
      %get3A_2390 = tpu.vector_load %arg8[%get3A_2387, %get3A_2388, %get3A_2389] {strides = array<i32>} : memref<5x32x16xf32, #tpu.memory_space<vmem>>, vector<16xf32>,
      %min3A_2391 = arith.minimumf %get3A_1112, %get3A_2378 : vector<16xf32>
      %max3A_2392 = arith.maximumf %get3A_1104, %get3A_2366 : vector<16xf32>
      %sub3A_2393 = arith.subf %min3A_2391, %max3A_2392 : vector<16xf32>
      %min3A_2394 = arith.minimumf %get3A_1116, %get3A_2384 : vector<16xf32>
      %max3A_2395 = arith.maximumf %get3A_1108, %get3A_2372 : vector<16xf32>
      %sub3A_2396 = arith.subf %min3A_2394, %max3A_2395 : vector<16xf32>
      %max3A_2397 = arith.constant 0.000000e+00 : f32
      %max3A_2398 = vector.broadcast %max3A_2397 : f32 to vector<16xf32>
      %max3A_2399 = arith.maximumf %sub3A_2393, %max3A_2398 : vector<16xf32>
      %max3A_2400 = arith.constant 0.000000e+00 : f32
      %max3A_2401 = vector.broadcast %max3A_2400 : f32 to vector<16xf32>
      %max3A_2402 = arith.maximumf %sub3A_2396, %max3A_2401 : vector<16xf32>
      %mul3A_2403 = arith.mulf %max3A_2399, %max3A_2402 : vector<16xf32>
      %add3A_2404 = arith.addf %mul3A_1119, %get3A_2390 : vector<16xf32>
      %sub3A_2405 = arith.subf %add3A_2404, %mul3A_2403 : vector<16xf32>
      %add3A_2406 = arith.constant 9.99999993E-9 : f32
      %add3A_2407 = vector.broadcast %add3A_2406 : f32 to vector<16xf32>
      %add3A_2408 = arith.addf %sub3A_2405, %add3A_2407 : vector<16xf32>
      %div3A_2409 = arith.divf %mul3A_2403, %add3A_2408 : vector<16xf32>
      %gt3A_2410 = arith.cmpf ogt, %div3A_2409, %select_n3A_2357 : vector<16xf32>
      %select_n3A_2411 = arith.select %gt3A_2410, %div3A_2409, %select_n3A_2357 : vector<16xi1>, vector<16xf32>
      %jit3A_2412 = arith.constant 23 : i32
      %broadcast_in_dim3A_2413 = vector.broadcast %jit3A_2412 : i32 to vector<16xi32>
      %select_n3A_2414 = arith.select %gt3A_2410, %broadcast_in_dim3A_2413, %select_n3A_2360 : vector<16xi1>, vector<16xi32>
      %get3A_2415 = arith.constant 0 : i32
      %get3A_2416 = arith.constant 24 : i32
      %get3A_2417 = arith.index_cast %get3A_2415 : i32 to index
      %get3A_2418 = arith.index_cast %get3A_2416 : i32 to index
      %get3A_2419 = arith.constant 0 : index
      %get3A_2420 = tpu.vector_load %arg8[%get3A_2417, %get3A_2418, %get3A_2419] {strides = array<i32>} : memref<5x32x16xf32, #tpu.memory_space<vmem>>, vector<16xf32>,
      %get3A_2421 = arith.constant 1 : i32
      %get3A_2422 = arith.constant 24 : i32
      %get3A_2423 = arith.index_cast %get3A_2421 : i32 to index
      %get3A_2424 = arith.index_cast %get3A_2422 : i32 to index
      %get3A_2425 = arith.constant 0 : index
      %get3A_2426 = tpu.vector_load %arg8[%get3A_2423, %get3A_2424, %get3A_2425] {strides = array<i32>} : memref<5x32x16xf32, #tpu.memory_space<vmem>>, vector<16xf32>,
      %get3A_2427 = arith.constant 2 : i32
      %get3A_2428 = arith.constant 24 : i32
      %get3A_2429 = arith.index_cast %get3A_2427 : i32 to index
      %get3A_2430 = arith.index_cast %get3A_2428 : i32 to index
      %get3A_2431 = arith.constant 0 : index
      %get3A_2432 = tpu.vector_load %arg8[%get3A_2429, %get3A_2430, %get3A_2431] {strides = array<i32>} : memref<5x32x16xf32, #tpu.memory_space<vmem>>, vector<16xf32>,
      %get3A_2433 = arith.constant 3 : i32
      %get3A_2434 = arith.constant 24 : i32
      %get3A_2435 = arith.index_cast %get3A_2433 : i32 to index
      %get3A_2436 = arith.index_cast %get3A_2434 : i32 to index
      %get3A_2437 = arith.constant 0 : index
      %get3A_2438 = tpu.vector_load %arg8[%get3A_2435, %get3A_2436, %get3A_2437] {strides = array<i32>} : memref<5x32x16xf32, #tpu.memory_space<vmem>>, vector<16xf32>,
      %get3A_2439 = arith.constant 4 : i32
      %get3A_2440 = arith.constant 24 : i32
      %get3A_2441 = arith.index_cast %get3A_2439 : i32 to index
      %get3A_2442 = arith.index_cast %get3A_2440 : i32 to index
      %get3A_2443 = arith.constant 0 : index
      %get3A_2444 = tpu.vector_load %arg8[%get3A_2441, %get3A_2442, %get3A_2443] {strides = array<i32>} : memref<5x32x16xf32, #tpu.memory_space<vmem>>, vector<16xf32>,
      %min3A_2445 = arith.minimumf %get3A_1112, %get3A_2432 : vector<16xf32>
      %max3A_2446 = arith.maximumf %get3A_1104, %get3A_2420 : vector<16xf32>
      %sub3A_2447 = arith.subf %min3A_2445, %max3A_2446 : vector<16xf32>
      %min3A_2448 = arith.minimumf %get3A_1116, %get3A_2438 : vector<16xf32>
      %max3A_2449 = arith.maximumf %get3A_1108, %get3A_2426 : vector<16xf32>
      %sub3A_2450 = arith.subf %min3A_2448, %max3A_2449 : vector<16xf32>
      %max3A_2451 = arith.constant 0.000000e+00 : f32
      %max3A_2452 = vector.broadcast %max3A_2451 : f32 to vector<16xf32>
      %max3A_2453 = arith.maximumf %sub3A_2447, %max3A_2452 : vector<16xf32>
      %max3A_2454 = arith.constant 0.000000e+00 : f32
      %max3A_2455 = vector.broadcast %max3A_2454 : f32 to vector<16xf32>
      %max3A_2456 = arith.maximumf %sub3A_2450, %max3A_2455 : vector<16xf32>
      %mul3A_2457 = arith.mulf %max3A_2453, %max3A_2456 : vector<16xf32>
      %add3A_2458 = arith.addf %mul3A_1119, %get3A_2444 : vector<16xf32>
      %sub3A_2459 = arith.subf %add3A_2458, %mul3A_2457 : vector<16xf32>
      %add3A_2460 = arith.constant 9.99999993E-9 : f32
      %add3A_2461 = vector.broadcast %add3A_2460 : f32 to vector<16xf32>
      %add3A_2462 = arith.addf %sub3A_2459, %add3A_2461 : vector<16xf32>
      %div3A_2463 = arith.divf %mul3A_2457, %add3A_2462 : vector<16xf32>
      %gt3A_2464 = arith.cmpf ogt, %div3A_2463, %select_n3A_2411 : vector<16xf32>
      %select_n3A_2465 = arith.select %gt3A_2464, %div3A_2463, %select_n3A_2411 : vector<16xi1>, vector<16xf32>
      %jit3A_2466 = arith.constant 24 : i32
      %broadcast_in_dim3A_2467 = vector.broadcast %jit3A_2466 : i32 to vector<16xi32>
      %select_n3A_2468 = arith.select %gt3A_2464, %broadcast_in_dim3A_2467, %select_n3A_2414 : vector<16xi1>, vector<16xi32>
      %get3A_2469 = arith.constant 0 : i32
      %get3A_2470 = arith.constant 25 : i32
      %get3A_2471 = arith.index_cast %get3A_2469 : i32 to index
      %get3A_2472 = arith.index_cast %get3A_2470 : i32 to index
      %get3A_2473 = arith.constant 0 : index
      %get3A_2474 = tpu.vector_load %arg8[%get3A_2471, %get3A_2472, %get3A_2473] {strides = array<i32>} : memref<5x32x16xf32, #tpu.memory_space<vmem>>, vector<16xf32>,
      %get3A_2475 = arith.constant 1 : i32
      %get3A_2476 = arith.constant 25 : i32
      %get3A_2477 = arith.index_cast %get3A_2475 : i32 to index
      %get3A_2478 = arith.index_cast %get3A_2476 : i32 to index
      %get3A_2479 = arith.constant 0 : index
      %get3A_2480 = tpu.vector_load %arg8[%get3A_2477, %get3A_2478, %get3A_2479] {strides = array<i32>} : memref<5x32x16xf32, #tpu.memory_space<vmem>>, vector<16xf32>,
      %get3A_2481 = arith.constant 2 : i32
      %get3A_2482 = arith.constant 25 : i32
      %get3A_2483 = arith.index_cast %get3A_2481 : i32 to index
      %get3A_2484 = arith.index_cast %get3A_2482 : i32 to index
      %get3A_2485 = arith.constant 0 : index
      %get3A_2486 = tpu.vector_load %arg8[%get3A_2483, %get3A_2484, %get3A_2485] {strides = array<i32>} : memref<5x32x16xf32, #tpu.memory_space<vmem>>, vector<16xf32>,
      %get3A_2487 = arith.constant 3 : i32
      %get3A_2488 = arith.constant 25 : i32
      %get3A_2489 = arith.index_cast %get3A_2487 : i32 to index
      %get3A_2490 = arith.index_cast %get3A_2488 : i32 to index
      %get3A_2491 = arith.constant 0 : index
      %get3A_2492 = tpu.vector_load %arg8[%get3A_2489, %get3A_2490, %get3A_2491] {strides = array<i32>} : memref<5x32x16xf32, #tpu.memory_space<vmem>>, vector<16xf32>,
      %get3A_2493 = arith.constant 4 : i32
      %get3A_2494 = arith.constant 25 : i32
      %get3A_2495 = arith.index_cast %get3A_2493 : i32 to index
      %get3A_2496 = arith.index_cast %get3A_2494 : i32 to index
      %get3A_2497 = arith.constant 0 : index
      %get3A_2498 = tpu.vector_load %arg8[%get3A_2495, %get3A_2496, %get3A_2497] {strides = array<i32>} : memref<5x32x16xf32, #tpu.memory_space<vmem>>, vector<16xf32>,
      %min3A_2499 = arith.minimumf %get3A_1112, %get3A_2486 : vector<16xf32>
      %max3A_2500 = arith.maximumf %get3A_1104, %get3A_2474 : vector<16xf32>
      %sub3A_2501 = arith.subf %min3A_2499, %max3A_2500 : vector<16xf32>
      %min3A_2502 = arith.minimumf %get3A_1116, %get3A_2492 : vector<16xf32>
      %max3A_2503 = arith.maximumf %get3A_1108, %get3A_2480 : vector<16xf32>
      %sub3A_2504 = arith.subf %min3A_2502, %max3A_2503 : vector<16xf32>
      %max3A_2505 = arith.constant 0.000000e+00 : f32
      %max3A_2506 = vector.broadcast %max3A_2505 : f32 to vector<16xf32>
      %max3A_2507 = arith.maximumf %sub3A_2501, %max3A_2506 : vector<16xf32>
      %max3A_2508 = arith.constant 0.000000e+00 : f32
      %max3A_2509 = vector.broadcast %max3A_2508 : f32 to vector<16xf32>
      %max3A_2510 = arith.maximumf %sub3A_2504, %max3A_2509 : vector<16xf32>
      %mul3A_2511 = arith.mulf %max3A_2507, %max3A_2510 : vector<16xf32>
      %add3A_2512 = arith.addf %mul3A_1119, %get3A_2498 : vector<16xf32>
      %sub3A_2513 = arith.subf %add3A_2512, %mul3A_2511 : vector<16xf32>
      %add3A_2514 = arith.constant 9.99999993E-9 : f32
      %add3A_2515 = vector.broadcast %add3A_2514 : f32 to vector<16xf32>
      %add3A_2516 = arith.addf %sub3A_2513, %add3A_2515 : vector<16xf32>
      %div3A_2517 = arith.divf %mul3A_2511, %add3A_2516 : vector<16xf32>
      %gt3A_2518 = arith.cmpf ogt, %div3A_2517, %select_n3A_2465 : vector<16xf32>
      %select_n3A_2519 = arith.select %gt3A_2518, %div3A_2517, %select_n3A_2465 : vector<16xi1>, vector<16xf32>
      %jit3A_2520 = arith.constant 25 : i32
      %broadcast_in_dim3A_2521 = vector.broadcast %jit3A_2520 : i32 to vector<16xi32>
      %select_n3A_2522 = arith.select %gt3A_2518, %broadcast_in_dim3A_2521, %select_n3A_2468 : vector<16xi1>, vector<16xi32>
      %get3A_2523 = arith.constant 0 : i32
      %get3A_2524 = arith.constant 26 : i32
      %get3A_2525 = arith.index_cast %get3A_2523 : i32 to index
      %get3A_2526 = arith.index_cast %get3A_2524 : i32 to index
      %get3A_2527 = arith.constant 0 : index
      %get3A_2528 = tpu.vector_load %arg8[%get3A_2525, %get3A_2526, %get3A_2527] {strides = array<i32>} : memref<5x32x16xf32, #tpu.memory_space<vmem>>, vector<16xf32>,
      %get3A_2529 = arith.constant 1 : i32
      %get3A_2530 = arith.constant 26 : i32
      %get3A_2531 = arith.index_cast %get3A_2529 : i32 to index
      %get3A_2532 = arith.index_cast %get3A_2530 : i32 to index
      %get3A_2533 = arith.constant 0 : index
      %get3A_2534 = tpu.vector_load %arg8[%get3A_2531, %get3A_2532, %get3A_2533] {strides = array<i32>} : memref<5x32x16xf32, #tpu.memory_space<vmem>>, vector<16xf32>,
      %get3A_2535 = arith.constant 2 : i32
      %get3A_2536 = arith.constant 26 : i32
      %get3A_2537 = arith.index_cast %get3A_2535 : i32 to index
      %get3A_2538 = arith.index_cast %get3A_2536 : i32 to index
      %get3A_2539 = arith.constant 0 : index
      %get3A_2540 = tpu.vector_load %arg8[%get3A_2537, %get3A_2538, %get3A_2539] {strides = array<i32>} : memref<5x32x16xf32, #tpu.memory_space<vmem>>, vector<16xf32>,
      %get3A_2541 = arith.constant 3 : i32
      %get3A_2542 = arith.constant 26 : i32
      %get3A_2543 = arith.index_cast %get3A_2541 : i32 to index
      %get3A_2544 = arith.index_cast %get3A_2542 : i32 to index
      %get3A_2545 = arith.constant 0 : index
      %get3A_2546 = tpu.vector_load %arg8[%get3A_2543, %get3A_2544, %get3A_2545] {strides = array<i32>} : memref<5x32x16xf32, #tpu.memory_space<vmem>>, vector<16xf32>,
      %get3A_2547 = arith.constant 4 : i32
      %get3A_2548 = arith.constant 26 : i32
      %get3A_2549 = arith.index_cast %get3A_2547 : i32 to index
      %get3A_2550 = arith.index_cast %get3A_2548 : i32 to index
      %get3A_2551 = arith.constant 0 : index
      %get3A_2552 = tpu.vector_load %arg8[%get3A_2549, %get3A_2550, %get3A_2551] {strides = array<i32>} : memref<5x32x16xf32, #tpu.memory_space<vmem>>, vector<16xf32>,
      %min3A_2553 = arith.minimumf %get3A_1112, %get3A_2540 : vector<16xf32>
      %max3A_2554 = arith.maximumf %get3A_1104, %get3A_2528 : vector<16xf32>
      %sub3A_2555 = arith.subf %min3A_2553, %max3A_2554 : vector<16xf32>
      %min3A_2556 = arith.minimumf %get3A_1116, %get3A_2546 : vector<16xf32>
      %max3A_2557 = arith.maximumf %get3A_1108, %get3A_2534 : vector<16xf32>
      %sub3A_2558 = arith.subf %min3A_2556, %max3A_2557 : vector<16xf32>
      %max3A_2559 = arith.constant 0.000000e+00 : f32
      %max3A_2560 = vector.broadcast %max3A_2559 : f32 to vector<16xf32>
      %max3A_2561 = arith.maximumf %sub3A_2555, %max3A_2560 : vector<16xf32>
      %max3A_2562 = arith.constant 0.000000e+00 : f32
      %max3A_2563 = vector.broadcast %max3A_2562 : f32 to vector<16xf32>
      %max3A_2564 = arith.maximumf %sub3A_2558, %max3A_2563 : vector<16xf32>
      %mul3A_2565 = arith.mulf %max3A_2561, %max3A_2564 : vector<16xf32>
      %add3A_2566 = arith.addf %mul3A_1119, %get3A_2552 : vector<16xf32>
      %sub3A_2567 = arith.subf %add3A_2566, %mul3A_2565 : vector<16xf32>
      %add3A_2568 = arith.constant 9.99999993E-9 : f32
      %add3A_2569 = vector.broadcast %add3A_2568 : f32 to vector<16xf32>
      %add3A_2570 = arith.addf %sub3A_2567, %add3A_2569 : vector<16xf32>
      %div3A_2571 = arith.divf %mul3A_2565, %add3A_2570 : vector<16xf32>
      %gt3A_2572 = arith.cmpf ogt, %div3A_2571, %select_n3A_2519 : vector<16xf32>
      %select_n3A_2573 = arith.select %gt3A_2572, %div3A_2571, %select_n3A_2519 : vector<16xi1>, vector<16xf32>
      %jit3A_2574 = arith.constant 26 : i32
      %broadcast_in_dim3A_2575 = vector.broadcast %jit3A_2574 : i32 to vector<16xi32>
      %select_n3A_2576 = arith.select %gt3A_2572, %broadcast_in_dim3A_2575, %select_n3A_2522 : vector<16xi1>, vector<16xi32>
      %get3A_2577 = arith.constant 0 : i32
      %get3A_2578 = arith.constant 27 : i32
      %get3A_2579 = arith.index_cast %get3A_2577 : i32 to index
      %get3A_2580 = arith.index_cast %get3A_2578 : i32 to index
      %get3A_2581 = arith.constant 0 : index
      %get3A_2582 = tpu.vector_load %arg8[%get3A_2579, %get3A_2580, %get3A_2581] {strides = array<i32>} : memref<5x32x16xf32, #tpu.memory_space<vmem>>, vector<16xf32>,
      %get3A_2583 = arith.constant 1 : i32
      %get3A_2584 = arith.constant 27 : i32
      %get3A_2585 = arith.index_cast %get3A_2583 : i32 to index
      %get3A_2586 = arith.index_cast %get3A_2584 : i32 to index
      %get3A_2587 = arith.constant 0 : index
      %get3A_2588 = tpu.vector_load %arg8[%get3A_2585, %get3A_2586, %get3A_2587] {strides = array<i32>} : memref<5x32x16xf32, #tpu.memory_space<vmem>>, vector<16xf32>,
      %get3A_2589 = arith.constant 2 : i32
      %get3A_2590 = arith.constant 27 : i32
      %get3A_2591 = arith.index_cast %get3A_2589 : i32 to index
      %get3A_2592 = arith.index_cast %get3A_2590 : i32 to index
      %get3A_2593 = arith.constant 0 : index
      %get3A_2594 = tpu.vector_load %arg8[%get3A_2591, %get3A_2592, %get3A_2593] {strides = array<i32>} : memref<5x32x16xf32, #tpu.memory_space<vmem>>, vector<16xf32>,
      %get3A_2595 = arith.constant 3 : i32
      %get3A_2596 = arith.constant 27 : i32
      %get3A_2597 = arith.index_cast %get3A_2595 : i32 to index
      %get3A_2598 = arith.index_cast %get3A_2596 : i32 to index
      %get3A_2599 = arith.constant 0 : index
      %get3A_2600 = tpu.vector_load %arg8[%get3A_2597, %get3A_2598, %get3A_2599] {strides = array<i32>} : memref<5x32x16xf32, #tpu.memory_space<vmem>>, vector<16xf32>,
      %get3A_2601 = arith.constant 4 : i32
      %get3A_2602 = arith.constant 27 : i32
      %get3A_2603 = arith.index_cast %get3A_2601 : i32 to index
      %get3A_2604 = arith.index_cast %get3A_2602 : i32 to index
      %get3A_2605 = arith.constant 0 : index
      %get3A_2606 = tpu.vector_load %arg8[%get3A_2603, %get3A_2604, %get3A_2605] {strides = array<i32>} : memref<5x32x16xf32, #tpu.memory_space<vmem>>, vector<16xf32>,
      %min3A_2607 = arith.minimumf %get3A_1112, %get3A_2594 : vector<16xf32>
      %max3A_2608 = arith.maximumf %get3A_1104, %get3A_2582 : vector<16xf32>
      %sub3A_2609 = arith.subf %min3A_2607, %max3A_2608 : vector<16xf32>
      %min3A_2610 = arith.minimumf %get3A_1116, %get3A_2600 : vector<16xf32>
      %max3A_2611 = arith.maximumf %get3A_1108, %get3A_2588 : vector<16xf32>
      %sub3A_2612 = arith.subf %min3A_2610, %max3A_2611 : vector<16xf32>
      %max3A_2613 = arith.constant 0.000000e+00 : f32
      %max3A_2614 = vector.broadcast %max3A_2613 : f32 to vector<16xf32>
      %max3A_2615 = arith.maximumf %sub3A_2609, %max3A_2614 : vector<16xf32>
      %max3A_2616 = arith.constant 0.000000e+00 : f32
      %max3A_2617 = vector.broadcast %max3A_2616 : f32 to vector<16xf32>
      %max3A_2618 = arith.maximumf %sub3A_2612, %max3A_2617 : vector<16xf32>
      %mul3A_2619 = arith.mulf %max3A_2615, %max3A_2618 : vector<16xf32>
      %add3A_2620 = arith.addf %mul3A_1119, %get3A_2606 : vector<16xf32>
      %sub3A_2621 = arith.subf %add3A_2620, %mul3A_2619 : vector<16xf32>
      %add3A_2622 = arith.constant 9.99999993E-9 : f32
      %add3A_2623 = vector.broadcast %add3A_2622 : f32 to vector<16xf32>
      %add3A_2624 = arith.addf %sub3A_2621, %add3A_2623 : vector<16xf32>
      %div3A_2625 = arith.divf %mul3A_2619, %add3A_2624 : vector<16xf32>
      %gt3A_2626 = arith.cmpf ogt, %div3A_2625, %select_n3A_2573 : vector<16xf32>
      %select_n3A_2627 = arith.select %gt3A_2626, %div3A_2625, %select_n3A_2573 : vector<16xi1>, vector<16xf32>
      %jit3A_2628 = arith.constant 27 : i32
      %broadcast_in_dim3A_2629 = vector.broadcast %jit3A_2628 : i32 to vector<16xi32>
      %select_n3A_2630 = arith.select %gt3A_2626, %broadcast_in_dim3A_2629, %select_n3A_2576 : vector<16xi1>, vector<16xi32>
      %get3A_2631 = arith.constant 0 : i32
      %get3A_2632 = arith.constant 28 : i32
      %get3A_2633 = arith.index_cast %get3A_2631 : i32 to index
      %get3A_2634 = arith.index_cast %get3A_2632 : i32 to index
      %get3A_2635 = arith.constant 0 : index
      %get3A_2636 = tpu.vector_load %arg8[%get3A_2633, %get3A_2634, %get3A_2635] {strides = array<i32>} : memref<5x32x16xf32, #tpu.memory_space<vmem>>, vector<16xf32>,
      %get3A_2637 = arith.constant 1 : i32
      %get3A_2638 = arith.constant 28 : i32
      %get3A_2639 = arith.index_cast %get3A_2637 : i32 to index
      %get3A_2640 = arith.index_cast %get3A_2638 : i32 to index
      %get3A_2641 = arith.constant 0 : index
      %get3A_2642 = tpu.vector_load %arg8[%get3A_2639, %get3A_2640, %get3A_2641] {strides = array<i32>} : memref<5x32x16xf32, #tpu.memory_space<vmem>>, vector<16xf32>,
      %get3A_2643 = arith.constant 2 : i32
      %get3A_2644 = arith.constant 28 : i32
      %get3A_2645 = arith.index_cast %get3A_2643 : i32 to index
      %get3A_2646 = arith.index_cast %get3A_2644 : i32 to index
      %get3A_2647 = arith.constant 0 : index
      %get3A_2648 = tpu.vector_load %arg8[%get3A_2645, %get3A_2646, %get3A_2647] {strides = array<i32>} : memref<5x32x16xf32, #tpu.memory_space<vmem>>, vector<16xf32>,
      %get3A_2649 = arith.constant 3 : i32
      %get3A_2650 = arith.constant 28 : i32
      %get3A_2651 = arith.index_cast %get3A_2649 : i32 to index
      %get3A_2652 = arith.index_cast %get3A_2650 : i32 to index
      %get3A_2653 = arith.constant 0 : index
      %get3A_2654 = tpu.vector_load %arg8[%get3A_2651, %get3A_2652, %get3A_2653] {strides = array<i32>} : memref<5x32x16xf32, #tpu.memory_space<vmem>>, vector<16xf32>,
      %get3A_2655 = arith.constant 4 : i32
      %get3A_2656 = arith.constant 28 : i32
      %get3A_2657 = arith.index_cast %get3A_2655 : i32 to index
      %get3A_2658 = arith.index_cast %get3A_2656 : i32 to index
      %get3A_2659 = arith.constant 0 : index
      %get3A_2660 = tpu.vector_load %arg8[%get3A_2657, %get3A_2658, %get3A_2659] {strides = array<i32>} : memref<5x32x16xf32, #tpu.memory_space<vmem>>, vector<16xf32>,
      %min3A_2661 = arith.minimumf %get3A_1112, %get3A_2648 : vector<16xf32>
      %max3A_2662 = arith.maximumf %get3A_1104, %get3A_2636 : vector<16xf32>
      %sub3A_2663 = arith.subf %min3A_2661, %max3A_2662 : vector<16xf32>
      %min3A_2664 = arith.minimumf %get3A_1116, %get3A_2654 : vector<16xf32>
      %max3A_2665 = arith.maximumf %get3A_1108, %get3A_2642 : vector<16xf32>
      %sub3A_2666 = arith.subf %min3A_2664, %max3A_2665 : vector<16xf32>
      %max3A_2667 = arith.constant 0.000000e+00 : f32
      %max3A_2668 = vector.broadcast %max3A_2667 : f32 to vector<16xf32>
      %max3A_2669 = arith.maximumf %sub3A_2663, %max3A_2668 : vector<16xf32>
      %max3A_2670 = arith.constant 0.000000e+00 : f32
      %max3A_2671 = vector.broadcast %max3A_2670 : f32 to vector<16xf32>
      %max3A_2672 = arith.maximumf %sub3A_2666, %max3A_2671 : vector<16xf32>
      %mul3A_2673 = arith.mulf %max3A_2669, %max3A_2672 : vector<16xf32>
      %add3A_2674 = arith.addf %mul3A_1119, %get3A_2660 : vector<16xf32>
      %sub3A_2675 = arith.subf %add3A_2674, %mul3A_2673 : vector<16xf32>
      %add3A_2676 = arith.constant 9.99999993E-9 : f32
      %add3A_2677 = vector.broadcast %add3A_2676 : f32 to vector<16xf32>
      %add3A_2678 = arith.addf %sub3A_2675, %add3A_2677 : vector<16xf32>
      %div3A_2679 = arith.divf %mul3A_2673, %add3A_2678 : vector<16xf32>
      %gt3A_2680 = arith.cmpf ogt, %div3A_2679, %select_n3A_2627 : vector<16xf32>
      %select_n3A_2681 = arith.select %gt3A_2680, %div3A_2679, %select_n3A_2627 : vector<16xi1>, vector<16xf32>
      %jit3A_2682 = arith.constant 28 : i32
      %broadcast_in_dim3A_2683 = vector.broadcast %jit3A_2682 : i32 to vector<16xi32>
      %select_n3A_2684 = arith.select %gt3A_2680, %broadcast_in_dim3A_2683, %select_n3A_2630 : vector<16xi1>, vector<16xi32>
      %get3A_2685 = arith.constant 0 : i32
      %get3A_2686 = arith.constant 29 : i32
      %get3A_2687 = arith.index_cast %get3A_2685 : i32 to index
      %get3A_2688 = arith.index_cast %get3A_2686 : i32 to index
      %get3A_2689 = arith.constant 0 : index
      %get3A_2690 = tpu.vector_load %arg8[%get3A_2687, %get3A_2688, %get3A_2689] {strides = array<i32>} : memref<5x32x16xf32, #tpu.memory_space<vmem>>, vector<16xf32>,
      %get3A_2691 = arith.constant 1 : i32
      %get3A_2692 = arith.constant 29 : i32
      %get3A_2693 = arith.index_cast %get3A_2691 : i32 to index
      %get3A_2694 = arith.index_cast %get3A_2692 : i32 to index
      %get3A_2695 = arith.constant 0 : index
      %get3A_2696 = tpu.vector_load %arg8[%get3A_2693, %get3A_2694, %get3A_2695] {strides = array<i32>} : memref<5x32x16xf32, #tpu.memory_space<vmem>>, vector<16xf32>,
      %get3A_2697 = arith.constant 2 : i32
      %get3A_2698 = arith.constant 29 : i32
      %get3A_2699 = arith.index_cast %get3A_2697 : i32 to index
      %get3A_2700 = arith.index_cast %get3A_2698 : i32 to index
      %get3A_2701 = arith.constant 0 : index
      %get3A_2702 = tpu.vector_load %arg8[%get3A_2699, %get3A_2700, %get3A_2701] {strides = array<i32>} : memref<5x32x16xf32, #tpu.memory_space<vmem>>, vector<16xf32>,
      %get3A_2703 = arith.constant 3 : i32
      %get3A_2704 = arith.constant 29 : i32
      %get3A_2705 = arith.index_cast %get3A_2703 : i32 to index
      %get3A_2706 = arith.index_cast %get3A_2704 : i32 to index
      %get3A_2707 = arith.constant 0 : index
      %get3A_2708 = tpu.vector_load %arg8[%get3A_2705, %get3A_2706, %get3A_2707] {strides = array<i32>} : memref<5x32x16xf32, #tpu.memory_space<vmem>>, vector<16xf32>,
      %get3A_2709 = arith.constant 4 : i32
      %get3A_2710 = arith.constant 29 : i32
      %get3A_2711 = arith.index_cast %get3A_2709 : i32 to index
      %get3A_2712 = arith.index_cast %get3A_2710 : i32 to index
      %get3A_2713 = arith.constant 0 : index
      %get3A_2714 = tpu.vector_load %arg8[%get3A_2711, %get3A_2712, %get3A_2713] {strides = array<i32>} : memref<5x32x16xf32, #tpu.memory_space<vmem>>, vector<16xf32>,
      %min3A_2715 = arith.minimumf %get3A_1112, %get3A_2702 : vector<16xf32>
      %max3A_2716 = arith.maximumf %get3A_1104, %get3A_2690 : vector<16xf32>
      %sub3A_2717 = arith.subf %min3A_2715, %max3A_2716 : vector<16xf32>
      %min3A_2718 = arith.minimumf %get3A_1116, %get3A_2708 : vector<16xf32>
      %max3A_2719 = arith.maximumf %get3A_1108, %get3A_2696 : vector<16xf32>
      %sub3A_2720 = arith.subf %min3A_2718, %max3A_2719 : vector<16xf32>
      %max3A_2721 = arith.constant 0.000000e+00 : f32
      %max3A_2722 = vector.broadcast %max3A_2721 : f32 to vector<16xf32>
      %max3A_2723 = arith.maximumf %sub3A_2717, %max3A_2722 : vector<16xf32>
      %max3A_2724 = arith.constant 0.000000e+00 : f32
      %max3A_2725 = vector.broadcast %max3A_2724 : f32 to vector<16xf32>
      %max3A_2726 = arith.maximumf %sub3A_2720, %max3A_2725 : vector<16xf32>
      %mul3A_2727 = arith.mulf %max3A_2723, %max3A_2726 : vector<16xf32>
      %add3A_2728 = arith.addf %mul3A_1119, %get3A_2714 : vector<16xf32>
      %sub3A_2729 = arith.subf %add3A_2728, %mul3A_2727 : vector<16xf32>
      %add3A_2730 = arith.constant 9.99999993E-9 : f32
      %add3A_2731 = vector.broadcast %add3A_2730 : f32 to vector<16xf32>
      %add3A_2732 = arith.addf %sub3A_2729, %add3A_2731 : vector<16xf32>
      %div3A_2733 = arith.divf %mul3A_2727, %add3A_2732 : vector<16xf32>
      %gt3A_2734 = arith.cmpf ogt, %div3A_2733, %select_n3A_2681 : vector<16xf32>
      %select_n3A_2735 = arith.select %gt3A_2734, %div3A_2733, %select_n3A_2681 : vector<16xi1>, vector<16xf32>
      %jit3A_2736 = arith.constant 29 : i32
      %broadcast_in_dim3A_2737 = vector.broadcast %jit3A_2736 : i32 to vector<16xi32>
      %select_n3A_2738 = arith.select %gt3A_2734, %broadcast_in_dim3A_2737, %select_n3A_2684 : vector<16xi1>, vector<16xi32>
      %get3A_2739 = arith.constant 0 : i32
      %get3A_2740 = arith.constant 30 : i32
      %get3A_2741 = arith.index_cast %get3A_2739 : i32 to index
      %get3A_2742 = arith.index_cast %get3A_2740 : i32 to index
      %get3A_2743 = arith.constant 0 : index
      %get3A_2744 = tpu.vector_load %arg8[%get3A_2741, %get3A_2742, %get3A_2743] {strides = array<i32>} : memref<5x32x16xf32, #tpu.memory_space<vmem>>, vector<16xf32>,
      %get3A_2745 = arith.constant 1 : i32
      %get3A_2746 = arith.constant 30 : i32
      %get3A_2747 = arith.index_cast %get3A_2745 : i32 to index
      %get3A_2748 = arith.index_cast %get3A_2746 : i32 to index
      %get3A_2749 = arith.constant 0 : index
      %get3A_2750 = tpu.vector_load %arg8[%get3A_2747, %get3A_2748, %get3A_2749] {strides = array<i32>} : memref<5x32x16xf32, #tpu.memory_space<vmem>>, vector<16xf32>,
      %get3A_2751 = arith.constant 2 : i32
      %get3A_2752 = arith.constant 30 : i32
      %get3A_2753 = arith.index_cast %get3A_2751 : i32 to index
      %get3A_2754 = arith.index_cast %get3A_2752 : i32 to index
      %get3A_2755 = arith.constant 0 : index
      %get3A_2756 = tpu.vector_load %arg8[%get3A_2753, %get3A_2754, %get3A_2755] {strides = array<i32>} : memref<5x32x16xf32, #tpu.memory_space<vmem>>, vector<16xf32>,
      %get3A_2757 = arith.constant 3 : i32
      %get3A_2758 = arith.constant 30 : i32
      %get3A_2759 = arith.index_cast %get3A_2757 : i32 to index
      %get3A_2760 = arith.index_cast %get3A_2758 : i32 to index
      %get3A_2761 = arith.constant 0 : index
      %get3A_2762 = tpu.vector_load %arg8[%get3A_2759, %get3A_2760, %get3A_2761] {strides = array<i32>} : memref<5x32x16xf32, #tpu.memory_space<vmem>>, vector<16xf32>,
      %get3A_2763 = arith.constant 4 : i32
      %get3A_2764 = arith.constant 30 : i32
      %get3A_2765 = arith.index_cast %get3A_2763 : i32 to index
      %get3A_2766 = arith.index_cast %get3A_2764 : i32 to index
      %get3A_2767 = arith.constant 0 : index
      %get3A_2768 = tpu.vector_load %arg8[%get3A_2765, %get3A_2766, %get3A_2767] {strides = array<i32>} : memref<5x32x16xf32, #tpu.memory_space<vmem>>, vector<16xf32>,
      %min3A_2769 = arith.minimumf %get3A_1112, %get3A_2756 : vector<16xf32>
      %max3A_2770 = arith.maximumf %get3A_1104, %get3A_2744 : vector<16xf32>
      %sub3A_2771 = arith.subf %min3A_2769, %max3A_2770 : vector<16xf32>
      %min3A_2772 = arith.minimumf %get3A_1116, %get3A_2762 : vector<16xf32>
      %max3A_2773 = arith.maximumf %get3A_1108, %get3A_2750 : vector<16xf32>
      %sub3A_2774 = arith.subf %min3A_2772, %max3A_2773 : vector<16xf32>
      %max3A_2775 = arith.constant 0.000000e+00 : f32
      %max3A_2776 = vector.broadcast %max3A_2775 : f32 to vector<16xf32>
      %max3A_2777 = arith.maximumf %sub3A_2771, %max3A_2776 : vector<16xf32>
      %max3A_2778 = arith.constant 0.000000e+00 : f32
      %max3A_2779 = vector.broadcast %max3A_2778 : f32 to vector<16xf32>
      %max3A_2780 = arith.maximumf %sub3A_2774, %max3A_2779 : vector<16xf32>
      %mul3A_2781 = arith.mulf %max3A_2777, %max3A_2780 : vector<16xf32>
      %add3A_2782 = arith.addf %mul3A_1119, %get3A_2768 : vector<16xf32>
      %sub3A_2783 = arith.subf %add3A_2782, %mul3A_2781 : vector<16xf32>
      %add3A_2784 = arith.constant 9.99999993E-9 : f32
      %add3A_2785 = vector.broadcast %add3A_2784 : f32 to vector<16xf32>
      %add3A_2786 = arith.addf %sub3A_2783, %add3A_2785 : vector<16xf32>
      %div3A_2787 = arith.divf %mul3A_2781, %add3A_2786 : vector<16xf32>
      %gt3A_2788 = arith.cmpf ogt, %div3A_2787, %select_n3A_2735 : vector<16xf32>
      %select_n3A_2789 = arith.select %gt3A_2788, %div3A_2787, %select_n3A_2735 : vector<16xi1>, vector<16xf32>
      %jit3A_2790 = arith.constant 30 : i32
      %broadcast_in_dim3A_2791 = vector.broadcast %jit3A_2790 : i32 to vector<16xi32>
      %select_n3A_2792 = arith.select %gt3A_2788, %broadcast_in_dim3A_2791, %select_n3A_2738 : vector<16xi1>, vector<16xi32>
      %get3A_2793 = arith.constant 0 : i32
      %get3A_2794 = arith.constant 31 : i32
      %get3A_2795 = arith.index_cast %get3A_2793 : i32 to index
      %get3A_2796 = arith.index_cast %get3A_2794 : i32 to index
      %get3A_2797 = arith.constant 0 : index
      %get3A_2798 = tpu.vector_load %arg8[%get3A_2795, %get3A_2796, %get3A_2797] {strides = array<i32>} : memref<5x32x16xf32, #tpu.memory_space<vmem>>, vector<16xf32>,
      %get3A_2799 = arith.constant 1 : i32
      %get3A_2800 = arith.constant 31 : i32
      %get3A_2801 = arith.index_cast %get3A_2799 : i32 to index
      %get3A_2802 = arith.index_cast %get3A_2800 : i32 to index
      %get3A_2803 = arith.constant 0 : index
      %get3A_2804 = tpu.vector_load %arg8[%get3A_2801, %get3A_2802, %get3A_2803] {strides = array<i32>} : memref<5x32x16xf32, #tpu.memory_space<vmem>>, vector<16xf32>,
      %get3A_2805 = arith.constant 2 : i32
      %get3A_2806 = arith.constant 31 : i32
      %get3A_2807 = arith.index_cast %get3A_2805 : i32 to index
      %get3A_2808 = arith.index_cast %get3A_2806 : i32 to index
      %get3A_2809 = arith.constant 0 : index
      %get3A_2810 = tpu.vector_load %arg8[%get3A_2807, %get3A_2808, %get3A_2809] {strides = array<i32>} : memref<5x32x16xf32, #tpu.memory_space<vmem>>, vector<16xf32>,
      %get3A_2811 = arith.constant 3 : i32
      %get3A_2812 = arith.constant 31 : i32
      %get3A_2813 = arith.index_cast %get3A_2811 : i32 to index
      %get3A_2814 = arith.index_cast %get3A_2812 : i32 to index
      %get3A_2815 = arith.constant 0 : index
      %get3A_2816 = tpu.vector_load %arg8[%get3A_2813, %get3A_2814, %get3A_2815] {strides = array<i32>} : memref<5x32x16xf32, #tpu.memory_space<vmem>>, vector<16xf32>,
      %get3A_2817 = arith.constant 4 : i32
      %get3A_2818 = arith.constant 31 : i32
      %get3A_2819 = arith.index_cast %get3A_2817 : i32 to index
      %get3A_2820 = arith.index_cast %get3A_2818 : i32 to index
      %get3A_2821 = arith.constant 0 : index
      %get3A_2822 = tpu.vector_load %arg8[%get3A_2819, %get3A_2820, %get3A_2821] {strides = array<i32>} : memref<5x32x16xf32, #tpu.memory_space<vmem>>, vector<16xf32>,
      %min3A_2823 = arith.minimumf %get3A_1112, %get3A_2810 : vector<16xf32>
      %max3A_2824 = arith.maximumf %get3A_1104, %get3A_2798 : vector<16xf32>
      %sub3A_2825 = arith.subf %min3A_2823, %max3A_2824 : vector<16xf32>
      %min3A_2826 = arith.minimumf %get3A_1116, %get3A_2816 : vector<16xf32>
      %max3A_2827 = arith.maximumf %get3A_1108, %get3A_2804 : vector<16xf32>
      %sub3A_2828 = arith.subf %min3A_2826, %max3A_2827 : vector<16xf32>
      %max3A_2829 = arith.constant 0.000000e+00 : f32
      %max3A_2830 = vector.broadcast %max3A_2829 : f32 to vector<16xf32>
      %max3A_2831 = arith.maximumf %sub3A_2825, %max3A_2830 : vector<16xf32>
      %max3A_2832 = arith.constant 0.000000e+00 : f32
      %max3A_2833 = vector.broadcast %max3A_2832 : f32 to vector<16xf32>
      %max3A_2834 = arith.maximumf %sub3A_2828, %max3A_2833 : vector<16xf32>
      %mul3A_2835 = arith.mulf %max3A_2831, %max3A_2834 : vector<16xf32>
      %add3A_2836 = arith.addf %mul3A_1119, %get3A_2822 : vector<16xf32>
      %sub3A_2837 = arith.subf %add3A_2836, %mul3A_2835 : vector<16xf32>
      %add3A_2838 = arith.constant 9.99999993E-9 : f32
      %add3A_2839 = vector.broadcast %add3A_2838 : f32 to vector<16xf32>
      %add3A_2840 = arith.addf %sub3A_2837, %add3A_2839 : vector<16xf32>
      %div3A_2841 = arith.divf %mul3A_2835, %add3A_2840 : vector<16xf32>
      %gt3A_2842 = arith.cmpf ogt, %div3A_2841, %select_n3A_2789 : vector<16xf32>
      %select_n3A_2843 = arith.select %gt3A_2842, %div3A_2841, %select_n3A_2789 : vector<16xi1>, vector<16xf32>
      %jit3A_2844 = arith.constant 31 : i32
      %broadcast_in_dim3A_2845 = vector.broadcast %jit3A_2844 : i32 to vector<16xi32>
      %select_n3A_2846 = arith.select %gt3A_2842, %broadcast_in_dim3A_2845, %select_n3A_2792 : vector<16xi1>, vector<16xi32>
      %swap3A_2847 = arith.index_cast %mul3A_1095 : i32 to index
      %swap3A_2848 = tpu.vector_load %arg10[%swap3A_2847] {strides = array<i32>} : memref<640xf32, #tpu.memory_space<vmem>>, vector<16xf32>,
      tpu.vector_store %arg10[%swap3A_2847], %select_n3A_2843 {strides = array<i32>} : memref<640xf32, #tpu.memory_space<vmem>>, vector<16xf32>,
      %swap3A_2849 = arith.index_cast %mul3A_1095 : i32 to index
      %swap3A_2850 = tpu.vector_load %arg11[%swap3A_2849] {strides = array<i32>} : memref<640xi32, #tpu.memory_space<vmem>>, vector<16xi32>,
      tpu.vector_store %arg11[%swap3A_2849], %select_n3A_2846 {strides = array<i32>} : memref<640xi32, #tpu.memory_space<vmem>>, vector<16xi32>,
      %gt3A_2851 = arith.constant 5.000000e-01 : f32
      %gt3A_2852 = vector.broadcast %gt3A_2851 : f32 to vector<16xf32>
      %gt3A_2853 = arith.cmpf ogt, %select_n3A_2843, %gt3A_2852 : vector<16xf32>
      %and3A_2854 = arith.andi %lt3A_1101, %gt3A_2853 : vector<16xi1>
      %lt3A_2855 = arith.constant 5.000000e-01 : f32
      %lt3A_2856 = vector.broadcast %lt3A_2855 : f32 to vector<16xf32>
      %lt3A_2857 = arith.cmpf olt, %select_n3A_2843, %lt3A_2856 : vector<16xf32>
      %and3A_2858 = arith.andi %lt3A_1101, %lt3A_2857 : vector<16xi1>
      %ge3A = arith.constant 0.000000e+00 : f32
      %ge3A_2859 = vector.broadcast %ge3A : f32 to vector<16xf32>
      %ge3A_2860 = arith.cmpf oge, %select_n3A_2843, %ge3A_2859 : vector<16xf32>
      %and3A_2861 = arith.andi %and3A_2858, %ge3A_2860 : vector<16xi1>
      %jit3A_2862 = arith.constant 1 : i32
      %jit3A_2863 = arith.constant 0 : i32
      %broadcast_in_dim3A_2864 = vector.broadcast %jit3A_2862 : i32 to vector<16xi32>
      %broadcast_in_dim3A_2865 = vector.broadcast %jit3A_2863 : i32 to vector<16xi32>
      %select_n3A_2866 = arith.select %and3A_2854, %broadcast_in_dim3A_2864, %broadcast_in_dim3A_2865 : vector<16xi1>, vector<16xi32>
      %add3A_2867 = arith.addi %scan3A_1092, %select_n3A_2866 : vector<16xi32>
      %jit3A_2868 = arith.constant 1 : i32
      %jit3A_2869 = arith.constant 0 : i32
      %broadcast_in_dim3A_2870 = vector.broadcast %jit3A_2868 : i32 to vector<16xi32>
      %broadcast_in_dim3A_2871 = vector.broadcast %jit3A_2869 : i32 to vector<16xi32>
      %select_n3A_2872 = arith.select %and3A_2861, %broadcast_in_dim3A_2870, %broadcast_in_dim3A_2871 : vector<16xi1>, vector<16xi32>
      %add3A_2873 = arith.addi %scan3A_1093, %select_n3A_2872 : vector<16xi32>
      scf.yield %add3A_2867, %add3A_2873 : vector<16xi32>, vector<16xi32>
    }
    %scan3A_143 = arith.constant 40 : i32
    %reduce_sum3A = arith.constant true
    %reduce_sum3A_144 = vector.broadcast %reduce_sum3A : i1 to vector<16xi1>
    %reduce_sum3A_145 = tpu.scan <sum>, %scan3A_142#0 masked %reduce_sum3A_144 : vector<16xi32>, vector<16xi1> -> vector<16xi32>
    %reduce_sum3A_146 = vector.extract %reduce_sum3A_145[15] : i32 from vector<16xi32>
    %reduce_sum3A_147 = arith.constant true
    %reduce_sum3A_148 = vector.broadcast %reduce_sum3A_147 : i1 to vector<16xi1>
    %reduce_sum3A_149 = tpu.scan <sum>, %scan3A_142#1 masked %reduce_sum3A_148 : vector<16xi32>, vector<16xi1> -> vector<16xi32>
    %reduce_sum3A_150 = vector.extract %reduce_sum3A_149[15] : i32 from vector<16xi32>
    %eq3A = arith.constant 7 : i32
    %eq3A_151 = arith.cmpi eq, %and3A_2, %eq3A : i32
    %jit3A = arith.constant 552 : i32
    %jit3A_152 = arith.constant 640 : i32
    %select_n3A = arith.select %eq3A_151, %jit3A, %jit3A_152 : i32
    %sub3A = arith.subi %select_n3A, %reduce_sum3A_146 : i32
    %sub3A_153 = arith.subi %sub3A, %reduce_sum3A_150 : i32
    %eq3A_154 = arith.constant 0 : i32
    %eq3A_155 = vector.broadcast %eq3A_154 : i32 to vector<16xi32>
    %eq3A_156 = arith.cmpi eq, %iota3A, %eq3A_155 : vector<16xi32>
    %jit3A_157 = arith.constant 0 : i32
    %broadcast_in_dim3A_158 = vector.broadcast %reduce_sum3A_146 : i32 to vector<16xi32>
    %broadcast_in_dim3A_159 = vector.broadcast %jit3A_157 : i32 to vector<16xi32>
    %select_n3A_160 = arith.select %eq3A_156, %broadcast_in_dim3A_158, %broadcast_in_dim3A_159 : vector<16xi1>, vector<16xi32>
    %eq3A_161 = arith.constant 1 : i32
    %eq3A_162 = vector.broadcast %eq3A_161 : i32 to vector<16xi32>
    %eq3A_163 = arith.cmpi eq, %iota3A, %eq3A_162 : vector<16xi32>
    %jit3A_164 = arith.constant 0 : i32
    %broadcast_in_dim3A_165 = vector.broadcast %reduce_sum3A_150 : i32 to vector<16xi32>
    %broadcast_in_dim3A_166 = vector.broadcast %jit3A_164 : i32 to vector<16xi32>
    %select_n3A_167 = arith.select %eq3A_163, %broadcast_in_dim3A_165, %broadcast_in_dim3A_166 : vector<16xi1>, vector<16xi32>
    %add3A_168 = arith.addi %select_n3A_160, %select_n3A_167 : vector<16xi32>
    %eq3A_169 = arith.constant 2 : i32
    %eq3A_170 = vector.broadcast %eq3A_169 : i32 to vector<16xi32>
    %eq3A_171 = arith.cmpi eq, %iota3A, %eq3A_170 : vector<16xi32>
    %jit3A_172 = arith.constant 0 : i32
    %broadcast_in_dim3A_173 = vector.broadcast %sub3A_153 : i32 to vector<16xi32>
    %broadcast_in_dim3A_174 = vector.broadcast %jit3A_172 : i32 to vector<16xi32>
    %select_n3A_175 = arith.select %eq3A_171, %broadcast_in_dim3A_173, %broadcast_in_dim3A_174 : vector<16xi1>, vector<16xi32>
    %add3A_176 = arith.addi %add3A_168, %select_n3A_175 : vector<16xi32>
    %swap3A = arith.constant 0 : index
    %swap3A_177 = tpu.vector_load %arg14[%swap3A] {strides = array<i32>} : memref<16xi32, #tpu.memory_space<vmem>>, vector<16xi32>,
    tpu.vector_store %arg14[%swap3A], %add3A_176 {strides = array<i32>} : memref<16xi32, #tpu.memory_space<vmem>>, vector<16xi32>,
    %mul3A_178 = arith.constant 16 : i32
    %mul3A_179 = arith.muli %arg1, %mul3A_178 : i32
    "tpu.region"() ({
      %run_scoped3A = tpu.sem_alloc : memref<!tpu.dma_semaphore, #tpu.memory_space<semaphore_mem>>
      %dma_start3A_1091 = tpu.memref_slice %arg18[%mul3A_179] : memref<256xi32, #tpu.memory_space<vmem_shared>> -> memref<16xi32, #tpu.memory_space<vmem_shared>>
      %dma_start3A_1092 = tpu.memref_slice %arg18[%mul3A_179] : memref<256xi32, #tpu.memory_space<vmem_shared>> -> memref<16xi32, #tpu.memory_space<vmem_shared>>
      tpu.enqueue_dma source(%arg14 : memref<16xi32, #tpu.memory_space<vmem>>) target(%dma_start3A_1092 : memref<16xi32, #tpu.memory_space<vmem_shared>>) target_semaphore(%run_scoped3A : memref<!tpu.dma_semaphore, #tpu.memory_space<semaphore_mem>>)
      %dma_wait3A_1093 = tpu.memref_slice %arg18[%mul3A_179] : memref<256xi32, #tpu.memory_space<vmem_shared>> -> memref<16xi32, #tpu.memory_space<vmem_shared>>
      %dma_wait3A_1094 = tpu.memref_slice %arg18[%mul3A_179] : memref<256xi32, #tpu.memory_space<vmem_shared>> -> memref<16xi32, #tpu.memory_space<vmem_shared>>
      tpu.wait_dma2 semaphore(%run_scoped3A : memref<!tpu.dma_semaphore, #tpu.memory_space<semaphore_mem>>) src(%arg14 : memref<16xi32, #tpu.memory_space<vmem>>) dst(%dma_wait3A_1094 : memref<16xi32, #tpu.memory_space<vmem_shared>>)
      tpu.yield
    }) : () -> ()
    %barrier3A = arith.constant 0 : index
    tpu.barrier barrier_id(%barrier3A)
    "tpu.region"() ({
      %run_scoped3A = tpu.sem_alloc : memref<!tpu.dma_semaphore, #tpu.memory_space<semaphore_mem>>
      tpu.enqueue_dma source(%arg18 : memref<256xi32, #tpu.memory_space<vmem_shared>>) target(%arg15 : memref<256xi32, #tpu.memory_space<vmem>>) target_semaphore(%run_scoped3A : memref<!tpu.dma_semaphore, #tpu.memory_space<semaphore_mem>>)
      tpu.wait_dma2 semaphore(%run_scoped3A : memref<!tpu.dma_semaphore, #tpu.memory_space<semaphore_mem>>) src(%arg18 : memref<256xi32, #tpu.memory_space<vmem_shared>>) dst(%arg15 : memref<256xi32, #tpu.memory_space<vmem>>)
      tpu.yield
    }) : () -> ()
    %mul3A_180 = arith.constant 8 : i32
    %mul3A_181 = arith.muli %mul3A_180, %shift_right_arithmetic3A_0 : i32
    %add3A_182 = vector.broadcast %mul3A_181 : i32 to vector<16xi32>
    %add3A_183 = arith.addi %add3A_182, %iota3A : vector<16xi32>
    %min3A = arith.constant 15 : i32
    %min3A_184 = vector.broadcast %min3A : i32 to vector<16xi32>
    %min3A_185 = arith.minsi %add3A_183, %min3A_184 : vector<16xi32>
    %lt3A = arith.constant 8 : i32
    %lt3A_186 = vector.broadcast %lt3A : i32 to vector<16xi32>
    %lt3A_187 = arith.cmpi slt, %iota3A, %lt3A_186 : vector<16xi32>
    %lt3A_188 = vector.broadcast %and3A_2 : i32 to vector<16xi32>
    %lt3A_189 = arith.cmpi slt, %iota3A, %lt3A_188 : vector<16xi32>
    %mul3A_190 = arith.constant 16 : i32
    %mul3A_191 = vector.broadcast %mul3A_190 : i32 to vector<16xi32>
    %mul3A_192 = arith.muli %min3A_185, %mul3A_191 : vector<16xi32>
    %add3A_193 = arith.constant 0 : i32
    %add3A_194 = vector.broadcast %add3A_193 : i32 to vector<16xi32>
    %add3A_195 = arith.addi %mul3A_192, %add3A_194 : vector<16xi32>
    %gather3A = tpu.vector_load_idx %arg15[%add3A_195] : memref<256xi32, #tpu.memory_space<vmem>>[vector<16xi32>], vector<16xi32>,
    %jit3A_196 = arith.constant 0 : i32
    %broadcast_in_dim3A_197 = vector.broadcast %jit3A_196 : i32 to vector<16xi32>
    %select_n3A_198 = arith.select %lt3A_187, %gather3A, %broadcast_in_dim3A_197 : vector<16xi1>, vector<16xi32>
    %reduce_sum3A_199 = arith.constant true
    %reduce_sum3A_200 = vector.broadcast %reduce_sum3A_199 : i1 to vector<16xi1>
    %reduce_sum3A_201 = tpu.scan <sum>, %select_n3A_198 masked %reduce_sum3A_200 : vector<16xi32>, vector<16xi1> -> vector<16xi32>
    %reduce_sum3A_202 = vector.extract %reduce_sum3A_201[15] : i32 from vector<16xi32>
    %jit3A_203 = arith.constant 0 : i32
    %broadcast_in_dim3A_204 = vector.broadcast %jit3A_203 : i32 to vector<16xi32>
    %select_n3A_205 = arith.select %lt3A_189, %gather3A, %broadcast_in_dim3A_204 : vector<16xi1>, vector<16xi32>
    %reduce_sum3A_206 = arith.constant true
    %reduce_sum3A_207 = vector.broadcast %reduce_sum3A_206 : i1 to vector<16xi1>
    %reduce_sum3A_208 = tpu.scan <sum>, %select_n3A_205 masked %reduce_sum3A_207 : vector<16xi32>, vector<16xi1> -> vector<16xi32>
    %reduce_sum3A_209 = vector.extract %reduce_sum3A_208[15] : i32 from vector<16xi32>
    %broadcast_in_dim3A_210 = arith.constant true
    %broadcast_in_dim3A_211 = vector.broadcast %broadcast_in_dim3A_210 : i1 to vector<16xi1>
    %masked_cumsum3A = tpu.scan <sum>, %select_n3A_198 masked %broadcast_in_dim3A_211 : vector<16xi32>, vector<16xi1> -> vector<16xi32>
    %sub3A_212 = arith.subi %masked_cumsum3A, %select_n3A_198 : vector<16xi32>
    %mul3A_213 = arith.constant 16 : i32
    %mul3A_214 = vector.broadcast %mul3A_213 : i32 to vector<16xi32>
    %mul3A_215 = arith.muli %min3A_185, %mul3A_214 : vector<16xi32>
    %add3A_216 = arith.constant 1 : i32
    %add3A_217 = vector.broadcast %add3A_216 : i32 to vector<16xi32>
    %add3A_218 = arith.addi %mul3A_215, %add3A_217 : vector<16xi32>
    %gather3A_219 = tpu.vector_load_idx %arg15[%add3A_218] : memref<256xi32, #tpu.memory_space<vmem>>[vector<16xi32>], vector<16xi32>,
    %jit3A_220 = arith.constant 0 : i32
    %broadcast_in_dim3A_221 = vector.broadcast %jit3A_220 : i32 to vector<16xi32>
    %select_n3A_222 = arith.select %lt3A_187, %gather3A_219, %broadcast_in_dim3A_221 : vector<16xi1>, vector<16xi32>
    %reduce_sum3A_223 = arith.constant true
    %reduce_sum3A_224 = vector.broadcast %reduce_sum3A_223 : i1 to vector<16xi1>
    %reduce_sum3A_225 = tpu.scan <sum>, %select_n3A_222 masked %reduce_sum3A_224 : vector<16xi32>, vector<16xi1> -> vector<16xi32>
    %reduce_sum3A_226 = vector.extract %reduce_sum3A_225[15] : i32 from vector<16xi32>
    %jit3A_227 = arith.constant 0 : i32
    %broadcast_in_dim3A_228 = vector.broadcast %jit3A_227 : i32 to vector<16xi32>
    %select_n3A_229 = arith.select %lt3A_189, %gather3A_219, %broadcast_in_dim3A_228 : vector<16xi1>, vector<16xi32>
    %reduce_sum3A_230 = arith.constant true
    %reduce_sum3A_231 = vector.broadcast %reduce_sum3A_230 : i1 to vector<16xi1>
    %reduce_sum3A_232 = tpu.scan <sum>, %select_n3A_229 masked %reduce_sum3A_231 : vector<16xi32>, vector<16xi1> -> vector<16xi32>
    %reduce_sum3A_233 = vector.extract %reduce_sum3A_232[15] : i32 from vector<16xi32>
    %broadcast_in_dim3A_234 = arith.constant true
    %broadcast_in_dim3A_235 = vector.broadcast %broadcast_in_dim3A_234 : i1 to vector<16xi1>
    %masked_cumsum3A_236 = tpu.scan <sum>, %select_n3A_222 masked %broadcast_in_dim3A_235 : vector<16xi32>, vector<16xi1> -> vector<16xi32>
    %sub3A_237 = arith.subi %masked_cumsum3A_236, %select_n3A_222 : vector<16xi32>
    %mul3A_238 = arith.constant 16 : i32
    %mul3A_239 = vector.broadcast %mul3A_238 : i32 to vector<16xi32>
    %mul3A_240 = arith.muli %min3A_185, %mul3A_239 : vector<16xi32>
    %add3A_241 = arith.constant 2 : i32
    %add3A_242 = vector.broadcast %add3A_241 : i32 to vector<16xi32>
    %add3A_243 = arith.addi %mul3A_240, %add3A_242 : vector<16xi32>
    %gather3A_244 = tpu.vector_load_idx %arg15[%add3A_243] : memref<256xi32, #tpu.memory_space<vmem>>[vector<16xi32>], vector<16xi32>,
    %jit3A_245 = arith.constant 0 : i32
    %broadcast_in_dim3A_246 = vector.broadcast %jit3A_245 : i32 to vector<16xi32>
    %select_n3A_247 = arith.select %lt3A_187, %gather3A_244, %broadcast_in_dim3A_246 : vector<16xi1>, vector<16xi32>
    %reduce_sum3A_248 = arith.constant true
    %reduce_sum3A_249 = vector.broadcast %reduce_sum3A_248 : i1 to vector<16xi1>
    %reduce_sum3A_250 = tpu.scan <sum>, %select_n3A_247 masked %reduce_sum3A_249 : vector<16xi32>, vector<16xi1> -> vector<16xi32>
    %reduce_sum3A_251 = vector.extract %reduce_sum3A_250[15] : i32 from vector<16xi32>
    %jit3A_252 = arith.constant 0 : i32
    %broadcast_in_dim3A_253 = vector.broadcast %jit3A_252 : i32 to vector<16xi32>
    %select_n3A_254 = arith.select %lt3A_189, %gather3A_244, %broadcast_in_dim3A_253 : vector<16xi1>, vector<16xi32>
    %reduce_sum3A_255 = arith.constant true
    %reduce_sum3A_256 = vector.broadcast %reduce_sum3A_255 : i1 to vector<16xi1>
    %reduce_sum3A_257 = tpu.scan <sum>, %select_n3A_254 masked %reduce_sum3A_256 : vector<16xi32>, vector<16xi1> -> vector<16xi32>
    %reduce_sum3A_258 = vector.extract %reduce_sum3A_257[15] : i32 from vector<16xi32>
    %broadcast_in_dim3A_259 = arith.constant true
    %broadcast_in_dim3A_260 = vector.broadcast %broadcast_in_dim3A_259 : i1 to vector<16xi1>
    %masked_cumsum3A_261 = tpu.scan <sum>, %select_n3A_247 masked %broadcast_in_dim3A_260 : vector<16xi32>, vector<16xi1> -> vector<16xi32>
    %sub3A_262 = arith.subi %masked_cumsum3A_261, %select_n3A_247 : vector<16xi32>
    %min3A_263 = arith.constant 64 : i32
    %min3A_264 = arith.minsi %reduce_sum3A_202, %min3A_263 : i32
    %sub3A_265 = arith.constant 256 : i32
    %sub3A_266 = arith.subi %sub3A_265, %min3A_264 : i32
    %min3A_267 = arith.minsi %reduce_sum3A_226, %sub3A_266 : i32
    %sub3A_268 = arith.constant 256 : i32
    %sub3A_269 = arith.subi %sub3A_268, %min3A_264 : i32
    %sub3A_270 = arith.subi %sub3A_269, %min3A_267 : i32
    %min3A_271 = arith.minsi %reduce_sum3A_251, %sub3A_270 : i32
    %add3A_272 = arith.addi %min3A_264, %min3A_267 : i32
    %add3A_273 = arith.addi %min3A_264, %min3A_267 : i32
    %add3A_274 = arith.addi %add3A_273, %min3A_271 : i32
    %mul3A_275 = arith.constant 640 : i32
    %mul3A_276 = arith.muli %mul3A_275, %and3A_2 : i32
    %min3A_277 = arith.minsi %min3A_264, %reduce_sum3A_209 : i32
    %sub3A_278 = arith.subi %mul3A_276, %min3A_277 : i32
    %min3A_279 = arith.minsi %min3A_267, %reduce_sum3A_233 : i32
    %sub3A_280 = arith.subi %sub3A_278, %min3A_279 : i32
    %min3A_281 = arith.minsi %sub3A_270, %reduce_sum3A_258 : i32
    %sub3A_282 = arith.subi %sub3A_280, %min3A_281 : i32
    %mul3A_283 = arith.constant 640 : i32
    %mul3A_284 = vector.broadcast %mul3A_283 : i32 to vector<16xi32>
    %mul3A_285 = arith.muli %mul3A_284, %iota3A : vector<16xi32>
    %min3A_286 = vector.broadcast %min3A_264 : i32 to vector<16xi32>
    %min3A_287 = arith.minsi %min3A_286, %sub3A_212 : vector<16xi32>
    %sub3A_288 = arith.subi %mul3A_285, %min3A_287 : vector<16xi32>
    %min3A_289 = vector.broadcast %min3A_267 : i32 to vector<16xi32>
    %min3A_290 = arith.minsi %min3A_289, %sub3A_237 : vector<16xi32>
    %sub3A_291 = arith.subi %sub3A_288, %min3A_290 : vector<16xi32>
    %min3A_292 = vector.broadcast %sub3A_270 : i32 to vector<16xi32>
    %min3A_293 = arith.minsi %min3A_292, %sub3A_262 : vector<16xi32>
    %sub3A_294 = arith.subi %sub3A_291, %min3A_293 : vector<16xi32>
    %swap3A_295 = arith.constant 0 : index
    %swap3A_296 = tpu.vector_load %arg13[%swap3A_295] {strides = array<i32>} : memref<64xi32, #tpu.memory_space<vmem>>, vector<16xi32>,
    tpu.vector_store %arg13[%swap3A_295], %sub3A_212 {strides = array<i32>} : memref<64xi32, #tpu.memory_space<vmem>>, vector<16xi32>,
    %swap3A_297 = arith.constant 16 : index
    %swap3A_298 = tpu.vector_load %arg13[%swap3A_297] {strides = array<i32>} : memref<64xi32, #tpu.memory_space<vmem>>, vector<16xi32>,
    tpu.vector_store %arg13[%swap3A_297], %sub3A_237 {strides = array<i32>} : memref<64xi32, #tpu.memory_space<vmem>>, vector<16xi32>,
    %swap3A_299 = arith.constant 32 : index
    %swap3A_300 = tpu.vector_load %arg13[%swap3A_299] {strides = array<i32>} : memref<64xi32, #tpu.memory_space<vmem>>, vector<16xi32>,
    tpu.vector_store %arg13[%swap3A_299], %sub3A_262 {strides = array<i32>} : memref<64xi32, #tpu.memory_space<vmem>>, vector<16xi32>,
    %swap3A_301 = arith.constant 48 : index
    %swap3A_302 = tpu.vector_load %arg13[%swap3A_301] {strides = array<i32>} : memref<64xi32, #tpu.memory_space<vmem>>, vector<16xi32>,
    tpu.vector_store %arg13[%swap3A_301], %sub3A_294 {strides = array<i32>} : memref<64xi32, #tpu.memory_space<vmem>>, vector<16xi32>,
    %scan3A_303 = arith.constant 0 : i32
    %scan3A_304 = arith.constant 0 : i32
    %scan3A_305 = arith.constant 0 : i32
    %scan3A_306 = arith.constant 0 : i32
    %scan3A_307 = arith.constant 0 : i32
    %scan3A_308 = arith.constant 40 : i32
    %scan3A_309 = arith.addi %scan3A_307, %scan3A_308 : i32
    %scan3A_310 = arith.constant 1 : i32
    %scan3A_311:4 = scf.for %scan3A_1091 = %scan3A_307 to %scan3A_309 step %scan3A_310 iter_args(%scan3A_1092 = %scan3A_303, %scan3A_1093 = %scan3A_304, %scan3A_1094 = %scan3A_305, %scan3A_1095 = %scan3A_306) -> (i32, i32, i32, i32)  : i32 {
      %mul3A_1096 = arith.constant 16 : i32
      %mul3A_1097 = arith.muli %scan3A_1091, %mul3A_1096 : i32
      %add3A_1098 = arith.addi %mul3A_4, %mul3A_1097 : i32
      %add3A_1099 = vector.broadcast %add3A_1098 : i32 to vector<16xi32>
      %add3A_1100 = arith.addi %add3A_1099, %iota3A : vector<16xi32>
      %lt3A_1101 = arith.constant 5032 : i32
      %lt3A_1102 = vector.broadcast %lt3A_1101 : i32 to vector<16xi32>
      %lt3A_1103 = arith.cmpi slt, %add3A_1100, %lt3A_1102 : vector<16xi32>
      %get3A = arith.index_cast %mul3A_1097 : i32 to index
      %get3A_1104 = tpu.vector_load %arg10[%get3A] {strides = array<i32>} : memref<640xf32, #tpu.memory_space<vmem>>, vector<16xf32>,
      %get3A_1105 = arith.index_cast %mul3A_1097 : i32 to index
      %get3A_1106 = tpu.vector_load %arg11[%get3A_1105] {strides = array<i32>} : memref<640xi32, #tpu.memory_space<vmem>>, vector<16xi32>,
      %gt3A = arith.constant 5.000000e-01 : f32
      %gt3A_1107 = vector.broadcast %gt3A : f32 to vector<16xf32>
      %gt3A_1108 = arith.cmpf ogt, %get3A_1104, %gt3A_1107 : vector<16xf32>
      %and3A_1109 = arith.andi %lt3A_1103, %gt3A_1108 : vector<16xi1>
      %lt3A_1110 = arith.constant 5.000000e-01 : f32
      %lt3A_1111 = vector.broadcast %lt3A_1110 : f32 to vector<16xf32>
      %lt3A_1112 = arith.cmpf olt, %get3A_1104, %lt3A_1111 : vector<16xf32>
      %and3A_1113 = arith.andi %lt3A_1103, %lt3A_1112 : vector<16xi1>
      %ge3A = arith.constant 0.000000e+00 : f32
      %ge3A_1114 = vector.broadcast %ge3A : f32 to vector<16xf32>
      %ge3A_1115 = arith.cmpf oge, %get3A_1104, %ge3A_1114 : vector<16xf32>
      %and3A_1116 = arith.andi %and3A_1113, %ge3A_1115 : vector<16xi1>
      %or3A_1117 = arith.ori %and3A_1109, %and3A_1116 : vector<16xi1>
      %not3A_1118 = arith.constant dense<true> : vector<16xi1>
      %not3A_1119 = arith.xori %or3A_1117, %not3A_1118 : vector<16xi1>
      %and3A_1120 = arith.andi %lt3A_1103, %not3A_1119 : vector<16xi1>
      %jit3A_1121 = arith.constant 1 : i32
      %jit3A_1122 = arith.constant 0 : i32
      %broadcast_in_dim3A_1123 = vector.broadcast %jit3A_1121 : i32 to vector<16xi32>
      %broadcast_in_dim3A_1124 = vector.broadcast %jit3A_1122 : i32 to vector<16xi32>
      %select_n3A_1125 = arith.select %and3A_1109, %broadcast_in_dim3A_1123, %broadcast_in_dim3A_1124 : vector<16xi1>, vector<16xi32>
      %broadcast_in_dim3A_1126 = arith.constant true
      %broadcast_in_dim3A_1127 = vector.broadcast %broadcast_in_dim3A_1126 : i1 to vector<16xi1>
      %masked_cumsum3A_1128 = tpu.scan <sum>, %select_n3A_1125 masked %broadcast_in_dim3A_1127 : vector<16xi32>, vector<16xi1> -> vector<16xi32>
      %jit3A_1129 = arith.constant 1 : i32
      %jit3A_1130 = arith.constant 0 : i32
      %broadcast_in_dim3A_1131 = vector.broadcast %jit3A_1129 : i32 to vector<16xi32>
      %broadcast_in_dim3A_1132 = vector.broadcast %jit3A_1130 : i32 to vector<16xi32>
      %select_n3A_1133 = arith.select %and3A_1116, %broadcast_in_dim3A_1131, %broadcast_in_dim3A_1132 : vector<16xi1>, vector<16xi32>
      %broadcast_in_dim3A_1134 = arith.constant true
      %broadcast_in_dim3A_1135 = vector.broadcast %broadcast_in_dim3A_1134 : i1 to vector<16xi1>
      %masked_cumsum3A_1136 = tpu.scan <sum>, %select_n3A_1133 masked %broadcast_in_dim3A_1135 : vector<16xi32>, vector<16xi1> -> vector<16xi32>
      %jit3A_1137 = arith.constant 1 : i32
      %jit3A_1138 = arith.constant 0 : i32
      %broadcast_in_dim3A_1139 = vector.broadcast %jit3A_1137 : i32 to vector<16xi32>
      %broadcast_in_dim3A_1140 = vector.broadcast %jit3A_1138 : i32 to vector<16xi32>
      %select_n3A_1141 = arith.select %and3A_1120, %broadcast_in_dim3A_1139, %broadcast_in_dim3A_1140 : vector<16xi1>, vector<16xi32>
      %broadcast_in_dim3A_1142 = arith.constant true
      %broadcast_in_dim3A_1143 = vector.broadcast %broadcast_in_dim3A_1142 : i1 to vector<16xi1>
      %masked_cumsum3A_1144 = tpu.scan <sum>, %select_n3A_1141 masked %broadcast_in_dim3A_1143 : vector<16xi32>, vector<16xi1> -> vector<16xi32>
      %add3A_1145 = vector.broadcast %scan3A_1092 : i32 to vector<16xi32>
      %add3A_1146 = arith.addi %add3A_1145, %masked_cumsum3A_1128 : vector<16xi32>
      %sub3A_1147 = arith.constant 1 : i32
      %sub3A_1148 = vector.broadcast %sub3A_1147 : i32 to vector<16xi32>
      %sub3A_1149 = arith.subi %add3A_1146, %sub3A_1148 : vector<16xi32>
      %add3A_1150 = vector.broadcast %scan3A_1093 : i32 to vector<16xi32>
      %add3A_1151 = arith.addi %add3A_1150, %masked_cumsum3A_1136 : vector<16xi32>
      %sub3A_1152 = arith.constant 1 : i32
      %sub3A_1153 = vector.broadcast %sub3A_1152 : i32 to vector<16xi32>
      %sub3A_1154 = arith.subi %add3A_1151, %sub3A_1153 : vector<16xi32>
      %add3A_1155 = vector.broadcast %scan3A_1094 : i32 to vector<16xi32>
      %add3A_1156 = arith.addi %add3A_1155, %masked_cumsum3A_1144 : vector<16xi32>
      %sub3A_1157 = arith.constant 1 : i32
      %sub3A_1158 = vector.broadcast %sub3A_1157 : i32 to vector<16xi32>
      %sub3A_1159 = arith.subi %add3A_1156, %sub3A_1158 : vector<16xi32>
      %add3A_1160 = vector.broadcast %reduce_sum3A_209 : i32 to vector<16xi32>
      %add3A_1161 = arith.addi %add3A_1160, %sub3A_1149 : vector<16xi32>
      %lt3A_1162 = vector.broadcast %min3A_264 : i32 to vector<16xi32>
      %lt3A_1163 = arith.cmpi slt, %add3A_1161, %lt3A_1162 : vector<16xi32>
      %and3A_1164 = arith.andi %and3A_1109, %lt3A_1163 : vector<16xi1>
      %add3A_1165 = vector.broadcast %reduce_sum3A_233 : i32 to vector<16xi32>
      %add3A_1166 = arith.addi %add3A_1165, %sub3A_1154 : vector<16xi32>
      %lt3A_1167 = vector.broadcast %min3A_267 : i32 to vector<16xi32>
      %lt3A_1168 = arith.cmpi slt, %add3A_1166, %lt3A_1167 : vector<16xi32>
      %and3A_1169 = arith.andi %and3A_1116, %lt3A_1168 : vector<16xi1>
      %add3A_1170 = vector.broadcast %reduce_sum3A_258 : i32 to vector<16xi32>
      %add3A_1171 = arith.addi %add3A_1170, %sub3A_1159 : vector<16xi32>
      %lt3A_1172 = vector.broadcast %sub3A_270 : i32 to vector<16xi32>
      %lt3A_1173 = arith.cmpi slt, %add3A_1171, %lt3A_1172 : vector<16xi32>
      %and3A_1174 = arith.andi %and3A_1120, %lt3A_1173 : vector<16xi1>
      %or3A_1175 = arith.ori %and3A_1164, %and3A_1169 : vector<16xi1>
      %or3A_1176 = arith.ori %or3A_1175, %and3A_1174 : vector<16xi1>
      %not3A_1177 = arith.constant dense<true> : vector<16xi1>
      %not3A_1178 = arith.xori %or3A_1176, %not3A_1177 : vector<16xi1>
      %and3A_1179 = arith.andi %lt3A_1103, %not3A_1178 : vector<16xi1>
      %jit3A_1180 = arith.constant 1 : i32
      %jit3A_1181 = arith.constant 0 : i32
      %broadcast_in_dim3A_1182 = vector.broadcast %jit3A_1180 : i32 to vector<16xi32>
      %broadcast_in_dim3A_1183 = vector.broadcast %jit3A_1181 : i32 to vector<16xi32>
      %select_n3A_1184 = arith.select %and3A_1179, %broadcast_in_dim3A_1182, %broadcast_in_dim3A_1183 : vector<16xi1>, vector<16xi32>
      %broadcast_in_dim3A_1185 = arith.constant true
      %broadcast_in_dim3A_1186 = vector.broadcast %broadcast_in_dim3A_1185 : i1 to vector<16xi1>
      %masked_cumsum3A_1187 = tpu.scan <sum>, %select_n3A_1184 masked %broadcast_in_dim3A_1186 : vector<16xi32>, vector<16xi1> -> vector<16xi32>
      %add3A_1188 = vector.broadcast %scan3A_1095 : i32 to vector<16xi32>
      %add3A_1189 = arith.addi %add3A_1188, %masked_cumsum3A_1187 : vector<16xi32>
      %sub3A_1190 = arith.constant 1 : i32
      %sub3A_1191 = vector.broadcast %sub3A_1190 : i32 to vector<16xi32>
      %sub3A_1192 = arith.subi %add3A_1189, %sub3A_1191 : vector<16xi32>
      %add3A_1193 = arith.addi %add3A_274, %sub3A_282 : i32
      %add3A_1194 = vector.broadcast %add3A_1193 : i32 to vector<16xi32>
      %add3A_1195 = arith.addi %add3A_1194, %sub3A_1192 : vector<16xi32>
      %lt3A_1196 = arith.constant 256 : i32
      %lt3A_1197 = vector.broadcast %lt3A_1196 : i32 to vector<16xi32>
      %lt3A_1198 = arith.cmpi slt, %add3A_1195, %lt3A_1197 : vector<16xi32>
      %and3A_1199 = arith.andi %and3A_1179, %lt3A_1198 : vector<16xi1>
      %or3A_1200 = arith.ori %and3A_1164, %and3A_1169 : vector<16xi1>
      %or3A_1201 = arith.ori %or3A_1200, %and3A_1174 : vector<16xi1>
      %or3A_1202 = arith.ori %or3A_1201, %and3A_1199 : vector<16xi1>
      %add3A_1203 = arith.constant 0 : i32
      %add3A_1204 = vector.broadcast %add3A_1203 : i32 to vector<16xi32>
      %add3A_1205 = arith.addi %add3A_1204, %sub3A_1149 : vector<16xi32>
      %add3A_1206 = arith.constant 64 : i32
      %add3A_1207 = vector.broadcast %add3A_1206 : i32 to vector<16xi32>
      %add3A_1208 = arith.addi %add3A_1207, %sub3A_1154 : vector<16xi32>
      %add3A_1209 = arith.constant 320 : i32
      %add3A_1210 = vector.broadcast %add3A_1209 : i32 to vector<16xi32>
      %add3A_1211 = arith.addi %add3A_1210, %sub3A_1159 : vector<16xi32>
      %add3A_1212 = arith.constant 576 : i32
      %add3A_1213 = vector.broadcast %add3A_1212 : i32 to vector<16xi32>
      %add3A_1214 = arith.addi %add3A_1213, %sub3A_1192 : vector<16xi32>
      %select_n3A_1215 = arith.select %and3A_1174, %add3A_1211, %add3A_1214 : vector<16xi1>, vector<16xi32>
      %select_n3A_1216 = arith.select %and3A_1169, %add3A_1208, %select_n3A_1215 : vector<16xi1>, vector<16xi32>
      %select_n3A_1217 = arith.select %and3A_1164, %add3A_1205, %select_n3A_1216 : vector<16xi1>, vector<16xi32>
      %mul3A_1218 = arith.constant 16 : i32
      %mul3A_1219 = vector.broadcast %mul3A_1218 : i32 to vector<16xi32>
      %mul3A_1220 = arith.muli %select_n3A_1217, %mul3A_1219 : vector<16xi32>
      %get3A_1221 = arith.constant 0 : i32
      %get3A_1222 = arith.index_cast %get3A_1221 : i32 to index
      %get3A_1223 = arith.index_cast %mul3A_1097 : i32 to index
      %get3A_1224 = tpu.vector_load %arg6[%get3A_1222, %get3A_1223] {strides = array<i32>} : memref<4x640xf32, #tpu.memory_space<vmem>>, vector<16xf32>,
      %get3A_1225 = arith.constant 1 : i32
      %get3A_1226 = arith.index_cast %get3A_1225 : i32 to index
      %get3A_1227 = arith.index_cast %mul3A_1097 : i32 to index
      %get3A_1228 = tpu.vector_load %arg6[%get3A_1226, %get3A_1227] {strides = array<i32>} : memref<4x640xf32, #tpu.memory_space<vmem>>, vector<16xf32>,
      %get3A_1229 = arith.constant 2 : i32
      %get3A_1230 = arith.index_cast %get3A_1229 : i32 to index
      %get3A_1231 = arith.index_cast %mul3A_1097 : i32 to index
      %get3A_1232 = tpu.vector_load %arg6[%get3A_1230, %get3A_1231] {strides = array<i32>} : memref<4x640xf32, #tpu.memory_space<vmem>>, vector<16xf32>,
      %get3A_1233 = arith.constant 3 : i32
      %get3A_1234 = arith.index_cast %get3A_1233 : i32 to index
      %get3A_1235 = arith.index_cast %mul3A_1097 : i32 to index
      %get3A_1236 = tpu.vector_load %arg6[%get3A_1234, %get3A_1235] {strides = array<i32>} : memref<4x640xf32, #tpu.memory_space<vmem>>, vector<16xf32>,
      %gather3A_1237 = tpu.vector_load_idx %arg7[%get3A_1106] : memref<128xf32, #tpu.memory_space<vmem>>[vector<16xi32>], vector<16xf32>,
      %add3A_1238 = arith.constant 32 : i32
      %add3A_1239 = vector.broadcast %add3A_1238 : i32 to vector<16xi32>
      %add3A_1240 = arith.addi %get3A_1106, %add3A_1239 : vector<16xi32>
      %gather3A_1241 = tpu.vector_load_idx %arg7[%add3A_1240] : memref<128xf32, #tpu.memory_space<vmem>>[vector<16xi32>], vector<16xf32>,
      %add3A_1242 = arith.constant 64 : i32
      %add3A_1243 = vector.broadcast %add3A_1242 : i32 to vector<16xi32>
      %add3A_1244 = arith.addi %get3A_1106, %add3A_1243 : vector<16xi32>
      %gather3A_1245 = tpu.vector_load_idx %arg7[%add3A_1244] : memref<128xf32, #tpu.memory_space<vmem>>[vector<16xi32>], vector<16xf32>,
      %add3A_1246 = arith.constant 96 : i32
      %add3A_1247 = vector.broadcast %add3A_1246 : i32 to vector<16xi32>
      %add3A_1248 = arith.addi %get3A_1106, %add3A_1247 : vector<16xi32>
      %gather3A_1249 = tpu.vector_load_idx %arg7[%add3A_1248] : memref<128xf32, #tpu.memory_space<vmem>>[vector<16xi32>], vector<16xf32>,
      %gather3A_1250 = tpu.vector_load_idx %arg9[%get3A_1106] : memref<32xi32, #tpu.memory_space<vmem>>[vector<16xi32>], vector<16xi32>,
      %lt3A_1251 = arith.constant 5.000000e-01 : f32
      %lt3A_1252 = vector.broadcast %lt3A_1251 : f32 to vector<16xf32>
      %lt3A_1253 = arith.cmpf olt, %get3A_1104, %lt3A_1252 : vector<16xf32>
      %add3A_1254 = arith.constant 1 : i32
      %add3A_1255 = vector.broadcast %add3A_1254 : i32 to vector<16xi32>
      %add3A_1256 = arith.addi %add3A_1255, %gather3A_1250 : vector<16xi32>
      %eq3A_1257 = arith.constant 0 : i32
      %eq3A_1258 = vector.broadcast %eq3A_1257 : i32 to vector<16xi32>
      %eq3A_1259 = arith.cmpi eq, %add3A_1256, %eq3A_1258 : vector<16xi32>
      %or3A_1260 = arith.ori %lt3A_1253, %eq3A_1259 : vector<16xi1>
      %jit3A_1261 = arith.constant 0 : i32
      %jit3A_1262 = arith.constant 1 : i32
      %broadcast_in_dim3A_1263 = vector.broadcast %jit3A_1261 : i32 to vector<16xi32>
      %broadcast_in_dim3A_1264 = vector.broadcast %jit3A_1262 : i32 to vector<16xi32>
      %select_n3A_1265 = arith.select %or3A_1260, %broadcast_in_dim3A_1263, %broadcast_in_dim3A_1264 : vector<16xi1>, vector<16xi32>
      %convert_element_type3A = arith.sitofp %select_n3A_1265 : vector<16xi32> to vector<16xf32>
      %sub3A_1266 = arith.subf %get3A_1232, %get3A_1224 : vector<16xf32>
      %add3A_1267 = arith.constant 9.99999993E-9 : f32
      %add3A_1268 = vector.broadcast %add3A_1267 : f32 to vector<16xf32>
      %add3A_1269 = arith.addf %sub3A_1266, %add3A_1268 : vector<16xf32>
      %sub3A_1270 = arith.subf %get3A_1236, %get3A_1228 : vector<16xf32>
      %add3A_1271 = arith.constant 9.99999993E-9 : f32
      %add3A_1272 = vector.broadcast %add3A_1271 : f32 to vector<16xf32>
      %add3A_1273 = arith.addf %sub3A_1270, %add3A_1272 : vector<16xf32>
      %mul3A_1274 = arith.constant 5.000000e-01 : f32
      %mul3A_1275 = vector.broadcast %mul3A_1274 : f32 to vector<16xf32>
      %mul3A_1276 = arith.mulf %mul3A_1275, %add3A_1269 : vector<16xf32>
      %add3A_1277 = arith.addf %get3A_1224, %mul3A_1276 : vector<16xf32>
      %mul3A_1278 = arith.constant 5.000000e-01 : f32
      %mul3A_1279 = vector.broadcast %mul3A_1278 : f32 to vector<16xf32>
      %mul3A_1280 = arith.mulf %mul3A_1279, %add3A_1273 : vector<16xf32>
      %add3A_1281 = arith.addf %get3A_1228, %mul3A_1280 : vector<16xf32>
      %sub3A_1282 = arith.subf %gather3A_1245, %gather3A_1237 : vector<16xf32>
      %add3A_1283 = arith.constant 9.99999993E-9 : f32
      %add3A_1284 = vector.broadcast %add3A_1283 : f32 to vector<16xf32>
      %add3A_1285 = arith.addf %sub3A_1282, %add3A_1284 : vector<16xf32>
      %sub3A_1286 = arith.subf %gather3A_1249, %gather3A_1241 : vector<16xf32>
      %add3A_1287 = arith.constant 9.99999993E-9 : f32
      %add3A_1288 = vector.broadcast %add3A_1287 : f32 to vector<16xf32>
      %add3A_1289 = arith.addf %sub3A_1286, %add3A_1288 : vector<16xf32>
      %mul3A_1290 = arith.constant 5.000000e-01 : f32
      %mul3A_1291 = vector.broadcast %mul3A_1290 : f32 to vector<16xf32>
      %mul3A_1292 = arith.mulf %mul3A_1291, %add3A_1285 : vector<16xf32>
      %add3A_1293 = arith.addf %gather3A_1237, %mul3A_1292 : vector<16xf32>
      %mul3A_1294 = arith.constant 5.000000e-01 : f32
      %mul3A_1295 = vector.broadcast %mul3A_1294 : f32 to vector<16xf32>
      %mul3A_1296 = arith.mulf %mul3A_1295, %add3A_1289 : vector<16xf32>
      %add3A_1297 = arith.addf %gather3A_1241, %mul3A_1296 : vector<16xf32>
      %sub3A_1298 = arith.subf %add3A_1293, %add3A_1277 : vector<16xf32>
      %div3A = arith.divf %sub3A_1298, %add3A_1269 : vector<16xf32>
      %sub3A_1299 = arith.subf %add3A_1297, %add3A_1281 : vector<16xf32>
      %div3A_1300 = arith.divf %sub3A_1299, %add3A_1273 : vector<16xf32>
      %div3A_1301 = arith.divf %add3A_1285, %add3A_1269 : vector<16xf32>
      %bitcast_convert_type3A = tpu.bitcast %div3A_1301 : vector<16xf32> -> vector<16xi32>
      %shift_right_arithmetic3A_1302 = arith.constant 23 : i32
      %shift_right_arithmetic3A_1303 = vector.broadcast %shift_right_arithmetic3A_1302 : i32 to vector<16xi32>
      %shift_right_arithmetic3A_1304 = arith.shrsi %bitcast_convert_type3A, %shift_right_arithmetic3A_1303 : vector<16xi32>
      %and3A_1305 = arith.constant 255 : i32
      %and3A_1306 = vector.broadcast %and3A_1305 : i32 to vector<16xi32>
      %and3A_1307 = arith.andi %shift_right_arithmetic3A_1304, %and3A_1306 : vector<16xi32>
      %sub3A_1308 = arith.constant 127 : i32
      %sub3A_1309 = vector.broadcast %sub3A_1308 : i32 to vector<16xi32>
      %sub3A_1310 = arith.subi %and3A_1307, %sub3A_1309 : vector<16xi32>
      %and3A_1311 = arith.constant 8388607 : i32
      %and3A_1312 = vector.broadcast %and3A_1311 : i32 to vector<16xi32>
      %and3A_1313 = arith.andi %bitcast_convert_type3A, %and3A_1312 : vector<16xi32>
      %or3A_1314 = arith.constant 1065353216 : i32
      %or3A_1315 = vector.broadcast %or3A_1314 : i32 to vector<16xi32>
      %or3A_1316 = arith.ori %and3A_1313, %or3A_1315 : vector<16xi32>
      %bitcast_convert_type3A_1317 = tpu.bitcast %or3A_1316 : vector<16xi32> -> vector<16xf32>
      %gt3A_1318 = arith.constant 1.41421354 : f32
      %gt3A_1319 = vector.broadcast %gt3A_1318 : f32 to vector<16xf32>
      %gt3A_1320 = arith.cmpf ogt, %bitcast_convert_type3A_1317, %gt3A_1319 : vector<16xf32>
      %mul3A_1321 = arith.constant 5.000000e-01 : f32
      %mul3A_1322 = vector.broadcast %mul3A_1321 : f32 to vector<16xf32>
      %mul3A_1323 = arith.mulf %bitcast_convert_type3A_1317, %mul3A_1322 : vector<16xf32>
      %select_n3A_1324 = arith.select %gt3A_1320, %mul3A_1323, %bitcast_convert_type3A_1317 : vector<16xi1>, vector<16xf32>
      %jit3A_1325 = arith.constant 1 : i32
      %jit3A_1326 = arith.constant 0 : i32
      %broadcast_in_dim3A_1327 = vector.broadcast %jit3A_1325 : i32 to vector<16xi32>
      %broadcast_in_dim3A_1328 = vector.broadcast %jit3A_1326 : i32 to vector<16xi32>
      %select_n3A_1329 = arith.select %gt3A_1320, %broadcast_in_dim3A_1327, %broadcast_in_dim3A_1328 : vector<16xi1>, vector<16xi32>
      %add3A_1330 = arith.addi %sub3A_1310, %select_n3A_1329 : vector<16xi32>
      %sub3A_1331 = arith.constant 1.000000e+00 : f32
      %sub3A_1332 = vector.broadcast %sub3A_1331 : f32 to vector<16xf32>
      %sub3A_1333 = arith.subf %select_n3A_1324, %sub3A_1332 : vector<16xf32>
      %add3A_1334 = arith.constant 1.000000e+00 : f32
      %add3A_1335 = vector.broadcast %add3A_1334 : f32 to vector<16xf32>
      %add3A_1336 = arith.addf %select_n3A_1324, %add3A_1335 : vector<16xf32>
      %div3A_1337 = arith.divf %sub3A_1333, %add3A_1336 : vector<16xf32>
      %mul3A_1338 = arith.mulf %div3A_1337, %div3A_1337 : vector<16xf32>
      %mul3A_1339 = arith.constant 0.181818187 : f32
      %mul3A_1340 = vector.broadcast %mul3A_1339 : f32 to vector<16xf32>
      %mul3A_1341 = arith.mulf %mul3A_1338, %mul3A_1340 : vector<16xf32>
      %add3A_1342 = arith.constant 0.222222224 : f32
      %add3A_1343 = vector.broadcast %add3A_1342 : f32 to vector<16xf32>
      %add3A_1344 = arith.addf %add3A_1343, %mul3A_1341 : vector<16xf32>
      %mul3A_1345 = arith.mulf %mul3A_1338, %add3A_1344 : vector<16xf32>
      %add3A_1346 = arith.constant 0.285714298 : f32
      %add3A_1347 = vector.broadcast %add3A_1346 : f32 to vector<16xf32>
      %add3A_1348 = arith.addf %add3A_1347, %mul3A_1345 : vector<16xf32>
      %mul3A_1349 = arith.mulf %mul3A_1338, %add3A_1348 : vector<16xf32>
      %add3A_1350 = arith.constant 4.000000e-01 : f32
      %add3A_1351 = vector.broadcast %add3A_1350 : f32 to vector<16xf32>
      %add3A_1352 = arith.addf %add3A_1351, %mul3A_1349 : vector<16xf32>
      %mul3A_1353 = arith.mulf %mul3A_1338, %add3A_1352 : vector<16xf32>
      %add3A_1354 = arith.constant 0.666666686 : f32
      %add3A_1355 = vector.broadcast %add3A_1354 : f32 to vector<16xf32>
      %add3A_1356 = arith.addf %add3A_1355, %mul3A_1353 : vector<16xf32>
      %mul3A_1357 = arith.mulf %mul3A_1338, %add3A_1356 : vector<16xf32>
      %add3A_1358 = arith.constant 2.000000e+00 : f32
      %add3A_1359 = vector.broadcast %add3A_1358 : f32 to vector<16xf32>
      %add3A_1360 = arith.addf %add3A_1359, %mul3A_1357 : vector<16xf32>
      %convert_element_type3A_1361 = arith.sitofp %add3A_1330 : vector<16xi32> to vector<16xf32>
      %mul3A_1362 = arith.constant 0.693147182 : f32
      %mul3A_1363 = vector.broadcast %mul3A_1362 : f32 to vector<16xf32>
      %mul3A_1364 = arith.mulf %convert_element_type3A_1361, %mul3A_1363 : vector<16xf32>
      %mul3A_1365 = arith.mulf %div3A_1337, %add3A_1360 : vector<16xf32>
      %add3A_1366 = arith.addf %mul3A_1364, %mul3A_1365 : vector<16xf32>
      %div3A_1367 = arith.divf %add3A_1289, %add3A_1273 : vector<16xf32>
      %bitcast_convert_type3A_1368 = tpu.bitcast %div3A_1367 : vector<16xf32> -> vector<16xi32>
      %shift_right_arithmetic3A_1369 = arith.constant 23 : i32
      %shift_right_arithmetic3A_1370 = vector.broadcast %shift_right_arithmetic3A_1369 : i32 to vector<16xi32>
      %shift_right_arithmetic3A_1371 = arith.shrsi %bitcast_convert_type3A_1368, %shift_right_arithmetic3A_1370 : vector<16xi32>
      %and3A_1372 = arith.constant 255 : i32
      %and3A_1373 = vector.broadcast %and3A_1372 : i32 to vector<16xi32>
      %and3A_1374 = arith.andi %shift_right_arithmetic3A_1371, %and3A_1373 : vector<16xi32>
      %sub3A_1375 = arith.constant 127 : i32
      %sub3A_1376 = vector.broadcast %sub3A_1375 : i32 to vector<16xi32>
      %sub3A_1377 = arith.subi %and3A_1374, %sub3A_1376 : vector<16xi32>
      %and3A_1378 = arith.constant 8388607 : i32
      %and3A_1379 = vector.broadcast %and3A_1378 : i32 to vector<16xi32>
      %and3A_1380 = arith.andi %bitcast_convert_type3A_1368, %and3A_1379 : vector<16xi32>
      %or3A_1381 = arith.constant 1065353216 : i32
      %or3A_1382 = vector.broadcast %or3A_1381 : i32 to vector<16xi32>
      %or3A_1383 = arith.ori %and3A_1380, %or3A_1382 : vector<16xi32>
      %bitcast_convert_type3A_1384 = tpu.bitcast %or3A_1383 : vector<16xi32> -> vector<16xf32>
      %gt3A_1385 = arith.constant 1.41421354 : f32
      %gt3A_1386 = vector.broadcast %gt3A_1385 : f32 to vector<16xf32>
      %gt3A_1387 = arith.cmpf ogt, %bitcast_convert_type3A_1384, %gt3A_1386 : vector<16xf32>
      %mul3A_1388 = arith.constant 5.000000e-01 : f32
      %mul3A_1389 = vector.broadcast %mul3A_1388 : f32 to vector<16xf32>
      %mul3A_1390 = arith.mulf %bitcast_convert_type3A_1384, %mul3A_1389 : vector<16xf32>
      %select_n3A_1391 = arith.select %gt3A_1387, %mul3A_1390, %bitcast_convert_type3A_1384 : vector<16xi1>, vector<16xf32>
      %jit3A_1392 = arith.constant 1 : i32
      %jit3A_1393 = arith.constant 0 : i32
      %broadcast_in_dim3A_1394 = vector.broadcast %jit3A_1392 : i32 to vector<16xi32>
      %broadcast_in_dim3A_1395 = vector.broadcast %jit3A_1393 : i32 to vector<16xi32>
      %select_n3A_1396 = arith.select %gt3A_1387, %broadcast_in_dim3A_1394, %broadcast_in_dim3A_1395 : vector<16xi1>, vector<16xi32>
      %add3A_1397 = arith.addi %sub3A_1377, %select_n3A_1396 : vector<16xi32>
      %sub3A_1398 = arith.constant 1.000000e+00 : f32
      %sub3A_1399 = vector.broadcast %sub3A_1398 : f32 to vector<16xf32>
      %sub3A_1400 = arith.subf %select_n3A_1391, %sub3A_1399 : vector<16xf32>
      %add3A_1401 = arith.constant 1.000000e+00 : f32
      %add3A_1402 = vector.broadcast %add3A_1401 : f32 to vector<16xf32>
      %add3A_1403 = arith.addf %select_n3A_1391, %add3A_1402 : vector<16xf32>
      %div3A_1404 = arith.divf %sub3A_1400, %add3A_1403 : vector<16xf32>
      %mul3A_1405 = arith.mulf %div3A_1404, %div3A_1404 : vector<16xf32>
      %mul3A_1406 = arith.constant 0.181818187 : f32
      %mul3A_1407 = vector.broadcast %mul3A_1406 : f32 to vector<16xf32>
      %mul3A_1408 = arith.mulf %mul3A_1405, %mul3A_1407 : vector<16xf32>
      %add3A_1409 = arith.constant 0.222222224 : f32
      %add3A_1410 = vector.broadcast %add3A_1409 : f32 to vector<16xf32>
      %add3A_1411 = arith.addf %add3A_1410, %mul3A_1408 : vector<16xf32>
      %mul3A_1412 = arith.mulf %mul3A_1405, %add3A_1411 : vector<16xf32>
      %add3A_1413 = arith.constant 0.285714298 : f32
      %add3A_1414 = vector.broadcast %add3A_1413 : f32 to vector<16xf32>
      %add3A_1415 = arith.addf %add3A_1414, %mul3A_1412 : vector<16xf32>
      %mul3A_1416 = arith.mulf %mul3A_1405, %add3A_1415 : vector<16xf32>
      %add3A_1417 = arith.constant 4.000000e-01 : f32
      %add3A_1418 = vector.broadcast %add3A_1417 : f32 to vector<16xf32>
      %add3A_1419 = arith.addf %add3A_1418, %mul3A_1416 : vector<16xf32>
      %mul3A_1420 = arith.mulf %mul3A_1405, %add3A_1419 : vector<16xf32>
      %add3A_1421 = arith.constant 0.666666686 : f32
      %add3A_1422 = vector.broadcast %add3A_1421 : f32 to vector<16xf32>
      %add3A_1423 = arith.addf %add3A_1422, %mul3A_1420 : vector<16xf32>
      %mul3A_1424 = arith.mulf %mul3A_1405, %add3A_1423 : vector<16xf32>
      %add3A_1425 = arith.constant 2.000000e+00 : f32
      %add3A_1426 = vector.broadcast %add3A_1425 : f32 to vector<16xf32>
      %add3A_1427 = arith.addf %add3A_1426, %mul3A_1424 : vector<16xf32>
      %convert_element_type3A_1428 = arith.sitofp %add3A_1397 : vector<16xi32> to vector<16xf32>
      %mul3A_1429 = arith.constant 0.693147182 : f32
      %mul3A_1430 = vector.broadcast %mul3A_1429 : f32 to vector<16xf32>
      %mul3A_1431 = arith.mulf %convert_element_type3A_1428, %mul3A_1430 : vector<16xf32>
      %mul3A_1432 = arith.mulf %div3A_1404, %add3A_1427 : vector<16xf32>
      %add3A_1433 = arith.addf %mul3A_1431, %mul3A_1432 : vector<16xf32>
      %sub3A_1434 = arith.subf %get3A_1236, %get3A_1228 : vector<16xf32>
      %mul3A_1435 = arith.constant 5.000000e-01 : f32
      %mul3A_1436 = vector.broadcast %mul3A_1435 : f32 to vector<16xf32>
      %mul3A_1437 = arith.mulf %mul3A_1436, %sub3A_1434 : vector<16xf32>
      %add3A_1438 = arith.addf %get3A_1228, %mul3A_1437 : vector<16xf32>
      %mul3A_1439 = arith.constant 0.001953125 : f32
      %mul3A_1440 = vector.broadcast %mul3A_1439 : f32 to vector<16xf32>
      %mul3A_1441 = arith.mulf %add3A_1438, %mul3A_1440 : vector<16xf32>
      %broadcast_in_dim3A_1442 = arith.constant 0.000000e+00 : f32
      %broadcast_in_dim3A_1443 = vector.broadcast %broadcast_in_dim3A_1442 : f32 to vector<16xf32>
      %mul3A_1444 = arith.mulf %div3A, %convert_element_type3A : vector<16xf32>
      %mul3A_1445 = arith.mulf %div3A_1300, %convert_element_type3A : vector<16xf32>
      %mul3A_1446 = arith.mulf %add3A_1366, %convert_element_type3A : vector<16xf32>
      %mul3A_1447 = arith.mulf %add3A_1433, %convert_element_type3A : vector<16xf32>
      %add3A_1448 = arith.constant 0 : i32
      %add3A_1449 = vector.broadcast %add3A_1448 : i32 to vector<16xi32>
      %add3A_1450 = arith.addi %mul3A_1220, %add3A_1449 : vector<16xi32>
      tpu.vector_store_idx %arg12[%add3A_1450], %get3A_1224 masked %or3A_1202 : memref<13312xf32, #tpu.memory_space<vmem>>[vector<16xi32>], vector<16xf32>, vector<16xi1>
      %add3A_1451 = arith.constant 1 : i32
      %add3A_1452 = vector.broadcast %add3A_1451 : i32 to vector<16xi32>
      %add3A_1453 = arith.addi %mul3A_1220, %add3A_1452 : vector<16xi32>
      tpu.vector_store_idx %arg12[%add3A_1453], %get3A_1228 masked %or3A_1202 : memref<13312xf32, #tpu.memory_space<vmem>>[vector<16xi32>], vector<16xf32>, vector<16xi1>
      %add3A_1454 = arith.constant 2 : i32
      %add3A_1455 = vector.broadcast %add3A_1454 : i32 to vector<16xi32>
      %add3A_1456 = arith.addi %mul3A_1220, %add3A_1455 : vector<16xi32>
      tpu.vector_store_idx %arg12[%add3A_1456], %get3A_1232 masked %or3A_1202 : memref<13312xf32, #tpu.memory_space<vmem>>[vector<16xi32>], vector<16xf32>, vector<16xi1>
      %add3A_1457 = arith.constant 3 : i32
      %add3A_1458 = vector.broadcast %add3A_1457 : i32 to vector<16xi32>
      %add3A_1459 = arith.addi %mul3A_1220, %add3A_1458 : vector<16xi32>
      tpu.vector_store_idx %arg12[%add3A_1459], %get3A_1236 masked %or3A_1202 : memref<13312xf32, #tpu.memory_space<vmem>>[vector<16xi32>], vector<16xf32>, vector<16xi1>
      %add3A_1460 = arith.constant 4 : i32
      %add3A_1461 = vector.broadcast %add3A_1460 : i32 to vector<16xi32>
      %add3A_1462 = arith.addi %mul3A_1220, %add3A_1461 : vector<16xi32>
      tpu.vector_store_idx %arg12[%add3A_1462], %broadcast_in_dim3A_1443 masked %or3A_1202 : memref<13312xf32, #tpu.memory_space<vmem>>[vector<16xi32>], vector<16xf32>, vector<16xi1>
      %add3A_1463 = arith.constant 5 : i32
      %add3A_1464 = vector.broadcast %add3A_1463 : i32 to vector<16xi32>
      %add3A_1465 = arith.addi %mul3A_1220, %add3A_1464 : vector<16xi32>
      tpu.vector_store_idx %arg12[%add3A_1465], %broadcast_in_dim3A_1443 masked %or3A_1202 : memref<13312xf32, #tpu.memory_space<vmem>>[vector<16xi32>], vector<16xf32>, vector<16xi1>
      %add3A_1466 = arith.constant 6 : i32
      %add3A_1467 = vector.broadcast %add3A_1466 : i32 to vector<16xi32>
      %add3A_1468 = arith.addi %mul3A_1220, %add3A_1467 : vector<16xi32>
      tpu.vector_store_idx %arg12[%add3A_1468], %broadcast_in_dim3A_1443 masked %or3A_1202 : memref<13312xf32, #tpu.memory_space<vmem>>[vector<16xi32>], vector<16xf32>, vector<16xi1>
      %add3A_1469 = arith.constant 7 : i32
      %add3A_1470 = vector.broadcast %add3A_1469 : i32 to vector<16xi32>
      %add3A_1471 = arith.addi %mul3A_1220, %add3A_1470 : vector<16xi32>
      tpu.vector_store_idx %arg12[%add3A_1471], %broadcast_in_dim3A_1443 masked %or3A_1202 : memref<13312xf32, #tpu.memory_space<vmem>>[vector<16xi32>], vector<16xf32>, vector<16xi1>
      %add3A_1472 = arith.constant 8 : i32
      %add3A_1473 = vector.broadcast %add3A_1472 : i32 to vector<16xi32>
      %add3A_1474 = arith.addi %mul3A_1220, %add3A_1473 : vector<16xi32>
      tpu.vector_store_idx %arg12[%add3A_1474], %mul3A_1444 masked %or3A_1202 : memref<13312xf32, #tpu.memory_space<vmem>>[vector<16xi32>], vector<16xf32>, vector<16xi1>
      %add3A_1475 = arith.constant 9 : i32
      %add3A_1476 = vector.broadcast %add3A_1475 : i32 to vector<16xi32>
      %add3A_1477 = arith.addi %mul3A_1220, %add3A_1476 : vector<16xi32>
      tpu.vector_store_idx %arg12[%add3A_1477], %mul3A_1445 masked %or3A_1202 : memref<13312xf32, #tpu.memory_space<vmem>>[vector<16xi32>], vector<16xf32>, vector<16xi1>
      %add3A_1478 = arith.constant 10 : i32
      %add3A_1479 = vector.broadcast %add3A_1478 : i32 to vector<16xi32>
      %add3A_1480 = arith.addi %mul3A_1220, %add3A_1479 : vector<16xi32>
      tpu.vector_store_idx %arg12[%add3A_1480], %mul3A_1446 masked %or3A_1202 : memref<13312xf32, #tpu.memory_space<vmem>>[vector<16xi32>], vector<16xf32>, vector<16xi1>
      %add3A_1481 = arith.constant 11 : i32
      %add3A_1482 = vector.broadcast %add3A_1481 : i32 to vector<16xi32>
      %add3A_1483 = arith.addi %mul3A_1220, %add3A_1482 : vector<16xi32>
      tpu.vector_store_idx %arg12[%add3A_1483], %mul3A_1447 masked %or3A_1202 : memref<13312xf32, #tpu.memory_space<vmem>>[vector<16xi32>], vector<16xf32>, vector<16xi1>
      %add3A_1484 = arith.constant 12 : i32
      %add3A_1485 = vector.broadcast %add3A_1484 : i32 to vector<16xi32>
      %add3A_1486 = arith.addi %mul3A_1220, %add3A_1485 : vector<16xi32>
      tpu.vector_store_idx %arg12[%add3A_1486], %convert_element_type3A masked %or3A_1202 : memref<13312xf32, #tpu.memory_space<vmem>>[vector<16xi32>], vector<16xf32>, vector<16xi1>
      %add3A_1487 = arith.constant 13 : i32
      %add3A_1488 = vector.broadcast %add3A_1487 : i32 to vector<16xi32>
      %add3A_1489 = arith.addi %mul3A_1220, %add3A_1488 : vector<16xi32>
      tpu.vector_store_idx %arg12[%add3A_1489], %mul3A_1441 masked %or3A_1202 : memref<13312xf32, #tpu.memory_space<vmem>>[vector<16xi32>], vector<16xf32>, vector<16xi1>
      %slice3A_1490 = vector.extract_strided_slice %masked_cumsum3A_1128 {offsets = [15], sizes = [1], strides = [1]} : vector<16xi32> to vector<1xi32>
      %squeeze3A_1491 = vector.extract %slice3A_1490[0] : i32 from vector<1xi32>
      %add3A_1492 = arith.addi %scan3A_1092, %squeeze3A_1491 : i32
      %slice3A_1493 = vector.extract_strided_slice %masked_cumsum3A_1136 {offsets = [15], sizes = [1], strides = [1]} : vector<16xi32> to vector<1xi32>
      %squeeze3A_1494 = vector.extract %slice3A_1493[0] : i32 from vector<1xi32>
      %add3A_1495 = arith.addi %scan3A_1093, %squeeze3A_1494 : i32
      %slice3A_1496 = vector.extract_strided_slice %masked_cumsum3A_1144 {offsets = [15], sizes = [1], strides = [1]} : vector<16xi32> to vector<1xi32>
      %squeeze3A_1497 = vector.extract %slice3A_1496[0] : i32 from vector<1xi32>
      %add3A_1498 = arith.addi %scan3A_1094, %squeeze3A_1497 : i32
      %slice3A_1499 = vector.extract_strided_slice %masked_cumsum3A_1187 {offsets = [15], sizes = [1], strides = [1]} : vector<16xi32> to vector<1xi32>
      %squeeze3A_1500 = vector.extract %slice3A_1499[0] : i32 from vector<1xi32>
      %add3A_1501 = arith.addi %scan3A_1095, %squeeze3A_1500 : i32
      scf.yield %add3A_1492, %add3A_1495, %add3A_1498, %add3A_1501 : i32, i32, i32, i32
    }
    %scan3A_312 = arith.constant 40 : i32
    %mul3A_313 = arith.constant 13312 : i32
    %mul3A_314 = arith.muli %arg1, %mul3A_313 : i32
    "tpu.region"() ({
      %run_scoped3A = tpu.sem_alloc : memref<!tpu.dma_semaphore, #tpu.memory_space<semaphore_mem>>
      %dma_start3A_1091 = tpu.memref_slice %arg19[%mul3A_314] : memref<212992xf32, #tpu.memory_space<vmem_shared>> -> memref<13312xf32, #tpu.memory_space<vmem_shared>>
      %dma_start3A_1092 = tpu.memref_slice %arg19[%mul3A_314] : memref<212992xf32, #tpu.memory_space<vmem_shared>> -> memref<13312xf32, #tpu.memory_space<vmem_shared>>
      tpu.enqueue_dma source(%arg12 : memref<13312xf32, #tpu.memory_space<vmem>>) target(%dma_start3A_1092 : memref<13312xf32, #tpu.memory_space<vmem_shared>>) target_semaphore(%run_scoped3A : memref<!tpu.dma_semaphore, #tpu.memory_space<semaphore_mem>>)
      %dma_wait3A_1093 = tpu.memref_slice %arg19[%mul3A_314] : memref<212992xf32, #tpu.memory_space<vmem_shared>> -> memref<13312xf32, #tpu.memory_space<vmem_shared>>
      %dma_wait3A_1094 = tpu.memref_slice %arg19[%mul3A_314] : memref<212992xf32, #tpu.memory_space<vmem_shared>> -> memref<13312xf32, #tpu.memory_space<vmem_shared>>
      tpu.wait_dma2 semaphore(%run_scoped3A : memref<!tpu.dma_semaphore, #tpu.memory_space<semaphore_mem>>) src(%arg12 : memref<13312xf32, #tpu.memory_space<vmem>>) dst(%dma_wait3A_1094 : memref<13312xf32, #tpu.memory_space<vmem_shared>>)
      tpu.yield
    }) : () -> ()
    %barrier3A_315 = arith.constant 0 : index
    tpu.barrier barrier_id(%barrier3A_315)
    %mul3A_316 = arith.constant 32 : i32
    %mul3A_317 = arith.muli %arg1, %mul3A_316 : i32
    %add3A_318 = vector.broadcast %mul3A_317 : i32 to vector<16xi32>
    %add3A_319 = arith.addi %add3A_318, %iota3A : vector<16xi32>
    %add3A_320 = arith.constant 0 : i32
    %add3A_321 = vector.broadcast %add3A_320 : i32 to vector<16xi32>
    %add3A_322 = arith.addi %add3A_319, %add3A_321 : vector<16xi32>
    %mul3A_323 = arith.constant 256 : i32
    %mul3A_324 = arith.muli %shift_right_arithmetic3A_0, %mul3A_323 : i32
    %sub3A_325 = vector.broadcast %mul3A_324 : i32 to vector<16xi32>
    %sub3A_326 = arith.subi %add3A_322, %sub3A_325 : vector<16xi32>
    %lt3A_327 = vector.broadcast %min3A_264 : i32 to vector<16xi32>
    %lt3A_328 = arith.cmpi slt, %sub3A_326, %lt3A_327 : vector<16xi32>
    %not3A = arith.constant dense<true> : vector<16xi1>
    %not3A_329 = arith.xori %lt3A_328, %not3A : vector<16xi1>
    %lt3A_330 = vector.broadcast %add3A_272 : i32 to vector<16xi32>
    %lt3A_331 = arith.cmpi slt, %sub3A_326, %lt3A_330 : vector<16xi32>
    %and3A_332 = arith.andi %not3A_329, %lt3A_331 : vector<16xi1>
    %or3A = arith.ori %lt3A_328, %and3A_332 : vector<16xi1>
    %not3A_333 = arith.constant dense<true> : vector<16xi1>
    %not3A_334 = arith.xori %or3A, %not3A_333 : vector<16xi1>
    %lt3A_335 = vector.broadcast %add3A_274 : i32 to vector<16xi32>
    %lt3A_336 = arith.cmpi slt, %sub3A_326, %lt3A_335 : vector<16xi32>
    %and3A_337 = arith.andi %not3A_334, %lt3A_336 : vector<16xi1>
    %broadcast_in_dim3A_338 = vector.broadcast %add3A_272 : i32 to vector<16xi32>
    %broadcast_in_dim3A_339 = vector.broadcast %add3A_274 : i32 to vector<16xi32>
    %select_n3A_340 = arith.select %and3A_337, %broadcast_in_dim3A_338, %broadcast_in_dim3A_339 : vector<16xi1>, vector<16xi32>
    %broadcast_in_dim3A_341 = vector.broadcast %min3A_264 : i32 to vector<16xi32>
    %select_n3A_342 = arith.select %and3A_332, %broadcast_in_dim3A_341, %select_n3A_340 : vector<16xi1>, vector<16xi32>
    %jit3A_343 = arith.constant 0 : i32
    %broadcast_in_dim3A_344 = vector.broadcast %jit3A_343 : i32 to vector<16xi32>
    %select_n3A_345 = arith.select %lt3A_328, %broadcast_in_dim3A_344, %select_n3A_342 : vector<16xi1>, vector<16xi32>
    %sub3A_346 = arith.subi %sub3A_326, %select_n3A_345 : vector<16xi32>
    %jit3A_347 = arith.constant 32 : i32
    %jit3A_348 = arith.constant 48 : i32
    %broadcast_in_dim3A_349 = vector.broadcast %jit3A_347 : i32 to vector<16xi32>
    %broadcast_in_dim3A_350 = vector.broadcast %jit3A_348 : i32 to vector<16xi32>
    %select_n3A_351 = arith.select %and3A_337, %broadcast_in_dim3A_349, %broadcast_in_dim3A_350 : vector<16xi1>, vector<16xi32>
    %jit3A_352 = arith.constant 16 : i32
    %broadcast_in_dim3A_353 = vector.broadcast %jit3A_352 : i32 to vector<16xi32>
    %select_n3A_354 = arith.select %and3A_332, %broadcast_in_dim3A_353, %select_n3A_351 : vector<16xi1>, vector<16xi32>
    %jit3A_355 = arith.constant 0 : i32
    %broadcast_in_dim3A_356 = vector.broadcast %jit3A_355 : i32 to vector<16xi32>
    %select_n3A_357 = arith.select %lt3A_328, %broadcast_in_dim3A_356, %select_n3A_354 : vector<16xi1>, vector<16xi32>
    %jit3A_358 = arith.constant 320 : i32
    %jit3A_359 = arith.constant 576 : i32
    %broadcast_in_dim3A_360 = vector.broadcast %jit3A_358 : i32 to vector<16xi32>
    %broadcast_in_dim3A_361 = vector.broadcast %jit3A_359 : i32 to vector<16xi32>
    %select_n3A_362 = arith.select %and3A_337, %broadcast_in_dim3A_360, %broadcast_in_dim3A_361 : vector<16xi1>, vector<16xi32>
    %jit3A_363 = arith.constant 64 : i32
    %broadcast_in_dim3A_364 = vector.broadcast %jit3A_363 : i32 to vector<16xi32>
    %select_n3A_365 = arith.select %and3A_332, %broadcast_in_dim3A_364, %select_n3A_362 : vector<16xi1>, vector<16xi32>
    %jit3A_366 = arith.constant 0 : i32
    %broadcast_in_dim3A_367 = vector.broadcast %jit3A_366 : i32 to vector<16xi32>
    %select_n3A_368 = arith.select %lt3A_328, %broadcast_in_dim3A_367, %select_n3A_365 : vector<16xi1>, vector<16xi32>
    %add3A_369 = arith.constant 1 : i32
    %add3A_370 = vector.broadcast %add3A_369 : i32 to vector<16xi32>
    %add3A_371 = arith.addi %select_n3A_357, %add3A_370 : vector<16xi32>
    %gather3A_372 = tpu.vector_load_idx %arg13[%add3A_371] : memref<64xi32, #tpu.memory_space<vmem>>[vector<16xi32>], vector<16xi32>,
    %le3A = arith.cmpi sle, %gather3A_372, %sub3A_346 : vector<16xi32>
    %jit3A_373 = arith.constant 1 : i32
    %jit3A_374 = arith.constant 0 : i32
    %broadcast_in_dim3A_375 = vector.broadcast %jit3A_373 : i32 to vector<16xi32>
    %broadcast_in_dim3A_376 = vector.broadcast %jit3A_374 : i32 to vector<16xi32>
    %select_n3A_377 = arith.select %le3A, %broadcast_in_dim3A_375, %broadcast_in_dim3A_376 : vector<16xi1>, vector<16xi32>
    %add3A_378 = arith.addi %broadcast_in_dim3A_7, %select_n3A_377 : vector<16xi32>
    %add3A_379 = arith.constant 2 : i32
    %add3A_380 = vector.broadcast %add3A_379 : i32 to vector<16xi32>
    %add3A_381 = arith.addi %select_n3A_357, %add3A_380 : vector<16xi32>
    %gather3A_382 = tpu.vector_load_idx %arg13[%add3A_381] : memref<64xi32, #tpu.memory_space<vmem>>[vector<16xi32>], vector<16xi32>,
    %le3A_383 = arith.cmpi sle, %gather3A_382, %sub3A_346 : vector<16xi32>
    %jit3A_384 = arith.constant 1 : i32
    %jit3A_385 = arith.constant 0 : i32
    %broadcast_in_dim3A_386 = vector.broadcast %jit3A_384 : i32 to vector<16xi32>
    %broadcast_in_dim3A_387 = vector.broadcast %jit3A_385 : i32 to vector<16xi32>
    %select_n3A_388 = arith.select %le3A_383, %broadcast_in_dim3A_386, %broadcast_in_dim3A_387 : vector<16xi1>, vector<16xi32>
    %add3A_389 = arith.addi %add3A_378, %select_n3A_388 : vector<16xi32>
    %add3A_390 = arith.constant 3 : i32
    %add3A_391 = vector.broadcast %add3A_390 : i32 to vector<16xi32>
    %add3A_392 = arith.addi %select_n3A_357, %add3A_391 : vector<16xi32>
    %gather3A_393 = tpu.vector_load_idx %arg13[%add3A_392] : memref<64xi32, #tpu.memory_space<vmem>>[vector<16xi32>], vector<16xi32>,
    %le3A_394 = arith.cmpi sle, %gather3A_393, %sub3A_346 : vector<16xi32>
    %jit3A_395 = arith.constant 1 : i32
    %jit3A_396 = arith.constant 0 : i32
    %broadcast_in_dim3A_397 = vector.broadcast %jit3A_395 : i32 to vector<16xi32>
    %broadcast_in_dim3A_398 = vector.broadcast %jit3A_396 : i32 to vector<16xi32>
    %select_n3A_399 = arith.select %le3A_394, %broadcast_in_dim3A_397, %broadcast_in_dim3A_398 : vector<16xi1>, vector<16xi32>
    %add3A_400 = arith.addi %add3A_389, %select_n3A_399 : vector<16xi32>
    %add3A_401 = arith.constant 4 : i32
    %add3A_402 = vector.broadcast %add3A_401 : i32 to vector<16xi32>
    %add3A_403 = arith.addi %select_n3A_357, %add3A_402 : vector<16xi32>
    %gather3A_404 = tpu.vector_load_idx %arg13[%add3A_403] : memref<64xi32, #tpu.memory_space<vmem>>[vector<16xi32>], vector<16xi32>,
    %le3A_405 = arith.cmpi sle, %gather3A_404, %sub3A_346 : vector<16xi32>
    %jit3A_406 = arith.constant 1 : i32
    %jit3A_407 = arith.constant 0 : i32
    %broadcast_in_dim3A_408 = vector.broadcast %jit3A_406 : i32 to vector<16xi32>
    %broadcast_in_dim3A_409 = vector.broadcast %jit3A_407 : i32 to vector<16xi32>
    %select_n3A_410 = arith.select %le3A_405, %broadcast_in_dim3A_408, %broadcast_in_dim3A_409 : vector<16xi1>, vector<16xi32>
    %add3A_411 = arith.addi %add3A_400, %select_n3A_410 : vector<16xi32>
    %add3A_412 = arith.constant 5 : i32
    %add3A_413 = vector.broadcast %add3A_412 : i32 to vector<16xi32>
    %add3A_414 = arith.addi %select_n3A_357, %add3A_413 : vector<16xi32>
    %gather3A_415 = tpu.vector_load_idx %arg13[%add3A_414] : memref<64xi32, #tpu.memory_space<vmem>>[vector<16xi32>], vector<16xi32>,
    %le3A_416 = arith.cmpi sle, %gather3A_415, %sub3A_346 : vector<16xi32>
    %jit3A_417 = arith.constant 1 : i32
    %jit3A_418 = arith.constant 0 : i32
    %broadcast_in_dim3A_419 = vector.broadcast %jit3A_417 : i32 to vector<16xi32>
    %broadcast_in_dim3A_420 = vector.broadcast %jit3A_418 : i32 to vector<16xi32>
    %select_n3A_421 = arith.select %le3A_416, %broadcast_in_dim3A_419, %broadcast_in_dim3A_420 : vector<16xi1>, vector<16xi32>
    %add3A_422 = arith.addi %add3A_411, %select_n3A_421 : vector<16xi32>
    %add3A_423 = arith.constant 6 : i32
    %add3A_424 = vector.broadcast %add3A_423 : i32 to vector<16xi32>
    %add3A_425 = arith.addi %select_n3A_357, %add3A_424 : vector<16xi32>
    %gather3A_426 = tpu.vector_load_idx %arg13[%add3A_425] : memref<64xi32, #tpu.memory_space<vmem>>[vector<16xi32>], vector<16xi32>,
    %le3A_427 = arith.cmpi sle, %gather3A_426, %sub3A_346 : vector<16xi32>
    %jit3A_428 = arith.constant 1 : i32
    %jit3A_429 = arith.constant 0 : i32
    %broadcast_in_dim3A_430 = vector.broadcast %jit3A_428 : i32 to vector<16xi32>
    %broadcast_in_dim3A_431 = vector.broadcast %jit3A_429 : i32 to vector<16xi32>
    %select_n3A_432 = arith.select %le3A_427, %broadcast_in_dim3A_430, %broadcast_in_dim3A_431 : vector<16xi1>, vector<16xi32>
    %add3A_433 = arith.addi %add3A_422, %select_n3A_432 : vector<16xi32>
    %add3A_434 = arith.constant 7 : i32
    %add3A_435 = vector.broadcast %add3A_434 : i32 to vector<16xi32>
    %add3A_436 = arith.addi %select_n3A_357, %add3A_435 : vector<16xi32>
    %gather3A_437 = tpu.vector_load_idx %arg13[%add3A_436] : memref<64xi32, #tpu.memory_space<vmem>>[vector<16xi32>], vector<16xi32>,
    %le3A_438 = arith.cmpi sle, %gather3A_437, %sub3A_346 : vector<16xi32>
    %jit3A_439 = arith.constant 1 : i32
    %jit3A_440 = arith.constant 0 : i32
    %broadcast_in_dim3A_441 = vector.broadcast %jit3A_439 : i32 to vector<16xi32>
    %broadcast_in_dim3A_442 = vector.broadcast %jit3A_440 : i32 to vector<16xi32>
    %select_n3A_443 = arith.select %le3A_438, %broadcast_in_dim3A_441, %broadcast_in_dim3A_442 : vector<16xi1>, vector<16xi32>
    %add3A_444 = arith.addi %add3A_433, %select_n3A_443 : vector<16xi32>
    %add3A_445 = arith.addi %select_n3A_357, %add3A_444 : vector<16xi32>
    %gather3A_446 = tpu.vector_load_idx %arg13[%add3A_445] : memref<64xi32, #tpu.memory_space<vmem>>[vector<16xi32>], vector<16xi32>,
    %sub3A_447 = arith.subi %sub3A_346, %gather3A_446 : vector<16xi32>
    %mul3A_448 = arith.constant 8 : i32
    %mul3A_449 = arith.muli %mul3A_448, %shift_right_arithmetic3A_0 : i32
    %add3A_450 = vector.broadcast %mul3A_449 : i32 to vector<16xi32>
    %add3A_451 = arith.addi %add3A_450, %add3A_444 : vector<16xi32>
    %mul3A_452 = arith.constant 832 : i32
    %mul3A_453 = vector.broadcast %mul3A_452 : i32 to vector<16xi32>
    %mul3A_454 = arith.muli %add3A_451, %mul3A_453 : vector<16xi32>
    %add3A_455 = arith.addi %mul3A_454, %select_n3A_368 : vector<16xi32>
    %add3A_456 = arith.addi %add3A_455, %sub3A_447 : vector<16xi32>
    %mul3A_457 = arith.constant 16 : i32
    %mul3A_458 = vector.broadcast %mul3A_457 : i32 to vector<16xi32>
    %mul3A_459 = arith.muli %add3A_456, %mul3A_458 : vector<16xi32>
    %slice3A = vector.extract_strided_slice %mul3A_459 {offsets = [0], sizes = [1], strides = [1]} : vector<16xi32> to vector<1xi32>
    %squeeze3A = vector.extract %slice3A[0] : i32 from vector<1xi32>
    %multiple_of3A = tpu.assume_multiple %squeeze3A, 16 : i32
    %dma_start3A_460 = arith.constant 0 : i32
    %dma_start3A_461 = tpu.memref_slice %arg16[%dma_start3A_460] : memref<512xf32, #tpu.memory_space<vmem>> -> memref<16xf32, #tpu.memory_space<vmem>>
    %dma_start3A_462 = tpu.memref_slice %arg19[%multiple_of3A] : memref<212992xf32, #tpu.memory_space<vmem_shared>> -> memref<16xf32, #tpu.memory_space<vmem_shared>>
    %dma_start3A_463 = arith.constant 0 : i32
    %dma_start3A_464 = tpu.memref_slice %arg16[%dma_start3A_463] : memref<512xf32, #tpu.memory_space<vmem>> -> memref<16xf32, #tpu.memory_space<vmem>>
    %dma_start3A_465 = tpu.memref_slice %arg19[%multiple_of3A] : memref<212992xf32, #tpu.memory_space<vmem_shared>> -> memref<16xf32, #tpu.memory_space<vmem_shared>>
    tpu.enqueue_dma source(%dma_start3A_465 : memref<16xf32, #tpu.memory_space<vmem_shared>>) target(%dma_start3A_464 : memref<16xf32, #tpu.memory_space<vmem>>) target_semaphore(%arg17 : memref<!tpu.dma_semaphore, #tpu.memory_space<semaphore_mem>>)
    %slice3A_466 = vector.extract_strided_slice %mul3A_459 {offsets = [1], sizes = [1], strides = [1]} : vector<16xi32> to vector<1xi32>
    %squeeze3A_467 = vector.extract %slice3A_466[0] : i32 from vector<1xi32>
    %multiple_of3A_468 = tpu.assume_multiple %squeeze3A_467, 16 : i32
    %dma_start3A_469 = arith.constant 16 : i32
    %dma_start3A_470 = tpu.memref_slice %arg16[%dma_start3A_469] : memref<512xf32, #tpu.memory_space<vmem>> -> memref<16xf32, #tpu.memory_space<vmem>>
    %dma_start3A_471 = tpu.memref_slice %arg19[%multiple_of3A_468] : memref<212992xf32, #tpu.memory_space<vmem_shared>> -> memref<16xf32, #tpu.memory_space<vmem_shared>>
    %dma_start3A_472 = arith.constant 16 : i32
    %dma_start3A_473 = tpu.memref_slice %arg16[%dma_start3A_472] : memref<512xf32, #tpu.memory_space<vmem>> -> memref<16xf32, #tpu.memory_space<vmem>>
    %dma_start3A_474 = tpu.memref_slice %arg19[%multiple_of3A_468] : memref<212992xf32, #tpu.memory_space<vmem_shared>> -> memref<16xf32, #tpu.memory_space<vmem_shared>>
    tpu.enqueue_dma source(%dma_start3A_474 : memref<16xf32, #tpu.memory_space<vmem_shared>>) target(%dma_start3A_473 : memref<16xf32, #tpu.memory_space<vmem>>) target_semaphore(%arg17 : memref<!tpu.dma_semaphore, #tpu.memory_space<semaphore_mem>>)
    %slice3A_475 = vector.extract_strided_slice %mul3A_459 {offsets = [2], sizes = [1], strides = [1]} : vector<16xi32> to vector<1xi32>
    %squeeze3A_476 = vector.extract %slice3A_475[0] : i32 from vector<1xi32>
    %multiple_of3A_477 = tpu.assume_multiple %squeeze3A_476, 16 : i32
    %dma_start3A_478 = arith.constant 32 : i32
    %dma_start3A_479 = tpu.memref_slice %arg16[%dma_start3A_478] : memref<512xf32, #tpu.memory_space<vmem>> -> memref<16xf32, #tpu.memory_space<vmem>>
    %dma_start3A_480 = tpu.memref_slice %arg19[%multiple_of3A_477] : memref<212992xf32, #tpu.memory_space<vmem_shared>> -> memref<16xf32, #tpu.memory_space<vmem_shared>>
    %dma_start3A_481 = arith.constant 32 : i32
    %dma_start3A_482 = tpu.memref_slice %arg16[%dma_start3A_481] : memref<512xf32, #tpu.memory_space<vmem>> -> memref<16xf32, #tpu.memory_space<vmem>>
    %dma_start3A_483 = tpu.memref_slice %arg19[%multiple_of3A_477] : memref<212992xf32, #tpu.memory_space<vmem_shared>> -> memref<16xf32, #tpu.memory_space<vmem_shared>>
    tpu.enqueue_dma source(%dma_start3A_483 : memref<16xf32, #tpu.memory_space<vmem_shared>>) target(%dma_start3A_482 : memref<16xf32, #tpu.memory_space<vmem>>) target_semaphore(%arg17 : memref<!tpu.dma_semaphore, #tpu.memory_space<semaphore_mem>>)
    %slice3A_484 = vector.extract_strided_slice %mul3A_459 {offsets = [3], sizes = [1], strides = [1]} : vector<16xi32> to vector<1xi32>
    %squeeze3A_485 = vector.extract %slice3A_484[0] : i32 from vector<1xi32>
    %multiple_of3A_486 = tpu.assume_multiple %squeeze3A_485, 16 : i32
    %dma_start3A_487 = arith.constant 48 : i32
    %dma_start3A_488 = tpu.memref_slice %arg16[%dma_start3A_487] : memref<512xf32, #tpu.memory_space<vmem>> -> memref<16xf32, #tpu.memory_space<vmem>>
    %dma_start3A_489 = tpu.memref_slice %arg19[%multiple_of3A_486] : memref<212992xf32, #tpu.memory_space<vmem_shared>> -> memref<16xf32, #tpu.memory_space<vmem_shared>>
    %dma_start3A_490 = arith.constant 48 : i32
    %dma_start3A_491 = tpu.memref_slice %arg16[%dma_start3A_490] : memref<512xf32, #tpu.memory_space<vmem>> -> memref<16xf32, #tpu.memory_space<vmem>>
    %dma_start3A_492 = tpu.memref_slice %arg19[%multiple_of3A_486] : memref<212992xf32, #tpu.memory_space<vmem_shared>> -> memref<16xf32, #tpu.memory_space<vmem_shared>>
    tpu.enqueue_dma source(%dma_start3A_492 : memref<16xf32, #tpu.memory_space<vmem_shared>>) target(%dma_start3A_491 : memref<16xf32, #tpu.memory_space<vmem>>) target_semaphore(%arg17 : memref<!tpu.dma_semaphore, #tpu.memory_space<semaphore_mem>>)
    %slice3A_493 = vector.extract_strided_slice %mul3A_459 {offsets = [4], sizes = [1], strides = [1]} : vector<16xi32> to vector<1xi32>
    %squeeze3A_494 = vector.extract %slice3A_493[0] : i32 from vector<1xi32>
    %multiple_of3A_495 = tpu.assume_multiple %squeeze3A_494, 16 : i32
    %dma_start3A_496 = arith.constant 64 : i32
    %dma_start3A_497 = tpu.memref_slice %arg16[%dma_start3A_496] : memref<512xf32, #tpu.memory_space<vmem>> -> memref<16xf32, #tpu.memory_space<vmem>>
    %dma_start3A_498 = tpu.memref_slice %arg19[%multiple_of3A_495] : memref<212992xf32, #tpu.memory_space<vmem_shared>> -> memref<16xf32, #tpu.memory_space<vmem_shared>>
    %dma_start3A_499 = arith.constant 64 : i32
    %dma_start3A_500 = tpu.memref_slice %arg16[%dma_start3A_499] : memref<512xf32, #tpu.memory_space<vmem>> -> memref<16xf32, #tpu.memory_space<vmem>>
    %dma_start3A_501 = tpu.memref_slice %arg19[%multiple_of3A_495] : memref<212992xf32, #tpu.memory_space<vmem_shared>> -> memref<16xf32, #tpu.memory_space<vmem_shared>>
    tpu.enqueue_dma source(%dma_start3A_501 : memref<16xf32, #tpu.memory_space<vmem_shared>>) target(%dma_start3A_500 : memref<16xf32, #tpu.memory_space<vmem>>) target_semaphore(%arg17 : memref<!tpu.dma_semaphore, #tpu.memory_space<semaphore_mem>>)
    %slice3A_502 = vector.extract_strided_slice %mul3A_459 {offsets = [5], sizes = [1], strides = [1]} : vector<16xi32> to vector<1xi32>
    %squeeze3A_503 = vector.extract %slice3A_502[0] : i32 from vector<1xi32>
    %multiple_of3A_504 = tpu.assume_multiple %squeeze3A_503, 16 : i32
    %dma_start3A_505 = arith.constant 80 : i32
    %dma_start3A_506 = tpu.memref_slice %arg16[%dma_start3A_505] : memref<512xf32, #tpu.memory_space<vmem>> -> memref<16xf32, #tpu.memory_space<vmem>>
    %dma_start3A_507 = tpu.memref_slice %arg19[%multiple_of3A_504] : memref<212992xf32, #tpu.memory_space<vmem_shared>> -> memref<16xf32, #tpu.memory_space<vmem_shared>>
    %dma_start3A_508 = arith.constant 80 : i32
    %dma_start3A_509 = tpu.memref_slice %arg16[%dma_start3A_508] : memref<512xf32, #tpu.memory_space<vmem>> -> memref<16xf32, #tpu.memory_space<vmem>>
    %dma_start3A_510 = tpu.memref_slice %arg19[%multiple_of3A_504] : memref<212992xf32, #tpu.memory_space<vmem_shared>> -> memref<16xf32, #tpu.memory_space<vmem_shared>>
    tpu.enqueue_dma source(%dma_start3A_510 : memref<16xf32, #tpu.memory_space<vmem_shared>>) target(%dma_start3A_509 : memref<16xf32, #tpu.memory_space<vmem>>) target_semaphore(%arg17 : memref<!tpu.dma_semaphore, #tpu.memory_space<semaphore_mem>>)
    %slice3A_511 = vector.extract_strided_slice %mul3A_459 {offsets = [6], sizes = [1], strides = [1]} : vector<16xi32> to vector<1xi32>
    %squeeze3A_512 = vector.extract %slice3A_511[0] : i32 from vector<1xi32>
    %multiple_of3A_513 = tpu.assume_multiple %squeeze3A_512, 16 : i32
    %dma_start3A_514 = arith.constant 96 : i32
    %dma_start3A_515 = tpu.memref_slice %arg16[%dma_start3A_514] : memref<512xf32, #tpu.memory_space<vmem>> -> memref<16xf32, #tpu.memory_space<vmem>>
    %dma_start3A_516 = tpu.memref_slice %arg19[%multiple_of3A_513] : memref<212992xf32, #tpu.memory_space<vmem_shared>> -> memref<16xf32, #tpu.memory_space<vmem_shared>>
    %dma_start3A_517 = arith.constant 96 : i32
    %dma_start3A_518 = tpu.memref_slice %arg16[%dma_start3A_517] : memref<512xf32, #tpu.memory_space<vmem>> -> memref<16xf32, #tpu.memory_space<vmem>>
    %dma_start3A_519 = tpu.memref_slice %arg19[%multiple_of3A_513] : memref<212992xf32, #tpu.memory_space<vmem_shared>> -> memref<16xf32, #tpu.memory_space<vmem_shared>>
    tpu.enqueue_dma source(%dma_start3A_519 : memref<16xf32, #tpu.memory_space<vmem_shared>>) target(%dma_start3A_518 : memref<16xf32, #tpu.memory_space<vmem>>) target_semaphore(%arg17 : memref<!tpu.dma_semaphore, #tpu.memory_space<semaphore_mem>>)
    %slice3A_520 = vector.extract_strided_slice %mul3A_459 {offsets = [7], sizes = [1], strides = [1]} : vector<16xi32> to vector<1xi32>
    %squeeze3A_521 = vector.extract %slice3A_520[0] : i32 from vector<1xi32>
    %multiple_of3A_522 = tpu.assume_multiple %squeeze3A_521, 16 : i32
    %dma_start3A_523 = arith.constant 112 : i32
    %dma_start3A_524 = tpu.memref_slice %arg16[%dma_start3A_523] : memref<512xf32, #tpu.memory_space<vmem>> -> memref<16xf32, #tpu.memory_space<vmem>>
    %dma_start3A_525 = tpu.memref_slice %arg19[%multiple_of3A_522] : memref<212992xf32, #tpu.memory_space<vmem_shared>> -> memref<16xf32, #tpu.memory_space<vmem_shared>>
    %dma_start3A_526 = arith.constant 112 : i32
    %dma_start3A_527 = tpu.memref_slice %arg16[%dma_start3A_526] : memref<512xf32, #tpu.memory_space<vmem>> -> memref<16xf32, #tpu.memory_space<vmem>>
    %dma_start3A_528 = tpu.memref_slice %arg19[%multiple_of3A_522] : memref<212992xf32, #tpu.memory_space<vmem_shared>> -> memref<16xf32, #tpu.memory_space<vmem_shared>>
    tpu.enqueue_dma source(%dma_start3A_528 : memref<16xf32, #tpu.memory_space<vmem_shared>>) target(%dma_start3A_527 : memref<16xf32, #tpu.memory_space<vmem>>) target_semaphore(%arg17 : memref<!tpu.dma_semaphore, #tpu.memory_space<semaphore_mem>>)
    %slice3A_529 = vector.extract_strided_slice %mul3A_459 {offsets = [8], sizes = [1], strides = [1]} : vector<16xi32> to vector<1xi32>
    %squeeze3A_530 = vector.extract %slice3A_529[0] : i32 from vector<1xi32>
    %multiple_of3A_531 = tpu.assume_multiple %squeeze3A_530, 16 : i32
    %dma_start3A_532 = arith.constant 128 : i32
    %dma_start3A_533 = tpu.memref_slice %arg16[%dma_start3A_532] : memref<512xf32, #tpu.memory_space<vmem>> -> memref<16xf32, #tpu.memory_space<vmem>>
    %dma_start3A_534 = tpu.memref_slice %arg19[%multiple_of3A_531] : memref<212992xf32, #tpu.memory_space<vmem_shared>> -> memref<16xf32, #tpu.memory_space<vmem_shared>>
    %dma_start3A_535 = arith.constant 128 : i32
    %dma_start3A_536 = tpu.memref_slice %arg16[%dma_start3A_535] : memref<512xf32, #tpu.memory_space<vmem>> -> memref<16xf32, #tpu.memory_space<vmem>>
    %dma_start3A_537 = tpu.memref_slice %arg19[%multiple_of3A_531] : memref<212992xf32, #tpu.memory_space<vmem_shared>> -> memref<16xf32, #tpu.memory_space<vmem_shared>>
    tpu.enqueue_dma source(%dma_start3A_537 : memref<16xf32, #tpu.memory_space<vmem_shared>>) target(%dma_start3A_536 : memref<16xf32, #tpu.memory_space<vmem>>) target_semaphore(%arg17 : memref<!tpu.dma_semaphore, #tpu.memory_space<semaphore_mem>>)
    %slice3A_538 = vector.extract_strided_slice %mul3A_459 {offsets = [9], sizes = [1], strides = [1]} : vector<16xi32> to vector<1xi32>
    %squeeze3A_539 = vector.extract %slice3A_538[0] : i32 from vector<1xi32>
    %multiple_of3A_540 = tpu.assume_multiple %squeeze3A_539, 16 : i32
    %dma_start3A_541 = arith.constant 144 : i32
    %dma_start3A_542 = tpu.memref_slice %arg16[%dma_start3A_541] : memref<512xf32, #tpu.memory_space<vmem>> -> memref<16xf32, #tpu.memory_space<vmem>>
    %dma_start3A_543 = tpu.memref_slice %arg19[%multiple_of3A_540] : memref<212992xf32, #tpu.memory_space<vmem_shared>> -> memref<16xf32, #tpu.memory_space<vmem_shared>>
    %dma_start3A_544 = arith.constant 144 : i32
    %dma_start3A_545 = tpu.memref_slice %arg16[%dma_start3A_544] : memref<512xf32, #tpu.memory_space<vmem>> -> memref<16xf32, #tpu.memory_space<vmem>>
    %dma_start3A_546 = tpu.memref_slice %arg19[%multiple_of3A_540] : memref<212992xf32, #tpu.memory_space<vmem_shared>> -> memref<16xf32, #tpu.memory_space<vmem_shared>>
    tpu.enqueue_dma source(%dma_start3A_546 : memref<16xf32, #tpu.memory_space<vmem_shared>>) target(%dma_start3A_545 : memref<16xf32, #tpu.memory_space<vmem>>) target_semaphore(%arg17 : memref<!tpu.dma_semaphore, #tpu.memory_space<semaphore_mem>>)
    %slice3A_547 = vector.extract_strided_slice %mul3A_459 {offsets = [10], sizes = [1], strides = [1]} : vector<16xi32> to vector<1xi32>
    %squeeze3A_548 = vector.extract %slice3A_547[0] : i32 from vector<1xi32>
    %multiple_of3A_549 = tpu.assume_multiple %squeeze3A_548, 16 : i32
    %dma_start3A_550 = arith.constant 160 : i32
    %dma_start3A_551 = tpu.memref_slice %arg16[%dma_start3A_550] : memref<512xf32, #tpu.memory_space<vmem>> -> memref<16xf32, #tpu.memory_space<vmem>>
    %dma_start3A_552 = tpu.memref_slice %arg19[%multiple_of3A_549] : memref<212992xf32, #tpu.memory_space<vmem_shared>> -> memref<16xf32, #tpu.memory_space<vmem_shared>>
    %dma_start3A_553 = arith.constant 160 : i32
    %dma_start3A_554 = tpu.memref_slice %arg16[%dma_start3A_553] : memref<512xf32, #tpu.memory_space<vmem>> -> memref<16xf32, #tpu.memory_space<vmem>>
    %dma_start3A_555 = tpu.memref_slice %arg19[%multiple_of3A_549] : memref<212992xf32, #tpu.memory_space<vmem_shared>> -> memref<16xf32, #tpu.memory_space<vmem_shared>>
    tpu.enqueue_dma source(%dma_start3A_555 : memref<16xf32, #tpu.memory_space<vmem_shared>>) target(%dma_start3A_554 : memref<16xf32, #tpu.memory_space<vmem>>) target_semaphore(%arg17 : memref<!tpu.dma_semaphore, #tpu.memory_space<semaphore_mem>>)
    %slice3A_556 = vector.extract_strided_slice %mul3A_459 {offsets = [11], sizes = [1], strides = [1]} : vector<16xi32> to vector<1xi32>
    %squeeze3A_557 = vector.extract %slice3A_556[0] : i32 from vector<1xi32>
    %multiple_of3A_558 = tpu.assume_multiple %squeeze3A_557, 16 : i32
    %dma_start3A_559 = arith.constant 176 : i32
    %dma_start3A_560 = tpu.memref_slice %arg16[%dma_start3A_559] : memref<512xf32, #tpu.memory_space<vmem>> -> memref<16xf32, #tpu.memory_space<vmem>>
    %dma_start3A_561 = tpu.memref_slice %arg19[%multiple_of3A_558] : memref<212992xf32, #tpu.memory_space<vmem_shared>> -> memref<16xf32, #tpu.memory_space<vmem_shared>>
    %dma_start3A_562 = arith.constant 176 : i32
    %dma_start3A_563 = tpu.memref_slice %arg16[%dma_start3A_562] : memref<512xf32, #tpu.memory_space<vmem>> -> memref<16xf32, #tpu.memory_space<vmem>>
    %dma_start3A_564 = tpu.memref_slice %arg19[%multiple_of3A_558] : memref<212992xf32, #tpu.memory_space<vmem_shared>> -> memref<16xf32, #tpu.memory_space<vmem_shared>>
    tpu.enqueue_dma source(%dma_start3A_564 : memref<16xf32, #tpu.memory_space<vmem_shared>>) target(%dma_start3A_563 : memref<16xf32, #tpu.memory_space<vmem>>) target_semaphore(%arg17 : memref<!tpu.dma_semaphore, #tpu.memory_space<semaphore_mem>>)
    %slice3A_565 = vector.extract_strided_slice %mul3A_459 {offsets = [12], sizes = [1], strides = [1]} : vector<16xi32> to vector<1xi32>
    %squeeze3A_566 = vector.extract %slice3A_565[0] : i32 from vector<1xi32>
    %multiple_of3A_567 = tpu.assume_multiple %squeeze3A_566, 16 : i32
    %dma_start3A_568 = arith.constant 192 : i32
    %dma_start3A_569 = tpu.memref_slice %arg16[%dma_start3A_568] : memref<512xf32, #tpu.memory_space<vmem>> -> memref<16xf32, #tpu.memory_space<vmem>>
    %dma_start3A_570 = tpu.memref_slice %arg19[%multiple_of3A_567] : memref<212992xf32, #tpu.memory_space<vmem_shared>> -> memref<16xf32, #tpu.memory_space<vmem_shared>>
    %dma_start3A_571 = arith.constant 192 : i32
    %dma_start3A_572 = tpu.memref_slice %arg16[%dma_start3A_571] : memref<512xf32, #tpu.memory_space<vmem>> -> memref<16xf32, #tpu.memory_space<vmem>>
    %dma_start3A_573 = tpu.memref_slice %arg19[%multiple_of3A_567] : memref<212992xf32, #tpu.memory_space<vmem_shared>> -> memref<16xf32, #tpu.memory_space<vmem_shared>>
    tpu.enqueue_dma source(%dma_start3A_573 : memref<16xf32, #tpu.memory_space<vmem_shared>>) target(%dma_start3A_572 : memref<16xf32, #tpu.memory_space<vmem>>) target_semaphore(%arg17 : memref<!tpu.dma_semaphore, #tpu.memory_space<semaphore_mem>>)
    %slice3A_574 = vector.extract_strided_slice %mul3A_459 {offsets = [13], sizes = [1], strides = [1]} : vector<16xi32> to vector<1xi32>
    %squeeze3A_575 = vector.extract %slice3A_574[0] : i32 from vector<1xi32>
    %multiple_of3A_576 = tpu.assume_multiple %squeeze3A_575, 16 : i32
    %dma_start3A_577 = arith.constant 208 : i32
    %dma_start3A_578 = tpu.memref_slice %arg16[%dma_start3A_577] : memref<512xf32, #tpu.memory_space<vmem>> -> memref<16xf32, #tpu.memory_space<vmem>>
    %dma_start3A_579 = tpu.memref_slice %arg19[%multiple_of3A_576] : memref<212992xf32, #tpu.memory_space<vmem_shared>> -> memref<16xf32, #tpu.memory_space<vmem_shared>>
    %dma_start3A_580 = arith.constant 208 : i32
    %dma_start3A_581 = tpu.memref_slice %arg16[%dma_start3A_580] : memref<512xf32, #tpu.memory_space<vmem>> -> memref<16xf32, #tpu.memory_space<vmem>>
    %dma_start3A_582 = tpu.memref_slice %arg19[%multiple_of3A_576] : memref<212992xf32, #tpu.memory_space<vmem_shared>> -> memref<16xf32, #tpu.memory_space<vmem_shared>>
    tpu.enqueue_dma source(%dma_start3A_582 : memref<16xf32, #tpu.memory_space<vmem_shared>>) target(%dma_start3A_581 : memref<16xf32, #tpu.memory_space<vmem>>) target_semaphore(%arg17 : memref<!tpu.dma_semaphore, #tpu.memory_space<semaphore_mem>>)
    %slice3A_583 = vector.extract_strided_slice %mul3A_459 {offsets = [14], sizes = [1], strides = [1]} : vector<16xi32> to vector<1xi32>
    %squeeze3A_584 = vector.extract %slice3A_583[0] : i32 from vector<1xi32>
    %multiple_of3A_585 = tpu.assume_multiple %squeeze3A_584, 16 : i32
    %dma_start3A_586 = arith.constant 224 : i32
    %dma_start3A_587 = tpu.memref_slice %arg16[%dma_start3A_586] : memref<512xf32, #tpu.memory_space<vmem>> -> memref<16xf32, #tpu.memory_space<vmem>>
    %dma_start3A_588 = tpu.memref_slice %arg19[%multiple_of3A_585] : memref<212992xf32, #tpu.memory_space<vmem_shared>> -> memref<16xf32, #tpu.memory_space<vmem_shared>>
    %dma_start3A_589 = arith.constant 224 : i32
    %dma_start3A_590 = tpu.memref_slice %arg16[%dma_start3A_589] : memref<512xf32, #tpu.memory_space<vmem>> -> memref<16xf32, #tpu.memory_space<vmem>>
    %dma_start3A_591 = tpu.memref_slice %arg19[%multiple_of3A_585] : memref<212992xf32, #tpu.memory_space<vmem_shared>> -> memref<16xf32, #tpu.memory_space<vmem_shared>>
    tpu.enqueue_dma source(%dma_start3A_591 : memref<16xf32, #tpu.memory_space<vmem_shared>>) target(%dma_start3A_590 : memref<16xf32, #tpu.memory_space<vmem>>) target_semaphore(%arg17 : memref<!tpu.dma_semaphore, #tpu.memory_space<semaphore_mem>>)
    %slice3A_592 = vector.extract_strided_slice %mul3A_459 {offsets = [15], sizes = [1], strides = [1]} : vector<16xi32> to vector<1xi32>
    %squeeze3A_593 = vector.extract %slice3A_592[0] : i32 from vector<1xi32>
    %multiple_of3A_594 = tpu.assume_multiple %squeeze3A_593, 16 : i32
    %dma_start3A_595 = arith.constant 240 : i32
    %dma_start3A_596 = tpu.memref_slice %arg16[%dma_start3A_595] : memref<512xf32, #tpu.memory_space<vmem>> -> memref<16xf32, #tpu.memory_space<vmem>>
    %dma_start3A_597 = tpu.memref_slice %arg19[%multiple_of3A_594] : memref<212992xf32, #tpu.memory_space<vmem_shared>> -> memref<16xf32, #tpu.memory_space<vmem_shared>>
    %dma_start3A_598 = arith.constant 240 : i32
    %dma_start3A_599 = tpu.memref_slice %arg16[%dma_start3A_598] : memref<512xf32, #tpu.memory_space<vmem>> -> memref<16xf32, #tpu.memory_space<vmem>>
    %dma_start3A_600 = tpu.memref_slice %arg19[%multiple_of3A_594] : memref<212992xf32, #tpu.memory_space<vmem_shared>> -> memref<16xf32, #tpu.memory_space<vmem_shared>>
    tpu.enqueue_dma source(%dma_start3A_600 : memref<16xf32, #tpu.memory_space<vmem_shared>>) target(%dma_start3A_599 : memref<16xf32, #tpu.memory_space<vmem>>) target_semaphore(%arg17 : memref<!tpu.dma_semaphore, #tpu.memory_space<semaphore_mem>>)
    %mul3A_601 = arith.constant 32 : i32
    %mul3A_602 = arith.muli %arg1, %mul3A_601 : i32
    %add3A_603 = vector.broadcast %mul3A_602 : i32 to vector<16xi32>
    %add3A_604 = arith.addi %add3A_603, %iota3A : vector<16xi32>
    %add3A_605 = arith.constant 16 : i32
    %add3A_606 = vector.broadcast %add3A_605 : i32 to vector<16xi32>
    %add3A_607 = arith.addi %add3A_604, %add3A_606 : vector<16xi32>
    %mul3A_608 = arith.constant 256 : i32
    %mul3A_609 = arith.muli %shift_right_arithmetic3A_0, %mul3A_608 : i32
    %sub3A_610 = vector.broadcast %mul3A_609 : i32 to vector<16xi32>
    %sub3A_611 = arith.subi %add3A_607, %sub3A_610 : vector<16xi32>
    %lt3A_612 = vector.broadcast %min3A_264 : i32 to vector<16xi32>
    %lt3A_613 = arith.cmpi slt, %sub3A_611, %lt3A_612 : vector<16xi32>
    %not3A_614 = arith.constant dense<true> : vector<16xi1>
    %not3A_615 = arith.xori %lt3A_613, %not3A_614 : vector<16xi1>
    %lt3A_616 = vector.broadcast %add3A_272 : i32 to vector<16xi32>
    %lt3A_617 = arith.cmpi slt, %sub3A_611, %lt3A_616 : vector<16xi32>
    %and3A_618 = arith.andi %not3A_615, %lt3A_617 : vector<16xi1>
    %or3A_619 = arith.ori %lt3A_613, %and3A_618 : vector<16xi1>
    %not3A_620 = arith.constant dense<true> : vector<16xi1>
    %not3A_621 = arith.xori %or3A_619, %not3A_620 : vector<16xi1>
    %lt3A_622 = vector.broadcast %add3A_274 : i32 to vector<16xi32>
    %lt3A_623 = arith.cmpi slt, %sub3A_611, %lt3A_622 : vector<16xi32>
    %and3A_624 = arith.andi %not3A_621, %lt3A_623 : vector<16xi1>
    %broadcast_in_dim3A_625 = vector.broadcast %add3A_272 : i32 to vector<16xi32>
    %broadcast_in_dim3A_626 = vector.broadcast %add3A_274 : i32 to vector<16xi32>
    %select_n3A_627 = arith.select %and3A_624, %broadcast_in_dim3A_625, %broadcast_in_dim3A_626 : vector<16xi1>, vector<16xi32>
    %broadcast_in_dim3A_628 = vector.broadcast %min3A_264 : i32 to vector<16xi32>
    %select_n3A_629 = arith.select %and3A_618, %broadcast_in_dim3A_628, %select_n3A_627 : vector<16xi1>, vector<16xi32>
    %jit3A_630 = arith.constant 0 : i32
    %broadcast_in_dim3A_631 = vector.broadcast %jit3A_630 : i32 to vector<16xi32>
    %select_n3A_632 = arith.select %lt3A_613, %broadcast_in_dim3A_631, %select_n3A_629 : vector<16xi1>, vector<16xi32>
    %sub3A_633 = arith.subi %sub3A_611, %select_n3A_632 : vector<16xi32>
    %jit3A_634 = arith.constant 32 : i32
    %jit3A_635 = arith.constant 48 : i32
    %broadcast_in_dim3A_636 = vector.broadcast %jit3A_634 : i32 to vector<16xi32>
    %broadcast_in_dim3A_637 = vector.broadcast %jit3A_635 : i32 to vector<16xi32>
    %select_n3A_638 = arith.select %and3A_624, %broadcast_in_dim3A_636, %broadcast_in_dim3A_637 : vector<16xi1>, vector<16xi32>
    %jit3A_639 = arith.constant 16 : i32
    %broadcast_in_dim3A_640 = vector.broadcast %jit3A_639 : i32 to vector<16xi32>
    %select_n3A_641 = arith.select %and3A_618, %broadcast_in_dim3A_640, %select_n3A_638 : vector<16xi1>, vector<16xi32>
    %jit3A_642 = arith.constant 0 : i32
    %broadcast_in_dim3A_643 = vector.broadcast %jit3A_642 : i32 to vector<16xi32>
    %select_n3A_644 = arith.select %lt3A_613, %broadcast_in_dim3A_643, %select_n3A_641 : vector<16xi1>, vector<16xi32>
    %jit3A_645 = arith.constant 320 : i32
    %jit3A_646 = arith.constant 576 : i32
    %broadcast_in_dim3A_647 = vector.broadcast %jit3A_645 : i32 to vector<16xi32>
    %broadcast_in_dim3A_648 = vector.broadcast %jit3A_646 : i32 to vector<16xi32>
    %select_n3A_649 = arith.select %and3A_624, %broadcast_in_dim3A_647, %broadcast_in_dim3A_648 : vector<16xi1>, vector<16xi32>
    %jit3A_650 = arith.constant 64 : i32
    %broadcast_in_dim3A_651 = vector.broadcast %jit3A_650 : i32 to vector<16xi32>
    %select_n3A_652 = arith.select %and3A_618, %broadcast_in_dim3A_651, %select_n3A_649 : vector<16xi1>, vector<16xi32>
    %jit3A_653 = arith.constant 0 : i32
    %broadcast_in_dim3A_654 = vector.broadcast %jit3A_653 : i32 to vector<16xi32>
    %select_n3A_655 = arith.select %lt3A_613, %broadcast_in_dim3A_654, %select_n3A_652 : vector<16xi1>, vector<16xi32>
    %add3A_656 = arith.constant 1 : i32
    %add3A_657 = vector.broadcast %add3A_656 : i32 to vector<16xi32>
    %add3A_658 = arith.addi %select_n3A_644, %add3A_657 : vector<16xi32>
    %gather3A_659 = tpu.vector_load_idx %arg13[%add3A_658] : memref<64xi32, #tpu.memory_space<vmem>>[vector<16xi32>], vector<16xi32>,
    %le3A_660 = arith.cmpi sle, %gather3A_659, %sub3A_633 : vector<16xi32>
    %jit3A_661 = arith.constant 1 : i32
    %jit3A_662 = arith.constant 0 : i32
    %broadcast_in_dim3A_663 = vector.broadcast %jit3A_661 : i32 to vector<16xi32>
    %broadcast_in_dim3A_664 = vector.broadcast %jit3A_662 : i32 to vector<16xi32>
    %select_n3A_665 = arith.select %le3A_660, %broadcast_in_dim3A_663, %broadcast_in_dim3A_664 : vector<16xi1>, vector<16xi32>
    %add3A_666 = arith.addi %broadcast_in_dim3A_7, %select_n3A_665 : vector<16xi32>
    %add3A_667 = arith.constant 2 : i32
    %add3A_668 = vector.broadcast %add3A_667 : i32 to vector<16xi32>
    %add3A_669 = arith.addi %select_n3A_644, %add3A_668 : vector<16xi32>
    %gather3A_670 = tpu.vector_load_idx %arg13[%add3A_669] : memref<64xi32, #tpu.memory_space<vmem>>[vector<16xi32>], vector<16xi32>,
    %le3A_671 = arith.cmpi sle, %gather3A_670, %sub3A_633 : vector<16xi32>
    %jit3A_672 = arith.constant 1 : i32
    %jit3A_673 = arith.constant 0 : i32
    %broadcast_in_dim3A_674 = vector.broadcast %jit3A_672 : i32 to vector<16xi32>
    %broadcast_in_dim3A_675 = vector.broadcast %jit3A_673 : i32 to vector<16xi32>
    %select_n3A_676 = arith.select %le3A_671, %broadcast_in_dim3A_674, %broadcast_in_dim3A_675 : vector<16xi1>, vector<16xi32>
    %add3A_677 = arith.addi %add3A_666, %select_n3A_676 : vector<16xi32>
    %add3A_678 = arith.constant 3 : i32
    %add3A_679 = vector.broadcast %add3A_678 : i32 to vector<16xi32>
    %add3A_680 = arith.addi %select_n3A_644, %add3A_679 : vector<16xi32>
    %gather3A_681 = tpu.vector_load_idx %arg13[%add3A_680] : memref<64xi32, #tpu.memory_space<vmem>>[vector<16xi32>], vector<16xi32>,
    %le3A_682 = arith.cmpi sle, %gather3A_681, %sub3A_633 : vector<16xi32>
    %jit3A_683 = arith.constant 1 : i32
    %jit3A_684 = arith.constant 0 : i32
    %broadcast_in_dim3A_685 = vector.broadcast %jit3A_683 : i32 to vector<16xi32>
    %broadcast_in_dim3A_686 = vector.broadcast %jit3A_684 : i32 to vector<16xi32>
    %select_n3A_687 = arith.select %le3A_682, %broadcast_in_dim3A_685, %broadcast_in_dim3A_686 : vector<16xi1>, vector<16xi32>
    %add3A_688 = arith.addi %add3A_677, %select_n3A_687 : vector<16xi32>
    %add3A_689 = arith.constant 4 : i32
    %add3A_690 = vector.broadcast %add3A_689 : i32 to vector<16xi32>
    %add3A_691 = arith.addi %select_n3A_644, %add3A_690 : vector<16xi32>
    %gather3A_692 = tpu.vector_load_idx %arg13[%add3A_691] : memref<64xi32, #tpu.memory_space<vmem>>[vector<16xi32>], vector<16xi32>,
    %le3A_693 = arith.cmpi sle, %gather3A_692, %sub3A_633 : vector<16xi32>
    %jit3A_694 = arith.constant 1 : i32
    %jit3A_695 = arith.constant 0 : i32
    %broadcast_in_dim3A_696 = vector.broadcast %jit3A_694 : i32 to vector<16xi32>
    %broadcast_in_dim3A_697 = vector.broadcast %jit3A_695 : i32 to vector<16xi32>
    %select_n3A_698 = arith.select %le3A_693, %broadcast_in_dim3A_696, %broadcast_in_dim3A_697 : vector<16xi1>, vector<16xi32>
    %add3A_699 = arith.addi %add3A_688, %select_n3A_698 : vector<16xi32>
    %add3A_700 = arith.constant 5 : i32
    %add3A_701 = vector.broadcast %add3A_700 : i32 to vector<16xi32>
    %add3A_702 = arith.addi %select_n3A_644, %add3A_701 : vector<16xi32>
    %gather3A_703 = tpu.vector_load_idx %arg13[%add3A_702] : memref<64xi32, #tpu.memory_space<vmem>>[vector<16xi32>], vector<16xi32>,
    %le3A_704 = arith.cmpi sle, %gather3A_703, %sub3A_633 : vector<16xi32>
    %jit3A_705 = arith.constant 1 : i32
    %jit3A_706 = arith.constant 0 : i32
    %broadcast_in_dim3A_707 = vector.broadcast %jit3A_705 : i32 to vector<16xi32>
    %broadcast_in_dim3A_708 = vector.broadcast %jit3A_706 : i32 to vector<16xi32>
    %select_n3A_709 = arith.select %le3A_704, %broadcast_in_dim3A_707, %broadcast_in_dim3A_708 : vector<16xi1>, vector<16xi32>
    %add3A_710 = arith.addi %add3A_699, %select_n3A_709 : vector<16xi32>
    %add3A_711 = arith.constant 6 : i32
    %add3A_712 = vector.broadcast %add3A_711 : i32 to vector<16xi32>
    %add3A_713 = arith.addi %select_n3A_644, %add3A_712 : vector<16xi32>
    %gather3A_714 = tpu.vector_load_idx %arg13[%add3A_713] : memref<64xi32, #tpu.memory_space<vmem>>[vector<16xi32>], vector<16xi32>,
    %le3A_715 = arith.cmpi sle, %gather3A_714, %sub3A_633 : vector<16xi32>
    %jit3A_716 = arith.constant 1 : i32
    %jit3A_717 = arith.constant 0 : i32
    %broadcast_in_dim3A_718 = vector.broadcast %jit3A_716 : i32 to vector<16xi32>
    %broadcast_in_dim3A_719 = vector.broadcast %jit3A_717 : i32 to vector<16xi32>
    %select_n3A_720 = arith.select %le3A_715, %broadcast_in_dim3A_718, %broadcast_in_dim3A_719 : vector<16xi1>, vector<16xi32>
    %add3A_721 = arith.addi %add3A_710, %select_n3A_720 : vector<16xi32>
    %add3A_722 = arith.constant 7 : i32
    %add3A_723 = vector.broadcast %add3A_722 : i32 to vector<16xi32>
    %add3A_724 = arith.addi %select_n3A_644, %add3A_723 : vector<16xi32>
    %gather3A_725 = tpu.vector_load_idx %arg13[%add3A_724] : memref<64xi32, #tpu.memory_space<vmem>>[vector<16xi32>], vector<16xi32>,
    %le3A_726 = arith.cmpi sle, %gather3A_725, %sub3A_633 : vector<16xi32>
    %jit3A_727 = arith.constant 1 : i32
    %jit3A_728 = arith.constant 0 : i32
    %broadcast_in_dim3A_729 = vector.broadcast %jit3A_727 : i32 to vector<16xi32>
    %broadcast_in_dim3A_730 = vector.broadcast %jit3A_728 : i32 to vector<16xi32>
    %select_n3A_731 = arith.select %le3A_726, %broadcast_in_dim3A_729, %broadcast_in_dim3A_730 : vector<16xi1>, vector<16xi32>
    %add3A_732 = arith.addi %add3A_721, %select_n3A_731 : vector<16xi32>
    %add3A_733 = arith.addi %select_n3A_644, %add3A_732 : vector<16xi32>
    %gather3A_734 = tpu.vector_load_idx %arg13[%add3A_733] : memref<64xi32, #tpu.memory_space<vmem>>[vector<16xi32>], vector<16xi32>,
    %sub3A_735 = arith.subi %sub3A_633, %gather3A_734 : vector<16xi32>
    %mul3A_736 = arith.constant 8 : i32
    %mul3A_737 = arith.muli %mul3A_736, %shift_right_arithmetic3A_0 : i32
    %add3A_738 = vector.broadcast %mul3A_737 : i32 to vector<16xi32>
    %add3A_739 = arith.addi %add3A_738, %add3A_732 : vector<16xi32>
    %mul3A_740 = arith.constant 832 : i32
    %mul3A_741 = vector.broadcast %mul3A_740 : i32 to vector<16xi32>
    %mul3A_742 = arith.muli %add3A_739, %mul3A_741 : vector<16xi32>
    %add3A_743 = arith.addi %mul3A_742, %select_n3A_655 : vector<16xi32>
    %add3A_744 = arith.addi %add3A_743, %sub3A_735 : vector<16xi32>
    %mul3A_745 = arith.constant 16 : i32
    %mul3A_746 = vector.broadcast %mul3A_745 : i32 to vector<16xi32>
    %mul3A_747 = arith.muli %add3A_744, %mul3A_746 : vector<16xi32>
    %slice3A_748 = vector.extract_strided_slice %mul3A_747 {offsets = [0], sizes = [1], strides = [1]} : vector<16xi32> to vector<1xi32>
    %squeeze3A_749 = vector.extract %slice3A_748[0] : i32 from vector<1xi32>
    %multiple_of3A_750 = tpu.assume_multiple %squeeze3A_749, 16 : i32
    %dma_start3A_751 = arith.constant 256 : i32
    %dma_start3A_752 = tpu.memref_slice %arg16[%dma_start3A_751] : memref<512xf32, #tpu.memory_space<vmem>> -> memref<16xf32, #tpu.memory_space<vmem>>
    %dma_start3A_753 = tpu.memref_slice %arg19[%multiple_of3A_750] : memref<212992xf32, #tpu.memory_space<vmem_shared>> -> memref<16xf32, #tpu.memory_space<vmem_shared>>
    %dma_start3A_754 = arith.constant 256 : i32
    %dma_start3A_755 = tpu.memref_slice %arg16[%dma_start3A_754] : memref<512xf32, #tpu.memory_space<vmem>> -> memref<16xf32, #tpu.memory_space<vmem>>
    %dma_start3A_756 = tpu.memref_slice %arg19[%multiple_of3A_750] : memref<212992xf32, #tpu.memory_space<vmem_shared>> -> memref<16xf32, #tpu.memory_space<vmem_shared>>
    tpu.enqueue_dma source(%dma_start3A_756 : memref<16xf32, #tpu.memory_space<vmem_shared>>) target(%dma_start3A_755 : memref<16xf32, #tpu.memory_space<vmem>>) target_semaphore(%arg17 : memref<!tpu.dma_semaphore, #tpu.memory_space<semaphore_mem>>)
    %slice3A_757 = vector.extract_strided_slice %mul3A_747 {offsets = [1], sizes = [1], strides = [1]} : vector<16xi32> to vector<1xi32>
    %squeeze3A_758 = vector.extract %slice3A_757[0] : i32 from vector<1xi32>
    %multiple_of3A_759 = tpu.assume_multiple %squeeze3A_758, 16 : i32
    %dma_start3A_760 = arith.constant 272 : i32
    %dma_start3A_761 = tpu.memref_slice %arg16[%dma_start3A_760] : memref<512xf32, #tpu.memory_space<vmem>> -> memref<16xf32, #tpu.memory_space<vmem>>
    %dma_start3A_762 = tpu.memref_slice %arg19[%multiple_of3A_759] : memref<212992xf32, #tpu.memory_space<vmem_shared>> -> memref<16xf32, #tpu.memory_space<vmem_shared>>
    %dma_start3A_763 = arith.constant 272 : i32
    %dma_start3A_764 = tpu.memref_slice %arg16[%dma_start3A_763] : memref<512xf32, #tpu.memory_space<vmem>> -> memref<16xf32, #tpu.memory_space<vmem>>
    %dma_start3A_765 = tpu.memref_slice %arg19[%multiple_of3A_759] : memref<212992xf32, #tpu.memory_space<vmem_shared>> -> memref<16xf32, #tpu.memory_space<vmem_shared>>
    tpu.enqueue_dma source(%dma_start3A_765 : memref<16xf32, #tpu.memory_space<vmem_shared>>) target(%dma_start3A_764 : memref<16xf32, #tpu.memory_space<vmem>>) target_semaphore(%arg17 : memref<!tpu.dma_semaphore, #tpu.memory_space<semaphore_mem>>)
    %slice3A_766 = vector.extract_strided_slice %mul3A_747 {offsets = [2], sizes = [1], strides = [1]} : vector<16xi32> to vector<1xi32>
    %squeeze3A_767 = vector.extract %slice3A_766[0] : i32 from vector<1xi32>
    %multiple_of3A_768 = tpu.assume_multiple %squeeze3A_767, 16 : i32
    %dma_start3A_769 = arith.constant 288 : i32
    %dma_start3A_770 = tpu.memref_slice %arg16[%dma_start3A_769] : memref<512xf32, #tpu.memory_space<vmem>> -> memref<16xf32, #tpu.memory_space<vmem>>
    %dma_start3A_771 = tpu.memref_slice %arg19[%multiple_of3A_768] : memref<212992xf32, #tpu.memory_space<vmem_shared>> -> memref<16xf32, #tpu.memory_space<vmem_shared>>
    %dma_start3A_772 = arith.constant 288 : i32
    %dma_start3A_773 = tpu.memref_slice %arg16[%dma_start3A_772] : memref<512xf32, #tpu.memory_space<vmem>> -> memref<16xf32, #tpu.memory_space<vmem>>
    %dma_start3A_774 = tpu.memref_slice %arg19[%multiple_of3A_768] : memref<212992xf32, #tpu.memory_space<vmem_shared>> -> memref<16xf32, #tpu.memory_space<vmem_shared>>
    tpu.enqueue_dma source(%dma_start3A_774 : memref<16xf32, #tpu.memory_space<vmem_shared>>) target(%dma_start3A_773 : memref<16xf32, #tpu.memory_space<vmem>>) target_semaphore(%arg17 : memref<!tpu.dma_semaphore, #tpu.memory_space<semaphore_mem>>)
    %slice3A_775 = vector.extract_strided_slice %mul3A_747 {offsets = [3], sizes = [1], strides = [1]} : vector<16xi32> to vector<1xi32>
    %squeeze3A_776 = vector.extract %slice3A_775[0] : i32 from vector<1xi32>
    %multiple_of3A_777 = tpu.assume_multiple %squeeze3A_776, 16 : i32
    %dma_start3A_778 = arith.constant 304 : i32
    %dma_start3A_779 = tpu.memref_slice %arg16[%dma_start3A_778] : memref<512xf32, #tpu.memory_space<vmem>> -> memref<16xf32, #tpu.memory_space<vmem>>
    %dma_start3A_780 = tpu.memref_slice %arg19[%multiple_of3A_777] : memref<212992xf32, #tpu.memory_space<vmem_shared>> -> memref<16xf32, #tpu.memory_space<vmem_shared>>
    %dma_start3A_781 = arith.constant 304 : i32
    %dma_start3A_782 = tpu.memref_slice %arg16[%dma_start3A_781] : memref<512xf32, #tpu.memory_space<vmem>> -> memref<16xf32, #tpu.memory_space<vmem>>
    %dma_start3A_783 = tpu.memref_slice %arg19[%multiple_of3A_777] : memref<212992xf32, #tpu.memory_space<vmem_shared>> -> memref<16xf32, #tpu.memory_space<vmem_shared>>
    tpu.enqueue_dma source(%dma_start3A_783 : memref<16xf32, #tpu.memory_space<vmem_shared>>) target(%dma_start3A_782 : memref<16xf32, #tpu.memory_space<vmem>>) target_semaphore(%arg17 : memref<!tpu.dma_semaphore, #tpu.memory_space<semaphore_mem>>)
    %slice3A_784 = vector.extract_strided_slice %mul3A_747 {offsets = [4], sizes = [1], strides = [1]} : vector<16xi32> to vector<1xi32>
    %squeeze3A_785 = vector.extract %slice3A_784[0] : i32 from vector<1xi32>
    %multiple_of3A_786 = tpu.assume_multiple %squeeze3A_785, 16 : i32
    %dma_start3A_787 = arith.constant 320 : i32
    %dma_start3A_788 = tpu.memref_slice %arg16[%dma_start3A_787] : memref<512xf32, #tpu.memory_space<vmem>> -> memref<16xf32, #tpu.memory_space<vmem>>
    %dma_start3A_789 = tpu.memref_slice %arg19[%multiple_of3A_786] : memref<212992xf32, #tpu.memory_space<vmem_shared>> -> memref<16xf32, #tpu.memory_space<vmem_shared>>
    %dma_start3A_790 = arith.constant 320 : i32
    %dma_start3A_791 = tpu.memref_slice %arg16[%dma_start3A_790] : memref<512xf32, #tpu.memory_space<vmem>> -> memref<16xf32, #tpu.memory_space<vmem>>
    %dma_start3A_792 = tpu.memref_slice %arg19[%multiple_of3A_786] : memref<212992xf32, #tpu.memory_space<vmem_shared>> -> memref<16xf32, #tpu.memory_space<vmem_shared>>
    tpu.enqueue_dma source(%dma_start3A_792 : memref<16xf32, #tpu.memory_space<vmem_shared>>) target(%dma_start3A_791 : memref<16xf32, #tpu.memory_space<vmem>>) target_semaphore(%arg17 : memref<!tpu.dma_semaphore, #tpu.memory_space<semaphore_mem>>)
    %slice3A_793 = vector.extract_strided_slice %mul3A_747 {offsets = [5], sizes = [1], strides = [1]} : vector<16xi32> to vector<1xi32>
    %squeeze3A_794 = vector.extract %slice3A_793[0] : i32 from vector<1xi32>
    %multiple_of3A_795 = tpu.assume_multiple %squeeze3A_794, 16 : i32
    %dma_start3A_796 = arith.constant 336 : i32
    %dma_start3A_797 = tpu.memref_slice %arg16[%dma_start3A_796] : memref<512xf32, #tpu.memory_space<vmem>> -> memref<16xf32, #tpu.memory_space<vmem>>
    %dma_start3A_798 = tpu.memref_slice %arg19[%multiple_of3A_795] : memref<212992xf32, #tpu.memory_space<vmem_shared>> -> memref<16xf32, #tpu.memory_space<vmem_shared>>
    %dma_start3A_799 = arith.constant 336 : i32
    %dma_start3A_800 = tpu.memref_slice %arg16[%dma_start3A_799] : memref<512xf32, #tpu.memory_space<vmem>> -> memref<16xf32, #tpu.memory_space<vmem>>
    %dma_start3A_801 = tpu.memref_slice %arg19[%multiple_of3A_795] : memref<212992xf32, #tpu.memory_space<vmem_shared>> -> memref<16xf32, #tpu.memory_space<vmem_shared>>
    tpu.enqueue_dma source(%dma_start3A_801 : memref<16xf32, #tpu.memory_space<vmem_shared>>) target(%dma_start3A_800 : memref<16xf32, #tpu.memory_space<vmem>>) target_semaphore(%arg17 : memref<!tpu.dma_semaphore, #tpu.memory_space<semaphore_mem>>)
    %slice3A_802 = vector.extract_strided_slice %mul3A_747 {offsets = [6], sizes = [1], strides = [1]} : vector<16xi32> to vector<1xi32>
    %squeeze3A_803 = vector.extract %slice3A_802[0] : i32 from vector<1xi32>
    %multiple_of3A_804 = tpu.assume_multiple %squeeze3A_803, 16 : i32
    %dma_start3A_805 = arith.constant 352 : i32
    %dma_start3A_806 = tpu.memref_slice %arg16[%dma_start3A_805] : memref<512xf32, #tpu.memory_space<vmem>> -> memref<16xf32, #tpu.memory_space<vmem>>
    %dma_start3A_807 = tpu.memref_slice %arg19[%multiple_of3A_804] : memref<212992xf32, #tpu.memory_space<vmem_shared>> -> memref<16xf32, #tpu.memory_space<vmem_shared>>
    %dma_start3A_808 = arith.constant 352 : i32
    %dma_start3A_809 = tpu.memref_slice %arg16[%dma_start3A_808] : memref<512xf32, #tpu.memory_space<vmem>> -> memref<16xf32, #tpu.memory_space<vmem>>
    %dma_start3A_810 = tpu.memref_slice %arg19[%multiple_of3A_804] : memref<212992xf32, #tpu.memory_space<vmem_shared>> -> memref<16xf32, #tpu.memory_space<vmem_shared>>
    tpu.enqueue_dma source(%dma_start3A_810 : memref<16xf32, #tpu.memory_space<vmem_shared>>) target(%dma_start3A_809 : memref<16xf32, #tpu.memory_space<vmem>>) target_semaphore(%arg17 : memref<!tpu.dma_semaphore, #tpu.memory_space<semaphore_mem>>)
    %slice3A_811 = vector.extract_strided_slice %mul3A_747 {offsets = [7], sizes = [1], strides = [1]} : vector<16xi32> to vector<1xi32>
    %squeeze3A_812 = vector.extract %slice3A_811[0] : i32 from vector<1xi32>
    %multiple_of3A_813 = tpu.assume_multiple %squeeze3A_812, 16 : i32
    %dma_start3A_814 = arith.constant 368 : i32
    %dma_start3A_815 = tpu.memref_slice %arg16[%dma_start3A_814] : memref<512xf32, #tpu.memory_space<vmem>> -> memref<16xf32, #tpu.memory_space<vmem>>
    %dma_start3A_816 = tpu.memref_slice %arg19[%multiple_of3A_813] : memref<212992xf32, #tpu.memory_space<vmem_shared>> -> memref<16xf32, #tpu.memory_space<vmem_shared>>
    %dma_start3A_817 = arith.constant 368 : i32
    %dma_start3A_818 = tpu.memref_slice %arg16[%dma_start3A_817] : memref<512xf32, #tpu.memory_space<vmem>> -> memref<16xf32, #tpu.memory_space<vmem>>
    %dma_start3A_819 = tpu.memref_slice %arg19[%multiple_of3A_813] : memref<212992xf32, #tpu.memory_space<vmem_shared>> -> memref<16xf32, #tpu.memory_space<vmem_shared>>
    tpu.enqueue_dma source(%dma_start3A_819 : memref<16xf32, #tpu.memory_space<vmem_shared>>) target(%dma_start3A_818 : memref<16xf32, #tpu.memory_space<vmem>>) target_semaphore(%arg17 : memref<!tpu.dma_semaphore, #tpu.memory_space<semaphore_mem>>)
    %slice3A_820 = vector.extract_strided_slice %mul3A_747 {offsets = [8], sizes = [1], strides = [1]} : vector<16xi32> to vector<1xi32>
    %squeeze3A_821 = vector.extract %slice3A_820[0] : i32 from vector<1xi32>
    %multiple_of3A_822 = tpu.assume_multiple %squeeze3A_821, 16 : i32
    %dma_start3A_823 = arith.constant 384 : i32
    %dma_start3A_824 = tpu.memref_slice %arg16[%dma_start3A_823] : memref<512xf32, #tpu.memory_space<vmem>> -> memref<16xf32, #tpu.memory_space<vmem>>
    %dma_start3A_825 = tpu.memref_slice %arg19[%multiple_of3A_822] : memref<212992xf32, #tpu.memory_space<vmem_shared>> -> memref<16xf32, #tpu.memory_space<vmem_shared>>
    %dma_start3A_826 = arith.constant 384 : i32
    %dma_start3A_827 = tpu.memref_slice %arg16[%dma_start3A_826] : memref<512xf32, #tpu.memory_space<vmem>> -> memref<16xf32, #tpu.memory_space<vmem>>
    %dma_start3A_828 = tpu.memref_slice %arg19[%multiple_of3A_822] : memref<212992xf32, #tpu.memory_space<vmem_shared>> -> memref<16xf32, #tpu.memory_space<vmem_shared>>
    tpu.enqueue_dma source(%dma_start3A_828 : memref<16xf32, #tpu.memory_space<vmem_shared>>) target(%dma_start3A_827 : memref<16xf32, #tpu.memory_space<vmem>>) target_semaphore(%arg17 : memref<!tpu.dma_semaphore, #tpu.memory_space<semaphore_mem>>)
    %slice3A_829 = vector.extract_strided_slice %mul3A_747 {offsets = [9], sizes = [1], strides = [1]} : vector<16xi32> to vector<1xi32>
    %squeeze3A_830 = vector.extract %slice3A_829[0] : i32 from vector<1xi32>
    %multiple_of3A_831 = tpu.assume_multiple %squeeze3A_830, 16 : i32
    %dma_start3A_832 = arith.constant 400 : i32
    %dma_start3A_833 = tpu.memref_slice %arg16[%dma_start3A_832] : memref<512xf32, #tpu.memory_space<vmem>> -> memref<16xf32, #tpu.memory_space<vmem>>
    %dma_start3A_834 = tpu.memref_slice %arg19[%multiple_of3A_831] : memref<212992xf32, #tpu.memory_space<vmem_shared>> -> memref<16xf32, #tpu.memory_space<vmem_shared>>
    %dma_start3A_835 = arith.constant 400 : i32
    %dma_start3A_836 = tpu.memref_slice %arg16[%dma_start3A_835] : memref<512xf32, #tpu.memory_space<vmem>> -> memref<16xf32, #tpu.memory_space<vmem>>
    %dma_start3A_837 = tpu.memref_slice %arg19[%multiple_of3A_831] : memref<212992xf32, #tpu.memory_space<vmem_shared>> -> memref<16xf32, #tpu.memory_space<vmem_shared>>
    tpu.enqueue_dma source(%dma_start3A_837 : memref<16xf32, #tpu.memory_space<vmem_shared>>) target(%dma_start3A_836 : memref<16xf32, #tpu.memory_space<vmem>>) target_semaphore(%arg17 : memref<!tpu.dma_semaphore, #tpu.memory_space<semaphore_mem>>)
    %slice3A_838 = vector.extract_strided_slice %mul3A_747 {offsets = [10], sizes = [1], strides = [1]} : vector<16xi32> to vector<1xi32>
    %squeeze3A_839 = vector.extract %slice3A_838[0] : i32 from vector<1xi32>
    %multiple_of3A_840 = tpu.assume_multiple %squeeze3A_839, 16 : i32
    %dma_start3A_841 = arith.constant 416 : i32
    %dma_start3A_842 = tpu.memref_slice %arg16[%dma_start3A_841] : memref<512xf32, #tpu.memory_space<vmem>> -> memref<16xf32, #tpu.memory_space<vmem>>
    %dma_start3A_843 = tpu.memref_slice %arg19[%multiple_of3A_840] : memref<212992xf32, #tpu.memory_space<vmem_shared>> -> memref<16xf32, #tpu.memory_space<vmem_shared>>
    %dma_start3A_844 = arith.constant 416 : i32
    %dma_start3A_845 = tpu.memref_slice %arg16[%dma_start3A_844] : memref<512xf32, #tpu.memory_space<vmem>> -> memref<16xf32, #tpu.memory_space<vmem>>
    %dma_start3A_846 = tpu.memref_slice %arg19[%multiple_of3A_840] : memref<212992xf32, #tpu.memory_space<vmem_shared>> -> memref<16xf32, #tpu.memory_space<vmem_shared>>
    tpu.enqueue_dma source(%dma_start3A_846 : memref<16xf32, #tpu.memory_space<vmem_shared>>) target(%dma_start3A_845 : memref<16xf32, #tpu.memory_space<vmem>>) target_semaphore(%arg17 : memref<!tpu.dma_semaphore, #tpu.memory_space<semaphore_mem>>)
    %slice3A_847 = vector.extract_strided_slice %mul3A_747 {offsets = [11], sizes = [1], strides = [1]} : vector<16xi32> to vector<1xi32>
    %squeeze3A_848 = vector.extract %slice3A_847[0] : i32 from vector<1xi32>
    %multiple_of3A_849 = tpu.assume_multiple %squeeze3A_848, 16 : i32
    %dma_start3A_850 = arith.constant 432 : i32
    %dma_start3A_851 = tpu.memref_slice %arg16[%dma_start3A_850] : memref<512xf32, #tpu.memory_space<vmem>> -> memref<16xf32, #tpu.memory_space<vmem>>
    %dma_start3A_852 = tpu.memref_slice %arg19[%multiple_of3A_849] : memref<212992xf32, #tpu.memory_space<vmem_shared>> -> memref<16xf32, #tpu.memory_space<vmem_shared>>
    %dma_start3A_853 = arith.constant 432 : i32
    %dma_start3A_854 = tpu.memref_slice %arg16[%dma_start3A_853] : memref<512xf32, #tpu.memory_space<vmem>> -> memref<16xf32, #tpu.memory_space<vmem>>
    %dma_start3A_855 = tpu.memref_slice %arg19[%multiple_of3A_849] : memref<212992xf32, #tpu.memory_space<vmem_shared>> -> memref<16xf32, #tpu.memory_space<vmem_shared>>
    tpu.enqueue_dma source(%dma_start3A_855 : memref<16xf32, #tpu.memory_space<vmem_shared>>) target(%dma_start3A_854 : memref<16xf32, #tpu.memory_space<vmem>>) target_semaphore(%arg17 : memref<!tpu.dma_semaphore, #tpu.memory_space<semaphore_mem>>)
    %slice3A_856 = vector.extract_strided_slice %mul3A_747 {offsets = [12], sizes = [1], strides = [1]} : vector<16xi32> to vector<1xi32>
    %squeeze3A_857 = vector.extract %slice3A_856[0] : i32 from vector<1xi32>
    %multiple_of3A_858 = tpu.assume_multiple %squeeze3A_857, 16 : i32
    %dma_start3A_859 = arith.constant 448 : i32
    %dma_start3A_860 = tpu.memref_slice %arg16[%dma_start3A_859] : memref<512xf32, #tpu.memory_space<vmem>> -> memref<16xf32, #tpu.memory_space<vmem>>
    %dma_start3A_861 = tpu.memref_slice %arg19[%multiple_of3A_858] : memref<212992xf32, #tpu.memory_space<vmem_shared>> -> memref<16xf32, #tpu.memory_space<vmem_shared>>
    %dma_start3A_862 = arith.constant 448 : i32
    %dma_start3A_863 = tpu.memref_slice %arg16[%dma_start3A_862] : memref<512xf32, #tpu.memory_space<vmem>> -> memref<16xf32, #tpu.memory_space<vmem>>
    %dma_start3A_864 = tpu.memref_slice %arg19[%multiple_of3A_858] : memref<212992xf32, #tpu.memory_space<vmem_shared>> -> memref<16xf32, #tpu.memory_space<vmem_shared>>
    tpu.enqueue_dma source(%dma_start3A_864 : memref<16xf32, #tpu.memory_space<vmem_shared>>) target(%dma_start3A_863 : memref<16xf32, #tpu.memory_space<vmem>>) target_semaphore(%arg17 : memref<!tpu.dma_semaphore, #tpu.memory_space<semaphore_mem>>)
    %slice3A_865 = vector.extract_strided_slice %mul3A_747 {offsets = [13], sizes = [1], strides = [1]} : vector<16xi32> to vector<1xi32>
    %squeeze3A_866 = vector.extract %slice3A_865[0] : i32 from vector<1xi32>
    %multiple_of3A_867 = tpu.assume_multiple %squeeze3A_866, 16 : i32
    %dma_start3A_868 = arith.constant 464 : i32
    %dma_start3A_869 = tpu.memref_slice %arg16[%dma_start3A_868] : memref<512xf32, #tpu.memory_space<vmem>> -> memref<16xf32, #tpu.memory_space<vmem>>
    %dma_start3A_870 = tpu.memref_slice %arg19[%multiple_of3A_867] : memref<212992xf32, #tpu.memory_space<vmem_shared>> -> memref<16xf32, #tpu.memory_space<vmem_shared>>
    %dma_start3A_871 = arith.constant 464 : i32
    %dma_start3A_872 = tpu.memref_slice %arg16[%dma_start3A_871] : memref<512xf32, #tpu.memory_space<vmem>> -> memref<16xf32, #tpu.memory_space<vmem>>
    %dma_start3A_873 = tpu.memref_slice %arg19[%multiple_of3A_867] : memref<212992xf32, #tpu.memory_space<vmem_shared>> -> memref<16xf32, #tpu.memory_space<vmem_shared>>
    tpu.enqueue_dma source(%dma_start3A_873 : memref<16xf32, #tpu.memory_space<vmem_shared>>) target(%dma_start3A_872 : memref<16xf32, #tpu.memory_space<vmem>>) target_semaphore(%arg17 : memref<!tpu.dma_semaphore, #tpu.memory_space<semaphore_mem>>)
    %slice3A_874 = vector.extract_strided_slice %mul3A_747 {offsets = [14], sizes = [1], strides = [1]} : vector<16xi32> to vector<1xi32>
    %squeeze3A_875 = vector.extract %slice3A_874[0] : i32 from vector<1xi32>
    %multiple_of3A_876 = tpu.assume_multiple %squeeze3A_875, 16 : i32
    %dma_start3A_877 = arith.constant 480 : i32
    %dma_start3A_878 = tpu.memref_slice %arg16[%dma_start3A_877] : memref<512xf32, #tpu.memory_space<vmem>> -> memref<16xf32, #tpu.memory_space<vmem>>
    %dma_start3A_879 = tpu.memref_slice %arg19[%multiple_of3A_876] : memref<212992xf32, #tpu.memory_space<vmem_shared>> -> memref<16xf32, #tpu.memory_space<vmem_shared>>
    %dma_start3A_880 = arith.constant 480 : i32
    %dma_start3A_881 = tpu.memref_slice %arg16[%dma_start3A_880] : memref<512xf32, #tpu.memory_space<vmem>> -> memref<16xf32, #tpu.memory_space<vmem>>
    %dma_start3A_882 = tpu.memref_slice %arg19[%multiple_of3A_876] : memref<212992xf32, #tpu.memory_space<vmem_shared>> -> memref<16xf32, #tpu.memory_space<vmem_shared>>
    tpu.enqueue_dma source(%dma_start3A_882 : memref<16xf32, #tpu.memory_space<vmem_shared>>) target(%dma_start3A_881 : memref<16xf32, #tpu.memory_space<vmem>>) target_semaphore(%arg17 : memref<!tpu.dma_semaphore, #tpu.memory_space<semaphore_mem>>)
    %slice3A_883 = vector.extract_strided_slice %mul3A_747 {offsets = [15], sizes = [1], strides = [1]} : vector<16xi32> to vector<1xi32>
    %squeeze3A_884 = vector.extract %slice3A_883[0] : i32 from vector<1xi32>
    %multiple_of3A_885 = tpu.assume_multiple %squeeze3A_884, 16 : i32
    %dma_start3A_886 = arith.constant 496 : i32
    %dma_start3A_887 = tpu.memref_slice %arg16[%dma_start3A_886] : memref<512xf32, #tpu.memory_space<vmem>> -> memref<16xf32, #tpu.memory_space<vmem>>
    %dma_start3A_888 = tpu.memref_slice %arg19[%multiple_of3A_885] : memref<212992xf32, #tpu.memory_space<vmem_shared>> -> memref<16xf32, #tpu.memory_space<vmem_shared>>
    %dma_start3A_889 = arith.constant 496 : i32
    %dma_start3A_890 = tpu.memref_slice %arg16[%dma_start3A_889] : memref<512xf32, #tpu.memory_space<vmem>> -> memref<16xf32, #tpu.memory_space<vmem>>
    %dma_start3A_891 = tpu.memref_slice %arg19[%multiple_of3A_885] : memref<212992xf32, #tpu.memory_space<vmem_shared>> -> memref<16xf32, #tpu.memory_space<vmem_shared>>
    tpu.enqueue_dma source(%dma_start3A_891 : memref<16xf32, #tpu.memory_space<vmem_shared>>) target(%dma_start3A_890 : memref<16xf32, #tpu.memory_space<vmem>>) target_semaphore(%arg17 : memref<!tpu.dma_semaphore, #tpu.memory_space<semaphore_mem>>)
    %dma_wait3A_892 = arith.constant 0 : i32
    %dma_wait3A_893 = tpu.memref_slice %arg16[%dma_wait3A_892] : memref<512xf32, #tpu.memory_space<vmem>> -> memref<16xf32, #tpu.memory_space<vmem>>
    %dma_wait3A_894 = tpu.memref_slice %arg19[%multiple_of3A] : memref<212992xf32, #tpu.memory_space<vmem_shared>> -> memref<16xf32, #tpu.memory_space<vmem_shared>>
    %dma_wait3A_895 = arith.constant 0 : i32
    %dma_wait3A_896 = tpu.memref_slice %arg16[%dma_wait3A_895] : memref<512xf32, #tpu.memory_space<vmem>> -> memref<16xf32, #tpu.memory_space<vmem>>
    %dma_wait3A_897 = tpu.memref_slice %arg19[%multiple_of3A] : memref<212992xf32, #tpu.memory_space<vmem_shared>> -> memref<16xf32, #tpu.memory_space<vmem_shared>>
    tpu.wait_dma2 semaphore(%arg17 : memref<!tpu.dma_semaphore, #tpu.memory_space<semaphore_mem>>) src(%dma_wait3A_897 : memref<16xf32, #tpu.memory_space<vmem_shared>>) dst(%dma_wait3A_896 : memref<16xf32, #tpu.memory_space<vmem>>)
    %dma_wait3A_898 = arith.constant 16 : i32
    %dma_wait3A_899 = tpu.memref_slice %arg16[%dma_wait3A_898] : memref<512xf32, #tpu.memory_space<vmem>> -> memref<16xf32, #tpu.memory_space<vmem>>
    %dma_wait3A_900 = tpu.memref_slice %arg19[%multiple_of3A_468] : memref<212992xf32, #tpu.memory_space<vmem_shared>> -> memref<16xf32, #tpu.memory_space<vmem_shared>>
    %dma_wait3A_901 = arith.constant 16 : i32
    %dma_wait3A_902 = tpu.memref_slice %arg16[%dma_wait3A_901] : memref<512xf32, #tpu.memory_space<vmem>> -> memref<16xf32, #tpu.memory_space<vmem>>
    %dma_wait3A_903 = tpu.memref_slice %arg19[%multiple_of3A_468] : memref<212992xf32, #tpu.memory_space<vmem_shared>> -> memref<16xf32, #tpu.memory_space<vmem_shared>>
    tpu.wait_dma2 semaphore(%arg17 : memref<!tpu.dma_semaphore, #tpu.memory_space<semaphore_mem>>) src(%dma_wait3A_903 : memref<16xf32, #tpu.memory_space<vmem_shared>>) dst(%dma_wait3A_902 : memref<16xf32, #tpu.memory_space<vmem>>)
    %dma_wait3A_904 = arith.constant 32 : i32
    %dma_wait3A_905 = tpu.memref_slice %arg16[%dma_wait3A_904] : memref<512xf32, #tpu.memory_space<vmem>> -> memref<16xf32, #tpu.memory_space<vmem>>
    %dma_wait3A_906 = tpu.memref_slice %arg19[%multiple_of3A_477] : memref<212992xf32, #tpu.memory_space<vmem_shared>> -> memref<16xf32, #tpu.memory_space<vmem_shared>>
    %dma_wait3A_907 = arith.constant 32 : i32
    %dma_wait3A_908 = tpu.memref_slice %arg16[%dma_wait3A_907] : memref<512xf32, #tpu.memory_space<vmem>> -> memref<16xf32, #tpu.memory_space<vmem>>
    %dma_wait3A_909 = tpu.memref_slice %arg19[%multiple_of3A_477] : memref<212992xf32, #tpu.memory_space<vmem_shared>> -> memref<16xf32, #tpu.memory_space<vmem_shared>>
    tpu.wait_dma2 semaphore(%arg17 : memref<!tpu.dma_semaphore, #tpu.memory_space<semaphore_mem>>) src(%dma_wait3A_909 : memref<16xf32, #tpu.memory_space<vmem_shared>>) dst(%dma_wait3A_908 : memref<16xf32, #tpu.memory_space<vmem>>)
    %dma_wait3A_910 = arith.constant 48 : i32
    %dma_wait3A_911 = tpu.memref_slice %arg16[%dma_wait3A_910] : memref<512xf32, #tpu.memory_space<vmem>> -> memref<16xf32, #tpu.memory_space<vmem>>
    %dma_wait3A_912 = tpu.memref_slice %arg19[%multiple_of3A_486] : memref<212992xf32, #tpu.memory_space<vmem_shared>> -> memref<16xf32, #tpu.memory_space<vmem_shared>>
    %dma_wait3A_913 = arith.constant 48 : i32
    %dma_wait3A_914 = tpu.memref_slice %arg16[%dma_wait3A_913] : memref<512xf32, #tpu.memory_space<vmem>> -> memref<16xf32, #tpu.memory_space<vmem>>
    %dma_wait3A_915 = tpu.memref_slice %arg19[%multiple_of3A_486] : memref<212992xf32, #tpu.memory_space<vmem_shared>> -> memref<16xf32, #tpu.memory_space<vmem_shared>>
    tpu.wait_dma2 semaphore(%arg17 : memref<!tpu.dma_semaphore, #tpu.memory_space<semaphore_mem>>) src(%dma_wait3A_915 : memref<16xf32, #tpu.memory_space<vmem_shared>>) dst(%dma_wait3A_914 : memref<16xf32, #tpu.memory_space<vmem>>)
    %dma_wait3A_916 = arith.constant 64 : i32
    %dma_wait3A_917 = tpu.memref_slice %arg16[%dma_wait3A_916] : memref<512xf32, #tpu.memory_space<vmem>> -> memref<16xf32, #tpu.memory_space<vmem>>
    %dma_wait3A_918 = tpu.memref_slice %arg19[%multiple_of3A_495] : memref<212992xf32, #tpu.memory_space<vmem_shared>> -> memref<16xf32, #tpu.memory_space<vmem_shared>>
    %dma_wait3A_919 = arith.constant 64 : i32
    %dma_wait3A_920 = tpu.memref_slice %arg16[%dma_wait3A_919] : memref<512xf32, #tpu.memory_space<vmem>> -> memref<16xf32, #tpu.memory_space<vmem>>
    %dma_wait3A_921 = tpu.memref_slice %arg19[%multiple_of3A_495] : memref<212992xf32, #tpu.memory_space<vmem_shared>> -> memref<16xf32, #tpu.memory_space<vmem_shared>>
    tpu.wait_dma2 semaphore(%arg17 : memref<!tpu.dma_semaphore, #tpu.memory_space<semaphore_mem>>) src(%dma_wait3A_921 : memref<16xf32, #tpu.memory_space<vmem_shared>>) dst(%dma_wait3A_920 : memref<16xf32, #tpu.memory_space<vmem>>)
    %dma_wait3A_922 = arith.constant 80 : i32
    %dma_wait3A_923 = tpu.memref_slice %arg16[%dma_wait3A_922] : memref<512xf32, #tpu.memory_space<vmem>> -> memref<16xf32, #tpu.memory_space<vmem>>
    %dma_wait3A_924 = tpu.memref_slice %arg19[%multiple_of3A_504] : memref<212992xf32, #tpu.memory_space<vmem_shared>> -> memref<16xf32, #tpu.memory_space<vmem_shared>>
    %dma_wait3A_925 = arith.constant 80 : i32
    %dma_wait3A_926 = tpu.memref_slice %arg16[%dma_wait3A_925] : memref<512xf32, #tpu.memory_space<vmem>> -> memref<16xf32, #tpu.memory_space<vmem>>
    %dma_wait3A_927 = tpu.memref_slice %arg19[%multiple_of3A_504] : memref<212992xf32, #tpu.memory_space<vmem_shared>> -> memref<16xf32, #tpu.memory_space<vmem_shared>>
    tpu.wait_dma2 semaphore(%arg17 : memref<!tpu.dma_semaphore, #tpu.memory_space<semaphore_mem>>) src(%dma_wait3A_927 : memref<16xf32, #tpu.memory_space<vmem_shared>>) dst(%dma_wait3A_926 : memref<16xf32, #tpu.memory_space<vmem>>)
    %dma_wait3A_928 = arith.constant 96 : i32
    %dma_wait3A_929 = tpu.memref_slice %arg16[%dma_wait3A_928] : memref<512xf32, #tpu.memory_space<vmem>> -> memref<16xf32, #tpu.memory_space<vmem>>
    %dma_wait3A_930 = tpu.memref_slice %arg19[%multiple_of3A_513] : memref<212992xf32, #tpu.memory_space<vmem_shared>> -> memref<16xf32, #tpu.memory_space<vmem_shared>>
    %dma_wait3A_931 = arith.constant 96 : i32
    %dma_wait3A_932 = tpu.memref_slice %arg16[%dma_wait3A_931] : memref<512xf32, #tpu.memory_space<vmem>> -> memref<16xf32, #tpu.memory_space<vmem>>
    %dma_wait3A_933 = tpu.memref_slice %arg19[%multiple_of3A_513] : memref<212992xf32, #tpu.memory_space<vmem_shared>> -> memref<16xf32, #tpu.memory_space<vmem_shared>>
    tpu.wait_dma2 semaphore(%arg17 : memref<!tpu.dma_semaphore, #tpu.memory_space<semaphore_mem>>) src(%dma_wait3A_933 : memref<16xf32, #tpu.memory_space<vmem_shared>>) dst(%dma_wait3A_932 : memref<16xf32, #tpu.memory_space<vmem>>)
    %dma_wait3A_934 = arith.constant 112 : i32
    %dma_wait3A_935 = tpu.memref_slice %arg16[%dma_wait3A_934] : memref<512xf32, #tpu.memory_space<vmem>> -> memref<16xf32, #tpu.memory_space<vmem>>
    %dma_wait3A_936 = tpu.memref_slice %arg19[%multiple_of3A_522] : memref<212992xf32, #tpu.memory_space<vmem_shared>> -> memref<16xf32, #tpu.memory_space<vmem_shared>>
    %dma_wait3A_937 = arith.constant 112 : i32
    %dma_wait3A_938 = tpu.memref_slice %arg16[%dma_wait3A_937] : memref<512xf32, #tpu.memory_space<vmem>> -> memref<16xf32, #tpu.memory_space<vmem>>
    %dma_wait3A_939 = tpu.memref_slice %arg19[%multiple_of3A_522] : memref<212992xf32, #tpu.memory_space<vmem_shared>> -> memref<16xf32, #tpu.memory_space<vmem_shared>>
    tpu.wait_dma2 semaphore(%arg17 : memref<!tpu.dma_semaphore, #tpu.memory_space<semaphore_mem>>) src(%dma_wait3A_939 : memref<16xf32, #tpu.memory_space<vmem_shared>>) dst(%dma_wait3A_938 : memref<16xf32, #tpu.memory_space<vmem>>)
    %dma_wait3A_940 = arith.constant 128 : i32
    %dma_wait3A_941 = tpu.memref_slice %arg16[%dma_wait3A_940] : memref<512xf32, #tpu.memory_space<vmem>> -> memref<16xf32, #tpu.memory_space<vmem>>
    %dma_wait3A_942 = tpu.memref_slice %arg19[%multiple_of3A_531] : memref<212992xf32, #tpu.memory_space<vmem_shared>> -> memref<16xf32, #tpu.memory_space<vmem_shared>>
    %dma_wait3A_943 = arith.constant 128 : i32
    %dma_wait3A_944 = tpu.memref_slice %arg16[%dma_wait3A_943] : memref<512xf32, #tpu.memory_space<vmem>> -> memref<16xf32, #tpu.memory_space<vmem>>
    %dma_wait3A_945 = tpu.memref_slice %arg19[%multiple_of3A_531] : memref<212992xf32, #tpu.memory_space<vmem_shared>> -> memref<16xf32, #tpu.memory_space<vmem_shared>>
    tpu.wait_dma2 semaphore(%arg17 : memref<!tpu.dma_semaphore, #tpu.memory_space<semaphore_mem>>) src(%dma_wait3A_945 : memref<16xf32, #tpu.memory_space<vmem_shared>>) dst(%dma_wait3A_944 : memref<16xf32, #tpu.memory_space<vmem>>)
    %dma_wait3A_946 = arith.constant 144 : i32
    %dma_wait3A_947 = tpu.memref_slice %arg16[%dma_wait3A_946] : memref<512xf32, #tpu.memory_space<vmem>> -> memref<16xf32, #tpu.memory_space<vmem>>
    %dma_wait3A_948 = tpu.memref_slice %arg19[%multiple_of3A_540] : memref<212992xf32, #tpu.memory_space<vmem_shared>> -> memref<16xf32, #tpu.memory_space<vmem_shared>>
    %dma_wait3A_949 = arith.constant 144 : i32
    %dma_wait3A_950 = tpu.memref_slice %arg16[%dma_wait3A_949] : memref<512xf32, #tpu.memory_space<vmem>> -> memref<16xf32, #tpu.memory_space<vmem>>
    %dma_wait3A_951 = tpu.memref_slice %arg19[%multiple_of3A_540] : memref<212992xf32, #tpu.memory_space<vmem_shared>> -> memref<16xf32, #tpu.memory_space<vmem_shared>>
    tpu.wait_dma2 semaphore(%arg17 : memref<!tpu.dma_semaphore, #tpu.memory_space<semaphore_mem>>) src(%dma_wait3A_951 : memref<16xf32, #tpu.memory_space<vmem_shared>>) dst(%dma_wait3A_950 : memref<16xf32, #tpu.memory_space<vmem>>)
    %dma_wait3A_952 = arith.constant 160 : i32
    %dma_wait3A_953 = tpu.memref_slice %arg16[%dma_wait3A_952] : memref<512xf32, #tpu.memory_space<vmem>> -> memref<16xf32, #tpu.memory_space<vmem>>
    %dma_wait3A_954 = tpu.memref_slice %arg19[%multiple_of3A_549] : memref<212992xf32, #tpu.memory_space<vmem_shared>> -> memref<16xf32, #tpu.memory_space<vmem_shared>>
    %dma_wait3A_955 = arith.constant 160 : i32
    %dma_wait3A_956 = tpu.memref_slice %arg16[%dma_wait3A_955] : memref<512xf32, #tpu.memory_space<vmem>> -> memref<16xf32, #tpu.memory_space<vmem>>
    %dma_wait3A_957 = tpu.memref_slice %arg19[%multiple_of3A_549] : memref<212992xf32, #tpu.memory_space<vmem_shared>> -> memref<16xf32, #tpu.memory_space<vmem_shared>>
    tpu.wait_dma2 semaphore(%arg17 : memref<!tpu.dma_semaphore, #tpu.memory_space<semaphore_mem>>) src(%dma_wait3A_957 : memref<16xf32, #tpu.memory_space<vmem_shared>>) dst(%dma_wait3A_956 : memref<16xf32, #tpu.memory_space<vmem>>)
    %dma_wait3A_958 = arith.constant 176 : i32
    %dma_wait3A_959 = tpu.memref_slice %arg16[%dma_wait3A_958] : memref<512xf32, #tpu.memory_space<vmem>> -> memref<16xf32, #tpu.memory_space<vmem>>
    %dma_wait3A_960 = tpu.memref_slice %arg19[%multiple_of3A_558] : memref<212992xf32, #tpu.memory_space<vmem_shared>> -> memref<16xf32, #tpu.memory_space<vmem_shared>>
    %dma_wait3A_961 = arith.constant 176 : i32
    %dma_wait3A_962 = tpu.memref_slice %arg16[%dma_wait3A_961] : memref<512xf32, #tpu.memory_space<vmem>> -> memref<16xf32, #tpu.memory_space<vmem>>
    %dma_wait3A_963 = tpu.memref_slice %arg19[%multiple_of3A_558] : memref<212992xf32, #tpu.memory_space<vmem_shared>> -> memref<16xf32, #tpu.memory_space<vmem_shared>>
    tpu.wait_dma2 semaphore(%arg17 : memref<!tpu.dma_semaphore, #tpu.memory_space<semaphore_mem>>) src(%dma_wait3A_963 : memref<16xf32, #tpu.memory_space<vmem_shared>>) dst(%dma_wait3A_962 : memref<16xf32, #tpu.memory_space<vmem>>)
    %dma_wait3A_964 = arith.constant 192 : i32
    %dma_wait3A_965 = tpu.memref_slice %arg16[%dma_wait3A_964] : memref<512xf32, #tpu.memory_space<vmem>> -> memref<16xf32, #tpu.memory_space<vmem>>
    %dma_wait3A_966 = tpu.memref_slice %arg19[%multiple_of3A_567] : memref<212992xf32, #tpu.memory_space<vmem_shared>> -> memref<16xf32, #tpu.memory_space<vmem_shared>>
    %dma_wait3A_967 = arith.constant 192 : i32
    %dma_wait3A_968 = tpu.memref_slice %arg16[%dma_wait3A_967] : memref<512xf32, #tpu.memory_space<vmem>> -> memref<16xf32, #tpu.memory_space<vmem>>
    %dma_wait3A_969 = tpu.memref_slice %arg19[%multiple_of3A_567] : memref<212992xf32, #tpu.memory_space<vmem_shared>> -> memref<16xf32, #tpu.memory_space<vmem_shared>>
    tpu.wait_dma2 semaphore(%arg17 : memref<!tpu.dma_semaphore, #tpu.memory_space<semaphore_mem>>) src(%dma_wait3A_969 : memref<16xf32, #tpu.memory_space<vmem_shared>>) dst(%dma_wait3A_968 : memref<16xf32, #tpu.memory_space<vmem>>)
    %dma_wait3A_970 = arith.constant 208 : i32
    %dma_wait3A_971 = tpu.memref_slice %arg16[%dma_wait3A_970] : memref<512xf32, #tpu.memory_space<vmem>> -> memref<16xf32, #tpu.memory_space<vmem>>
    %dma_wait3A_972 = tpu.memref_slice %arg19[%multiple_of3A_576] : memref<212992xf32, #tpu.memory_space<vmem_shared>> -> memref<16xf32, #tpu.memory_space<vmem_shared>>
    %dma_wait3A_973 = arith.constant 208 : i32
    %dma_wait3A_974 = tpu.memref_slice %arg16[%dma_wait3A_973] : memref<512xf32, #tpu.memory_space<vmem>> -> memref<16xf32, #tpu.memory_space<vmem>>
    %dma_wait3A_975 = tpu.memref_slice %arg19[%multiple_of3A_576] : memref<212992xf32, #tpu.memory_space<vmem_shared>> -> memref<16xf32, #tpu.memory_space<vmem_shared>>
    tpu.wait_dma2 semaphore(%arg17 : memref<!tpu.dma_semaphore, #tpu.memory_space<semaphore_mem>>) src(%dma_wait3A_975 : memref<16xf32, #tpu.memory_space<vmem_shared>>) dst(%dma_wait3A_974 : memref<16xf32, #tpu.memory_space<vmem>>)
    %dma_wait3A_976 = arith.constant 224 : i32
    %dma_wait3A_977 = tpu.memref_slice %arg16[%dma_wait3A_976] : memref<512xf32, #tpu.memory_space<vmem>> -> memref<16xf32, #tpu.memory_space<vmem>>
    %dma_wait3A_978 = tpu.memref_slice %arg19[%multiple_of3A_585] : memref<212992xf32, #tpu.memory_space<vmem_shared>> -> memref<16xf32, #tpu.memory_space<vmem_shared>>
    %dma_wait3A_979 = arith.constant 224 : i32
    %dma_wait3A_980 = tpu.memref_slice %arg16[%dma_wait3A_979] : memref<512xf32, #tpu.memory_space<vmem>> -> memref<16xf32, #tpu.memory_space<vmem>>
    %dma_wait3A_981 = tpu.memref_slice %arg19[%multiple_of3A_585] : memref<212992xf32, #tpu.memory_space<vmem_shared>> -> memref<16xf32, #tpu.memory_space<vmem_shared>>
    tpu.wait_dma2 semaphore(%arg17 : memref<!tpu.dma_semaphore, #tpu.memory_space<semaphore_mem>>) src(%dma_wait3A_981 : memref<16xf32, #tpu.memory_space<vmem_shared>>) dst(%dma_wait3A_980 : memref<16xf32, #tpu.memory_space<vmem>>)
    %dma_wait3A_982 = arith.constant 240 : i32
    %dma_wait3A_983 = tpu.memref_slice %arg16[%dma_wait3A_982] : memref<512xf32, #tpu.memory_space<vmem>> -> memref<16xf32, #tpu.memory_space<vmem>>
    %dma_wait3A_984 = tpu.memref_slice %arg19[%multiple_of3A_594] : memref<212992xf32, #tpu.memory_space<vmem_shared>> -> memref<16xf32, #tpu.memory_space<vmem_shared>>
    %dma_wait3A_985 = arith.constant 240 : i32
    %dma_wait3A_986 = tpu.memref_slice %arg16[%dma_wait3A_985] : memref<512xf32, #tpu.memory_space<vmem>> -> memref<16xf32, #tpu.memory_space<vmem>>
    %dma_wait3A_987 = tpu.memref_slice %arg19[%multiple_of3A_594] : memref<212992xf32, #tpu.memory_space<vmem_shared>> -> memref<16xf32, #tpu.memory_space<vmem_shared>>
    tpu.wait_dma2 semaphore(%arg17 : memref<!tpu.dma_semaphore, #tpu.memory_space<semaphore_mem>>) src(%dma_wait3A_987 : memref<16xf32, #tpu.memory_space<vmem_shared>>) dst(%dma_wait3A_986 : memref<16xf32, #tpu.memory_space<vmem>>)
    %dma_wait3A_988 = arith.constant 256 : i32
    %dma_wait3A_989 = tpu.memref_slice %arg16[%dma_wait3A_988] : memref<512xf32, #tpu.memory_space<vmem>> -> memref<16xf32, #tpu.memory_space<vmem>>
    %dma_wait3A_990 = tpu.memref_slice %arg19[%multiple_of3A_750] : memref<212992xf32, #tpu.memory_space<vmem_shared>> -> memref<16xf32, #tpu.memory_space<vmem_shared>>
    %dma_wait3A_991 = arith.constant 256 : i32
    %dma_wait3A_992 = tpu.memref_slice %arg16[%dma_wait3A_991] : memref<512xf32, #tpu.memory_space<vmem>> -> memref<16xf32, #tpu.memory_space<vmem>>
    %dma_wait3A_993 = tpu.memref_slice %arg19[%multiple_of3A_750] : memref<212992xf32, #tpu.memory_space<vmem_shared>> -> memref<16xf32, #tpu.memory_space<vmem_shared>>
    tpu.wait_dma2 semaphore(%arg17 : memref<!tpu.dma_semaphore, #tpu.memory_space<semaphore_mem>>) src(%dma_wait3A_993 : memref<16xf32, #tpu.memory_space<vmem_shared>>) dst(%dma_wait3A_992 : memref<16xf32, #tpu.memory_space<vmem>>)
    %dma_wait3A_994 = arith.constant 272 : i32
    %dma_wait3A_995 = tpu.memref_slice %arg16[%dma_wait3A_994] : memref<512xf32, #tpu.memory_space<vmem>> -> memref<16xf32, #tpu.memory_space<vmem>>
    %dma_wait3A_996 = tpu.memref_slice %arg19[%multiple_of3A_759] : memref<212992xf32, #tpu.memory_space<vmem_shared>> -> memref<16xf32, #tpu.memory_space<vmem_shared>>
    %dma_wait3A_997 = arith.constant 272 : i32
    %dma_wait3A_998 = tpu.memref_slice %arg16[%dma_wait3A_997] : memref<512xf32, #tpu.memory_space<vmem>> -> memref<16xf32, #tpu.memory_space<vmem>>
    %dma_wait3A_999 = tpu.memref_slice %arg19[%multiple_of3A_759] : memref<212992xf32, #tpu.memory_space<vmem_shared>> -> memref<16xf32, #tpu.memory_space<vmem_shared>>
    tpu.wait_dma2 semaphore(%arg17 : memref<!tpu.dma_semaphore, #tpu.memory_space<semaphore_mem>>) src(%dma_wait3A_999 : memref<16xf32, #tpu.memory_space<vmem_shared>>) dst(%dma_wait3A_998 : memref<16xf32, #tpu.memory_space<vmem>>)
    %dma_wait3A_1000 = arith.constant 288 : i32
    %dma_wait3A_1001 = tpu.memref_slice %arg16[%dma_wait3A_1000] : memref<512xf32, #tpu.memory_space<vmem>> -> memref<16xf32, #tpu.memory_space<vmem>>
    %dma_wait3A_1002 = tpu.memref_slice %arg19[%multiple_of3A_768] : memref<212992xf32, #tpu.memory_space<vmem_shared>> -> memref<16xf32, #tpu.memory_space<vmem_shared>>
    %dma_wait3A_1003 = arith.constant 288 : i32
    %dma_wait3A_1004 = tpu.memref_slice %arg16[%dma_wait3A_1003] : memref<512xf32, #tpu.memory_space<vmem>> -> memref<16xf32, #tpu.memory_space<vmem>>
    %dma_wait3A_1005 = tpu.memref_slice %arg19[%multiple_of3A_768] : memref<212992xf32, #tpu.memory_space<vmem_shared>> -> memref<16xf32, #tpu.memory_space<vmem_shared>>
    tpu.wait_dma2 semaphore(%arg17 : memref<!tpu.dma_semaphore, #tpu.memory_space<semaphore_mem>>) src(%dma_wait3A_1005 : memref<16xf32, #tpu.memory_space<vmem_shared>>) dst(%dma_wait3A_1004 : memref<16xf32, #tpu.memory_space<vmem>>)
    %dma_wait3A_1006 = arith.constant 304 : i32
    %dma_wait3A_1007 = tpu.memref_slice %arg16[%dma_wait3A_1006] : memref<512xf32, #tpu.memory_space<vmem>> -> memref<16xf32, #tpu.memory_space<vmem>>
    %dma_wait3A_1008 = tpu.memref_slice %arg19[%multiple_of3A_777] : memref<212992xf32, #tpu.memory_space<vmem_shared>> -> memref<16xf32, #tpu.memory_space<vmem_shared>>
    %dma_wait3A_1009 = arith.constant 304 : i32
    %dma_wait3A_1010 = tpu.memref_slice %arg16[%dma_wait3A_1009] : memref<512xf32, #tpu.memory_space<vmem>> -> memref<16xf32, #tpu.memory_space<vmem>>
    %dma_wait3A_1011 = tpu.memref_slice %arg19[%multiple_of3A_777] : memref<212992xf32, #tpu.memory_space<vmem_shared>> -> memref<16xf32, #tpu.memory_space<vmem_shared>>
    tpu.wait_dma2 semaphore(%arg17 : memref<!tpu.dma_semaphore, #tpu.memory_space<semaphore_mem>>) src(%dma_wait3A_1011 : memref<16xf32, #tpu.memory_space<vmem_shared>>) dst(%dma_wait3A_1010 : memref<16xf32, #tpu.memory_space<vmem>>)
    %dma_wait3A_1012 = arith.constant 320 : i32
    %dma_wait3A_1013 = tpu.memref_slice %arg16[%dma_wait3A_1012] : memref<512xf32, #tpu.memory_space<vmem>> -> memref<16xf32, #tpu.memory_space<vmem>>
    %dma_wait3A_1014 = tpu.memref_slice %arg19[%multiple_of3A_786] : memref<212992xf32, #tpu.memory_space<vmem_shared>> -> memref<16xf32, #tpu.memory_space<vmem_shared>>
    %dma_wait3A_1015 = arith.constant 320 : i32
    %dma_wait3A_1016 = tpu.memref_slice %arg16[%dma_wait3A_1015] : memref<512xf32, #tpu.memory_space<vmem>> -> memref<16xf32, #tpu.memory_space<vmem>>
    %dma_wait3A_1017 = tpu.memref_slice %arg19[%multiple_of3A_786] : memref<212992xf32, #tpu.memory_space<vmem_shared>> -> memref<16xf32, #tpu.memory_space<vmem_shared>>
    tpu.wait_dma2 semaphore(%arg17 : memref<!tpu.dma_semaphore, #tpu.memory_space<semaphore_mem>>) src(%dma_wait3A_1017 : memref<16xf32, #tpu.memory_space<vmem_shared>>) dst(%dma_wait3A_1016 : memref<16xf32, #tpu.memory_space<vmem>>)
    %dma_wait3A_1018 = arith.constant 336 : i32
    %dma_wait3A_1019 = tpu.memref_slice %arg16[%dma_wait3A_1018] : memref<512xf32, #tpu.memory_space<vmem>> -> memref<16xf32, #tpu.memory_space<vmem>>
    %dma_wait3A_1020 = tpu.memref_slice %arg19[%multiple_of3A_795] : memref<212992xf32, #tpu.memory_space<vmem_shared>> -> memref<16xf32, #tpu.memory_space<vmem_shared>>
    %dma_wait3A_1021 = arith.constant 336 : i32
    %dma_wait3A_1022 = tpu.memref_slice %arg16[%dma_wait3A_1021] : memref<512xf32, #tpu.memory_space<vmem>> -> memref<16xf32, #tpu.memory_space<vmem>>
    %dma_wait3A_1023 = tpu.memref_slice %arg19[%multiple_of3A_795] : memref<212992xf32, #tpu.memory_space<vmem_shared>> -> memref<16xf32, #tpu.memory_space<vmem_shared>>
    tpu.wait_dma2 semaphore(%arg17 : memref<!tpu.dma_semaphore, #tpu.memory_space<semaphore_mem>>) src(%dma_wait3A_1023 : memref<16xf32, #tpu.memory_space<vmem_shared>>) dst(%dma_wait3A_1022 : memref<16xf32, #tpu.memory_space<vmem>>)
    %dma_wait3A_1024 = arith.constant 352 : i32
    %dma_wait3A_1025 = tpu.memref_slice %arg16[%dma_wait3A_1024] : memref<512xf32, #tpu.memory_space<vmem>> -> memref<16xf32, #tpu.memory_space<vmem>>
    %dma_wait3A_1026 = tpu.memref_slice %arg19[%multiple_of3A_804] : memref<212992xf32, #tpu.memory_space<vmem_shared>> -> memref<16xf32, #tpu.memory_space<vmem_shared>>
    %dma_wait3A_1027 = arith.constant 352 : i32
    %dma_wait3A_1028 = tpu.memref_slice %arg16[%dma_wait3A_1027] : memref<512xf32, #tpu.memory_space<vmem>> -> memref<16xf32, #tpu.memory_space<vmem>>
    %dma_wait3A_1029 = tpu.memref_slice %arg19[%multiple_of3A_804] : memref<212992xf32, #tpu.memory_space<vmem_shared>> -> memref<16xf32, #tpu.memory_space<vmem_shared>>
    tpu.wait_dma2 semaphore(%arg17 : memref<!tpu.dma_semaphore, #tpu.memory_space<semaphore_mem>>) src(%dma_wait3A_1029 : memref<16xf32, #tpu.memory_space<vmem_shared>>) dst(%dma_wait3A_1028 : memref<16xf32, #tpu.memory_space<vmem>>)
    %dma_wait3A_1030 = arith.constant 368 : i32
    %dma_wait3A_1031 = tpu.memref_slice %arg16[%dma_wait3A_1030] : memref<512xf32, #tpu.memory_space<vmem>> -> memref<16xf32, #tpu.memory_space<vmem>>
    %dma_wait3A_1032 = tpu.memref_slice %arg19[%multiple_of3A_813] : memref<212992xf32, #tpu.memory_space<vmem_shared>> -> memref<16xf32, #tpu.memory_space<vmem_shared>>
    %dma_wait3A_1033 = arith.constant 368 : i32
    %dma_wait3A_1034 = tpu.memref_slice %arg16[%dma_wait3A_1033] : memref<512xf32, #tpu.memory_space<vmem>> -> memref<16xf32, #tpu.memory_space<vmem>>
    %dma_wait3A_1035 = tpu.memref_slice %arg19[%multiple_of3A_813] : memref<212992xf32, #tpu.memory_space<vmem_shared>> -> memref<16xf32, #tpu.memory_space<vmem_shared>>
    tpu.wait_dma2 semaphore(%arg17 : memref<!tpu.dma_semaphore, #tpu.memory_space<semaphore_mem>>) src(%dma_wait3A_1035 : memref<16xf32, #tpu.memory_space<vmem_shared>>) dst(%dma_wait3A_1034 : memref<16xf32, #tpu.memory_space<vmem>>)
    %dma_wait3A_1036 = arith.constant 384 : i32
    %dma_wait3A_1037 = tpu.memref_slice %arg16[%dma_wait3A_1036] : memref<512xf32, #tpu.memory_space<vmem>> -> memref<16xf32, #tpu.memory_space<vmem>>
    %dma_wait3A_1038 = tpu.memref_slice %arg19[%multiple_of3A_822] : memref<212992xf32, #tpu.memory_space<vmem_shared>> -> memref<16xf32, #tpu.memory_space<vmem_shared>>
    %dma_wait3A_1039 = arith.constant 384 : i32
    %dma_wait3A_1040 = tpu.memref_slice %arg16[%dma_wait3A_1039] : memref<512xf32, #tpu.memory_space<vmem>> -> memref<16xf32, #tpu.memory_space<vmem>>
    %dma_wait3A_1041 = tpu.memref_slice %arg19[%multiple_of3A_822] : memref<212992xf32, #tpu.memory_space<vmem_shared>> -> memref<16xf32, #tpu.memory_space<vmem_shared>>
    tpu.wait_dma2 semaphore(%arg17 : memref<!tpu.dma_semaphore, #tpu.memory_space<semaphore_mem>>) src(%dma_wait3A_1041 : memref<16xf32, #tpu.memory_space<vmem_shared>>) dst(%dma_wait3A_1040 : memref<16xf32, #tpu.memory_space<vmem>>)
    %dma_wait3A_1042 = arith.constant 400 : i32
    %dma_wait3A_1043 = tpu.memref_slice %arg16[%dma_wait3A_1042] : memref<512xf32, #tpu.memory_space<vmem>> -> memref<16xf32, #tpu.memory_space<vmem>>
    %dma_wait3A_1044 = tpu.memref_slice %arg19[%multiple_of3A_831] : memref<212992xf32, #tpu.memory_space<vmem_shared>> -> memref<16xf32, #tpu.memory_space<vmem_shared>>
    %dma_wait3A_1045 = arith.constant 400 : i32
    %dma_wait3A_1046 = tpu.memref_slice %arg16[%dma_wait3A_1045] : memref<512xf32, #tpu.memory_space<vmem>> -> memref<16xf32, #tpu.memory_space<vmem>>
    %dma_wait3A_1047 = tpu.memref_slice %arg19[%multiple_of3A_831] : memref<212992xf32, #tpu.memory_space<vmem_shared>> -> memref<16xf32, #tpu.memory_space<vmem_shared>>
    tpu.wait_dma2 semaphore(%arg17 : memref<!tpu.dma_semaphore, #tpu.memory_space<semaphore_mem>>) src(%dma_wait3A_1047 : memref<16xf32, #tpu.memory_space<vmem_shared>>) dst(%dma_wait3A_1046 : memref<16xf32, #tpu.memory_space<vmem>>)
    %dma_wait3A_1048 = arith.constant 416 : i32
    %dma_wait3A_1049 = tpu.memref_slice %arg16[%dma_wait3A_1048] : memref<512xf32, #tpu.memory_space<vmem>> -> memref<16xf32, #tpu.memory_space<vmem>>
    %dma_wait3A_1050 = tpu.memref_slice %arg19[%multiple_of3A_840] : memref<212992xf32, #tpu.memory_space<vmem_shared>> -> memref<16xf32, #tpu.memory_space<vmem_shared>>
    %dma_wait3A_1051 = arith.constant 416 : i32
    %dma_wait3A_1052 = tpu.memref_slice %arg16[%dma_wait3A_1051] : memref<512xf32, #tpu.memory_space<vmem>> -> memref<16xf32, #tpu.memory_space<vmem>>
    %dma_wait3A_1053 = tpu.memref_slice %arg19[%multiple_of3A_840] : memref<212992xf32, #tpu.memory_space<vmem_shared>> -> memref<16xf32, #tpu.memory_space<vmem_shared>>
    tpu.wait_dma2 semaphore(%arg17 : memref<!tpu.dma_semaphore, #tpu.memory_space<semaphore_mem>>) src(%dma_wait3A_1053 : memref<16xf32, #tpu.memory_space<vmem_shared>>) dst(%dma_wait3A_1052 : memref<16xf32, #tpu.memory_space<vmem>>)
    %dma_wait3A_1054 = arith.constant 432 : i32
    %dma_wait3A_1055 = tpu.memref_slice %arg16[%dma_wait3A_1054] : memref<512xf32, #tpu.memory_space<vmem>> -> memref<16xf32, #tpu.memory_space<vmem>>
    %dma_wait3A_1056 = tpu.memref_slice %arg19[%multiple_of3A_849] : memref<212992xf32, #tpu.memory_space<vmem_shared>> -> memref<16xf32, #tpu.memory_space<vmem_shared>>
    %dma_wait3A_1057 = arith.constant 432 : i32
    %dma_wait3A_1058 = tpu.memref_slice %arg16[%dma_wait3A_1057] : memref<512xf32, #tpu.memory_space<vmem>> -> memref<16xf32, #tpu.memory_space<vmem>>
    %dma_wait3A_1059 = tpu.memref_slice %arg19[%multiple_of3A_849] : memref<212992xf32, #tpu.memory_space<vmem_shared>> -> memref<16xf32, #tpu.memory_space<vmem_shared>>
    tpu.wait_dma2 semaphore(%arg17 : memref<!tpu.dma_semaphore, #tpu.memory_space<semaphore_mem>>) src(%dma_wait3A_1059 : memref<16xf32, #tpu.memory_space<vmem_shared>>) dst(%dma_wait3A_1058 : memref<16xf32, #tpu.memory_space<vmem>>)
    %dma_wait3A_1060 = arith.constant 448 : i32
    %dma_wait3A_1061 = tpu.memref_slice %arg16[%dma_wait3A_1060] : memref<512xf32, #tpu.memory_space<vmem>> -> memref<16xf32, #tpu.memory_space<vmem>>
    %dma_wait3A_1062 = tpu.memref_slice %arg19[%multiple_of3A_858] : memref<212992xf32, #tpu.memory_space<vmem_shared>> -> memref<16xf32, #tpu.memory_space<vmem_shared>>
    %dma_wait3A_1063 = arith.constant 448 : i32
    %dma_wait3A_1064 = tpu.memref_slice %arg16[%dma_wait3A_1063] : memref<512xf32, #tpu.memory_space<vmem>> -> memref<16xf32, #tpu.memory_space<vmem>>
    %dma_wait3A_1065 = tpu.memref_slice %arg19[%multiple_of3A_858] : memref<212992xf32, #tpu.memory_space<vmem_shared>> -> memref<16xf32, #tpu.memory_space<vmem_shared>>
    tpu.wait_dma2 semaphore(%arg17 : memref<!tpu.dma_semaphore, #tpu.memory_space<semaphore_mem>>) src(%dma_wait3A_1065 : memref<16xf32, #tpu.memory_space<vmem_shared>>) dst(%dma_wait3A_1064 : memref<16xf32, #tpu.memory_space<vmem>>)
    %dma_wait3A_1066 = arith.constant 464 : i32
    %dma_wait3A_1067 = tpu.memref_slice %arg16[%dma_wait3A_1066] : memref<512xf32, #tpu.memory_space<vmem>> -> memref<16xf32, #tpu.memory_space<vmem>>
    %dma_wait3A_1068 = tpu.memref_slice %arg19[%multiple_of3A_867] : memref<212992xf32, #tpu.memory_space<vmem_shared>> -> memref<16xf32, #tpu.memory_space<vmem_shared>>
    %dma_wait3A_1069 = arith.constant 464 : i32
    %dma_wait3A_1070 = tpu.memref_slice %arg16[%dma_wait3A_1069] : memref<512xf32, #tpu.memory_space<vmem>> -> memref<16xf32, #tpu.memory_space<vmem>>
    %dma_wait3A_1071 = tpu.memref_slice %arg19[%multiple_of3A_867] : memref<212992xf32, #tpu.memory_space<vmem_shared>> -> memref<16xf32, #tpu.memory_space<vmem_shared>>
    tpu.wait_dma2 semaphore(%arg17 : memref<!tpu.dma_semaphore, #tpu.memory_space<semaphore_mem>>) src(%dma_wait3A_1071 : memref<16xf32, #tpu.memory_space<vmem_shared>>) dst(%dma_wait3A_1070 : memref<16xf32, #tpu.memory_space<vmem>>)
    %dma_wait3A_1072 = arith.constant 480 : i32
    %dma_wait3A_1073 = tpu.memref_slice %arg16[%dma_wait3A_1072] : memref<512xf32, #tpu.memory_space<vmem>> -> memref<16xf32, #tpu.memory_space<vmem>>
    %dma_wait3A_1074 = tpu.memref_slice %arg19[%multiple_of3A_876] : memref<212992xf32, #tpu.memory_space<vmem_shared>> -> memref<16xf32, #tpu.memory_space<vmem_shared>>
    %dma_wait3A_1075 = arith.constant 480 : i32
    %dma_wait3A_1076 = tpu.memref_slice %arg16[%dma_wait3A_1075] : memref<512xf32, #tpu.memory_space<vmem>> -> memref<16xf32, #tpu.memory_space<vmem>>
    %dma_wait3A_1077 = tpu.memref_slice %arg19[%multiple_of3A_876] : memref<212992xf32, #tpu.memory_space<vmem_shared>> -> memref<16xf32, #tpu.memory_space<vmem_shared>>
    tpu.wait_dma2 semaphore(%arg17 : memref<!tpu.dma_semaphore, #tpu.memory_space<semaphore_mem>>) src(%dma_wait3A_1077 : memref<16xf32, #tpu.memory_space<vmem_shared>>) dst(%dma_wait3A_1076 : memref<16xf32, #tpu.memory_space<vmem>>)
    %dma_wait3A_1078 = arith.constant 496 : i32
    %dma_wait3A_1079 = tpu.memref_slice %arg16[%dma_wait3A_1078] : memref<512xf32, #tpu.memory_space<vmem>> -> memref<16xf32, #tpu.memory_space<vmem>>
    %dma_wait3A_1080 = tpu.memref_slice %arg19[%multiple_of3A_885] : memref<212992xf32, #tpu.memory_space<vmem_shared>> -> memref<16xf32, #tpu.memory_space<vmem_shared>>
    %dma_wait3A_1081 = arith.constant 496 : i32
    %dma_wait3A_1082 = tpu.memref_slice %arg16[%dma_wait3A_1081] : memref<512xf32, #tpu.memory_space<vmem>> -> memref<16xf32, #tpu.memory_space<vmem>>
    %dma_wait3A_1083 = tpu.memref_slice %arg19[%multiple_of3A_885] : memref<212992xf32, #tpu.memory_space<vmem_shared>> -> memref<16xf32, #tpu.memory_space<vmem_shared>>
    tpu.wait_dma2 semaphore(%arg17 : memref<!tpu.dma_semaphore, #tpu.memory_space<semaphore_mem>>) src(%dma_wait3A_1083 : memref<16xf32, #tpu.memory_space<vmem_shared>>) dst(%dma_wait3A_1082 : memref<16xf32, #tpu.memory_space<vmem>>)
    %mul3A_1084 = arith.constant 512 : i32
    %mul3A_1085 = arith.muli %arg0, %mul3A_1084 : i32
    %mul3A_1086 = arith.constant 32 : i32
    %mul3A_1087 = arith.muli %arg1, %mul3A_1086 : i32
    %add3A_1088 = arith.addi %mul3A_1085, %mul3A_1087 : i32
    %mul3A_1089 = arith.constant 16 : i32
    %mul3A_1090 = arith.muli %add3A_1088, %mul3A_1089 : i32
    "tpu.region"() ({
      %run_scoped3A = tpu.sem_alloc : memref<!tpu.dma_semaphore, #tpu.memory_space<semaphore_mem>>
      %dma_start3A_1091 = tpu.memref_slice %arg5[%mul3A_1090] : memref<16384xf32, #tpu.memory_space<hbm>> -> memref<512xf32, #tpu.memory_space<hbm>>
      %dma_start3A_1092 = tpu.memref_slice %arg5[%mul3A_1090] : memref<16384xf32, #tpu.memory_space<hbm>> -> memref<512xf32, #tpu.memory_space<hbm>>
      tpu.enqueue_dma source(%arg16 : memref<512xf32, #tpu.memory_space<vmem>>) target(%dma_start3A_1092 : memref<512xf32, #tpu.memory_space<hbm>>) target_semaphore(%run_scoped3A : memref<!tpu.dma_semaphore, #tpu.memory_space<semaphore_mem>>)
      %dma_wait3A_1093 = tpu.memref_slice %arg5[%mul3A_1090] : memref<16384xf32, #tpu.memory_space<hbm>> -> memref<512xf32, #tpu.memory_space<hbm>>
      %dma_wait3A_1094 = tpu.memref_slice %arg5[%mul3A_1090] : memref<16384xf32, #tpu.memory_space<hbm>> -> memref<512xf32, #tpu.memory_space<hbm>>
      tpu.wait_dma2 semaphore(%run_scoped3A : memref<!tpu.dma_semaphore, #tpu.memory_space<semaphore_mem>>) src(%arg16 : memref<512xf32, #tpu.memory_space<vmem>>) dst(%dma_wait3A_1094 : memref<512xf32, #tpu.memory_space<hbm>>)
      tpu.yield
    }) : () -> ()
    return
  }
}

</mosaic_0001>

<sc_bundles>
// kernel: kernel.3.cloned.1.call-start
scs
__scs_entry_jumppad:
0x0: {  	(pc) =	sbr.rel $0x88, $3  }
0x1: {  	(tag) =	ssettag $0x0;
	lr =	simm.s32 $0x1  }
0x2: {  	[smem:$0x3F9E] =	sst lr;
	_ =	strace $0xD0000000  }
0x3: {  	_ = 	snop  }
0x4: {  	_ = 	snop  }
0x5: {  	_ = 	snop  }
0x6: {  	_ = 	snop  }
0x7: {  	_ = 	snop  }
__scs_overlays_trampoline_lowered:
0x8: {  	[smem:$0x3FAD] =	sst s0  }
0x9: {  	[smem:$0x3FAE] =	sst s1  }
0xa: {  	[smem:$0x3FAF] =	sst s2  }
0xb: {  	[smem:$0x3FB0] =	sst s3  }
0xc: {  	[smem:$0x3FB1] =	sst s4  }
0xd: {  	[smem:$0x3FB2] =	sst s5  }
0xe: {  	[smem:$0x3FB3] =	sst s6  }
0xf: {  	[smem:$0x3FB4] =	sst s7  }
0x10: {  	[smem:$0x3FB5] =	sst s8  }
0x11: {  	[smem:$0x3FB6] =	sst s9;
	s0 =	simm.s32 @!p0 $0x0  }
0x12: {  	s1 =	sld [smem:$0x3F9C];
	s0 =	simm.s32 @p0 $0x1  }
0x13: {  	[smem:$0x3FB7] =	sst s0;
	s0 =	simm.s32 @!p1 $0x0  }
0x14: {  	s2 =	sld [smem:$0x3F9B];
	s0 =	simm.s32 @p1 $0x1  }
0x15: {  	[smem:$0x3FB8] =	sst s0;
	s0 =	simm.s32 @!p2 $0x0  }
0x16: {  	s3 =	sld [smem:$0x3FDB];
	s0 =	simm.s32 @p2 $0x1  }
0x17: {  	s4 =	simm.s32 $0x1BF5;
	[smem:$0x3FBA] =	sst s0  }
0x18: {  	s0 =	sld [smem:$0x3F9D];
	_ =	swait.ge [sflag:s4], $0x0  }
0x19: {  	s7 =	sld [smem:$0x3F9E]  }
0x1a: {  	s8 =	sadd.s32 $0xFFFFE003, lr  }
0x1b: {  	s9 =	sadd.s32 $0xFFFFFEF7, lr;
	s5 =	simm.s32 $0xFFFFFFFF;
	p2 =	slt.u32 s8, $0xFFFFF086  }
0x1c: {  	p1 =	slt.u32 s9, $0xF7A;
	s5 =	simm.s32 @!p2 $0x0  }
0x1d: {  	s5 =	simm.s32 @p1 $0x1;
	p0 =	seq.s32 s7, s2  }
0x1e: {  	s7 =	smul.u32 @!p0 $0xF7A, s2;
	p2 =	seq.s32 @!p0 s5, $0x0  }
0x1f: {  	s9 =	smul.u32 $0xF7A, s1;
	s8 =	simm.s32 @!p0 $0x1BF5;
	p2 =	por !p2, p0  }
0x20: {  	[sflag:s8] =	ssyncset.s32 @!p0 $0xFFFFF086;
	s6 =	sadd.s32 @!p0 s3, s7;
	s7 =	simm.s32 @!p0 $0x108  }
0x21: {  	s3 =	sadd.s32 s3, s9;
	s6 =	sadd.s32 @!p0 $0x88, s6;
	s7 =	simm.s32 @p2 $0x1082  }
0x22: {  	[simem:s7], [sflag:s8] =	dma.local @!p0 [hbm:s6], $0xF7A  }
0x23: {  	s9 =	sor.u32 $0xD0000000, s2;
	s6 =	simm.s32 $0x108;
	_ =	swait.ge @!p0 [sflag:s8], $0x0  }
0x24: {  	s3 =	sadd.s32 $0x88, s3;
	s6 =	simm.s32 @!p1 $0x1082;
	[sflag:s4] =	ssyncset.s32 $0xFFFFF086  }
0x25: {  	[simem:s6], [sflag:s4] =	dma.local [hbm:s3], $0xF7A  }
0x26: {  	[smem:$0x3F9E] =	sst s1;
	(tag) =	ssettag s2;
	_ =	strace s9  }
0x27: {  	s1 =	sld [smem:$0x3FAE]  }
0x28: {  	s2 =	sld [smem:$0x3FAF]  }
0x29: {  	s4 =	sld [smem:$0x3FB1]  }
0x2a: {  	p0 =	seq.s32 s5, $0x0;
	s5 =	sld [smem:$0x3FB2]  }
0x2b: {  	s6 =	sld [smem:$0x3FB3]  }
0x2c: {  	s7 =	sld [smem:$0x3FB4]  }
0x2d: {  	s3 =	simm.s32 $0x108;
	s8 =	sld [smem:$0x3FB5]  }
0x2e: {  	s3 =	simm.s32 @!p0 $0x1082;
	s9 =	sld [smem:$0x3FB6]  }
0x2f: {  	lr =	sadd.s32 s0, s3;
	s0 =	sld [smem:$0x3FAD]  }
0x30: {  	s3 =	sld [smem:$0x3FB0]  }
0x31: {  	[smem:$0x3FB9] =	sst s10  }
0x32: {  	s10 =	sld [smem:$0x3FB7];
	_ =	sdelay $0x3  }
0x33: {  	p0 =	seq.s32 s10, $0x1;
	s10 =	sld [smem:$0x3FB9];
	_ =	sdelay $0x3  }
0x34: {  	[smem:$0x3FB9] =	sst s10  }
0x35: {  	s10 =	sld [smem:$0x3FB8];
	_ =	sdelay $0x3  }
0x36: {  	p1 =	seq.s32 s10, $0x1;
	s10 =	sld [smem:$0x3FB9];
	_ =	sdelay $0x3  }
0x37: {  	[smem:$0x3FB9] =	sst s10  }
0x38: {  	s10 =	sld [smem:$0x3FBA]  }
0x39: {  	_ = 	snop;
	(pc) =	sbr.ind lr, $3  }
0x3a: {  	_ = 	snop  }
0x3b: {  	_ = 	snop  }
0x3c: {  	p2 =	seq.s32 s10, $0x1;
	s10 =	sld [smem:$0x3FB9]  }
0x3d: {  	_ =	shalt  }
0x3e: {  	_ =	shalt  }
0x3f: {  	_ =	shalt  }
0x40: {  	_ =	shalt  }
0x41: {  	_ =	shalt  }
0x42: {  	_ =	shalt  }
0x43: {  	_ =	shalt  }
0x44: {  	_ =	shalt  }
0x45: {  	_ =	shalt  }
0x46: {  	_ =	shalt  }
0x47: {  	_ =	shalt  }
0x48: {  	_ =	shalt  }
0x49: {  	_ =	shalt  }
0x4a: {  	_ =	shalt  }
0x4b: {  	_ =	shalt  }
0x4c: {  	_ =	shalt  }
0x4d: {  	_ =	shalt  }
0x4e: {  	_ =	shalt  }
0x4f: {  	_ =	shalt  }
0x50: {  	_ =	shalt  }
0x51: {  	_ =	shalt  }
0x52: {  	_ =	shalt  }
0x53: {  	_ =	shalt  }
0x54: {  	_ =	shalt  }
0x55: {  	_ =	shalt  }
0x56: {  	_ =	shalt  }
0x57: {  	_ =	shalt  }
0x58: {  	_ =	shalt  }
0x59: {  	_ =	shalt  }
0x5a: {  	_ =	shalt  }
0x5b: {  	_ =	shalt  }
0x5c: {  	_ =	shalt  }
0x5d: {  	_ =	shalt  }
0x5e: {  	_ =	shalt  }
0x5f: {  	_ =	shalt  }
0x60: {  	_ =	shalt  }
0x61: {  	_ =	shalt  }
0x62: {  	_ =	shalt  }
0x63: {  	_ =	shalt  }
0x64: {  	_ =	shalt  }
0x65: {  	_ =	shalt  }
0x66: {  	_ =	shalt  }
0x67: {  	_ =	shalt  }
0x68: {  	_ =	shalt  }
0x69: {  	_ =	shalt  }
0x6a: {  	_ =	shalt  }
0x6b: {  	_ =	shalt  }
0x6c: {  	_ =	shalt  }
0x6d: {  	_ =	shalt  }
0x6e: {  	_ =	shalt  }
0x6f: {  	_ =	shalt  }
0x70: {  	_ =	shalt  }
0x71: {  	_ =	shalt  }
0x72: {  	_ =	shalt  }
0x73: {  	_ =	shalt  }
0x74: {  	_ =	shalt  }
0x75: {  	_ =	shalt  }
0x76: {  	_ =	shalt  }
0x77: {  	_ =	shalt  }
0x78: {  	_ =	shalt  }
0x79: {  	_ =	shalt  }
0x7a: {  	_ =	shalt  }
0x7b: {  	_ =	shalt  }
0x7c: {  	_ =	shalt  }
0x7d: {  	_ =	shalt  }
0x7e: {  	_ =	shalt  }
0x7f: {  	_ =	shalt  }
0x80: {  	_ =	shalt  }
0x81: {  	_ =	shalt  }
0x82: {  	_ =	shalt  }
0x83: {  	_ =	shalt  }
0x84: {  	_ =	shalt  }
0x85: {  	_ =	shalt  }
0x86: {  	_ =	shalt  }
0x87: {  	_ =	shalt  }
.Lfunc_end0:
.L_simem_size_0:
called_computation_lowered:
.L_overlay_start_0:
0x88: {  	s2 =	sld [smem:$0x3FD9]  }
0x89: {  	s3 =	sld [smem:$0x3FFE];
	_ =	sdelay $0x1  }
0x8a: {  	s1 =	srdreg.scid  }
0x8b: {  	s0 =	sand.u32 $0x1, s1  }
0x8c: {  	s14 =	sshll.u32 s0, $0xA;
	s2 =	sadd.s32 s3, s2  }
0x8d: {  	s2 =	sadd.s32 s2, s14  }
0x8e: {  	[smem:$0x3FC5] =	sst s2  }
0x8f: {  	_ = 	snop  }
0x90: {  	s2 =	sld [smem:$0x3FD0];
	_ =	sdelay $0x2  }
0x91: {  	s4 =	simm.s32 $0xA;
	s5 =	simm.s32 $0x10;
	s15 =	sld [smem:$0x3FC7]  }
0x92: {  	[smem:s5], [sflag:s4] =	dma.local [hbm:s2], $0x1  }
0x93: {  	_ =	swait.eq [sflag:s4], $0x1  }
0x94: {  	[sflag:s4] =	ssyncset.done $0x0  }
0x95: {  	[sflag:s4] =	ssyncadd.s32 $0xFFFFFFFF  }
0x96: {  	s16 =	sld [smem:$0x13];
	(tm) =	ssettm $0x1  }
0x97: {  	s17 =	sld [smem:$0x3FFB];
	_ =	sdelay $0x3  }
0x98: {  	_ =	strace s17  }
0x99: {  	s4 =	sld [smem:$0x3FFC];
	_ =	sdelay $0x3  }
0x9a: {  	_ =	strace s4  }
0x9b: {  	s4 =	sld [smem:$0x3FFD];
	_ =	sdelay $0x3  }
0x9c: {  	_ =	strace s4  }
0x9d: {  	_ =	strace $0x8FFFFFFF  }
0x9e: {  	s18 =	sld [smem:$0x3FDB];
	_ =	sdelay $0x1  }
0x9f: {  	s19 =	simm.s32 $_scs_section_size  }
0xa0: {  	s6 =	simm.s32 $_size__tile_overlayer_lowered;
	s7 =	simm.s32 $_tile_overlayer_lowered  }
0xa1: {  	s22 =	simm.s32 $0x1BFF;
	s21 =	sshll.u32 s7, $0x1;
	s4 =	sadd.s32 s19, s18  }
0xa2: {  	s8 =	simm.s32 $0x0;
	s20 =	sshll.u32 s6, $0x1;
	s6 =	sadd.s32 s21, s4  }
0xa3: {  	[timem:s8], [sflag:s22] =	dma.local [hbm:s6], s20  }
0xa4: {  	_ =	swait.ge [sflag:s22], s20  }
0xa5: {  	s5 =	ssub.s32 $0x0, s20;
	[sflag:s22] =	ssyncset.done $0x0  }
0xa6: {  	[sflag:s22] =	ssyncadd.s32 s5;
	_ =	sdelay $0x1  }
0xa7: {  	s23 =	simm.s32 $0x1B8B  }
0xa8: {  	_ =	swait.ge [sflag:s23], $0x1  }
0xa9: {  	[sflag:s23] =	ssyncset.done $0x0  }
0xaa: {  	s25 =	simm.s32 $0x1B8E;
	s24 =	sld [smem:$0x3FFE];
	[sflag:s23] =	ssyncadd.s32 $0xFFFFFFFF  }
0xab: {  	s26 =	simm.s32 $execute0_lowered;
	[smem:$0x3FD2] =	sst s25  }
0xac: {  	s6 =	sshll.u32 s26, $0x1;
	_ =	strace $0x80000046;
	[dreg:$0x1] =	wrdreg $0xFFFFFFFF  }
0xad: {  	s28 =	simm.s32 $_size_execute0_lowered;
	s4 =	sadd.s32 s4, s6;
	[dreg:$0x0] =	wrdreg $0x0  }
0xae: {  	s6 =	sshll.u32 s28, $0x1;
	[dreg:$0x2] =	wrdreg s4  }
0xaf: {  	[dreg:$0x3] =	wrdreg s6  }
0xb0: {  	[dreg:$0x4] =	wrdreg $0xC0  }
0xb1: {  	_ =	task [dreg:s8], $0x5FFFF  }
0xb2: {  	[dreg:$0x1] =	wrdreg $0xFFFFFFFF  }
0xb3: {  	[dreg:$0x0] =	wrdreg $0x60  }
0xb4: {  	[dreg:$0x2] =	wrdreg s24  }
0xb5: {  	[dreg:$0x3] =	wrdreg s16  }
0xb6: {  	[dreg:$0x4] =	wrdreg s15  }
0xb7: {  	[dreg:$0x5] =	wrdreg $0x98000  }
0xb8: {  	[dreg:$0x6] =	wrdreg $0x98100  }
0xb9: {  	[dreg:$0x7] =	wrdreg $0x9  }
0xba: {  	_ =	task.clear_ibuf [dreg:s8], $0x8FFFF;
	_ =	strace $0x90000046  }
0xbb: {  	s29 =	simm.s32 $0x9;
	_ =	strace $0x80000048  }
0xbc: {  	_ =	swait.ge [sflag:s29], $0x1  }
0xbd: {  	[sflag:s29] =	ssyncadd.s32 $0xFFFFFFFF  }
0xbe: {  	_ =	strace $0x90000048  }
0xbf: {  	_ =	sfence  }
0xc0: {  	s30 =	sld [smem:$0x0];
	_ =	sdelay $0x2  }
0xc1: {  	s31 =	sshll.u32 s1, $0xD;
	s1 =	sshrl.u32 s1, $0x2  }
0xc2: {  	s3 =	sand.u32 $0x4000, s31;
	s1 =	sadd.s32 s1, s30  }
0xc3: {  	s0 =	sor.u32 s3, s0;
	s1 =	sshll.u32 s1, $0x11  }
0xc4: {  	s0 =	sor.u32 s1, s0  }
0xc5: {  	s0 =	sadd.s32 $0x8F2B, s0  }
0xc6: {  	[sflag:s0] =	ssyncadd.remote.s32 $0x1  }
0xc7: {  	_ =	sfence.sel $0xFFFF  }
0xc8: {  	[dreg:$0x0] =	wrdreg $0xFFFFFFFF;
	(pc) =	sbr.abs _section_cstart, $3  }
0xc9: {  	[dreg:$0x1] =	wrdreg $0xFFFFFFFF  }
0xca: {  	_ =	task.clear_ibuf [dreg:s8], $0x2FFFF;
	_ =	strace $0x9FFFFFFF  }
0xcb: {  	(tm) =	ssettm $0x7FFFFFFF  }
tec
execute0_lowered:
.L_overlay_start_1:
0x0: {  	(tag) =	ssettag $0x1  }
0x1: {  	s0 =	rddreg [dreg:$0x0]  }
0x2: {  	s1 =	rddreg [dreg:$0x1]  }
0x3: {  	s2 =	rddreg [dreg:$0x2]  }
0x4: {  	s21 =	rddreg [dreg:$0x3]  }
0x5: {  	s24 =	rddreg [dreg:$0x4];
	s3 =	srdreg.scid;
	s4 =	simm.s32 $0x0  }
0x6: {  	s22 =	stileid.u32;
	s3 =	sand.u32 $0x1, s3;
	[smem:$0x7FF] =	sst s4  }
0x7: {  	s10 =	sshrl.u32 s22, $0x3;
	s20 =	sand.u32 $0x7, s22;
	s12 =	sshll.u32 s22, $0x6  }
0x8: {  	s5 =	sshll.u32 s3, $0x1;
	_ =	strace $0x80000047;
	s14 =	sadd.s32 s12, s0  }
0x9: {  	s7 =	ssub.s32 $0x2, s3;
	p0 =	seq.s32 s20, $0x7;
	s11 =	sor.u32 s10, s5  }
0xa: {  	s5 =	smul.u32 $0x280, s20;
	s18 =	sshrl.u32 s7, $0x1;
	s13 =	sshll.u32 s11, $0x2  }
0xb: {  	s6 =	smul.u32 $0x5000, s11;
	s17 =	sshllo.u32 s11, $0x2;
	s18 =	ssub.s32 s7, s18  }
0xc: {  	s15 =	sor.u32 $0x1, s13;
	s16 =	sor.u32 $0x2, s13;
	s19 =	smul.u32 $0x1400, s17  }
0xd: {  	s28 =	sshll.u32 s17, $0x2;
	s8 =	smul.u32 $0x1400, s15;
	s6 =	sadd.s32 s5, s6  }
0xe: {  	s9 =	smul.u32 $0x1400, s16;
	s23 =	sshll.u32 s15, $0x2;
	s25 =	sshll.u32 s16, $0x2  }
0xf: {  	s15 =	simm.s32 $0x228;
	s6 =	sshrl.u32 s6, $0x3;
	s31 =	sadd.s32 s5, s19  }
0x10: {  	s19 =	sshll.u32 s11, $0x4;
	s26 =	sadd.s32 s1, s25;
	s15 =	simm.s32 @!p0 $0x280  }
0x11: {  	s11 =	simm.s32 $0xA00;
	s6 =	sadd.s32 s0, s6;
	s29 =	sadd.s32 s5, s8  }
0x12: {  	s30 =	sadd.s32 s5, s9;
	s9 =	sshrl.u32 s31, $0x3;
	[dreg:$0x8] =	wrdreg s26  }
0x13: {  	s31 =	sshrl.u32 s12, $0x2;
	s12 =	smax.u32 s18, $0x1;
	s7 =	sshrl.u32 s29, $0x3  }
0x14: {  	s8 =	sshrl.u32 s30, $0x3;
	s29 =	sadd.s32 s2, s13;
	[dreg:$0xe] =	wrdreg s12  }
0x15: {  	s9 =	sadd.s32 s0, s9;
	s13 =	sadd.s32 $0x10, s6;
	[dreg:$0xa] =	wrdreg s29  }
0x16: {  	s30 =	smul.u32 $0xD000, s22;
	s16 =	sadd.s32 $0x30, s6;
	[dreg:$0xf] =	wrdreg s13  }
0x17: {  	s17 =	sadd.s32 $0x40, s6;
	s7 =	sadd.s32 s0, s7;
	[dreg:$0x11] =	wrdreg s16  }
0x18: {  	s8 =	sadd.s32 s0, s8;
	s0 =	sadd.s32 s1, s19;
	[dreg:$0x12] =	wrdreg s17  }
0x19: {  	s2 =	sshll.u32 s10, $0x8;
	[dreg:$0x6] =	wrdreg s0;
	s0 =	sadd.s32 s1, s23  }
0x1a: {  	s12 =	simm.s32 $0x2;
	s18 =	sadd.s32 $0x10, s7;
	[dreg:$0x7] =	wrdreg s0  }
0x1b: {  	s10 =	sadd.s32 $0x40, s9;
	s19 =	sadd.s32 $0x20, s7;
	[dreg:$0x13] =	wrdreg s18  }
0x1c: {  	s13 =	simm.s32 $0x5A80;
	s25 =	sadd.s32 $0x40, s7;
	[dreg:$0x14] =	wrdreg s19  }
0x1d: {  	s16 =	simm.s32 $0x9500;
	s26 =	sadd.s32 $0x10, s8;
	[dreg:$0x16] =	wrdreg s25  }
0x1e: {  	s17 =	simm.s32 $0x6000;
	s29 =	sadd.s32 $0x30, s8;
	[dreg:$0x17] =	wrdreg s26  }
0x1f: {  	s23 =	sand.u32 $0x8, s22;
	s0 =	sadd.s32 s1, s28;
	[dreg:$0x19] =	wrdreg s29  }
0x20: {  	s1 =	sadd.s32 s31, s21;
	s21 =	sshll.u32 s22, $0x5;
	[dreg:$0x9] =	wrdreg s0  }
0x21: {  	v0 =	vlaneseq.u32;
	s28 =	sadd.s32 $0x20, s8;
	s31 =	sadd.s32 $0x10, s9;
	[dreg:$0xb] =	wrdreg s1  }
0x22: {  	vm0 =	vcmask $0x704;
	vm1 =	vcmask $0xB08;
	v8 =	vmul.u32 $0xFFFFFFFF, v0;
	s18 =	simm.s32 $0x9400;
	s19 =	simm.s32 $0x9600;
	[dreg:$0x18] =	wrdreg s28  }
0x23: {  	v10 =	vimm.f32 $0.0e+00;
	v11 =	vimm.s32 $0x20;
	v12 =	vimm.s32 $0x140;
	s0 =	sshrl.u32 s30, $0x2;
	s30 =	sadd.s32 $0x40, s8;
	[dreg:$0x1b] =	wrdreg s31  }
0x24: {  	v4 =	vor.u32 $0x10, v0;
	v8 =	vadd.s32 $0x13A8, v8;
	v2 =	vadd.s32 s23, v0;
	s1 =	sshll.u32 s3, $0xA;
	s0 =	sadd.s32 s0, s24;
	[dreg:$0x1a] =	wrdreg s30  }
0x25: {  	v7 =	vmov s2;
	v1 =	vmov s23;
	s3 =	sadd.s32 $0x30, s9;
	v3 =	vmin.u32 v2, $0xF;
	s24 =	sadd.s32 $0x30, s7;
	[dreg:$0xc] =	wrdreg s0  }
0x26: {  	v2 =	vmov s20;
	v6 =	vor.u32 s21, v0;
	v9 =	vor.u32 s21, v4;
	s0 =	sadd.s32 s1, s14;
	s14 =	sadd.s32 $0x20, s6;
	[dreg:$0x15] =	wrdreg s24  }
0x27: {  	s20 =	simm.s32 $0x0;
	v3 =	vshll.u32 v3, $0x4;
	v6 =	vsub.s32 v6, v7;
	v7 =	vsub.s32 v9, v7;
	s0 =	sadd.s32 $0x2800, s0;
	[dreg:$0x10] =	wrdreg s14  }
0x28: {  	v9 =	vimm.s32 $0x0;
	s1 =	sadd.s32 $0x20, s9;
	v4 =	vor.u32 $0x1, v3;
	v5 =	vor.u32 $0x2, v3;
	s14 =	simm.s32 $0x1;
	[dreg:$0xd] =	wrdreg s0  }
.LBB2_1:
0x29: {  	[tilespmem:s4], [sflag:$0x1] =	stream.linear.gather [hbm4b:s6+s4], $0x80, $0x38;
	[tilespmem:$0xCC10] =	vst v63  }
0x2a: {  	s0 =	rddreg [dreg:$0xf];
	s2 =	simm.s32 $0x200  }
0x2b: {  	[tilespmem:s2], [sflag:$0x1] =	stream.linear.gather [hbm4b:s0+s4], $0x80, $0x38;
	[tilespmem:$0xCC10] =	vst v63  }
0x2c: {  	s25 =	rddreg [dreg:$0x10];
	s26 =	simm.s32 $0x400  }
0x2d: {  	[tilespmem:s26], [sflag:$0x1] =	stream.linear.gather [hbm4b:s25+s4], $0x80, $0x38;
	[tilespmem:$0xCC10] =	vst v63  }
0x2e: {  	s28 =	rddreg [dreg:$0x11];
	s29 =	simm.s32 $0x600  }
0x2f: {  	[tilespmem:s29], [sflag:$0x1] =	stream.linear.gather [hbm4b:s28+s4], $0x80, $0x38;
	[tilespmem:$0xCC10] =	vst v63  }
0x30: {  	s30 =	rddreg [dreg:$0x12];
	s31 =	simm.s32 $0x800  }
0x31: {  	[tilespmem:s31], [sflag:$0x1] =	stream.linear.gather [hbm4b:s30+s4], $0x80, $0x38;
	[tilespmem:$0xCC10] =	vst v63  }
0x32: {  	s21 =	simm.s32 $0x80  }
0x33: {  	[tilespmem:s21], [sflag:$0x1] =	stream.linear.gather [hbm4b:s7+s4], $0x80, $0x38;
	[tilespmem:$0xCC10] =	vst v63  }
0x34: {  	s22 =	rddreg [dreg:$0x13];
	s23 =	simm.s32 $0x280  }
0x35: {  	[tilespmem:s23], [sflag:$0x1] =	stream.linear.gather [hbm4b:s22+s4], $0x80, $0x38;
	[tilespmem:$0xCC10] =	vst v63  }
0x36: {  	s24 =	rddreg [dreg:$0x14];
	s25 =	simm.s32 $0x480  }
0x37: {  	[tilespmem:s25], [sflag:$0x1] =	stream.linear.gather [hbm4b:s24+s4], $0x80, $0x38;
	[tilespmem:$0xCC10] =	vst v63  }
0x38: {  	s26 =	rddreg [dreg:$0x15];
	s28 =	simm.s32 $0x680  }
0x39: {  	[tilespmem:s28], [sflag:$0x1] =	stream.linear.gather [hbm4b:s26+s4], $0x80, $0x38;
	[tilespmem:$0xCC10] =	vst v63  }
0x3a: {  	s29 =	rddreg [dreg:$0x16];
	s30 =	simm.s32 $0x880  }
0x3b: {  	[tilespmem:s30], [sflag:$0x1] =	stream.linear.gather [hbm4b:s29+s4], $0x80, $0x38;
	[tilespmem:$0xCC10] =	vst v63  }
0x3c: {  	s31 =	simm.s32 $0x100  }
0x3d: {  	[tilespmem:s31], [sflag:$0x1] =	stream.linear.gather [hbm4b:s8+s4], $0x80, $0x38;
	[tilespmem:$0xCC10] =	vst v63  }
0x3e: {  	s2 =	rddreg [dreg:$0x17];
	s21 =	simm.s32 $0x300  }
0x3f: {  	[tilespmem:s21], [sflag:$0x1] =	stream.linear.gather [hbm4b:s2+s4], $0x80, $0x38;
	[tilespmem:$0xCC10] =	vst v63  }
0x40: {  	s22 =	rddreg [dreg:$0x18];
	s23 =	simm.s32 $0x500  }
0x41: {  	[tilespmem:s23], [sflag:$0x1] =	stream.linear.gather [hbm4b:s22+s4], $0x80, $0x38;
	[tilespmem:$0xCC10] =	vst v63  }
0x42: {  	s24 =	rddreg [dreg:$0x19];
	s25 =	simm.s32 $0x700  }
0x43: {  	[tilespmem:s25], [sflag:$0x1] =	stream.linear.gather [hbm4b:s24+s4], $0x80, $0x38;
	[tilespmem:$0xCC10] =	vst v63  }
0x44: {  	s26 =	rddreg [dreg:$0x1a];
	s28 =	simm.s32 $0x900  }
0x45: {  	[tilespmem:s28], [sflag:$0x1] =	stream.linear.gather [hbm4b:s26+s4], $0x80, $0x38;
	[tilespmem:$0xCC10] =	vst v63  }
0x46: {  	s29 =	simm.s32 $0x180  }
0x47: {  	[tilespmem:s29], [sflag:$0x1] =	stream.linear.gather [hbm4b:s9+s4], $0x80, $0x38;
	[tilespmem:$0xCC10] =	vst v63  }
0x48: {  	s30 =	rddreg [dreg:$0x1b];
	s31 =	simm.s32 $0x380  }
0x49: {  	[tilespmem:s31], [sflag:$0x1] =	stream.linear.gather [hbm4b:s30+s4], $0x80, $0x38;
	[tilespmem:$0xCC10] =	vst v63  }
0x4a: {  	s2 =	simm.s32 $0x580  }
0x4b: {  	[tilespmem:s2], [sflag:$0x1] =	stream.linear.gather [hbm4b:s1+s4], $0x80, $0x38;
	[tilespmem:$0xCC10] =	vst v63  }
0x4c: {  	s21 =	simm.s32 $0x780  }
0x4d: {  	[tilespmem:s21], [sflag:$0x1] =	stream.linear.gather [hbm4b:s3+s4], $0x80, $0x38;
	[tilespmem:$0xCC10] =	vst v63  }
0x4e: {  	s22 =	simm.s32 $0x980  }
0x4f: {  	[tilespmem:s22], [sflag:$0x1] =	stream.linear.gather [hbm4b:s10+s4], $0x80, $0x38;
	[tilespmem:$0xCC10] =	vst v63  }
0x50: {  	s23 =	rddreg [dreg:$0x6]  }
0x51: {  	[tilespmem:s11], [sflag:$0x2] =	stream.linear.gather [hbm4b:s23+s4], $0x20, $0x38;
	[tilespmem:$0xCC10] =	vst v63  }
0x52: {  	_ =	swait.ge [sflag:s12], $0x20  }
0x53: {  	[sflag:s12] =	ssyncset.done $0x0  }
0x54: {  	s25 =	simm.s32 $0xA20;
	s24 =	rddreg [dreg:$0x7];
	[sflag:s12] =	ssyncadd.s32 $0xFFFFFFE0  }
0x55: {  	[tilespmem:s25], [sflag:$0x2] =	stream.linear.gather [hbm4b:s24+s4], $0x20, $0x38;
	[tilespmem:$0xCC10] =	vst v63  }
0x56: {  	_ =	swait.ge [sflag:s12], $0x20  }
0x57: {  	[sflag:s12] =	ssyncset.done $0x0  }
0x58: {  	s28 =	simm.s32 $0xA40;
	s26 =	rddreg [dreg:$0x8];
	[sflag:s12] =	ssyncadd.s32 $0xFFFFFFE0  }
0x59: {  	[tilespmem:s28], [sflag:$0x2] =	stream.linear.gather [hbm4b:s26+s4], $0x20, $0x38;
	[tilespmem:$0xCC10] =	vst v63  }
0x5a: {  	_ =	swait.ge [sflag:s12], $0x20  }
0x5b: {  	[sflag:s12] =	ssyncset.done $0x0  }
0x5c: {  	s30 =	simm.s32 $0xA60;
	s29 =	rddreg [dreg:$0x9];
	[sflag:s12] =	ssyncadd.s32 $0xFFFFFFE0  }
0x5d: {  	[tilespmem:s30], [sflag:$0x2] =	stream.linear.gather [hbm4b:s29+s4], $0x20, $0x38;
	[tilespmem:$0xCC10] =	vst v63  }
0x5e: {  	_ =	swait.ge [sflag:s12], $0x20  }
0x5f: {  	[sflag:s12] =	ssyncset.done $0x0  }
0x60: {  	v13 =	vmov s4;
	s31 =	rddreg [dreg:$0xa];
	[sflag:s12] =	ssyncadd.s32 $0xFFFFFFE0  }
0x61: {  	[tilespmem:s13], [sflag:$0x2] =	stream.linear.gather [hbm4b:s31+s4], $0x20, $0x38;
	[tilespmem:$0xCC10] =	vst v63  }
0x62: {  	_ =	swait.ge [sflag:s12], $0x20  }
0x63: {  	[sflag:s12] =	ssyncset.done $0x0  }
0x64: {  	[sflag:s12] =	ssyncadd.s32 $0xFFFFFFE0  }
0x65: {  	v14 =	vld.idx.msk [tilespmem:v13+s11+$0x0], $0xffff  }
0x66: {  	v15 =	vor.u32 $0x20, v13;
	_ =	sdelay $0x2  }
0x67: {  	s21 =	simm.s32 $0x2A80  }
0x68: {  	[tilespmem:s21+$0xFFFFE000] =	vst v14  }
0x69: {  	v15 =	vld.idx.msk [tilespmem:v15+s11+$0x0], $0xffff  }
0x6a: {  	v16 =	vor.u32 $0x40, v13;
	_ =	sdelay $0x3  }
0x6b: {  	[tilespmem:s21+$0xFFFFF000] =	vst v15  }
0x6c: {  	v16 =	vld.idx.msk [tilespmem:v16+s11+$0x0], $0xffff  }
0x6d: {  	v13 =	vor.u32 $0x60, v13;
	_ =	sdelay $0x3  }
0x6e: {  	[tilespmem:s21+$0x0] =	vst v16  }
0x6f: {  	v17 =	vld.idx.msk [tilespmem:v13+s11+$0x0], $0xffff;
	_ =	sdelay $0x3  }
0x70: {  	s22 =	simm.s32 $0x1  }
0x71: {  	v14 =	vsub.f32 v16, v14;
	v13 =	vmov s22;
	s22 =	simm.s32 $0x2;
	[tilespmem:s21+$0x1000] =	vst v17;
	v15 =	vsub.f32 v17, v15  }
.LBB2_2:
0x72: {  	p0 =	sne.s32 s22, $0x1F  }
0x73: {  	v14 =	vmul.f32 v15, v14;
	_ =	sdelay $0x1  }
0x74: {  	[tilespmem:s21+$0x2000] =	vst v14  }
0x75: {  	v14 =	vld.idx.msk [tilespmem:v13+s11+$0x0], $0xffff;
	_ =	sdelay $0x1  }
0x76: {  	v15 =	vor.u32 $0x20, v13;
	_ =	sdelay $0x2  }
0x77: {  	s21 =	sadd.s32 $0x80, s21  }
0x78: {  	[tilespmem:s21+$0xFFFFE000] =	vst v14  }
0x79: {  	v15 =	vld.idx.msk [tilespmem:v15+s11+$0x0], $0xffff;
	_ =	sdelay $0x1  }
0x7a: {  	v16 =	vor.u32 $0x40, v13;
	_ =	sdelay $0x3  }
0x7b: {  	[tilespmem:s21+$0xFFFFF000] =	vst v15  }
0x7c: {  	v16 =	vld.idx.msk [tilespmem:v16+s11+$0x0], $0xffff;
	_ =	sdelay $0x1  }
0x7d: {  	v13 =	vor.u32 $0x60, v13;
	_ =	sdelay $0x3  }
0x7e: {  	v14 =	vsub.f32 v16, v14;
	[tilespmem:s21+$0x0] =	vst v16  }
0x7f: {  	v16 =	vld.idx.msk [tilespmem:v13+s11+$0x0], $0xffff;
	_ =	sdelay $0x1  }
.Ltmp0:
0x80: {  	(pc) =	sbr.rel @p0 .LBB2_2-.Ltmp0, $2  }
0x81: {  	_ =	sdelay $0x2  }
0x82: {  	v13 =	vmov s22;
	s22 =	sadd.s32 $0x1, s22;
	v15 =	vsub.f32 v16, v15;
	[tilespmem:s21+$0x1000] =	vst v16  }
0x83: {  	_ = 	snop  }
0x84: {  	v14 =	vmul.f32 v15, v14;
	_ =	sdelay $0x1  }
0x85: {  	[tilespmem:s21+$0x2000] =	vst v14  }
0x86: {  	v14 =	vld.idx.msk [tilespmem:v13+s11+$0x0], $0xffff  }
0x87: {  	v15 =	vor.u32 $0x20, v13;
	_ =	sdelay $0x2  }
0x88: {  	s31 =	sadd.s32 $0x80, s21  }
0x89: {  	[tilespmem:s31+$0xFFFFE000] =	vst v14  }
0x8a: {  	v15 =	vld.idx.msk [tilespmem:v15+s11+$0x0], $0xffff  }
0x8b: {  	v16 =	vor.u32 $0x40, v13;
	_ =	sdelay $0x3  }
0x8c: {  	[tilespmem:s31+$0xFFFFF000] =	vst v15  }
0x8d: {  	v16 =	vld.idx.msk [tilespmem:v16+s11+$0x0], $0xffff  }
0x8e: {  	v13 =	vor.u32 $0x60, v13;
	_ =	sdelay $0x3  }
0x8f: {  	[tilespmem:s31+$0x0] =	vst v16  }
0x90: {  	v13 =	vld.idx.msk [tilespmem:v13+s11+$0x0], $0xffff;
	_ =	sdelay $0x4  }
0x91: {  	v14 =	vsub.f32 v16, v14;
	v15 =	vsub.f32 v13, v15;
	_ =	sdelay $0x1  }
0x92: {  	v14 =	vmul.f32 v15, v14  }
0x93: {  	[tilespmem:s31+$0x1000] =	vst v13  }
0x94: {  	[tilespmem:s31+$0x2000] =	vst v14  }
0x95: {  	_ =	swait.ge [sflag:s14], $0x280  }
0x96: {  	[sflag:s14] =	ssyncset.done $0x0  }
0x97: {  	[sflag:s14] =	ssyncadd.s32 $0xFFFFFD80  }
0x98: {  	_ =	swait.ge [sflag:s14], $0x280  }
0x99: {  	[sflag:s14] =	ssyncset.done $0x0  }
0x9a: {  	[sflag:s14] =	ssyncadd.s32 $0xFFFFFD80  }
0x9b: {  	_ =	swait.ge [sflag:s14], $0x280  }
0x9c: {  	[sflag:s14] =	ssyncset.done $0x0  }
0x9d: {  	[sflag:s14] =	ssyncadd.s32 $0xFFFFFD80  }
0x9e: {  	_ =	swait.ge [sflag:s14], $0x280  }
0x9f: {  	[sflag:s14] =	ssyncset.done $0x0  }
0xa0: {  	s22 =	simm.s32 $0x0;
	s21 =	simm.s32 $0x0;
	v13 =	vimm.s32 $0x0;
	v14 =	vimm.s32 $0x0;
	[sflag:s14] =	ssyncadd.s32 $0xFFFFFD80  }
.LBB2_4:
0xa1: {  	v19 =	vld [tilespmem:$0xA80]  }
0xa2: {  	v20 =	vld [tilespmem:$0x1A80]  }
0xa3: {  	v21 =	vld [tilespmem:$0x2A80]  }
0xa4: {  	v22 =	vld [tilespmem:$0x3A80]  }
0xa5: {  	v23 =	vld [tilespmem:$0x4A80]  }
0xa6: {  	v24 =	vld [tilespmem:$0xB00]  }
0xa7: {  	v25 =	vld [tilespmem:$0x1B00]  }
0xa8: {  	v26 =	vld [tilespmem:$0x2B00]  }
0xa9: {  	v29 =	vld [tilespmem:$0x3B00]  }
0xaa: {  	v30 =	vld [tilespmem:$0x4B00]  }
0xab: {  	v40 =	vld [tilespmem:$0xB80]  }
0xac: {  	v31 =	vld [tilespmem:$0x1B80]  }
0xad: {  	s23 =	sand.u32 $0x70, s22;
	s24 =	sand.u32 $0xE00, s21;
	v41 =	vld [tilespmem:$0x2B80]  }
0xae: {  	v32 =	vld [tilespmem:$0x1C00];
	s23 =	sor.u32 s23, s24  }
0xaf: {  	v17 =	vld [tilespmem:s23+$0x0]  }
0xb0: {  	v15 =	vld [tilespmem:s23+$0x80]  }
0xb1: {  	v18 =	vld [tilespmem:s23+$0x100]  }
0xb2: {  	v16 =	vld [tilespmem:s23+$0x180]  }
0xb3: {  	v45 =	vld [tilespmem:$0x2C00]  }
0xb4: {  	v33 =	vld [tilespmem:$0x3C00]  }
0xb5: {  	v34 =	vld [tilespmem:$0x3C80]  }
0xb6: {  	v54 =	vld [tilespmem:$0xD00];
	v27 =	vsub.f32 v18, v17  }
0xb7: {  	v35 =	vld [tilespmem:$0x3D00];
	v28 =	vsub.f32 v16, v15;
	v21 =	vmin.f32 v18, v21;
	v19 =	vmax.f32 v17, v19  }
0xb8: {  	v44 =	vld [tilespmem:$0xC00];
	v22 =	vmin.f32 v16, v22;
	v20 =	vmax.f32 v15, v20;
	v26 =	vmin.f32 v18, v26  }
0xb9: {  	v51 =	vld [tilespmem:$0x2C80];
	v24 =	vmax.f32 v17, v24;
	v29 =	vmin.f32 v16, v29;
	v25 =	vmax.f32 v15, v25  }
0xba: {  	v42 =	vld [tilespmem:$0x3B80];
	v31 =	vmax.f32 v15, v31;
	v50 =	vmin.f32 v18, v45;
	v33 =	vmin.f32 v16, v33  }
0xbb: {  	v57 =	vld [tilespmem:$0x1D00];
	v32 =	vmax.f32 v15, v32;
	v59 =	vmin.f32 v16, v34;
	v36 =	vmax.f32 v17, v54  }
0xbc: {  	v43 =	vld [tilespmem:$0x4B80];
	v37 =	vmin.f32 v16, v35;
	v21 =	vsub.f32 v21, v19;
	v20 =	vsub.f32 v22, v20  }
0xbd: {  	v46 =	vld [tilespmem:$0x4C00];
	v24 =	vsub.f32 v26, v24;
	v25 =	vsub.f32 v29, v25;
	v22 =	vmax.f32 v17, v40  }
0xbe: {  	v47 =	vld [tilespmem:$0xC80];
	v26 =	vmax.f32 v17, v44;
	v52 =	vsub.f32 v33, v32;
	v29 =	vmin.f32 v18, v51  }
0xbf: {  	v53 =	vld [tilespmem:$0x4C80];
	v19 =	vmul.f32 v28, v27;
	v27 =	vmin.f32 v18, v41;
	v26 =	vsub.f32 v50, v26  }
0xc0: {  	v58 =	vld [tilespmem:$0x2D00];
	v28 =	vmax.f32 v15, v57;
	v21 =	vmax.f32 v21, $0.0e+00;
	v20 =	vmax.f32 v20, $0.0e+00  }
0xc1: {  	v63 =	vld [tilespmem:$0x4D00];
	v24 =	vmax.f32 v24, $0.0e+00;
	v25 =	vmax.f32 v25, $0.0e+00;
	v22 =	vsub.f32 v27, v22  }
0xc2: {  	v48 =	vld [tilespmem:$0x1C80];
	v56 =	vmax.f32 v52, $0.0e+00;
	v38 =	vsub.f32 v37, v28;
	v20 =	vmul.f32 v20, v21  }
0xc3: {  	v45 =	vld [tilespmem:$0x2D80];
	v23 =	vadd.f32 v23, v19;
	v21 =	vmin.f32 v16, v42;
	v24 =	vmul.f32 v25, v24  }
0xc4: {  	v41 =	vld [tilespmem:$0xD80];
	v30 =	vadd.f32 v30, v19;
	v49 =	vadd.f32 v43, v19;
	v55 =	vmax.f32 v26, $0.0e+00  }
0xc5: {  	v57 =	vld [tilespmem:$0xE80];
	v27 =	vadd.f32 v46, v19;
	v25 =	vmax.f32 v17, v47;
	v62 =	vadd.f32 v53, v19  }
0xc6: {  	v52 =	vld [tilespmem:$0x2E00];
	v26 =	vmin.f32 v18, v58;
	v40 =	vadd.f32 v63, v19;
	v21 =	vsub.f32 v21, v31  }
0xc7: {  	v37 =	vld [tilespmem:$0x2F00];
	v22 =	vmax.f32 v22, $0.0e+00;
	v25 =	vsub.f32 v29, v25;
	v26 =	vsub.f32 v26, v36  }
0xc8: {  	v43 =	vld [tilespmem:$0x1D80];
	v31 =	vmax.f32 v15, v48;
	v23 =	vsub.f32 v23, v20;
	v30 =	vsub.f32 v30, v24  }
0xc9: {  	v53 =	vld [tilespmem:$0x3E00];
	v29 =	vsub.f32 v59, v31;
	v31 =	vmin.f32 v18, v45;
	v21 =	vmax.f32 v21, $0.0e+00  }
0xca: {  	v58 =	vld [tilespmem:$0x1E80];
	v25 =	vmax.f32 v25, $0.0e+00;
	v26 =	vmax.f32 v26, $0.0e+00;
	v23 =	vadd.f32 $9.999999930e-09, v23  }
0xcb: {  	v48 =	vld [tilespmem:$0x4D80];
	v21 =	vmul.f32 v21, v22;
	v30 =	vadd.f32 $9.999999930e-09, v30;
	v61 =	vmax.f32 v29, $0.0e+00  }
0xcc: {  	v36 =	vld [tilespmem:$0xF00];
	v29 =	vmax.f32 v17, v41;
	v33 =	vmin.f32 v18, v52;
	v52 =	vmin.f32 v18, v37  }
0xcd: {  	v25 =	vmul.f32 v61, v25;
	v28 =	vmax.f32 v15, v43;
	v61 =	vld [tilespmem:$0x2E80];
	(erf) = vrcp.f32 v23  }
0xce: {  	v54 =	vsub.f32 v31, v29;
	v22 =	vsub.f32 v49, v21;
	v23 =	vmul.f32 v56, v55;
	v49 =	vld [tilespmem:$0xE00]  }
0xcf: {  	v34 =	vmin.f32 v16, v53;
	v43 =	vld [tilespmem:$0x3F00];
	v31 =	vmax.f32 v17, v57;
	(erf) = vrcp.f32 v30  }
0xd0: {  	v46 =	vld [tilespmem:$0x3D80];
	v29 =	vmax.f32 v15, v58;
	v22 =	vadd.f32 $9.999999930e-09, v22;
	v60 =	vsub.f32 v27, v23  }
0xd1: {  	v57 =	vld [tilespmem:$0x1000];
	v53 =	vmax.f32 v17, v36;
	v39 =	vsub.f32 v62, v25;
	v27 =	vmax.f32 v38, $0.0e+00  }
0xd2: {  	(erf) = vrcp.f32 v22;
	v22 =	vadd.f32 $9.999999930e-09, v60;
	v32 =	vmin.f32 v18, v61;
	v61 =	vld [tilespmem:$0x3000]  }
0xd3: {  	v26 =	vmul.f32 v27, v26;
	v42 =	vadd.f32 $9.999999930e-09, v39;
	v30 =	vmax.f32 v17, v49;
	v49 =	vld [tilespmem:$0x2F80]  }
0xd4: {  	v60 =	vadd.f32 v48, v19;
	v58 =	vmin.f32 v16, v43;
	(erf) = vrcp.f32 v22  }
0xd5: {  	v48 =	vld [tilespmem:$0x1F80];
	v27 =	vsub.f32 v40, v26;
	v45 =	vsub.f32 v32, v31;
	v22 =	vmin.f32 v16, v46  }
0xd6: {  	v51 =	vld [tilespmem:$0x1E00];
	v30 =	vsub.f32 v33, v30;
	(erf) = vrcp.f32 v42;
	v22 =	vsub.f32 v22, v28;
	v44 =	vpop (erf)  }
0xd7: {  	v55 =	vld [tilespmem:$0x4E00];
	v27 =	vadd.f32 $9.999999930e-09, v27;
	v28 =	vmax.f32 v17, v57;
	v20 =	vmul.f32 v44, v20  }
0xd8: {  	v22 =	vmax.f32 v22, $0.0e+00;
	v33 =	vmin.f32 v18, v61;
	v47 =	vpop (erf);
	v44 =	vld [tilespmem:$0x4F00];
	v31 =	vmin.f32 v18, v49  }
0xd9: {  	v28 =	vsub.f32 v33, v28;
	v24 =	vmul.f32 v47, v24;
	vm2 =	vgt.f32 v20, $-1.000000000e+00  }
0xda: {  	v62 =	vld [tilespmem:$0x3E80];
	v47 =	vmax.f32 v30, $0.0e+00;
	v30 =	vmax.f32 v15, v48;
	v20 =	vnsel vm2, $0xBF800000, v20  }
0xdb: {  	v42 =	vld [tilespmem:$0x1F00];
	v50 =	vpop (erf);
	(erf) = vrcp.f32 v27;
	v27 =	vmax.f32 v15, v51;
	vm3 =	vgt.f32 v24, v20  }
0xdc: {  	v39 =	vld [tilespmem:$0x4080];
	v21 =	vmul.f32 v50, v21;
	v27 =	vsub.f32 v34, v27;
	v50 =	vadd.f32 v55, v19  }
0xdd: {  	v46 =	vld [tilespmem:$0xF80];
	v20 =	vsel vm3, v24, v20;
	v56 =	vpop (erf);
	v24 =	vmax.f32 v54, $0.0e+00;
	v43 =	vadd.f32 v44, v19  }
0xde: {  	v40 =	vld [tilespmem:$0x4E80];
	vm5 =	vgt.f32 v21, v20;
	v23 =	vmul.f32 v56, v23;
	v22 =	vmul.f32 v22, v24  }
0xdf: {  	v51 =	vld [tilespmem:$0x3F80];
	v59 =	vpop (erf);
	v27 =	vmax.f32 v27, $0.0e+00;
	v56 =	vsub.f32 v52, v53;
	v20 =	vsel vm5, v21, v20  }
0xe0: {  	v44 =	vld [tilespmem:$0x2080];
	v21 =	vmul.f32 v59, v25;
	v25 =	vmin.f32 v16, v62;
	v59 =	vmax.f32 v15, v42  }
0xe1: {  	v54 =	vld [tilespmem:$0x4F80];
	vm4 =	vgt.f32 v23, v20;
	v63 =	vsub.f32 v60, v22;
	v25 =	vsub.f32 v25, v29  }
0xe2: {  	v53 =	vld [tilespmem:$0x2100];
	v32 =	vsub.f32 v58, v59;
	v29 =	vmax.f32 v17, v46;
	v20 =	vsel vm4, v23, v20  }
0xe3: {  	v24 =	vadd.f32 v40, v19;
	v62 =	vld [tilespmem:$0x4000];
	v29 =	vsub.f32 v31, v29;
	vm2 =	vgt.f32 v21, v20  }
0xe4: {  	v42 =	vld [tilespmem:$0x1080];
	v23 =	vadd.f32 $9.999999930e-09, v63;
	v25 =	vmax.f32 v25, $0.0e+00;
	v32 =	vmax.f32 v32, $0.0e+00  }
0xe5: {  	v48 =	vld [tilespmem:$0x5080];
	v34 =	vmax.f32 v15, v44;
	v20 =	vsel vm2, v21, v20;
	v21 =	vmax.f32 v45, $0.0e+00  }
0xe6: {  	v60 =	vld [tilespmem:$0x2000];
	v29 =	vmax.f32 v29, $0.0e+00;
	v45 =	vadd.f32 v54, v19;
	(erf) = vrcp.f32 v23  }
0xe7: {  	v46 =	vld [tilespmem:$0x3080];
	v33 =	vmax.f32 v15, v53;
	v23 =	vmul.f32 v27, v47;
	v21 =	vmul.f32 v25, v21  }
0xe8: {  	v27 =	vmax.f32 v56, $0.0e+00;
	v25 =	vmin.f32 v16, v51;
	v37 =	vmin.f32 v16, v62  }
0xe9: {  	v63 =	vld [tilespmem:$0x5000];
	v41 =	vpop (erf);
	v51 =	vmax.f32 v28, $0.0e+00;
	v31 =	vmax.f32 v17, v42;
	v56 =	vmin.f32 v16, v39  }
0xea: {  	v61 =	vld [tilespmem:$0x5100];
	v26 =	vmul.f32 v41, v26;
	v25 =	vsub.f32 v25, v30;
	v27 =	vmul.f32 v32, v27  }
0xeb: {  	v44 =	vld [tilespmem:$0x3180];
	v35 =	vmax.f32 v15, v60;
	v57 =	vsub.f32 v56, v34;
	v60 =	vadd.f32 v48, v19  }
0xec: {  	v54 =	vld [tilespmem:$0x3100];
	v36 =	vmin.f32 v18, v46;
	v55 =	vsub.f32 v50, v23;
	v24 =	vsub.f32 v24, v21  }
0xed: {  	v47 =	vsub.f32 v37, v35;
	v31 =	vsub.f32 v36, v31;
	vm9 =	vgt.f32 v26, v20  }
0xee: {  	v25 =	vmax.f32 v25, $0.0e+00;
	v49 =	vsub.f32 v43, v27;
	v30 =	vadd.f32 v63, v19  }
0xef: {  	v50 =	vld [tilespmem:$0x1100];
	v43 =	vadd.f32 v61, v19;
	v20 =	vsel vm9, v26, v20;
	v26 =	vadd.f32 $9.999999930e-09, v55  }
0xf0: {  	v41 =	vld [tilespmem:$0x2180];
	v24 =	vadd.f32 $9.999999930e-09, v24;
	v25 =	vmul.f32 v25, v29;
	v52 =	vmax.f32 v47, $0.0e+00  }
0xf1: {  	v53 =	vld [tilespmem:$0x3200];
	v59 =	vmax.f32 v31, $0.0e+00;
	v28 =	vmin.f32 v18, v54;
	v54 =	vmin.f32 v18, v44  }
0xf2: {  	v55 =	vld [tilespmem:$0x4100];
	(erf) = vrcp.f32 v26;
	v29 =	vsub.f32 v45, v25;
	v26 =	vadd.f32 $9.999999930e-09, v49  }
0xf3: {  	v47 =	vld [tilespmem:$0x5180];
	v49 =	vsel vm3, $0x1, v9;
	(erf) = vrcp.f32 v24;
	v24 =	vmul.f32 v52, v51  }
0xf4: {  	v40 =	vld [tilespmem:$0x1180];
	v32 =	vmax.f32 v17, v50;
	v29 =	vadd.f32 $9.999999930e-09, v29;
	(erf) = vrcp.f32 v26  }
0xf5: {  	v45 =	vld [tilespmem:$0x4180];
	v26 =	vmax.f32 v57, $0.0e+00;
	v28 =	vsub.f32 v28, v32;
	v32 =	vmax.f32 v15, v41  }
0xf6: {  	v41 =	vmin.f32 v18, v53;
	v38 =	vpop (erf);
	v58 =	vsub.f32 v30, v24;
	v26 =	vmul.f32 v26, v59  }
0xf7: {  	v53 =	vld [tilespmem:$0x3380];
	v62 =	vmin.f32 v16, v55;
	v22 =	vmul.f32 v38, v22;
	(erf) = vrcp.f32 v29  }
0xf8: {  	v48 =	vld [tilespmem:$0x1200];
	v37 =	vsub.f32 v62, v33;
	v28 =	vmax.f32 v28, $0.0e+00;
	v62 =	vadd.f32 v47, v19  }
0xf9: {  	v55 =	vld [tilespmem:$0x4200];
	v29 =	vmax.f32 v17, v40;
	v39 =	vadd.f32 $9.999999930e-09, v58;
	v31 =	vsub.f32 v60, v26  }
0xfa: {  	v56 =	vld [tilespmem:$0x5200];
	v33 =	vmin.f32 v16, v45;
	vm11 =	vgt.f32 v22, v20;
	v30 =	vmax.f32 v37, $0.0e+00  }
0xfb: {  	v61 =	vld [tilespmem:$0x3280];
	v57 =	vsub.f32 v33, v32;
	v20 =	vsel vm11, v22, v20;
	v31 =	vadd.f32 $9.999999930e-09, v31;
	v63 =	vpop (erf)  }
0xfc: {  	v51 =	vld [tilespmem:$0x2200];
	v32 =	vmin.f32 v18, v53;
	(erf) = vrcp.f32 v39;
	v38 =	vmul.f32 v63, v23  }
0xfd: {  	v58 =	vld [tilespmem:$0x1280];
	v42 =	vpop (erf);
	v23 =	vmul.f32 v30, v28;
	(erf) = vrcp.f32 v31;
	v31 =	vsel vm5, $0x2, v49  }
0xfe: {  	v60 =	vld [tilespmem:$0x2280];
	v30 =	vmin.f32 v16, v55;
	v21 =	vmul.f32 v42, v21;
	v46 =	vpop (erf);
	v31 =	vsel vm4, $0x3, v31  }
0xff: {  	v49 =	vld [tilespmem:$0x1380];
	vm8 =	vgt.f32 v38, v20;
	v28 =	vsub.f32 v43, v23;
	v22 =	vmul.f32 v46, v27  }
0x100: {  	v55 =	vld [tilespmem:$0x4380];
	v31 =	vsel vm2, $0x4, v31;
	v27 =	vmax.f32 v17, v48;
	v20 =	vsel vm8, v38, v20  }
0x101: {  	v52 =	vpop (erf);
	v44 =	vsub.f32 v41, v27;
	vm6 =	vgt.f32 v21, v20;
	v50 =	vadd.f32 $9.999999930e-09, v28  }
0x102: {  	v42 =	vld [tilespmem:$0x1300];
	v25 =	vmul.f32 v52, v25;
	v28 =	vmax.f32 v15, v51;
	v51 =	vadd.f32 v56, v19  }
0x103: {  	v46 =	vld [tilespmem:$0x3300];
	v52 =	vmin.f32 v18, v61;
	v20 =	vsel vm6, v21, v20;
	v21 =	vsub.f32 v54, v29  }
0x104: {  	v48 =	vld [tilespmem:$0x4300];
	v45 =	vsub.f32 v30, v28;
	v30 =	vsel vm9, $0x5, v31;
	v29 =	vmax.f32 v17, v58  }
0x105: {  	v54 =	vmax.f32 v15, v60;
	v31 =	vmax.f32 v17, v49;
	v33 =	vmin.f32 v16, v55  }
0x106: {  	v63 =	vld [tilespmem:$0x4280];
	vm13 =	vgt.f32 v22, v20;
	(erf) = vrcp.f32 v50;
	v31 =	vsub.f32 v32, v31  }
0x107: {  	v43 =	vld [tilespmem:$0x2300];
	v30 =	vsel vm11, $0x6, v30;
	v20 =	vsel vm13, v22, v20;
	v21 =	vmax.f32 v21, $0.0e+00  }
0x108: {  	v37 =	vld [tilespmem:$0x5280];
	v22 =	vmax.f32 v57, $0.0e+00;
	v27 =	vmax.f32 v45, $0.0e+00;
	v28 =	vmin.f32 v18, v46  }
0x109: {  	v58 =	vld [tilespmem:$0x5380];
	v57 =	vmax.f32 v17, v42;
	v34 =	vmin.f32 v16, v48;
	v30 =	vsel vm8, $0x7, v30  }
0x10a: {  	v60 =	vld [tilespmem:$0x1400];
	vm7 =	vgt.f32 v25, v20;
	v59 =	vpop (erf);
	v21 =	vmul.f32 v22, v21;
	v28 =	vsub.f32 v28, v57  }
0x10b: {  	v61 =	vld [tilespmem:$0x2400];
	v31 =	vmax.f32 v31, $0.0e+00;
	v30 =	vsel vm6, $0x8, v30;
	v24 =	vmul.f32 v59, v24  }
0x10c: {  	v56 =	vld [tilespmem:$0x5300];
	v20 =	vsel vm7, v25, v20;
	v25 =	vmin.f32 v16, v63;
	v59 =	vmax.f32 v15, v43  }
0x10d: {  	v46 =	vld [tilespmem:$0x2480];
	v40 =	vpop (erf);
	v43 =	vadd.f32 v37, v19;
	v30 =	vsel vm13, $0x9, v30;
	v22 =	vsub.f32 v62, v21  }
0x10e: {  	v50 =	vld [tilespmem:$0x2380];
	v26 =	vmul.f32 v40, v26;
	v25 =	vsub.f32 v25, v54;
	v34 =	vsub.f32 v34, v59  }
0x10f: {  	v48 =	vld [tilespmem:$0x4480];
	v28 =	vmax.f32 v28, $0.0e+00;
	v45 =	vadd.f32 v58, v19;
	v55 =	vmax.f32 v17, v60  }
0x110: {  	v63 =	vld [tilespmem:$0x4400];
	v58 =	vmax.f32 v15, v61;
	v30 =	vsel vm7, $0xA, v30;
	vm10 =	vgt.f32 v24, v20  }
0x111: {  	v62 =	vld [tilespmem:$0x3400];
	v20 =	vsel vm10, v24, v20;
	v22 =	vadd.f32 $9.999999930e-09, v22;
	v24 =	vmax.f32 v44, $0.0e+00  }
0x112: {  	v40 =	vld [tilespmem:$0x3480];
	v25 =	vmax.f32 v25, $0.0e+00;
	v34 =	vmax.f32 v34, $0.0e+00;
	v35 =	vmax.f32 v15, v46  }
0x113: {  	v61 =	vld [tilespmem:$0x1580];
	v30 =	vsel vm10, $0xB, v30;
	vm2 =	vgt.f32 v26, v20;
	v28 =	vmul.f32 v34, v28  }
0x114: {  	v59 =	vld [tilespmem:$0x4500];
	v20 =	vsel vm2, v26, v20;
	(erf) = vrcp.f32 v22;
	v22 =	vmul.f32 v27, v24  }
0x115: {  	v44 =	vld [tilespmem:$0x1480];
	v27 =	vsub.f32 v52, v29;
	v24 =	vmax.f32 v15, v50;
	v29 =	vadd.f32 v56, v19  }
0x116: {  	v42 =	vld [tilespmem:$0x4580];
	v57 =	vmin.f32 v16, v63;
	v30 =	vsel vm2, $0xC, v30;
	v24 =	vsub.f32 v33, v24  }
0x117: {  	v50 =	vld [tilespmem:$0x5480];
	v47 =	vpop (erf);
	v54 =	vmin.f32 v18, v62;
	v60 =	vmin.f32 v18, v40;
	v62 =	vmin.f32 v16, v48  }
0x118: {  	v52 =	vld [tilespmem:$0x1500];
	v46 =	vmax.f32 v17, v61;
	v23 =	vmul.f32 v47, v23;
	v27 =	vmax.f32 v27, $0.0e+00  }
0x119: {  	v63 =	vld [tilespmem:$0x2580];
	v26 =	vsub.f32 v51, v22;
	v29 =	vsub.f32 v29, v28;
	v25 =	vmul.f32 v25, v27  }
0x11a: {  	v33 =	vld [tilespmem:$0x5400];
	v24 =	vmax.f32 v24, $0.0e+00;
	v34 =	vmax.f32 v17, v44;
	v44 =	vmin.f32 v16, v59  }
0x11b: {  	v40 =	vld [tilespmem:$0x3580];
	v24 =	vmul.f32 v24, v31;
	v26 =	vadd.f32 $9.999999930e-09, v26;
	v49 =	vadd.f32 $9.999999930e-09, v29  }
0x11c: {  	v48 =	vld [tilespmem:$0x1600];
	vm3 =	vgt.f32 v23, v20;
	v32 =	vsub.f32 v60, v34;
	v34 =	vsub.f32 v62, v35  }
0x11d: {  	v27 =	vsub.f32 v43, v25;
	v20 =	vsel vm3, v23, v20;
	v23 =	vsub.f32 v54, v55  }
0x11e: {  	v56 =	vld [tilespmem:$0x3500];
	v29 =	vmax.f32 v17, v52;
	v37 =	vmax.f32 v15, v63;
	v31 =	vsub.f32 v45, v24  }
0x11f: {  	(erf) = vrcp.f32 v26;
	v41 =	vadd.f32 v33, v19;
	v32 =	vmax.f32 v32, $0.0e+00  }
0x120: {  	v34 =	vmax.f32 v34, $0.0e+00;
	v26 =	vadd.f32 v50, v19;
	v35 =	vmin.f32 v18, v40  }
0x121: {  	v53 =	vld [tilespmem:$0x2500];
	v33 =	vmin.f32 v16, v42;
	v36 =	vmax.f32 v17, v48;
	v27 =	vadd.f32 $9.999999930e-09, v27  }
0x122: {  	v50 =	vld [tilespmem:$0x2600];
	v23 =	vmax.f32 v23, $0.0e+00;
	v32 =	vmul.f32 v34, v32;
	v35 =	vsub.f32 v35, v46  }
0x123: {  	v43 =	vld [tilespmem:$0x5500];
	v33 =	vsub.f32 v33, v37;
	v51 =	vadd.f32 $9.999999930e-09, v31;
	v31 =	vmin.f32 v18, v56  }
0x124: {  	v61 =	vld [tilespmem:$0x3680];
	v47 =	vpop (erf);
	(erf) = vrcp.f32 v27;
	v27 =	vsub.f32 v57, v58;
	v29 =	vsub.f32 v31, v29  }
0x125: {  	v45 =	vld [tilespmem:$0x5580];
	v26 =	vsub.f32 v26, v32;
	v35 =	vmax.f32 v35, $0.0e+00;
	v21 =	vmul.f32 v47, v21  }
0x126: {  	v54 =	vld [tilespmem:$0x4600];
	v33 =	vmax.f32 v33, $0.0e+00;
	(erf) = vrcp.f32 v49;
	v27 =	vmax.f32 v27, $0.0e+00  }
0x127: {  	v34 =	vmax.f32 v15, v50;
	v50 =	vld [tilespmem:$0x4700];
	vm4 =	vgt.f32 v21, v20;
	v23 =	vmul.f32 v27, v23  }
0x128: {  	v57 =	vld [tilespmem:$0x5600];
	v31 =	vadd.f32 v43, v19;
	v20 =	vsel vm4, v21, v20;
	v21 =	vmax.f32 v15, v53  }
0x129: {  	(erf) = vrcp.f32 v51;
	v53 =	vld [tilespmem:$0x3600];
	v27 =	vsub.f32 v41, v23;
	v21 =	vsub.f32 v44, v21  }
0x12a: {  	v59 =	vld [tilespmem:$0x1680];
	v29 =	vmax.f32 v29, $0.0e+00;
	v49 =	vadd.f32 v45, v19;
	v26 =	vadd.f32 $9.999999930e-09, v26;
	v47 =	vpop (erf)  }
0x12b: {  	v63 =	vld [tilespmem:$0x4680];
	v21 =	vmax.f32 v21, $0.0e+00;
	v27 =	vadd.f32 $9.999999930e-09, v27;
	v22 =	vmul.f32 v47, v22  }
0x12c: {  	v48 =	vld [tilespmem:$0x3700];
	v42 =	vmin.f32 v16, v50;
	v21 =	vmul.f32 v21, v29;
	v29 =	vmul.f32 v33, v35  }
0x12d: {  	v45 =	vld [tilespmem:$0x1700];
	v35 =	vmin.f32 v16, v54;
	(erf) = vrcp.f32 v27;
	vm9 =	vgt.f32 v22, v20  }
0x12e: {  	v47 =	vld [tilespmem:$0x2700];
	v51 =	vpop (erf);
	v60 =	vmin.f32 v18, v53;
	v44 =	vsub.f32 v35, v34;
	v27 =	vadd.f32 v57, v19  }
0x12f: {  	v50 =	vld [tilespmem:$0x1880];
	v57 =	vmin.f32 v18, v61;
	v52 =	vsub.f32 v31, v21;
	v25 =	vmul.f32 v51, v25  }
0x130: {  	v53 =	vld [tilespmem:$0x1780];
	v33 =	vsub.f32 v49, v29;
	v20 =	vsel vm9, v22, v20;
	v55 =	vpop (erf);
	(erf) = vrcp.f32 v26  }
0x131: {  	v61 =	vld [tilespmem:$0x5780];
	v26 =	vsub.f32 v60, v36;
	v60 =	vmin.f32 v16, v63;
	v22 =	vmul.f32 v55, v28  }
0x132: {  	v34 =	vld [tilespmem:$0x5680];
	v62 =	vpop (erf);
	v31 =	vmax.f32 v44, $0.0e+00;
	v56 =	vadd.f32 $9.999999930e-09, v52;
	vm11 =	vgt.f32 v25, v20  }
0x133: {  	v51 =	vld [tilespmem:$0x5700];
	v58 =	vadd.f32 $9.999999930e-09, v33;
	v24 =	vmul.f32 v62, v24;
	v26 =	vmax.f32 v26, $0.0e+00  }
0x134: {  	v63 =	vld [tilespmem:$0x1800];
	v62 =	vmin.f32 v18, v48;
	v43 =	vmax.f32 v15, v47;
	v20 =	vsel vm11, v25, v20  }
0x135: {  	v44 =	vld [tilespmem:$0x2800];
	v26 =	vmul.f32 v31, v26;
	v28 =	vsub.f32 v42, v43;
	(erf) = vrcp.f32 v56  }
0x136: {  	v25 =	vld [tilespmem:$0x2680];
	vm8 =	vgt.f32 v22, v20;
	v48 =	vmax.f32 v17, v53;
	v33 =	vadd.f32 v61, v19  }
0x137: {  	v55 =	vld [tilespmem:$0x2780];
	(erf) = vrcp.f32 v58;
	v20 =	vsel vm8, v22, v20;
	v27 =	vsub.f32 v27, v26  }
0x138: {  	v47 =	vld [tilespmem:$0x4800];
	v58 =	vmax.f32 v17, v59;
	v22 =	vmax.f32 v17, v45;
	v28 =	vmax.f32 v28, $0.0e+00  }
0x139: {  	v53 =	vld [tilespmem:$0x3880];
	v31 =	vmax.f32 v17, v63;
	vm6 =	vgt.f32 v24, v20;
	v22 =	vsub.f32 v62, v22  }
0x13a: {  	v45 =	vld [tilespmem:$0x3800];
	v36 =	vmax.f32 v15, v44;
	v20 =	vsel vm6, v24, v20;
	v27 =	vadd.f32 $9.999999930e-09, v27;
	v46 =	vpop (erf)  }
0x13b: {  	v25 =	vmax.f32 v15, v25;
	v22 =	vmax.f32 v22, $0.0e+00;
	v23 =	vmul.f32 v46, v23  }
0x13c: {  	(erf) = vrcp.f32 v27;
	v27 =	vsub.f32 v57, v58;
	v25 =	vsub.f32 v60, v25  }
0x13d: {  	v44 =	vld [tilespmem:$0x5900];
	v49 =	vpop (erf);
	v46 =	vadd.f32 v34, v19;
	v22 =	vmul.f32 v28, v22;
	v34 =	vmin.f32 v16, v47  }
0x13e: {  	v58 =	vmin.f32 v18, v53;
	v28 =	vmax.f32 v17, v50;
	v24 =	vmul.f32 v49, v32  }
0x13f: {  	v56 =	vld [tilespmem:$0x3780];
	v32 =	vadd.f32 v51, v19;
	v51 =	vmax.f32 v15, v55;
	v35 =	vmin.f32 v18, v45  }
0x140: {  	v61 =	vld [tilespmem:$0x3900];
	v34 =	vsub.f32 v34, v36;
	v28 =	vsub.f32 v58, v28;
	vm5 =	vgt.f32 v23, v20  }
0x141: {  	v59 =	vld [tilespmem:$0x4780];
	v27 =	vmax.f32 v27, $0.0e+00;
	v25 =	vmax.f32 v25, $0.0e+00;
	v31 =	vsub.f32 v35, v31  }
0x142: {  	v49 =	vld [tilespmem:$0x5800];
	v41 =	vadd.f32 v44, v19;
	v20 =	vsel vm5, v23, v20;
	v25 =	vmul.f32 v25, v27  }
0x143: {  	v45 =	vld [tilespmem:$0x1980];
	v32 =	vsub.f32 v32, v22;
	v34 =	vmax.f32 v34, $0.0e+00;
	vm7 =	vgt.f32 v24, v20  }
0x144: {  	v63 =	vld [tilespmem:$0x4900];
	v28 =	vmax.f32 v28, $0.0e+00;
	v52 =	vpop (erf);
	v31 =	vmax.f32 v31, $0.0e+00;
	v20 =	vsel vm7, v24, v20  }
0x145: {  	v55 =	vld [tilespmem:$0x5880];
	v54 =	vpop (erf);
	v21 =	vmul.f32 v52, v21;
	v24 =	vmin.f32 v18, v56;
	v27 =	vsub.f32 v46, v25  }
0x146: {  	v52 =	vld [tilespmem:$0x2880];
	v31 =	vmul.f32 v34, v31;
	v42 =	vadd.f32 $9.999999930e-09, v32;
	v23 =	vmul.f32 v54, v29  }
0x147: {  	v24 =	vsub.f32 v24, v48;
	v29 =	vmin.f32 v16, v59;
	v54 =	vld [tilespmem:$0x4880];
	v57 =	vadd.f32 v49, v19  }
0x148: {  	v56 =	vld [tilespmem:$0x1900];
	v58 =	vmax.f32 v17, v45;
	v29 =	vsub.f32 v29, v51;
	v27 =	vadd.f32 $9.999999930e-09, v27  }
0x149: {  	v59 =	vld [tilespmem:$0x2900];
	vm10 =	vgt.f32 v21, v20;
	v24 =	vmax.f32 v24, $0.0e+00;
	v34 =	vsub.f32 v57, v31  }
0x14a: {  	v48 =	vld [tilespmem:$0x3980];
	v20 =	vsel vm10, v21, v20;
	v29 =	vmax.f32 v29, $0.0e+00;
	(erf) = vrcp.f32 v27  }
0x14b: {  	v50 =	vld [tilespmem:$0x3A00];
	vm12 =	vgt.f32 v23, v20;
	v24 =	vmul.f32 v29, v24;
	v39 =	vmax.f32 v15, v52  }
0x14c: {  	v46 =	vld [tilespmem:$0x2980];
	v29 =	vadd.f32 v55, v19;
	(erf) = vrcp.f32 v42;
	v60 =	vmin.f32 v16, v54  }
0x14d: {  	v49 =	vld [tilespmem:$0x4980];
	v47 =	vadd.f32 $9.999999930e-09, v34;
	v20 =	vsel vm12, v23, v20;
	v62 =	vsub.f32 v60, v39  }
0x14e: {  	v52 =	vmin.f32 v18, v61;
	v53 =	vmax.f32 v17, v56;
	v55 =	vmin.f32 v16, v63;
	v56 =	vld [tilespmem:$0x2A00]  }
0x14f: {  	v54 =	vld [tilespmem:$0x1A00];
	v37 =	vmax.f32 v15, v59;
	v27 =	vmin.f32 v18, v48;
	v36 =	vmax.f32 v62, $0.0e+00  }
0x150: {  	v57 =	vpop (erf);
	v59 =	vld [tilespmem:$0x4A00];
	v43 =	vsub.f32 v33, v24;
	v34 =	vsub.f32 v55, v37;
	v28 =	vmul.f32 v36, v28  }
0x151: {  	v26 =	vmul.f32 v57, v26;
	v18 =	vmin.f32 v18, v50;
	v60 =	vsub.f32 v27, v58  }
0x152: {  	v63 =	vld [tilespmem:$0x5980];
	v32 =	vadd.f32 $9.999999930e-09, v43;
	v62 =	vmax.f32 v34, $0.0e+00;
	v29 =	vsub.f32 v29, v28  }
0x153: {  	v42 =	vmax.f32 v60, $0.0e+00;
	v36 =	vmax.f32 v15, v46;
	v15 =	vmax.f32 v15, v56  }
0x154: {  	(erf) = vrcp.f32 v32;
	v51 =	vadd.f32 $9.999999930e-09, v29;
	v29 =	vsub.f32 v52, v53  }
0x155: {  	v37 =	vld [tilespmem:$0x5A00];
	v32 =	vmin.f32 v16, v49;
	v17 =	vmax.f32 v17, v54;
	v16 =	vmin.f32 v16, v59  }
0x156: {  	v40 =	vsub.f32 v32, v36;
	v17 =	vsub.f32 v18, v17;
	v61 =	vmax.f32 v29, $0.0e+00  }
0x157: {  	v21 =	vadd.f32 v63, v19;
	v15 =	vsub.f32 v16, v15;
	v27 =	vmul.f32 v62, v61  }
0x158: {  	(erf) = vrcp.f32 v47;
	v43 =	vmax.f32 v40, $0.0e+00;
	v17 =	vmax.f32 v17, $0.0e+00  }
0x159: {  	v15 =	vmax.f32 v15, $0.0e+00;
	v16 =	vmul.f32 v43, v42;
	v18 =	vsub.f32 v41, v27  }
0x15a: {  	vm2 =	vgt.f32 v26, v20;
	v19 =	vadd.f32 v37, v19;
	v15 =	vmul.f32 v15, v17  }
0x15b: {  	v44 =	vpop (erf);
	(erf) = vrcp.f32 v51;
	v21 =	vsub.f32 v21, v16;
	v18 =	vadd.f32 $9.999999930e-09, v18  }
0x15c: {  	v45 =	vsel vm3, $0xD, v30;
	v20 =	vsel vm2, v26, v20;
	v17 =	vmul.f32 v44, v25  }
0x15d: {  	v19 =	vsub.f32 v19, v15;
	v21 =	vadd.f32 $9.999999930e-09, v21;
	(erf) = vrcp.f32 v18  }
0x15e: {  	v47 =	vsel vm4, $0xE, v45;
	v46 =	vpop (erf);
	vm3 =	vgt.f32 v17, v20  }
0x15f: {  	v19 =	vadd.f32 $9.999999930e-09, v19;
	v18 =	vmul.f32 v46, v22;
	(erf) = vrcp.f32 v21  }
0x160: {  	v48 =	vsel vm9, $0xF, v47;
	v17 =	vsel vm3, v17, v20;
	v49 =	vpop (erf)  }
0x161: {  	v20 =	vmul.f32 v49, v24;
	(erf) = vrcp.f32 v19;
	vm14 =	vgt.f32 v18, v17  }
0x162: {  	v50 =	vsel vm11, $0x10, v48;
	v51 =	vpop (erf);
	v17 =	vsel vm14, v18, v17  }
0x163: {  	v52 =	vsel vm8, $0x11, v50;
	v53 =	vmul.f32 v51, v31;
	vm15 =	vgt.f32 v20, v17  }
0x164: {  	v54 =	vpop (erf);
	v18 =	vsel vm6, $0x12, v52;
	v17 =	vsel vm15, v20, v17  }
0x165: {  	v55 =	vmul.f32 v54, v28;
	v18 =	vsel vm5, $0x13, v18;
	vm9 =	vgt.f32 v53, v17  }
0x166: {  	v18 =	vsel vm7, $0x14, v18;
	v17 =	vsel vm9, v53, v17;
	v56 =	vpop (erf)  }
0x167: {  	v18 =	vsel vm10, $0x15, v18;
	vm11 =	vgt.f32 v55, v17;
	v57 =	vmul.f32 v56, v27  }
0x168: {  	v18 =	vsel vm12, $0x16, v18;
	v17 =	vsel vm11, v55, v17;
	v58 =	vpop (erf)  }
0x169: {  	v18 =	vsel vm2, $0x17, v18;
	v16 =	vmul.f32 v58, v16;
	vm2 =	vgt.f32 v57, v17  }
0x16a: {  	v18 =	vsel vm3, $0x18, v18;
	v59 =	vpop (erf);
	v17 =	vsel vm2, v57, v17  }
0x16b: {  	v18 =	vsel vm14, $0x19, v18;
	v15 =	vmul.f32 v59, v15;
	vm3 =	vgt.f32 v16, v17  }
0x16c: {  	v18 =	vsel vm15, $0x1A, v18;
	v16 =	vsel vm3, v16, v17  }
0x16d: {  	s30 =	sadd.s32 s22, s5;
	v60 =	vsel vm9, $0x1B, v18;
	vm12 =	vgt.f32 v15, v16  }
0x16e: {  	p0 =	sne.s32 s22, $0x270;
	v61 =	vmov s30;
	v17 =	vsel vm11, $0x1C, v60;
	v15 =	vsel vm12, v15, v16  }
.Ltmp1:
0x16f: {  	v62 =	vsel vm2, $0x1D, v17;
	vm2 =	vlt.f32 v15, $5.000000000e-01;
	vm13 =	vge.f32 v15, $0.0e+00;
	(pc) =	sbr.rel @p0 .LBB2_4-.Ltmp1, $4  }
0x170: {  	vm14 =	vlt.u32 v61, v8;
	vm15 =	vgt.f32 v15, $5.000000000e-01;
	vm2 =	vmand vm2, vm13  }
0x171: {  	s31 =	sshra.s32 s21, $0x2;
	v16 =	vsel vm3, $0x1E, v62;
	vm3 =	vmand vm14, vm15;
	vm2 =	vmand vm14, vm2  }
0x172: {  	v16 =	vsel vm12, $0x1F, v16;
	[tilespmem:s31+$0x5B00] =	vst v15;
	v15 =	vsel vm3, $0x1, v9;
	v63 =	vsel vm2, $0x1, v9  }
0x173: {  	s21 =	sadd.s32 $0x40, s21;
	s22 =	sadd.s32 $0x10, s22;
	[tilespmem:s31+$0x5D80] =	vst v16;
	v14 =	vadd.s32 v15, v14;
	v13 =	vadd.s32 v63, v13  }
0x174: {  	(xrf0) =	vadd.scan.msk.s32 $0xffff, v14  }
0x175: {  	(xrf0) =	vadd.scan.msk.s32 $0xffff, v13;
	_ =	sdelay $0x4  }
0x176: {  	v13, _, _ =	vpop (xrf0)  }
0x177: {  	(v2sf) =	vpush v13, $0xF;
	v14, _, _ =	vpop (xrf0)  }
0x178: {  	(v2sf) =	vpush v14, $0xF;
	_ =	sdelay $0xd  }
0x179: {  	s21 =	spop (v2sf)  }
0x17a: {  	s22 =	spop (v2sf)  }
0x17b: {  	v13 =	vbroadcast v13, $0xF;
	v14 =	vbroadcast v14, $0xF;
	s21 =	sadd.s32 s22, s21  }
0x17c: {  	vm2 =	vmmov $0x1;
	s21 =	ssub.s32 s15, s21  }
0x17d: {  	v13 =	vnsel vm2, $0x0, v13;
	v14 =	vnsel vm0, $0x0, v14;
	v15 =	vmov s21  }
0x17e: {  	v13 =	vadd.s32 v13, v14;
	v14 =	vnsel vm1, $0x0, v15  }
0x17f: {  	v13 =	vadd.s32 v14, v13  }
0x180: {  	s0 =	rddreg [dreg:$0xb];
	s2 =	simm.s32 $0x9480;
	[tilespmem:$0x9480] =	vst v13  }
0x181: {  	[spmem:s0] =	stream.linear.scatter [tilespmem:s2], [sflag:$0x2], $0x10, $0x38;
	[tilespmem:$0xCC10] =	vst v63  }
0x182: {  	_ =	swait.ge [sflag:s12], $0x10  }
0x183: {  	[sflag:s12] =	ssyncset.done $0x0  }
0x184: {  	[sflag:s12] =	ssyncadd.s32 $0xFFFFFFF0  }
0x185: {  	[bflag:$0x0] =	sbarrier.arrive $0xFFFF  }
0x186: {  	s31 =	rddreg [dreg:$0x3]  }
0x187: {  	[tilespmem:s16], [sflag:$0x2] =	stream.linear.gather [spmem:s31], $0x100, $0x38;
	[tilespmem:$0xCC10] =	vst v63  }
0x188: {  	_ =	swait.ge [sflag:s12], $0x100  }
0x189: {  	[sflag:s12] =	ssyncset.done $0x0  }
0x18a: {  	[sflag:s12] =	ssyncadd.s32 $0xFFFFFF00  }
0x18b: {  	v13 =	vld.idx.msk [tilespmem:v3+s16+$0x0], $0xffff;
	_ =	sdelay $0x2  }
0x18c: {  	v14 =	vld.idx.msk [tilespmem:v4+s16+$0x0], $0xffff  }
0x18d: {  	vm3 =	vmmov $0xff  }
0x18e: {  	v15 =	vnsel vm3, $0x0, v13  }
0x18f: {  	vm2 =	vgt.u32 v2, v0;
	(xrf0) =	vadd.scan.msk.s32 $0xffff, v15  }
0x190: {  	v13 =	vnsel vm2, $0x0, v13  }
0x191: {  	(xrf0) =	vadd.scan.msk.s32 $0xffff, v13;
	v13 =	vnsel vm3, $0x0, v14  }
0x192: {  	(xrf0) =	vadd.scan.msk.s32 $0xffff, v13;
	_ =	sdelay $0x2  }
0x193: {  	v16, _, _ =	vpop (xrf0)  }
0x194: {  	(v2sf) =	vpush v16, $0xF  }
0x195: {  	v18, _, _ =	vpop (xrf0)  }
0x196: {  	(v2sf) =	vpush v18, $0xF;
	v17, _, _ =	vpop (xrf0)  }
0x197: {  	(v2sf) =	vpush v17, $0xF;
	_ =	sdelay $0x4  }
0x198: {  	v19 =	vld.idx.msk [tilespmem:v5+s16+$0x0], $0xffff;
	_ =	sdelay $0x3  }
0x199: {  	v14 =	vnsel vm2, $0x0, v14  }
0x19a: {  	(xrf0) =	vadd.scan.msk.s32 $0xffff, v14;
	v14 =	vnsel vm3, $0x0, v19  }
0x19b: {  	(xrf0) =	vadd.scan.msk.s32 $0xffff, v14  }
0x19c: {  	s21 =	spop (v2sf)  }
0x19d: {  	p0 =	slt.s32 s21, $0x40  }
0x19e: {  	s22 =	spop (v2sf);
	s21 =	simm.s32 @!p0 $0x40  }
0x19f: {  	s23 =	spop (v2sf);
	s25 =	ssub.s32 $0x100, s21  }
0x1a0: {  	v20, _, _ =	vpop (xrf0);
	p0 =	slt.s32 s23, s25;
	s24 =	smov.u32 s25  }
0x1a1: {  	v16 =	vsub.s32 v16, v15;
	v17 =	vsub.s32 v17, v13;
	v21, _, _ =	vpop (xrf0);
	s24 =	smov.u32 @p0 s23  }
0x1a2: {  	v22 =	vsub.s32 v21, v14;
	v13 =	vmov s21;
	s25 =	ssub.s32 s25, s24;
	v14 =	vmov s24  }
0x1a3: {  	vm3 =	vlt.s32 v13, v16;
	vm4 =	vlt.s32 v14, v17;
	v15 =	vmov s25  }
0x1a4: {  	v23 =	vsel vm3, s21, v16;
	v24 =	vsel vm4, s24, v17;
	vm3 =	vlt.s32 v15, v22  }
0x1a5: {  	[tilespmem:$0x9400] =	vst v16;
	v25 =	vsel vm3, s25, v22;
	v23 =	vadd.s32 v24, v23;
	v24 =	vmul.u32 $0x280, v0  }
0x1a6: {  	[tilespmem:$0x9410] =	vst v17;
	s23 =	simm.s32 $0x0;
	v16 =	vadd.s32 v25, v23  }
0x1a7: {  	[tilespmem:$0x9420] =	vst v22;
	s26 =	sand.u32 $0x70, s23;
	s28 =	sand.u32 $0xE00, s23;
	v16 =	vsub.s32 v24, v16  }
0x1a8: {  	s26 =	sor.u32 s26, s28;
	[tilespmem:$0x9430] =	vst v16  }
0x1a9: {  	s28 =	simm.s32 $0x0;
	v24 =	vld [tilespmem:s26+$0x0]  }
0x1aa: {  	v25 =	vld [tilespmem:s28+$0x5D80]  }
0x1ab: {  	v17 =	vld [tilespmem:s26+$0x100]  }
0x1ac: {  	v16 =	vld [tilespmem:s26+$0x180]  }
0x1ad: {  	v23 =	vld [tilespmem:s26+$0x80];
	_ =	sdelay $0x2  }
0x1ae: {  	v22 =	vadd.s32 $0x40, v25  }
0x1af: {  	v26 =	vadd.s32 $0x20, v25;
	v27 =	vsub.f32 v17, v24  }
0x1b0: {  	v19 =	vnsel vm2, $0x0, v19;
	v28 =	vadd.s32 $0x60, v25;
	v32 =	vsub.f32 v16, v23  }
0x1b1: {  	(xrf0) =	vadd.scan.msk.s32 $0xffff, v19;
	v19 =	vld [tilespmem:s28+$0x5B00];
	v33 =	vadd.f32 $9.999999930e-09, v27  }
0x1b2: {  	v34 =	vadd.f32 $9.999999930e-09, v32;
	v30 =	vld.idx.msk [tilespmem:v25+s11+$0x0], $0xffff  }
0x1b3: {  	(erf) = vrcp.f32 v33;
	v22 =	vld.idx.msk [tilespmem:v22+s11+$0x0], $0xffff  }
0x1b4: {  	v31 =	vld.idx.msk [tilespmem:v26+s11+$0x0], $0xffff;
	(erf) = vrcp.f32 v34  }
0x1b5: {  	v26 =	vld.idx.msk [tilespmem:v28+s11+$0x0], $0xffff;
	_ =	sdelay $0x2  }
0x1b6: {  	v18 =	vbroadcast v18, $0xF;
	(v2sf) =	vpush v20, $0xF;
	v22 =	vsub.f32 v22, v30  }
0x1b7: {  	s2 =	sadd.s32 $0x0, s5;
	v20 =	vadd.s32 $0xFFFFFFFF, v20;
	vm2 =	vlt.f32 v19, $5.000000000e-01;
	vm3 =	vge.f32 v19, $0.0e+00  }
0x1b8: {  	vm4 =	vgt.f32 v19, $5.000000000e-01;
	v27 =	vmov s2;
	v26 =	vsub.f32 v26, v31  }
0x1b9: {  	vm5 =	vmand vm2, vm3;
	vm3 =	vlt.u32 v27, v8;
	v28 =	vadd.f32 $9.999999930e-09, v22  }
0x1ba: {  	vm4 =	vmand vm3, vm4;
	vm6 =	vmand vm3, vm5;
	v35 =	vadd.f32 $9.999999930e-09, v26;
	v22 =	vpop (erf)  }
0x1bb: {  	(v2sf) =	vpush v21, $0xF;
	vm5 =	vmor vm4, vm6;
	v36 =	vmul.f32 v28, v22;
	v29 =	vpop (erf)  }
0x1bc: {  	v21, _, _ =	vpop (xrf0);
	v19 =	vsel vm6, $0x1, v9;
	vm7 =	vmxor vm3, vm5;
	v37 =	vmul.f32 v35, v29  }
0x1bd: {  	(v2sf) =	vpush v21, $0xF;
	(xrf0) =	vadd.scan.msk.s32 $0xffff, v19;
	v26 =	vsel vm7, $0x1, v9;
	v19 =	vand.u32 $0x7FFFFF, v36  }
0x1be: {  	v32 =	vmul.f32 $5.000000000e-01, v32;
	(xrf0) =	vadd.scan.msk.s32 $0xffff, v26;
	v19 =	vor.u32 $0x3F800000, v19;
	v26 =	vand.u32 $0x7FFFFF, v37  }
0x1bf: {  	v27 =	vsel vm4, $0x1, v9;
	v38 =	vmul.f32 $5.000000000e-01, v19;
	v26 =	vor.u32 $0x3F800000, v26  }
0x1c0: {  	v33 =	vmul.f32 $5.000000000e-01, v33;
	(xrf0) =	vadd.scan.msk.s32 $0xffff, v27;
	vm5 =	vgt.f32 v19, $1.414213540e+00;
	v27 =	vmul.f32 $5.000000000e-01, v26  }
0x1c1: {  	v34 =	vmul.f32 $5.000000000e-01, v34;
	vm9 =	vgt.f32 v26, $1.414213540e+00;
	v38 =	vsel vm5, v38, v19  }
0x1c2: {  	v33 =	vadd.f32 v33, v24;
	v39 =	vadd.f32 $1.000000000e+00, v38;
	v26 =	vsel vm9, v27, v26  }
0x1c3: {  	v34 =	vadd.f32 v34, v23;
	v50 =	vmul.f32 $5.000000000e-01, v28;
	v40 =	vadd.f32 $1.000000000e+00, v26  }
0x1c4: {  	v35 =	vmul.f32 $5.000000000e-01, v35;
	v19 =	vmov s23;
	(erf) = vrcp.f32 v39  }
0x1c5: {  	v30 =	vadd.f32 v50, v30;
	v19 =	vadd.s32 $0xFFFFFFFF, v19;
	v27, _, _ =	vpop (xrf0);
	(erf) = vrcp.f32 v40  }
0x1c6: {  	v41 =	vbroadcast v19, $0x0;
	v19 =	vbroadcast v20, $0xF;
	v20 =	vadd.s32 $0xFFFFFFFF, v21;
	v42, _, _ =	vpop (xrf0)  }
0x1c7: {  	v36 =	vshrl.u32 v36, $0x17;
	v20 =	vbroadcast v20, $0xF;
	v62 =	vadd.s32 s23, v27;
	v61, _, _ =	vpop (xrf0)  }
0x1c8: {  	s26 =	spop (v2sf);
	(v2sf) =	vpush v27, $0xF;
	v43 =	vadd.s32 s23, v42;
	v41 =	vadd.s32 v61, v41  }
0x1c9: {  	v21 =	vadd.s32 v19, v62;
	v45 =	vadd.s32 v20, v43;
	v44 =	vadd.s32 v18, v41  }
0x1ca: {  	vm8 =	vlt.s32 v21, v14;
	v21 =	vadd.f32 $-1.000000000e+00, v38;
	vm10 =	vlt.s32 v44, v13  }
0x1cb: {  	vm13 =	vlt.s32 v45, v15;
	vm6 =	vmand vm6, vm8;
	vm4 =	vmand vm4, vm10  }
0x1cc: {  	v37 =	vshrl.u32 v37, $0x17;
	vm7 =	vmand vm7, vm13;
	vm8 =	vmor vm4, vm6  }
0x1cd: {  	v28 =	vand.u32 $0xFF, v36;
	v49 =	vadd.f32 $-1.000000000e+00, v26;
	vm8 =	vmor vm8, vm7;
	v48 =	vpop (erf)  }
0x1ce: {  	s28 =	spop (v2sf);
	v31 =	vadd.f32 v35, v31;
	vm14 =	vmneg vm8;
	v26 =	vmul.f32 v48, v21;
	v21 =	vpop (erf)  }
0x1cf: {  	p0 =	slt.s32 s21, s22;
	p1 =	slt.s32 s24, s26;
	s29 =	spop (v2sf);
	v30 =	vsub.f32 v30, v33;
	vm15 =	vmand vm3, vm14;
	v27 =	vmul.f32 v21, v49  }
0x1d0: {  	s22 =	smov.u32 @p0 s21;
	s26 =	smov.u32 @p1 s24;
	p0 =	slt.s32 s25, s29;
	v37 =	vand.u32 $0xFF, v37;
	v46 =	vsel vm15, $0x1, v9;
	v44 =	vmul.f32 v26, v26  }
0x1d1: {  	s26 =	sadd.s32 s26, s22;
	s29 =	smov.u32 @p0 s25;
	p0 =	slt.s32 s28, s25;
	v51 =	vsel vm5, $0x1, v9;
	v34 =	vsub.f32 v31, v34;
	(xrf0) =	vadd.scan.msk.s32 $0xffff, v46;
	v45 =	vmul.f32 v27, v27  }
0x1d2: {  	s22 =	sadd.s32 s21, s24;
	s25 =	smov.u32 @p0 s28;
	s26 =	sadd.s32 s29, s26;
	v63 =	vsel vm9, $0x1, v9;
	(v2sf) =	vpush v61, $0xF;
	v52 =	vmul.f32 $1.818181870e-01, v44  }
0x1d3: {  	s21 =	sadd.s32 s22, s25;
	s24 =	ssub.s32 s5, s26;
	v37 =	vadd.s32 v63, v37;
	(v2sf) =	vpush v42, $0xF;
	v54 =	vmul.f32 $1.818181870e-01, v45  }
0x1d4: {  	s24 =	sadd.s32 s21, s24;
	v30 =	vmul.f32 v30, v22;
	v37 =	vadd.s32 $0xFFFFFF81, v37;
	v36 =	vadd.f32 $2.222222240e-01, v52  }
0x1d5: {  	v53 =	vcvt.s32.f32 v37;
	v21 =	vmov s24;
	v37 =	vadd.f32 $2.222222240e-01, v54  }
0x1d6: {  	v58 =	vadd.s32 $0x3F, v62;
	v21 =	vadd.s32 $0xFFFFFFFF, v21;
	v55 =	vmul.f32 v36, v44  }
0x1d7: {  	v60 =	vadd.s32 $0x13F, v43;
	v21 =	vbroadcast v21, $0x0;
	v56, _, _ =	vpop (xrf0);
	v37 =	vmul.f32 v37, v45  }
0x1d8: {  	s30 =	spop (v2sf);
	v57 =	vadd.s32 s23, v56;
	(v2sf) =	vpush v56, $0xF;
	v35 =	vadd.f32 $2.857142980e-01, v55  }
0x1d9: {  	v59 =	vadd.s32 v21, v57;
	v33 =	vadd.s32 $0x23F, v57;
	v37 =	vadd.f32 $2.857142980e-01, v37  }
0x1da: {  	vm5 =	vlt.s32 v59, $0x100;
	v33 =	vsel vm7, v60, v33;
	v35 =	vmul.f32 v35, v44  }
0x1db: {  	vm3 =	vmand vm3, vm5;
	v33 =	vsel vm6, v58, v33;
	v37 =	vmul.f32 v37, v45  }
0x1dc: {  	v33 =	vsel vm4, v41, v33;
	vm3 =	vmor vm8, vm3;
	v35 =	vadd.f32 $4.000000060e-01, v35  }
0x1dd: {  	v22 =	vadd.f32 v32, v23;
	v31 =	vshll.u32 v33, $0x4;
	v61 =	vadd.f32 $4.000000060e-01, v37  }
0x1de: {  	v28 =	vadd.s32 v51, v28;
	v62 =	vor.u32 $0x1, v31;
	v35 =	vmul.f32 v35, v44  }
0x1df: {  	v28 =	vadd.s32 $0xFFFFFF81, v28;
	v29 =	vmul.f32 v34, v29;
	v33 =	vmul.f32 v61, v45  }
0x1e0: {  	v28 =	vcvt.s32.f32 v28;
	v36 =	vld.idx.msk [tilespmem:v25+s13+$0x0], $0xffff;
	v37 =	vor.u32 $0x2, v31;
	v63 =	vadd.f32 $6.666666860e-01, v35  }
0x1e1: {  	s31 =	spop (v2sf);
	v32 =	vor.u32 $0x7, v31;
	v35 =	vor.u32 $0x3, v31;
	v25 =	vadd.f32 $6.666666860e-01, v33  }
0x1e2: {  	s29 =	simm.s32 $0x0;
	s24 =	simm.s32 $0x10;
	s28 =	spop (v2sf);
	v34 =	vor.u32 $0x4, v31;
	[tilespmem:v31+s17+$0x0] =	vst.idx.msk vm3, v24;
	v33 =	vor.u32 $0x5, v31;
	v39 =	vmul.f32 v63, v44  }
0x1e3: {  	s25 =	sadd.s32 $0x0, s30;
	s26 =	sadd.s32 $0x0, s31;
	s28 =	sadd.s32 $0x0, s28;
	[tilespmem:v62+s17+$0x0] =	vst.idx.msk vm3, v23;
	v23 =	vor.u32 $0x6, v31;
	v38 =	vmul.f32 v25, v45;
	v25 =	vmul.f32 $6.931471820e-01, v53  }
.LBB2_6:
0x1e4: {  	p0 =	sne.s32 s24, $0x270  }
0x1e5: {  	vm4 =	veq.s32 v36, $0xFFFFFFFF;
	v24 =	vadd.f32 $2.000000000e+00, v39;
	v28 =	vmul.f32 $6.931471820e-01, v28;
	[tilespmem:v37+s17+$0x0] =	vst.idx.msk vm3, v17;
	s23 =	sadd.s32 $0x40, s23;
	s30 =	smov.u32 s24;
	s24 =	sadd.s32 $0x10, s24  }
0x1e6: {  	vm2 =	vmor vm2, vm4;
	v17 =	vadd.f32 $2.000000000e+00, v38;
	[tilespmem:v35+s17+$0x0] =	vst.idx.msk vm3, v16;
	v16 =	vor.u32 $0x8, v31  }
0x1e7: {  	vm2 =	vmneg vm2;
	v24 =	vmul.f32 v24, v26;
	[tilespmem:v34+s17+$0x0] =	vst.idx.msk vm3, v10;
	v26 =	vor.u32 $0x9, v31  }
0x1e8: {  	s31 =	sand.u32 $0x70, s30;
	s0 =	sshra.s32 s23, $0x2;
	s2 =	sand.u32 $0xE00, s23;
	v34 =	vsel vm2, $0x3F800000, v9;
	v17 =	vmul.f32 v17, v27;
	[tilespmem:v33+s17+$0x0] =	vst.idx.msk vm3, v10;
	v27 =	vor.u32 $0xA, v31  }
0x1e9: {  	s2 =	sor.u32 s31, s2;
	v24 =	vadd.f32 v24, v28;
	v28 =	vmul.f32 v34, v30;
	[tilespmem:v23+s17+$0x0] =	vst.idx.msk vm3, v10;
	v23 =	vor.u32 $0xB, v31  }
0x1ea: {  	v17 =	vadd.f32 v17, v25;
	v25 =	vmul.f32 v34, v29;
	[tilespmem:v32+s17+$0x0] =	vst.idx.msk vm3, v10;
	v29 =	vor.u32 $0xC, v31  }
0x1eb: {  	v24 =	vmul.f32 v34, v24;
	[tilespmem:v16+s17+$0x0] =	vst.idx.msk vm3, v28;
	v16 =	vor.u32 $0xD, v31;
	s31 =	spop (v2sf)  }
0x1ec: {  	v17 =	vmul.f32 v34, v17;
	[tilespmem:v26+s17+$0x0] =	vst.idx.msk vm3, v25;
	s29 =	sadd.s32 s29, s31  }
0x1ed: {  	[tilespmem:v27+s17+$0x0] =	vst.idx.msk vm3, v24  }
0x1ee: {  	v22 =	vmul.f32 $1.953125000e-03, v22;
	[tilespmem:v23+s17+$0x0] =	vst.idx.msk vm3, v17  }
0x1ef: {  	[tilespmem:v29+s17+$0x0] =	vst.idx.msk vm3, v34  }
0x1f0: {  	[tilespmem:v16+s17+$0x0] =	vst.idx.msk vm3, v22;
	_ =	sdelay $0x1  }
0x1f1: {  	v23 =	vld [tilespmem:s2+$0x0]  }
0x1f2: {  	v25 =	vld [tilespmem:s0+$0x5D80]  }
0x1f3: {  	v17 =	vld [tilespmem:s2+$0x100]  }
0x1f4: {  	v16 =	vld [tilespmem:s2+$0x180]  }
0x1f5: {  	v24 =	vld [tilespmem:s2+$0x80];
	_ =	sdelay $0x1  }
0x1f6: {  	v22 =	vadd.s32 $0x20, v25;
	v26 =	vadd.s32 $0x40, v25;
	v27 =	vadd.s32 $0x60, v25  }
0x1f7: {  	v28 =	vsub.f32 v17, v23;
	_ =	sdelay $0x1  }
0x1f8: {  	v29 =	vld [tilespmem:s0+$0x5B00];
	v28 =	vadd.f32 $9.999999930e-09, v28;
	v30 =	vsub.f32 v16, v24  }
0x1f9: {  	v31 =	vld.idx.msk [tilespmem:v25+s11+$0x0], $0xffff  }
0x1fa: {  	v26 =	vld.idx.msk [tilespmem:v26+s11+$0x0], $0xffff;
	v32 =	vadd.f32 $9.999999930e-09, v30;
	v33 =	vmul.f32 $5.000000000e-01, v28;
	(erf) = vrcp.f32 v28  }
0x1fb: {  	v34 =	vld.idx.msk [tilespmem:v22+s11+$0x0], $0xffff;
	v22 =	vmul.f32 $5.000000000e-01, v30  }
0x1fc: {  	s0 =	sadd.s32 s30, s5;
	v27 =	vld.idx.msk [tilespmem:v27+s11+$0x0], $0xffff;
	v30 =	vadd.f32 v33, v23;
	(erf) = vrcp.f32 v32  }
0x1fd: {  	vm2 =	vlt.f32 v29, $5.000000000e-01;
	vm3 =	vge.f32 v29, $0.0e+00;
	v22 =	vadd.f32 v22, v24  }
0x1fe: {  	vm5 =	vmand vm2, vm3  }
0x1ff: {  	v28 =	vmov s0  }
0x200: {  	vm4 =	vgt.f32 v29, $5.000000000e-01;
	vm3 =	vlt.u32 v28, v8;
	v26 =	vsub.f32 v26, v31  }
0x201: {  	vm4 =	vmand vm3, vm4;
	vm5 =	vmand vm3, vm5  }
0x202: {  	vm6 =	vmor vm4, vm5;
	v26 =	vadd.f32 $9.999999930e-09, v26;
	v27 =	vsub.f32 v27, v34  }
0x203: {  	v29 =	vmov s26;
	v28 =	vsel vm5, $0x1, v9;
	vm6 =	vmxor vm3, vm6;
	v33 =	vpop (erf)  }
0x204: {  	v37 =	vsel vm6, $0x1, v9;
	v27 =	vadd.f32 $9.999999930e-09, v27;
	v36 =	vmul.f32 v26, v33;
	(xrf0) =	vadd.scan.msk.s32 $0xffff, v28  }
0x205: {  	v32 =	vmul.f32 $5.000000000e-01, v32;
	v28 =	vsel vm4, $0x1, v9;
	v26 =	vmul.f32 $5.000000000e-01, v26;
	(xrf0) =	vadd.scan.msk.s32 $0xffff, v37;
	v35 =	vpop (erf)  }
0x206: {  	v37 =	vshrl.u32 v36, $0x17;
	v36 =	vand.u32 $0x7FFFFF, v36;
	v38 =	vmul.f32 v27, v35  }
0x207: {  	v29 =	vadd.s32 $0xFFFFFFFF, v29;
	v37 =	vand.u32 $0xFF, v37;
	v36 =	vor.u32 $0x3F800000, v36  }
0x208: {  	vm7 =	vgt.f32 v36, $1.414213540e+00;
	v39 =	vmul.f32 $5.000000000e-01, v36;
	v40 =	vand.u32 $0x7FFFFF, v38  }
0x209: {  	v29 =	vbroadcast v29, $0x0;
	v38 =	vshrl.u32 v38, $0x17;
	v40 =	vor.u32 $0x3F800000, v40  }
0x20a: {  	v41 =	vsel vm7, $0x1, v9;
	v36 =	vsel vm7, v39, v36;
	v39 =	vmul.f32 $5.000000000e-01, v40;
	(xrf0) =	vadd.scan.msk.s32 $0xffff, v28;
	v28, _, _ =	vpop (xrf0)  }
0x20b: {  	vm7 =	vgt.f32 v40, $1.414213540e+00;
	v42 =	vadd.f32 $1.000000000e+00, v36;
	v43, _, _ =	vpop (xrf0);
	(v2sf) =	vpush v28, $0xF  }
0x20c: {  	v38 =	vand.u32 $0xFF, v38;
	v44 =	vadd.s32 s28, v43;
	v39 =	vsel vm7, v39, v40  }
0x20d: {  	v40 =	vsel vm7, $0x1, v9;
	v45 =	vadd.f32 $1.000000000e+00, v39;
	(erf) = vrcp.f32 v42  }
0x20e: {  	v42 =	vadd.s32 s25, v28;
	v28 =	vadd.s32 v20, v44;
	v46 =	vadd.s32 v40, v38  }
0x20f: {  	v40 =	vadd.s32 v19, v42;
	vm7 =	vlt.s32 v28, v15;
	(erf) = vrcp.f32 v45  }
0x210: {  	v28 =	vadd.s32 $0xFFFFFF81, v46;
	vm8 =	vlt.s32 v40, v14;
	vm6 =	vmand vm6, vm7;
	v38, _, _ =	vpop (xrf0)  }
0x211: {  	v45 =	vcvt.s32.f32 v28;
	v40 =	vadd.s32 v38, v29;
	(v2sf) =	vpush v38, $0xF  }
0x212: {  	v29 =	vadd.s32 v41, v37;
	v28 =	vadd.s32 v18, v40;
	(v2sf) =	vpush v43, $0xF  }
0x213: {  	v27 =	vmul.f32 $5.000000000e-01, v27;
	vm7 =	vlt.s32 v28, v13;
	v28 =	vadd.s32 $0xFFFFFF81, v29  }
0x214: {  	vm5 =	vmand vm5, vm8;
	vm4 =	vmand vm4, vm7;
	v28 =	vcvt.s32.f32 v28  }
0x215: {  	v34 =	vadd.f32 v27, v34;
	v29 =	vadd.f32 $-1.000000000e+00, v36;
	vm7 =	vmor vm4, vm5  }
0x216: {  	v32 =	vadd.f32 v32, v24;
	v31 =	vadd.f32 v26, v31;
	vm7 =	vmor vm7, vm6;
	v26 =	vpop (erf)  }
0x217: {  	vm8 =	vmneg vm7;
	v26 =	vmul.f32 v26, v29;
	v29 =	vadd.f32 $-1.000000000e+00, v39  }
0x218: {  	v30 =	vsub.f32 v31, v30;
	v31 =	vsub.f32 v34, v32;
	vm8 =	vmand vm3, vm8;
	v27 =	vpop (erf)  }
0x219: {  	v32 =	vsel vm8, $0x1, v9;
	v38 =	vmul.f32 v26, v26;
	v27 =	vmul.f32 v27, v29  }
0x21a: {  	v30 =	vmul.f32 v30, v33;
	v29 =	vmul.f32 v31, v35;
	(xrf0) =	vadd.scan.msk.s32 $0xffff, v32;
	s0 =	spop (v2sf)  }
0x21b: {  	v31 =	vmul.f32 $1.818181870e-01, v38;
	v41 =	vmul.f32 v27, v27;
	s25 =	sadd.s32 s25, s0;
	_ =	sdelay $0x1  }
0x21c: {  	v31 =	vadd.f32 $2.222222240e-01, v31;
	v32 =	vmul.f32 $1.818181870e-01, v41;
	_ =	sdelay $0x1  }
0x21d: {  	v31 =	vmul.f32 v31, v38;
	v32 =	vadd.f32 $2.222222240e-01, v32  }
0x21e: {  	v33 =	vadd.s32 $0x3F, v42;
	v34, _, _ =	vpop (xrf0);
	s0 =	spop (v2sf)  }
0x21f: {  	v35 =	vadd.s32 s29, v34;
	v31 =	vadd.f32 $2.857142980e-01, v31;
	v32 =	vmul.f32 v32, v41;
	s26 =	sadd.s32 s26, s0;
	s0 =	spop (v2sf)  }
0x220: {  	v37 =	vadd.s32 $0x13F, v44;
	v36 =	vadd.s32 v21, v35;
	v35 =	vadd.s32 $0x23F, v35;
	s28 =	sadd.s32 s28, s0  }
0x221: {  	vm8 =	vlt.s32 v36, $0x100;
	v35 =	vsel vm6, v37, v35;
	v32 =	vadd.f32 $2.857142980e-01, v32  }
0x222: {  	vm3 =	vmand vm3, vm8;
	v33 =	vsel vm5, v33, v35;
	v35 =	vmul.f32 v31, v38  }
0x223: {  	v31 =	vsel vm4, v40, v33;
	v32 =	vmul.f32 v32, v41;
	(v2sf) =	vpush v34, $0xF  }
0x224: {  	vm3 =	vmor vm7, vm3;
	v31 =	vshll.u32 v31, $0x4;
	v33 =	vadd.f32 $4.000000060e-01, v35  }
0x225: {  	v34 =	vadd.f32 $4.000000060e-01, v32;
	v40 =	vor.u32 $0x1, v31;
	v32 =	vor.u32 $0x7, v31  }
0x226: {  	v36 =	vld.idx.msk [tilespmem:v25+s13+$0x0], $0xffff;
	v25 =	vmul.f32 v33, v38  }
.Ltmp2:
0x227: {  	v37 =	vor.u32 $0x2, v31;
	v33 =	vmul.f32 v34, v41;
	(pc) =	sbr.rel @p0 .LBB2_6-.Ltmp2, $4  }
0x228: {  	v35 =	vor.u32 $0x3, v31;
	v25 =	vadd.f32 $6.666666860e-01, v25  }
0x229: {  	v34 =	vor.u32 $0x4, v31;
	v42 =	vadd.f32 $6.666666860e-01, v33  }
0x22a: {  	v33 =	vor.u32 $0x5, v31;
	v39 =	vmul.f32 v25, v38;
	[tilespmem:v31+s17+$0x0] =	vst.idx.msk vm3, v23  }
0x22b: {  	v25 =	vmul.f32 $6.931471820e-01, v45;
	v23 =	vor.u32 $0x6, v31;
	v38 =	vmul.f32 v42, v41;
	[tilespmem:v40+s17+$0x0] =	vst.idx.msk vm3, v24  }
0x22c: {  	_ =	sdelay $0x3  }
0x22d: {  	v14 =	vadd.f32 $2.000000000e+00, v39  }
0x22e: {  	vm4 =	veq.s32 v36, $0xFFFFFFFF;
	v15 =	vmul.f32 $6.931471820e-01, v28;
	[tilespmem:v37+s17+$0x0] =	vst.idx.msk vm3, v17;
	v28 =	vor.u32 $0x8, v31  }
0x22f: {  	v18 =	vor.u32 $0x9, v31;
	v24 =	vadd.f32 $2.000000000e+00, v38;
	vm2 =	vmor vm2, vm4;
	[tilespmem:v35+s17+$0x0] =	vst.idx.msk vm3, v16  }
0x230: {  	v20 =	vor.u32 $0xA, v31;
	v14 =	vmul.f32 v14, v26;
	vm2 =	vmneg vm2;
	[tilespmem:v34+s17+$0x0] =	vst.idx.msk vm3, v10  }
0x231: {  	v21 =	vor.u32 $0xB, v31;
	v17 =	vmul.f32 v24, v27;
	v19 =	vsel vm2, $0x3F800000, v9;
	[tilespmem:v33+s17+$0x0] =	vst.idx.msk vm3, v10  }
0x232: {  	vm5 =	vlt.s32 v6, s22;
	v14 =	vadd.f32 v14, v15;
	v15 =	vmul.f32 v19, v30;
	[tilespmem:v23+s17+$0x0] =	vst.idx.msk vm3, v10  }
0x233: {  	v24 =	vor.u32 $0xC, v31;
	v34 =	vmul.f32 v19, v29;
	v17 =	vadd.f32 v17, v25;
	[tilespmem:v32+s17+$0x0] =	vst.idx.msk vm3, v10  }
0x234: {  	vm2 =	vlt.s32 v6, v13;
	v14 =	vmul.f32 v19, v14;
	[tilespmem:v28+s17+$0x0] =	vst.idx.msk vm3, v15;
	v15 =	vor.u32 $0xD, v31  }
0x235: {  	vm10 =	vge.s32 v6, s21;
	vm6 =	vmor vm5, vm2;
	v35 =	vmul.f32 v19, v17;
	[tilespmem:v18+s17+$0x0] =	vst.idx.msk vm3, v34  }
0x236: {  	vm11 =	vge.s32 v6, v13;
	vm4 =	vmor vm6, vm10;
	[tilespmem:v20+s17+$0x0] =	vst.idx.msk vm3, v14  }
0x237: {  	vm5 =	vmand vm5, vm11;
	v36 =	vsel vm4, $0x30, v11;
	v14 =	vmul.f32 $1.953125000e-03, v22;
	[tilespmem:v21+s17+$0x0] =	vst.idx.msk vm3, v35  }
0x238: {  	s0 =	spop (v2sf);
	v16 =	vsel vm5, $0x10, v36;
	[tilespmem:v24+s17+$0x0] =	vst.idx.msk vm3, v19  }
0x239: {  	s0 =	rddreg [dreg:$0xc];
	[tilespmem:v15+s17+$0x0] =	vst.idx.msk vm3, v14;
	v14 =	vsel vm2, $0x0, v16  }
0x23a: {  	[spmem:s0] =	stream.linear.scatter [tilespmem:s17], [sflag:$0x2], $0x3400, $0x38;
	v15 =	vor.u32 $0x1, v14;
	[tilespmem:$0xCC10] =	vst v63  }
0x23b: {  	v16 =	vor.u32 $0x2, v14;
	_ =	swait.ge [sflag:s12], $0x3400  }
0x23c: {  	v37 =	vor.u32 $0x3, v14;
	[sflag:s12] =	ssyncset.done $0x0  }
0x23d: {  	v38 =	vor.u32 $0x4, v14;
	[sflag:s12] =	ssyncadd.s32 $0xFFFFCC00  }
0x23e: {  	v39 =	vor.u32 $0x5, v14;
	[bflag:$0x0] =	sbarrier.arrive $0xFFFF  }
0x23f: {  	v40 =	vor.u32 $0x6, v14;
	v15 =	vld.idx.msk [tilespmem:v15+s18+$0x0], $0xffff  }
0x240: {  	v41 =	vmov s22;
	v42 =	vor.u32 $0x7, v14;
	v16 =	vld.idx.msk [tilespmem:v16+s18+$0x0], $0xffff  }
0x241: {  	v43 =	vsel vm4, s21, v41;
	v17 =	vld.idx.msk [tilespmem:v37+s18+$0x0], $0xffff  }
0x242: {  	v23 =	vsel vm5, v13, v43;
	v18 =	vld.idx.msk [tilespmem:v38+s18+$0x0], $0xffff  }
0x243: {  	v23 =	vsel vm2, $0x0, v23;
	v19 =	vld.idx.msk [tilespmem:v39+s18+$0x0], $0xffff  }
0x244: {  	v23 =	vsub.s32 v6, v23;
	v20 =	vld.idx.msk [tilespmem:v40+s18+$0x0], $0xffff  }
0x245: {  	vm3 =	vle.s32 v15, v23;
	vm12 =	vle.s32 v16, v23;
	v15 =	vld.idx.msk [tilespmem:v42+s18+$0x0], $0xffff  }
0x246: {  	v44 =	vsel vm3, $0x1, v9;
	v45 =	vsel vm12, $0x1, v9;
	vm3 =	vle.s32 v17, v23  }
0x247: {  	v16 =	vadd.s32 v44, v45;
	v17 =	vsel vm3, $0x1, v9;
	vm3 =	vle.s32 v18, v23  }
0x248: {  	v16 =	vadd.s32 v17, v16;
	v46 =	vsel vm3, $0x1, v9;
	vm3 =	vle.s32 v19, v23  }
0x249: {  	v16 =	vadd.s32 v46, v16;
	v47 =	vsel vm3, $0x1, v9;
	vm3 =	vle.s32 v20, v23  }
0x24a: {  	v16 =	vadd.s32 v47, v16;
	v48 =	vsel vm3, $0x1, v9;
	vm3 =	vle.s32 v15, v23  }
0x24b: {  	v15 =	vadd.s32 v48, v16;
	v49 =	vsel vm3, $0x1, v9  }
0x24c: {  	v15 =	vadd.s32 v49, v15  }
0x24d: {  	v14 =	vadd.s32 v14, v15;
	_ =	sdelay $0x4  }
0x24e: {  	v14 =	vld.idx.msk [tilespmem:v14+s18+$0x0], $0xffff  }
0x24f: {  	v50 =	vsel vm4, $0x240, v12  }
0x250: {  	v16 =	vsel vm5, $0x40, v50  }
0x251: {  	v16 =	vsel vm2, $0x0, v16;
	v15 =	vadd.s32 v1, v15  }
0x252: {  	v16 =	vadd.s32 v16, v23;
	v15 =	vmul.u32 $0x340, v15  }
0x253: {  	v14 =	vsub.s32 v16, v14  }
0x254: {  	v14 =	vadd.s32 v15, v14  }
0x255: {  	s23 =	rddreg [dreg:$0x4];
	v14 =	vshll.u32 v14, $0x4  }
0x256: {  	v14 =	vadd.s32 s23, v14  }
0x257: {  	(v2sf) =	vpush v14, $0x1  }
0x258: {  	(v2sf) =	vpush v14, $0x0;
	_ =	sdelay $0x5  }
0x259: {  	(v2sf) =	vpush v14, $0x3  }
0x25a: {  	(v2sf) =	vpush v14, $0x2;
	_ =	sdelay $0x1  }
0x25b: {  	(v2sf) =	vpush v14, $0x5;
	_ =	sdelay $0x1  }
0x25c: {  	(v2sf) =	vpush v14, $0x4;
	_ =	sdelay $0x1  }
0x25d: {  	(v2sf) =	vpush v14, $0x7  }
0x25e: {  	s31 =	spop (v2sf)  }
0x25f: {  	s2 =	spop (v2sf);
	(v2sf) =	vpush v14, $0x6;
	_ =	sdelay $0x1  }
0x260: {  	(v2sf) =	vpush v14, $0x9;
	_ =	sdelay $0x1  }
0x261: {  	(v2sf) =	vpush v14, $0x8  }
0x262: {  	[tilespmem:s19], [sflag:$0x1] =	stream.linear.gather [spmem:s2], $0x10, $0x38;
	[tilespmem:$0xCC10] =	vst v63  }
0x263: {  	s25 =	spop (v2sf)  }
0x264: {  	s24 =	simm.s32 $0x9610;
	s26 =	spop (v2sf)  }
0x265: {  	[tilespmem:s24], [sflag:$0x1] =	stream.linear.gather [spmem:s31], $0x10, $0x38;
	[tilespmem:$0xCC10] =	vst v63  }
0x266: {  	s24 =	simm.s32 $0x9620;
	s29 =	spop (v2sf);
	(v2sf) =	vpush v14, $0xB  }
0x267: {  	[tilespmem:s24], [sflag:$0x1] =	stream.linear.gather [spmem:s26], $0x10, $0x38;
	[tilespmem:$0xCC10] =	vst v63  }
0x268: {  	s28 =	simm.s32 $0x9630;
	s30 =	spop (v2sf);
	(v2sf) =	vpush v14, $0xA  }
0x269: {  	[tilespmem:s28], [sflag:$0x1] =	stream.linear.gather [spmem:s25], $0x10, $0x38;
	[tilespmem:$0xCC10] =	vst v63  }
0x26a: {  	s31 =	simm.s32 $0x9640;
	s26 =	spop (v2sf);
	(v2sf) =	vpush v14, $0xD  }
0x26b: {  	[tilespmem:s31], [sflag:$0x1] =	stream.linear.gather [spmem:s30], $0x10, $0x38;
	[tilespmem:$0xCC10] =	vst v63  }
0x26c: {  	s25 =	simm.s32 $0x9650;
	s28 =	spop (v2sf);
	(v2sf) =	vpush v14, $0xC  }
0x26d: {  	[tilespmem:s25], [sflag:$0x1] =	stream.linear.gather [spmem:s29], $0x10, $0x38;
	[tilespmem:$0xCC10] =	vst v63  }
0x26e: {  	s29 =	simm.s32 $0x9660;
	s31 =	spop (v2sf);
	(v2sf) =	vpush v14, $0xF  }
0x26f: {  	[tilespmem:s29], [sflag:$0x1] =	stream.linear.gather [spmem:s28], $0x10, $0x38;
	[tilespmem:$0xCC10] =	vst v63  }
0x270: {  	s24 =	spop (v2sf);
	(v2sf) =	vpush v14, $0xE  }
0x271: {  	s30 =	simm.s32 $0x9670  }
0x272: {  	[tilespmem:s30], [sflag:$0x1] =	stream.linear.gather [spmem:s26], $0x10, $0x38;
	[tilespmem:$0xCC10] =	vst v63  }
0x273: {  	s25 =	simm.s32 $0x9680  }
0x274: {  	[tilespmem:s25], [sflag:$0x1] =	stream.linear.gather [spmem:s24], $0x10, $0x38;
	[tilespmem:$0xCC10] =	vst v63  }
0x275: {  	s26 =	simm.s32 $0x9690;
	s28 =	spop (v2sf)  }
0x276: {  	[tilespmem:s26], [sflag:$0x1] =	stream.linear.gather [spmem:s31], $0x10, $0x38;
	[tilespmem:$0xCC10] =	vst v63  }
0x277: {  	s30 =	simm.s32 $0x96A0;
	s29 =	spop (v2sf)  }
0x278: {  	vm13 =	vlt.s32 v7, s22;
	vm2 =	vlt.s32 v7, v13;
	[tilespmem:s30], [sflag:$0x1] =	stream.linear.gather [spmem:s29], $0x10, $0x38;
	[tilespmem:$0xCC10] =	vst v63  }
0x279: {  	vm3 =	vge.s32 v7, s21;
	vm14 =	vmor vm13, vm2;
	s24 =	spop (v2sf);
	s31 =	simm.s32 $0x96B0  }
0x27a: {  	vm15 =	vge.s32 v7, v13;
	vm3 =	vmor vm14, vm3;
	[tilespmem:s31], [sflag:$0x1] =	stream.linear.gather [spmem:s28], $0x10, $0x38;
	[tilespmem:$0xCC10] =	vst v63  }
0x27b: {  	vm4 =	vmand vm13, vm15;
	v14 =	vsel vm3, $0x30, v11;
	s26 =	simm.s32 $0x96C0;
	s25 =	spop (v2sf)  }
0x27c: {  	v14 =	vsel vm4, $0x10, v14;
	[tilespmem:s26], [sflag:$0x1] =	stream.linear.gather [spmem:s25], $0x10, $0x38;
	[tilespmem:$0xCC10] =	vst v63  }
0x27d: {  	v14 =	vsel vm2, $0x0, v14;
	s28 =	simm.s32 $0x96D0;
	s29 =	spop (v2sf)  }
0x27e: {  	v15 =	vor.u32 $0x1, v14;
	[tilespmem:s28], [sflag:$0x1] =	stream.linear.gather [spmem:s24], $0x10, $0x38;
	[tilespmem:$0xCC10] =	vst v63  }
0x27f: {  	v51 =	vor.u32 $0x2, v14;
	s31 =	simm.s32 $0x96E0;
	s30 =	spop (v2sf)  }
0x280: {  	v52 =	vor.u32 $0x3, v14;
	[tilespmem:s31], [sflag:$0x1] =	stream.linear.gather [spmem:s30], $0x10, $0x38;
	[tilespmem:$0xCC10] =	vst v63  }
0x281: {  	s22 =	simm.s32 $0x96F0;
	v53 =	vor.u32 $0x4, v14  }
0x282: {  	v54 =	vor.u32 $0x5, v14;
	[tilespmem:s22], [sflag:$0x1] =	stream.linear.gather [spmem:s29], $0x10, $0x38;
	[tilespmem:$0xCC10] =	vst v63  }
0x283: {  	v55 =	vor.u32 $0x6, v14;
	v15 =	vld.idx.msk [tilespmem:v15+s18+$0x0], $0xffff  }
0x284: {  	v56 =	vor.u32 $0x7, v14;
	v16 =	vld.idx.msk [tilespmem:v51+s18+$0x0], $0xffff  }
0x285: {  	v21 =	vsel vm3, s21, v41;
	v17 =	vld.idx.msk [tilespmem:v52+s18+$0x0], $0xffff  }
0x286: {  	v13 =	vsel vm4, v13, v21;
	v18 =	vld.idx.msk [tilespmem:v53+s18+$0x0], $0xffff  }
0x287: {  	v13 =	vsel vm2, $0x0, v13;
	v19 =	vld.idx.msk [tilespmem:v54+s18+$0x0], $0xffff  }
0x288: {  	v13 =	vsub.s32 v7, v13;
	v20 =	vld.idx.msk [tilespmem:v55+s18+$0x0], $0xffff  }
0x289: {  	vm9 =	vle.s32 v15, v13;
	vm10 =	vle.s32 v16, v13;
	v15 =	vld.idx.msk [tilespmem:v56+s18+$0x0], $0xffff  }
0x28a: {  	vm11 =	vle.s32 v17, v13;
	v57 =	vsel vm9, $0x1, v9;
	v58 =	vsel vm10, $0x1, v9  }
0x28b: {  	vm12 =	vle.s32 v18, v13;
	v17 =	vsel vm11, $0x1, v9;
	v16 =	vadd.s32 v57, v58  }
0x28c: {  	vm13 =	vle.s32 v19, v13;
	v59 =	vsel vm12, $0x1, v9;
	v16 =	vadd.s32 v17, v16  }
0x28d: {  	vm14 =	vle.s32 v20, v13;
	v60 =	vsel vm13, $0x1, v9;
	v16 =	vadd.s32 v59, v16  }
0x28e: {  	v61 =	vsel vm14, $0x1, v9;
	v16 =	vadd.s32 v60, v16;
	vm15 =	vle.s32 v15, v13  }
0x28f: {  	v15 =	vadd.s32 v61, v16;
	v62 =	vsel vm15, $0x1, v9  }
0x290: {  	v15 =	vadd.s32 v62, v15  }
0x291: {  	v14 =	vadd.s32 v14, v15;
	_ =	sdelay $0x4  }
0x292: {  	v14 =	vld.idx.msk [tilespmem:v14+s18+$0x0], $0xffff  }
0x293: {  	v63 =	vsel vm3, $0x240, v12  }
0x294: {  	v16 =	vsel vm4, $0x40, v63  }
0x295: {  	v16 =	vsel vm2, $0x0, v16;
	v15 =	vadd.s32 v1, v15  }
0x296: {  	v13 =	vadd.s32 v16, v13;
	v15 =	vmul.u32 $0x340, v15  }
0x297: {  	v13 =	vsub.s32 v13, v14  }
0x298: {  	v13 =	vadd.s32 v15, v13  }
0x299: {  	v13 =	vshll.u32 v13, $0x4  }
0x29a: {  	v13 =	vadd.s32 s23, v13  }
0x29b: {  	(v2sf) =	vpush v13, $0x1;
	_ =	sdelay $0x2  }
0x29c: {  	(v2sf) =	vpush v13, $0x0;
	_ =	sdelay $0x1  }
0x29d: {  	(v2sf) =	vpush v13, $0x3;
	_ =	sdelay $0x1  }
0x29e: {  	(v2sf) =	vpush v13, $0x2;
	_ =	sdelay $0x1  }
0x29f: {  	(v2sf) =	vpush v13, $0x5;
	_ =	sdelay $0x1  }
0x2a0: {  	(v2sf) =	vpush v13, $0x4;
	_ =	sdelay $0x1  }
0x2a1: {  	(v2sf) =	vpush v13, $0x7;
	_ =	sdelay $0x1  }
0x2a2: {  	s24 =	spop (v2sf);
	(v2sf) =	vpush v13, $0x6;
	_ =	sdelay $0x1  }
0x2a3: {  	(v2sf) =	vpush v13, $0x9  }
0x2a4: {  	s26 =	simm.s32 $0x9700;
	s25 =	spop (v2sf)  }
0x2a5: {  	[tilespmem:s26], [sflag:$0x1] =	stream.linear.gather [spmem:s25], $0x10, $0x38;
	(v2sf) =	vpush v13, $0x8;
	[tilespmem:$0xCC10] =	vst v63  }
0x2a6: {  	s28 =	simm.s32 $0x9710;
	s29 =	spop (v2sf)  }
0x2a7: {  	(v2sf) =	vpush v13, $0xB;
	[tilespmem:s28], [sflag:$0x1] =	stream.linear.gather [spmem:s24], $0x10, $0x38;
	[tilespmem:$0xCC10] =	vst v63  }
0x2a8: {  	s31 =	simm.s32 $0x9720;
	s30 =	spop (v2sf)  }
0x2a9: {  	(v2sf) =	vpush v13, $0xA;
	[tilespmem:s31], [sflag:$0x1] =	stream.linear.gather [spmem:s30], $0x10, $0x38;
	[tilespmem:$0xCC10] =	vst v63  }
0x2aa: {  	s22 =	simm.s32 $0x9730;
	s23 =	spop (v2sf)  }
0x2ab: {  	(v2sf) =	vpush v13, $0xD;
	[tilespmem:s22], [sflag:$0x1] =	stream.linear.gather [spmem:s29], $0x10, $0x38;
	[tilespmem:$0xCC10] =	vst v63  }
0x2ac: {  	s25 =	simm.s32 $0x9740;
	s24 =	spop (v2sf)  }
0x2ad: {  	(v2sf) =	vpush v13, $0xC;
	[tilespmem:s25], [sflag:$0x1] =	stream.linear.gather [spmem:s24], $0x10, $0x38;
	[tilespmem:$0xCC10] =	vst v63  }
0x2ae: {  	s26 =	simm.s32 $0x9750;
	s28 =	spop (v2sf)  }
0x2af: {  	(v2sf) =	vpush v13, $0xF;
	[tilespmem:s26], [sflag:$0x1] =	stream.linear.gather [spmem:s23], $0x10, $0x38;
	[tilespmem:$0xCC10] =	vst v63  }
0x2b0: {  	s30 =	simm.s32 $0x9760;
	s29 =	spop (v2sf)  }
0x2b1: {  	(v2sf) =	vpush v13, $0xE;
	[tilespmem:s30], [sflag:$0x1] =	stream.linear.gather [spmem:s29], $0x10, $0x38;
	[tilespmem:$0xCC10] =	vst v63  }
0x2b2: {  	s22 =	simm.s32 $0x9770;
	s31 =	spop (v2sf)  }
0x2b3: {  	[tilespmem:s22], [sflag:$0x1] =	stream.linear.gather [spmem:s28], $0x10, $0x38;
	[tilespmem:$0xCC10] =	vst v63  }
0x2b4: {  	s24 =	simm.s32 $0x9780;
	s23 =	spop (v2sf)  }
0x2b5: {  	[tilespmem:s24], [sflag:$0x1] =	stream.linear.gather [spmem:s23], $0x10, $0x38;
	[tilespmem:$0xCC10] =	vst v63  }
0x2b6: {  	s26 =	simm.s32 $0x9790;
	s25 =	spop (v2sf)  }
0x2b7: {  	[tilespmem:s26], [sflag:$0x1] =	stream.linear.gather [spmem:s31], $0x10, $0x38;
	[tilespmem:$0xCC10] =	vst v63  }
0x2b8: {  	s29 =	simm.s32 $0x97A0;
	s28 =	spop (v2sf)  }
0x2b9: {  	[tilespmem:s29], [sflag:$0x1] =	stream.linear.gather [spmem:s28], $0x10, $0x38;
	[tilespmem:$0xCC10] =	vst v63  }
0x2ba: {  	s30 =	spop (v2sf);
	s31 =	simm.s32 $0x97B0  }
0x2bb: {  	[tilespmem:s31], [sflag:$0x1] =	stream.linear.gather [spmem:s25], $0x10, $0x38;
	[tilespmem:$0xCC10] =	vst v63  }
0x2bc: {  	s23 =	simm.s32 $0x97C0;
	s22 =	spop (v2sf)  }
0x2bd: {  	[tilespmem:s23], [sflag:$0x1] =	stream.linear.gather [spmem:s22], $0x10, $0x38;
	[tilespmem:$0xCC10] =	vst v63  }
0x2be: {  	s24 =	spop (v2sf);
	s25 =	simm.s32 $0x97D0  }
0x2bf: {  	[tilespmem:s25], [sflag:$0x1] =	stream.linear.gather [spmem:s30], $0x10, $0x38;
	[tilespmem:$0xCC10] =	vst v63  }
0x2c0: {  	s28 =	simm.s32 $0x97E0;
	s26 =	spop (v2sf)  }
0x2c1: {  	[tilespmem:s28], [sflag:$0x1] =	stream.linear.gather [spmem:s26], $0x10, $0x38;
	[tilespmem:$0xCC10] =	vst v63  }
0x2c2: {  	s29 =	simm.s32 $0x97F0  }
0x2c3: {  	[tilespmem:s29], [sflag:$0x1] =	stream.linear.gather [spmem:s24], $0x10, $0x38;
	[tilespmem:$0xCC10] =	vst v63  }
0x2c4: {  	_ =	swait.ge [sflag:s14], $0x10  }
0x2c5: {  	[sflag:s14] =	ssyncset.done $0x0  }
0x2c6: {  	[sflag:s14] =	ssyncadd.s32 $0xFFFFFFF0  }
0x2c7: {  	_ =	swait.ge [sflag:s14], $0x10  }
0x2c8: {  	[sflag:s14] =	ssyncset.done $0x0  }
0x2c9: {  	[sflag:s14] =	ssyncadd.s32 $0xFFFFFFF0  }
0x2ca: {  	_ =	swait.ge [sflag:s14], $0x10  }
0x2cb: {  	[sflag:s14] =	ssyncset.done $0x0  }
0x2cc: {  	[sflag:s14] =	ssyncadd.s32 $0xFFFFFFF0  }
0x2cd: {  	_ =	swait.ge [sflag:s14], $0x10  }
0x2ce: {  	[sflag:s14] =	ssyncset.done $0x0  }
0x2cf: {  	[sflag:s14] =	ssyncadd.s32 $0xFFFFFFF0  }
0x2d0: {  	_ =	swait.ge [sflag:s14], $0x10  }
0x2d1: {  	[sflag:s14] =	ssyncset.done $0x0  }
0x2d2: {  	[sflag:s14] =	ssyncadd.s32 $0xFFFFFFF0  }
0x2d3: {  	_ =	swait.ge [sflag:s14], $0x10  }
0x2d4: {  	[sflag:s14] =	ssyncset.done $0x0  }
0x2d5: {  	[sflag:s14] =	ssyncadd.s32 $0xFFFFFFF0  }
0x2d6: {  	_ =	swait.ge [sflag:s14], $0x10  }
0x2d7: {  	[sflag:s14] =	ssyncset.done $0x0  }
0x2d8: {  	[sflag:s14] =	ssyncadd.s32 $0xFFFFFFF0  }
0x2d9: {  	_ =	swait.ge [sflag:s14], $0x10  }
0x2da: {  	[sflag:s14] =	ssyncset.done $0x0  }
0x2db: {  	[sflag:s14] =	ssyncadd.s32 $0xFFFFFFF0  }
0x2dc: {  	_ =	swait.ge [sflag:s14], $0x10  }
0x2dd: {  	[sflag:s14] =	ssyncset.done $0x0  }
0x2de: {  	[sflag:s14] =	ssyncadd.s32 $0xFFFFFFF0  }
0x2df: {  	_ =	swait.ge [sflag:s14], $0x10  }
0x2e0: {  	[sflag:s14] =	ssyncset.done $0x0  }
0x2e1: {  	[sflag:s14] =	ssyncadd.s32 $0xFFFFFFF0  }
0x2e2: {  	_ =	swait.ge [sflag:s14], $0x10  }
0x2e3: {  	[sflag:s14] =	ssyncset.done $0x0  }
0x2e4: {  	[sflag:s14] =	ssyncadd.s32 $0xFFFFFFF0  }
0x2e5: {  	_ =	swait.ge [sflag:s14], $0x10  }
0x2e6: {  	[sflag:s14] =	ssyncset.done $0x0  }
0x2e7: {  	[sflag:s14] =	ssyncadd.s32 $0xFFFFFFF0  }
0x2e8: {  	_ =	swait.ge [sflag:s14], $0x10  }
0x2e9: {  	[sflag:s14] =	ssyncset.done $0x0  }
0x2ea: {  	[sflag:s14] =	ssyncadd.s32 $0xFFFFFFF0  }
0x2eb: {  	_ =	swait.ge [sflag:s14], $0x10  }
0x2ec: {  	[sflag:s14] =	ssyncset.done $0x0  }
0x2ed: {  	[sflag:s14] =	ssyncadd.s32 $0xFFFFFFF0  }
0x2ee: {  	_ =	swait.ge [sflag:s14], $0x10  }
0x2ef: {  	[sflag:s14] =	ssyncset.done $0x0  }
0x2f0: {  	[sflag:s14] =	ssyncadd.s32 $0xFFFFFFF0  }
0x2f1: {  	_ =	swait.ge [sflag:s14], $0x10  }
0x2f2: {  	[sflag:s14] =	ssyncset.done $0x0  }
0x2f3: {  	[sflag:s14] =	ssyncadd.s32 $0xFFFFFFF0  }
0x2f4: {  	_ =	swait.ge [sflag:s14], $0x10  }
0x2f5: {  	[sflag:s14] =	ssyncset.done $0x0  }
0x2f6: {  	[sflag:s14] =	ssyncadd.s32 $0xFFFFFFF0  }
0x2f7: {  	_ =	swait.ge [sflag:s14], $0x10  }
0x2f8: {  	[sflag:s14] =	ssyncset.done $0x0  }
0x2f9: {  	[sflag:s14] =	ssyncadd.s32 $0xFFFFFFF0  }
0x2fa: {  	_ =	swait.ge [sflag:s14], $0x10  }
0x2fb: {  	[sflag:s14] =	ssyncset.done $0x0  }
0x2fc: {  	[sflag:s14] =	ssyncadd.s32 $0xFFFFFFF0  }
0x2fd: {  	_ =	swait.ge [sflag:s14], $0x10  }
0x2fe: {  	[sflag:s14] =	ssyncset.done $0x0  }
0x2ff: {  	[sflag:s14] =	ssyncadd.s32 $0xFFFFFFF0  }
0x300: {  	_ =	swait.ge [sflag:s14], $0x10  }
0x301: {  	[sflag:s14] =	ssyncset.done $0x0  }
0x302: {  	[sflag:s14] =	ssyncadd.s32 $0xFFFFFFF0  }
0x303: {  	_ =	swait.ge [sflag:s14], $0x10  }
0x304: {  	[sflag:s14] =	ssyncset.done $0x0  }
0x305: {  	[sflag:s14] =	ssyncadd.s32 $0xFFFFFFF0  }
0x306: {  	_ =	swait.ge [sflag:s14], $0x10  }
0x307: {  	[sflag:s14] =	ssyncset.done $0x0  }
0x308: {  	[sflag:s14] =	ssyncadd.s32 $0xFFFFFFF0  }
0x309: {  	_ =	swait.ge [sflag:s14], $0x10  }
0x30a: {  	[sflag:s14] =	ssyncset.done $0x0  }
0x30b: {  	[sflag:s14] =	ssyncadd.s32 $0xFFFFFFF0  }
0x30c: {  	_ =	swait.ge [sflag:s14], $0x10  }
0x30d: {  	[sflag:s14] =	ssyncset.done $0x0  }
0x30e: {  	[sflag:s14] =	ssyncadd.s32 $0xFFFFFFF0  }
0x30f: {  	_ =	swait.ge [sflag:s14], $0x10  }
0x310: {  	[sflag:s14] =	ssyncset.done $0x0  }
0x311: {  	[sflag:s14] =	ssyncadd.s32 $0xFFFFFFF0  }
0x312: {  	_ =	swait.ge [sflag:s14], $0x10  }
0x313: {  	[sflag:s14] =	ssyncset.done $0x0  }
0x314: {  	[sflag:s14] =	ssyncadd.s32 $0xFFFFFFF0  }
0x315: {  	_ =	swait.ge [sflag:s14], $0x10  }
0x316: {  	[sflag:s14] =	ssyncset.done $0x0  }
0x317: {  	[sflag:s14] =	ssyncadd.s32 $0xFFFFFFF0  }
0x318: {  	_ =	swait.ge [sflag:s14], $0x10  }
0x319: {  	[sflag:s14] =	ssyncset.done $0x0  }
0x31a: {  	[sflag:s14] =	ssyncadd.s32 $0xFFFFFFF0  }
0x31b: {  	_ =	swait.ge [sflag:s14], $0x10  }
0x31c: {  	[sflag:s14] =	ssyncset.done $0x0  }
0x31d: {  	[sflag:s14] =	ssyncadd.s32 $0xFFFFFFF0  }
0x31e: {  	_ =	swait.ge [sflag:s14], $0x10  }
0x31f: {  	[sflag:s14] =	ssyncset.done $0x0  }
0x320: {  	[sflag:s14] =	ssyncadd.s32 $0xFFFFFFF0  }
0x321: {  	_ =	swait.ge [sflag:s14], $0x10  }
0x322: {  	[sflag:s14] =	ssyncset.done $0x0  }
0x323: {  	s30 =	rddreg [dreg:$0xd];
	[sflag:s14] =	ssyncadd.s32 $0xFFFFFFF0  }
0x324: {  	[hbm4b:s30+s4] =	stream.linear.scatter [tilespmem:s19], [sflag:$0x2], $0x200, $0x38;
	[tilespmem:$0xCC10] =	vst v63  }
0x325: {  	_ =	swait.ge [sflag:s12], $0x200  }
0x326: {  	s20 =	sadd.s32 $0x1, s20;
	s31 =	rddreg [dreg:$0xe]  }
0x327: {  	p0 =	sne.s32 s20, s31  }
.Ltmp3:
0x328: {  	_ = 	snop;
	(pc) =	sbr.rel @p0 .LBB2_1-.Ltmp3, $3  }
0x329: {  	_ =	sdelay $0x1  }
0x32a: {  	[sflag:s12] =	ssyncset.done $0x0  }
0x32b: {  	[sflag:s12] =	ssyncadd.s32 $0xFFFFFE00  }
0x32c: {  	_ =	sfence.sel $0x180000  }
0x32d: {  	[bflag:$0x0] =	sbarrier.arrive $0xFFFF  }
0x32e: {  	_ =	strace $0x90000047  }
0x32f: {  	s0 =	stileid.u32;
	[bflag:$0x2] =	sbarrier.arrive $0xFFFF  }
0x330: {  	p0 =	sne.s32 s0, $0x0;
	s0 =	rddreg [dreg:$0x5]  }
0x331: {  	s0 =	sadd.s32 @!p0 $0x100000, s0  }
0x332: {  	[sflag:s0] =	ssyncadd.tile.s32 @!p0 $0x1;
	_ =	shalt  }
.Lfunc_end2:
_tile_overlayer_lowered:
.L_overlay_start_2:
0x333: {  	(tag) =	ssettag $0x2  }
0x334: {  	s0 =	rddreg [dreg:$0x0];
	s2 =	stileid.u32  }
0x335: {  	s1 =	rddreg [dreg:$0x1];
	p0 =	sne.s32 s2, $0x0  }
0x336: {  	s3 =	rddreg [dreg:$0x2];
	[bflag:$0x3] =	sbarrier.arrive $0xFFFF;
	s2 =	simm.s32 @!p0 $0x1C02  }
0x337: {  	[timem:s3], [sflag:s2] =	dma.local @!p0 [hbm:s0], s1  }
0x338: {  	s0 =	simm.s32 @!p0 $0x2  }
0x339: {  	_ =	swait.ge @!p0 [sflag:s0], s1  }
0x33a: {  	s1 =	ssub.s32 @!p0 $0x0, s1;
	[sflag:s0] =	ssyncset.done @!p0 $0x0  }
0x33b: {  	[sflag:s0] =	ssyncadd.s32 @!p0 s1  }
0x33c: {  	[bflag:$0x3] =	sbarrier.arrive $0xFFFF  }
0x33d: {  	_ =	shalt  }

</sc_bundles>
